<compile_context>
chip_gen: v7x
topology: tpu7x:2x2x1
jax: 0.10.2.dev20260603
libtpu: 0.0.44.dev20260713+nightly
codegen_flags: <defaults>
</compile_context>

<pallas_src>
import functools

import jax
import jax.numpy as jnp
from jax import lax
from jax.experimental import pallas as pl
from jax.experimental.pallas import tpu as pltpu
from jax.experimental.pallas import tpu_sc as plsc

TRUST_W = 0.4
SIM_W = 0.4
STALE_W = 0.2

TM = 128
NW = 32
NTEXP = 48


def _prefix_rows(a):
    n = a.shape[0]
    s = 1
    while s < n:
        a = a + jnp.concatenate(
            [jnp.zeros((s, a.shape[1]), a.dtype), a[:-s]], axis=0)
        s *= 2
    return a


def _route_kernel(x_ref, fn_ref, trust_ref, stale_ref,
                  pos0_ref, pos1_ref, texp_ref):
    x = x_ref[...]
    fn = fn_ref[...]
    E = fn.shape[0]
    eps = 1e-8
    xnorm = jnp.maximum(jnp.sqrt(jnp.sum(x * x, axis=1, keepdims=True)), eps)
    fnorm = jnp.maximum(jnp.sqrt(jnp.sum(fn * fn, axis=1, keepdims=True)), eps)
    s = lax.dot_general(x / xnorm, fn / fnorm, (((1,), (1,)), ((), ())),
                        preferred_element_type=jnp.float32,
                        precision=lax.Precision.HIGHEST)
    sim = (s + 1.0) * 0.5
    stale_score = jnp.maximum(0.0, 1.0 - stale_ref[...])
    scores = TRUST_W * trust_ref[...] + SIM_W * sim + STALE_W * stale_score

    eidx = lax.broadcasted_iota(jnp.int32, scores.shape, 1)
    nbetter = jnp.zeros(scores.shape, jnp.int32)
    for j in range(E):
        colj = scores[:, j:j + 1]
        nbetter += ((scores < colj) | ((scores == colj) & (eidx > j))
                    ).astype(jnp.int32)
    oh0 = (nbetter == 0).astype(jnp.int32)
    oh1 = (nbetter == 1).astype(jnp.int32)

    c0 = _prefix_rows(oh0)
    c1 = _prefix_rows(oh1)
    rank0 = c0 - oh0
    rank1 = c1 - oh1
    n0 = c0[-1:, :]
    n = n0 + c1[-1:, :]
    padded = ((n + (TM - 1)) // TM) * TM
    coff = padded
    s2 = 1
    while s2 < E:
        coff = coff + jnp.concatenate(
            [jnp.zeros((1, s2), coff.dtype), coff[:, :-s2]], axis=1)
        s2 *= 2
    off = coff - padded

    pos0_ref[...] = jnp.sum(oh0 * (off + rank0), axis=1, keepdims=True)
    pos1_ref[...] = jnp.sum(oh1 * (off + n0 + rank1), axis=1, keepdims=True)

    tt = lax.broadcasted_iota(jnp.int32, (NTEXP, E), 0) * TM
    inr = (tt >= off) & (tt < off + padded)
    texp_ref[...] = jnp.sum(
        jnp.where(inr, lax.broadcasted_iota(jnp.int32, (NTEXP, E), 1), 0),
        axis=1, keepdims=True)


def _dispatch_body(x_hbm, p0_hbm, p1_hbm, xs_hbm, rows_v, p0_v, p1_v, sem):
    nc = 2
    wid = lax.axis_index("s") * nc + lax.axis_index("c")
    tpw = rows_v.shape[0]
    base = wid * tpw
    pltpu.sync_copy(x_hbm.at[pl.ds(base, tpw)], rows_v)
    pltpu.sync_copy(p0_hbm.at[pl.ds(base, tpw)], p0_v)
    pltpu.sync_copy(p1_hbm.at[pl.ds(base, tpw)], p1_v)
    pltpu.async_copy(rows_v, xs_hbm.at[p0_v], sem).wait()
    pltpu.async_copy(rows_v, xs_hbm.at[p1_v], sem).wait()


def _gmm_kernel(texp_ref, xs_ref, w_ref, b_ref, invk_ref, ys_ref):
    y = lax.dot_general(xs_ref[...], w_ref[0], (((1,), (1,)), ((), ())),
                        preferred_element_type=jnp.float32)
    ys_ref[...] = invk_ref[0, 0] * (y + b_ref[0])


def _combine_body(ys_hbm, p0_hbm, p1_hbm, out_hbm, a_v, b_v, p0_v, p1_v, sem):
    nc = 2
    wid = lax.axis_index("s") * nc + lax.axis_index("c")
    ch = a_v.shape[0]
    d = a_v.shape[1]
    tpw = out_hbm.shape[0] // NW
    base = wid * tpw
    for c in range(tpw // ch):
        cb = base + c * ch
        pltpu.sync_copy(p0_hbm.at[pl.ds(cb, ch)], p0_v)
        pltpu.sync_copy(p1_hbm.at[pl.ds(cb, ch)], p1_v)
        pltpu.async_copy(ys_hbm.at[p0_v], a_v, sem).wait()
        pltpu.async_copy(ys_hbm.at[p1_v], b_v, sem).wait()

        def _row(r, carry):
            for q in range(d // 16):
                sl = pl.ds(q * 16, 16)
                a_v[r, sl] = a_v[r, sl] + b_v[r, sl]
            return carry

        lax.fori_loop(0, ch, _row, 0)
        pltpu.sync_copy(a_v, out_hbm.at[pl.ds(cb, ch)])


def kernel(x, trust_scores, representative_features, staleness, expert_W,
           expert_b, k):
    B, D = x.shape
    E, C, _ = expert_W.shape
    P = B * 2 + E * TM
    NT = P // TM
    inv_k = jnp.asarray(1.0 / k, dtype=jnp.float32).reshape(1, 1)
    trust2 = trust_scores.reshape(1, E)
    stale2 = staleness.reshape(1, E)

    pos0, pos1, texp = pl.pallas_call(
        _route_kernel,
        grid=(1,),
        in_specs=[
            pl.BlockSpec((B, D), lambda i: (0, 0)),
            pl.BlockSpec((E, D), lambda i: (0, 0)),
            pl.BlockSpec((1, E), lambda i: (0, 0)),
            pl.BlockSpec((1, E), lambda i: (0, 0)),
        ],
        out_specs=[
            pl.BlockSpec((B, 1), lambda i: (0, 0)),
            pl.BlockSpec((B, 1), lambda i: (0, 0)),
            pl.BlockSpec((NTEXP, 1), lambda i: (0, 0)),
        ],
        out_shape=[
            jax.ShapeDtypeStruct((B, 1), jnp.int32),
            jax.ShapeDtypeStruct((B, 1), jnp.int32),
            jax.ShapeDtypeStruct((NTEXP, 1), jnp.int32),
        ],
    )(x, representative_features, trust2, stale2)
    pos0 = pos0.reshape(B)
    pos1 = pos1.reshape(B)
    texp = texp.reshape(NTEXP)

    mesh = plsc.VectorSubcoreMesh(core_axis_name="c", subcore_axis_name="s")
    tpw = B // NW

    xs = pl.kernel(
        _dispatch_body,
        out_type=jax.ShapeDtypeStruct((P, D), jnp.float32),
        mesh=mesh,
        scratch_types=[
            pltpu.VMEM((tpw, D), jnp.float32),
            pltpu.VMEM((tpw,), jnp.int32),
            pltpu.VMEM((tpw,), jnp.int32),
            pltpu.SemaphoreType.DMA,
        ],
    )(x, pos0, pos1)

    ys = pl.pallas_call(
        _gmm_kernel,
        grid_spec=pltpu.PrefetchScalarGridSpec(
            num_scalar_prefetch=1,
            grid=(NT,),
            in_specs=[
                pl.BlockSpec((TM, D), lambda t, texp: (t, 0)),
                pl.BlockSpec((1, C, D), lambda t, texp: (texp[t], 0, 0)),
                pl.BlockSpec((1, 1, C), lambda t, texp: (texp[t], 0, 0)),
                pl.BlockSpec((1, 1), lambda t, texp: (0, 0)),
            ],
            out_specs=pl.BlockSpec((TM, C), lambda t, texp: (t, 0)),
        ),
        out_shape=jax.ShapeDtypeStruct((P, C), jnp.float32),
    )(texp, xs, expert_W, expert_b.reshape(E, 1, C), inv_k)

    out = pl.kernel(
        _combine_body,
        out_type=jax.ShapeDtypeStruct((B, C), jnp.float32),
        mesh=mesh,
        scratch_types=[
            pltpu.VMEM((tpw // 2, C), jnp.float32),
            pltpu.VMEM((tpw // 2, C), jnp.float32),
            pltpu.VMEM((tpw // 2,), jnp.int32),
            pltpu.VMEM((tpw // 2,), jnp.int32),
            pltpu.SemaphoreType.DMA,
        ],
    )(ys, pos0, pos1)
    return out

# --- scband reference (transcript-rebuilt; emitter-appended) ---
"""Pipeline reference for scband-sparse-router-20289425506964 (READ-ONLY COPY).

The authoritative reference and input builder live on the scoring server;
editing this copy changes nothing except your own understanding.
"""

import jax, jax.numpy as jnp
import numpy as np

TRUST_W = 0.4
SIM_W = 0.4
STALE_W = 0.2


def setup_inputs(seed: int = 0) -> dict:
    key = jax.random.key(seed)
    ks = jax.random.split(key, 6)
    B, E, D, C = 2048, 8, 1024, 1024
    x = jax.random.normal(ks[0], (B, D), dtype=jnp.float32)
    trust_scores = jax.random.uniform(ks[1], (E,), dtype=jnp.float32)
    representative_features = jax.random.normal(ks[2], (E, D), dtype=jnp.float32)
    staleness = jax.random.uniform(ks[3], (E,), dtype=jnp.float32)
    expert_W = jax.random.normal(ks[4], (E, C, D), dtype=jnp.float32) * 0.02
    expert_b = jax.random.normal(ks[5], (E, C), dtype=jnp.float32) * 0.02
    return {
        "x": x,
        "trust_scores": trust_scores,
        "representative_features": representative_features,
        "staleness": staleness,
        "expert_W": expert_W,
        "expert_b": expert_b,
        "k": 2,
    }


def reference(x, trust_scores, representative_features, staleness, expert_W, expert_b, k):
    # Multi-factor scoring (vectorized over batch and experts)
    eps = 1e-8
    xn = x / jnp.maximum(jnp.linalg.norm(x, axis=-1, keepdims=True), eps)
    fn = representative_features / jnp.maximum(
        jnp.linalg.norm(representative_features, axis=-1, keepdims=True), eps
    )
    sim = xn @ fn.T                      # [B, E] cosine similarity
    sim = (sim + 1.0) / 2.0              # normalize to [0, 1]
    stale_score = jnp.maximum(0.0, 1.0 - staleness)  # [E]
    scores = (
        TRUST_W * trust_scores[None, :]
        + SIM_W * sim
        + STALE_W * stale_score[None, :]
    )                                    # [B, E]
    # Top-k expert selection per token
    K_STATIC = 2
    _, idx = jax.lax.top_k(scores, K_STATIC)    # [B, k]
    # Expert head outputs: linear head per expert (same math as torch Linear)
    all_out = jnp.einsum("bd,ecd->bec", x, expert_W) + expert_b[None, :, :]  # [B, E, C]
    sel = jnp.take_along_axis(all_out, idx[:, :, None], axis=1)              # [B, k, C]
    outputs = sel.sum(axis=1) / k                                            # [B, C]
    return outputs

if __name__ == "__main__":
    import jax
    _d = setup_inputs()
    print(jax.jit(kernel)(*tuple(_d.values())))

</pallas_src>

<mosaic_0001>
#map = affine_map<(d0, d1) -> (0, 0)>
#map1 = affine_map<(d0, d1) -> (0)>
module attributes {stable_mosaic.version = 14 : i64} {
  func.func @_combine_body(%arg0: i32, %arg1: i32, %arg2: memref<5120x1024xf32, #tpu.memory_space<hbm>>, %arg3: memref<2048xi32, #tpu.memory_space<hbm>>, %arg4: memref<2048xi32, #tpu.memory_space<hbm>>, %arg5: memref<2048x1024xf32, #tpu.memory_space<hbm>>, %arg6: memref<32x1024xf32, #tpu.memory_space<vmem>>, %arg7: memref<32x1024xf32, #tpu.memory_space<vmem>>, %arg8: memref<32xi32, #tpu.memory_space<vmem>>, %arg9: memref<32xi32, #tpu.memory_space<vmem>>, %arg10: memref<!tpu.dma_semaphore, #tpu.memory_space<semaphore_mem>>) attributes {dimension_semantics = [#tpu.dimension_semantics<core_parallel>, #tpu.dimension_semantics<subcore_parallel>], iteration_bounds = array<i64: 2, 16>, scalar_prefetch = 0 : i64, scratch_operands = 5 : i64, tpu.core_type = #tpu.core_type<sc_vector_subcore>, window_params = [{transform_indices = #map}, {transform_indices = #map1}, {transform_indices = #map1}, {transform_indices = #map}]} {
    %mul3A = arith.constant 2 : i32
    %mul3A_0 = arith.muli %arg1, %mul3A : i32
    %add3A = arith.addi %mul3A_0, %arg0 : i32
    %mul3A_1 = arith.constant 64 : i32
    %mul3A_2 = arith.muli %add3A, %mul3A_1 : i32
    %add3A_3 = arith.constant 0 : i32
    %add3A_4 = arith.addi %mul3A_2, %add3A_3 : i32
    "tpu.region"() ({
      %run_scoped3A = tpu.sem_alloc : memref<!tpu.dma_semaphore, #tpu.memory_space<semaphore_mem>>
      %dma_start3A_40 = tpu.memref_slice %arg3[%add3A_4] : memref<2048xi32, #tpu.memory_space<hbm>> -> memref<32xi32, #tpu.memory_space<hbm>>
      %dma_start3A_41 = tpu.memref_slice %arg3[%add3A_4] : memref<2048xi32, #tpu.memory_space<hbm>> -> memref<32xi32, #tpu.memory_space<hbm>>
      tpu.enqueue_dma source(%dma_start3A_41 : memref<32xi32, #tpu.memory_space<hbm>>) target(%arg8 : memref<32xi32, #tpu.memory_space<vmem>>) target_semaphore(%run_scoped3A : memref<!tpu.dma_semaphore, #tpu.memory_space<semaphore_mem>>)
      %dma_wait3A_42 = tpu.memref_slice %arg3[%add3A_4] : memref<2048xi32, #tpu.memory_space<hbm>> -> memref<32xi32, #tpu.memory_space<hbm>>
      %dma_wait3A_43 = tpu.memref_slice %arg3[%add3A_4] : memref<2048xi32, #tpu.memory_space<hbm>> -> memref<32xi32, #tpu.memory_space<hbm>>
      tpu.wait_dma2 semaphore(%run_scoped3A : memref<!tpu.dma_semaphore, #tpu.memory_space<semaphore_mem>>) src(%dma_wait3A_43 : memref<32xi32, #tpu.memory_space<hbm>>) dst(%arg8 : memref<32xi32, #tpu.memory_space<vmem>>)
      tpu.yield
    }) : () -> ()
    "tpu.region"() ({
      %run_scoped3A = tpu.sem_alloc : memref<!tpu.dma_semaphore, #tpu.memory_space<semaphore_mem>>
      %dma_start3A_40 = tpu.memref_slice %arg4[%add3A_4] : memref<2048xi32, #tpu.memory_space<hbm>> -> memref<32xi32, #tpu.memory_space<hbm>>
      %dma_start3A_41 = tpu.memref_slice %arg4[%add3A_4] : memref<2048xi32, #tpu.memory_space<hbm>> -> memref<32xi32, #tpu.memory_space<hbm>>
      tpu.enqueue_dma source(%dma_start3A_41 : memref<32xi32, #tpu.memory_space<hbm>>) target(%arg9 : memref<32xi32, #tpu.memory_space<vmem>>) target_semaphore(%run_scoped3A : memref<!tpu.dma_semaphore, #tpu.memory_space<semaphore_mem>>)
      %dma_wait3A_42 = tpu.memref_slice %arg4[%add3A_4] : memref<2048xi32, #tpu.memory_space<hbm>> -> memref<32xi32, #tpu.memory_space<hbm>>
      %dma_wait3A_43 = tpu.memref_slice %arg4[%add3A_4] : memref<2048xi32, #tpu.memory_space<hbm>> -> memref<32xi32, #tpu.memory_space<hbm>>
      tpu.wait_dma2 semaphore(%run_scoped3A : memref<!tpu.dma_semaphore, #tpu.memory_space<semaphore_mem>>) src(%dma_wait3A_43 : memref<32xi32, #tpu.memory_space<hbm>>) dst(%arg9 : memref<32xi32, #tpu.memory_space<vmem>>)
      tpu.yield
    }) : () -> ()
    %dma_start3A = arith.constant 0 : i32
    %dma_start3A_5 = arith.constant 0 : i32
    %dma_start3A_6 = tpu.memref_slice %arg2[%dma_start3A, %dma_start3A_5] : memref<5120x1024xf32, #tpu.memory_space<hbm>> -> memref<5120x1024xf32, #tpu.memory_space<hbm>>
    tpu.enqueue_indirect_dma source(%dma_start3A_6 : memref<5120x1024xf32, #tpu.memory_space<hbm>>) target(%arg6 : memref<32x1024xf32, #tpu.memory_space<vmem>>) offsets(%arg8 : memref<32xi32, #tpu.memory_space<vmem>>) semaphore(%arg10 : memref<!tpu.dma_semaphore, #tpu.memory_space<semaphore_mem>>)
    %dma_wait3A = arith.constant 0 : i32
    %dma_wait3A_7 = arith.constant 0 : i32
    %dma_wait3A_8 = tpu.memref_slice %arg2[%dma_wait3A, %dma_wait3A_7] : memref<5120x1024xf32, #tpu.memory_space<hbm>> -> memref<5120x1024xf32, #tpu.memory_space<hbm>>
    tpu.wait_indirect_dma semaphore(%arg10 : memref<!tpu.dma_semaphore, #tpu.memory_space<semaphore_mem>>) src(%dma_wait3A_8 : memref<5120x1024xf32, #tpu.memory_space<hbm>>) dst(%arg6 : memref<32x1024xf32, #tpu.memory_space<vmem>>)
    %dma_start3A_9 = arith.constant 0 : i32
    %dma_start3A_10 = arith.constant 0 : i32
    %dma_start3A_11 = tpu.memref_slice %arg2[%dma_start3A_9, %dma_start3A_10] : memref<5120x1024xf32, #tpu.memory_space<hbm>> -> memref<5120x1024xf32, #tpu.memory_space<hbm>>
    tpu.enqueue_indirect_dma source(%dma_start3A_11 : memref<5120x1024xf32, #tpu.memory_space<hbm>>) target(%arg7 : memref<32x1024xf32, #tpu.memory_space<vmem>>) offsets(%arg9 : memref<32xi32, #tpu.memory_space<vmem>>) semaphore(%arg10 : memref<!tpu.dma_semaphore, #tpu.memory_space<semaphore_mem>>)
    %dma_wait3A_12 = arith.constant 0 : i32
    %dma_wait3A_13 = arith.constant 0 : i32
    %dma_wait3A_14 = tpu.memref_slice %arg2[%dma_wait3A_12, %dma_wait3A_13] : memref<5120x1024xf32, #tpu.memory_space<hbm>> -> memref<5120x1024xf32, #tpu.memory_space<hbm>>
    tpu.wait_indirect_dma semaphore(%arg10 : memref<!tpu.dma_semaphore, #tpu.memory_space<semaphore_mem>>) src(%dma_wait3A_14 : memref<5120x1024xf32, #tpu.memory_space<hbm>>) dst(%arg7 : memref<32x1024xf32, #tpu.memory_space<vmem>>)
    %scan3A = arith.constant 0 : i32
    %scan3A_15 = arith.constant 0 : i32
    %scan3A_16 = arith.constant 32 : i32
    %scan3A_17 = arith.addi %scan3A_15, %scan3A_16 : i32
    %scan3A_18 = arith.constant 1 : i32
    scf.for %scan3A_40 = %scan3A_15 to %scan3A_17 step %scan3A_18  : i32 {
      %get3A = arith.index_cast %scan3A_40 : i32 to index
      %get3A_41 = arith.constant 0 : index
      %get3A_42 = tpu.vector_load %arg6[%get3A, %get3A_41] {strides = array<i32>} : memref<32x1024xf32, #tpu.memory_space<vmem>>, vector<1x16xf32>,
      %get3A_43 = vector.shape_cast %get3A_42 : vector<1x16xf32> to vector<16xf32>
      %get3A_44 = arith.index_cast %scan3A_40 : i32 to index
      %get3A_45 = arith.constant 0 : index
      %get3A_46 = tpu.vector_load %arg7[%get3A_44, %get3A_45] {strides = array<i32>} : memref<32x1024xf32, #tpu.memory_space<vmem>>, vector<1x16xf32>,
      %get3A_47 = vector.shape_cast %get3A_46 : vector<1x16xf32> to vector<16xf32>
      %add3A_48 = arith.addf %get3A_43, %get3A_47 : vector<16xf32>
      %swap3A = arith.index_cast %scan3A_40 : i32 to index
      %swap3A_49 = arith.constant 0 : index
      %swap3A_50 = tpu.vector_load %arg6[%swap3A, %swap3A_49] {strides = array<i32>} : memref<32x1024xf32, #tpu.memory_space<vmem>>, vector<1x16xf32>,
      %swap3A_51 = vector.shape_cast %swap3A_50 : vector<1x16xf32> to vector<16xf32>
      %swap3A_52 = vector.shape_cast %add3A_48 : vector<16xf32> to vector<1x16xf32>
      tpu.vector_store %arg6[%swap3A, %swap3A_49], %swap3A_52 {strides = array<i32>} : memref<32x1024xf32, #tpu.memory_space<vmem>>, vector<1x16xf32>,
      %get3A_53 = arith.index_cast %scan3A_40 : i32 to index
      %get3A_54 = arith.constant 16 : index
      %get3A_55 = tpu.vector_load %arg6[%get3A_53, %get3A_54] {strides = array<i32>} : memref<32x1024xf32, #tpu.memory_space<vmem>>, vector<1x16xf32>,
      %get3A_56 = vector.shape_cast %get3A_55 : vector<1x16xf32> to vector<16xf32>
      %get3A_57 = arith.index_cast %scan3A_40 : i32 to index
      %get3A_58 = arith.constant 16 : index
      %get3A_59 = tpu.vector_load %arg7[%get3A_57, %get3A_58] {strides = array<i32>} : memref<32x1024xf32, #tpu.memory_space<vmem>>, vector<1x16xf32>,
      %get3A_60 = vector.shape_cast %get3A_59 : vector<1x16xf32> to vector<16xf32>
      %add3A_61 = arith.addf %get3A_56, %get3A_60 : vector<16xf32>
      %swap3A_62 = arith.index_cast %scan3A_40 : i32 to index
      %swap3A_63 = arith.constant 16 : index
      %swap3A_64 = tpu.vector_load %arg6[%swap3A_62, %swap3A_63] {strides = array<i32>} : memref<32x1024xf32, #tpu.memory_space<vmem>>, vector<1x16xf32>,
      %swap3A_65 = vector.shape_cast %swap3A_64 : vector<1x16xf32> to vector<16xf32>
      %swap3A_66 = vector.shape_cast %add3A_61 : vector<16xf32> to vector<1x16xf32>
      tpu.vector_store %arg6[%swap3A_62, %swap3A_63], %swap3A_66 {strides = array<i32>} : memref<32x1024xf32, #tpu.memory_space<vmem>>, vector<1x16xf32>,
      %get3A_67 = arith.index_cast %scan3A_40 : i32 to index
      %get3A_68 = arith.constant 32 : index
      %get3A_69 = tpu.vector_load %arg6[%get3A_67, %get3A_68] {strides = array<i32>} : memref<32x1024xf32, #tpu.memory_space<vmem>>, vector<1x16xf32>,
      %get3A_70 = vector.shape_cast %get3A_69 : vector<1x16xf32> to vector<16xf32>
      %get3A_71 = arith.index_cast %scan3A_40 : i32 to index
      %get3A_72 = arith.constant 32 : index
      %get3A_73 = tpu.vector_load %arg7[%get3A_71, %get3A_72] {strides = array<i32>} : memref<32x1024xf32, #tpu.memory_space<vmem>>, vector<1x16xf32>,
      %get3A_74 = vector.shape_cast %get3A_73 : vector<1x16xf32> to vector<16xf32>
      %add3A_75 = arith.addf %get3A_70, %get3A_74 : vector<16xf32>
      %swap3A_76 = arith.index_cast %scan3A_40 : i32 to index
      %swap3A_77 = arith.constant 32 : index
      %swap3A_78 = tpu.vector_load %arg6[%swap3A_76, %swap3A_77] {strides = array<i32>} : memref<32x1024xf32, #tpu.memory_space<vmem>>, vector<1x16xf32>,
      %swap3A_79 = vector.shape_cast %swap3A_78 : vector<1x16xf32> to vector<16xf32>
      %swap3A_80 = vector.shape_cast %add3A_75 : vector<16xf32> to vector<1x16xf32>
      tpu.vector_store %arg6[%swap3A_76, %swap3A_77], %swap3A_80 {strides = array<i32>} : memref<32x1024xf32, #tpu.memory_space<vmem>>, vector<1x16xf32>,
      %get3A_81 = arith.index_cast %scan3A_40 : i32 to index
      %get3A_82 = arith.constant 48 : index
      %get3A_83 = tpu.vector_load %arg6[%get3A_81, %get3A_82] {strides = array<i32>} : memref<32x1024xf32, #tpu.memory_space<vmem>>, vector<1x16xf32>,
      %get3A_84 = vector.shape_cast %get3A_83 : vector<1x16xf32> to vector<16xf32>
      %get3A_85 = arith.index_cast %scan3A_40 : i32 to index
      %get3A_86 = arith.constant 48 : index
      %get3A_87 = tpu.vector_load %arg7[%get3A_85, %get3A_86] {strides = array<i32>} : memref<32x1024xf32, #tpu.memory_space<vmem>>, vector<1x16xf32>,
      %get3A_88 = vector.shape_cast %get3A_87 : vector<1x16xf32> to vector<16xf32>
      %add3A_89 = arith.addf %get3A_84, %get3A_88 : vector<16xf32>
      %swap3A_90 = arith.index_cast %scan3A_40 : i32 to index
      %swap3A_91 = arith.constant 48 : index
      %swap3A_92 = tpu.vector_load %arg6[%swap3A_90, %swap3A_91] {strides = array<i32>} : memref<32x1024xf32, #tpu.memory_space<vmem>>, vector<1x16xf32>,
      %swap3A_93 = vector.shape_cast %swap3A_92 : vector<1x16xf32> to vector<16xf32>
      %swap3A_94 = vector.shape_cast %add3A_89 : vector<16xf32> to vector<1x16xf32>
      tpu.vector_store %arg6[%swap3A_90, %swap3A_91], %swap3A_94 {strides = array<i32>} : memref<32x1024xf32, #tpu.memory_space<vmem>>, vector<1x16xf32>,
      %get3A_95 = arith.index_cast %scan3A_40 : i32 to index
      %get3A_96 = arith.constant 64 : index
      %get3A_97 = tpu.vector_load %arg6[%get3A_95, %get3A_96] {strides = array<i32>} : memref<32x1024xf32, #tpu.memory_space<vmem>>, vector<1x16xf32>,
      %get3A_98 = vector.shape_cast %get3A_97 : vector<1x16xf32> to vector<16xf32>
      %get3A_99 = arith.index_cast %scan3A_40 : i32 to index
      %get3A_100 = arith.constant 64 : index
      %get3A_101 = tpu.vector_load %arg7[%get3A_99, %get3A_100] {strides = array<i32>} : memref<32x1024xf32, #tpu.memory_space<vmem>>, vector<1x16xf32>,
      %get3A_102 = vector.shape_cast %get3A_101 : vector<1x16xf32> to vector<16xf32>
      %add3A_103 = arith.addf %get3A_98, %get3A_102 : vector<16xf32>
      %swap3A_104 = arith.index_cast %scan3A_40 : i32 to index
      %swap3A_105 = arith.constant 64 : index
      %swap3A_106 = tpu.vector_load %arg6[%swap3A_104, %swap3A_105] {strides = array<i32>} : memref<32x1024xf32, #tpu.memory_space<vmem>>, vector<1x16xf32>,
      %swap3A_107 = vector.shape_cast %swap3A_106 : vector<1x16xf32> to vector<16xf32>
      %swap3A_108 = vector.shape_cast %add3A_103 : vector<16xf32> to vector<1x16xf32>
      tpu.vector_store %arg6[%swap3A_104, %swap3A_105], %swap3A_108 {strides = array<i32>} : memref<32x1024xf32, #tpu.memory_space<vmem>>, vector<1x16xf32>,
      %get3A_109 = arith.index_cast %scan3A_40 : i32 to index
      %get3A_110 = arith.constant 80 : index
      %get3A_111 = tpu.vector_load %arg6[%get3A_109, %get3A_110] {strides = array<i32>} : memref<32x1024xf32, #tpu.memory_space<vmem>>, vector<1x16xf32>,
      %get3A_112 = vector.shape_cast %get3A_111 : vector<1x16xf32> to vector<16xf32>
      %get3A_113 = arith.index_cast %scan3A_40 : i32 to index
      %get3A_114 = arith.constant 80 : index
      %get3A_115 = tpu.vector_load %arg7[%get3A_113, %get3A_114] {strides = array<i32>} : memref<32x1024xf32, #tpu.memory_space<vmem>>, vector<1x16xf32>,
      %get3A_116 = vector.shape_cast %get3A_115 : vector<1x16xf32> to vector<16xf32>
      %add3A_117 = arith.addf %get3A_112, %get3A_116 : vector<16xf32>
      %swap3A_118 = arith.index_cast %scan3A_40 : i32 to index
      %swap3A_119 = arith.constant 80 : index
      %swap3A_120 = tpu.vector_load %arg6[%swap3A_118, %swap3A_119] {strides = array<i32>} : memref<32x1024xf32, #tpu.memory_space<vmem>>, vector<1x16xf32>,
      %swap3A_121 = vector.shape_cast %swap3A_120 : vector<1x16xf32> to vector<16xf32>
      %swap3A_122 = vector.shape_cast %add3A_117 : vector<16xf32> to vector<1x16xf32>
      tpu.vector_store %arg6[%swap3A_118, %swap3A_119], %swap3A_122 {strides = array<i32>} : memref<32x1024xf32, #tpu.memory_space<vmem>>, vector<1x16xf32>,
      %get3A_123 = arith.index_cast %scan3A_40 : i32 to index
      %get3A_124 = arith.constant 96 : index
      %get3A_125 = tpu.vector_load %arg6[%get3A_123, %get3A_124] {strides = array<i32>} : memref<32x1024xf32, #tpu.memory_space<vmem>>, vector<1x16xf32>,
      %get3A_126 = vector.shape_cast %get3A_125 : vector<1x16xf32> to vector<16xf32>
      %get3A_127 = arith.index_cast %scan3A_40 : i32 to index
      %get3A_128 = arith.constant 96 : index
      %get3A_129 = tpu.vector_load %arg7[%get3A_127, %get3A_128] {strides = array<i32>} : memref<32x1024xf32, #tpu.memory_space<vmem>>, vector<1x16xf32>,
      %get3A_130 = vector.shape_cast %get3A_129 : vector<1x16xf32> to vector<16xf32>
      %add3A_131 = arith.addf %get3A_126, %get3A_130 : vector<16xf32>
      %swap3A_132 = arith.index_cast %scan3A_40 : i32 to index
      %swap3A_133 = arith.constant 96 : index
      %swap3A_134 = tpu.vector_load %arg6[%swap3A_132, %swap3A_133] {strides = array<i32>} : memref<32x1024xf32, #tpu.memory_space<vmem>>, vector<1x16xf32>,
      %swap3A_135 = vector.shape_cast %swap3A_134 : vector<1x16xf32> to vector<16xf32>
      %swap3A_136 = vector.shape_cast %add3A_131 : vector<16xf32> to vector<1x16xf32>
      tpu.vector_store %arg6[%swap3A_132, %swap3A_133], %swap3A_136 {strides = array<i32>} : memref<32x1024xf32, #tpu.memory_space<vmem>>, vector<1x16xf32>,
      %get3A_137 = arith.index_cast %scan3A_40 : i32 to index
      %get3A_138 = arith.constant 112 : index
      %get3A_139 = tpu.vector_load %arg6[%get3A_137, %get3A_138] {strides = array<i32>} : memref<32x1024xf32, #tpu.memory_space<vmem>>, vector<1x16xf32>,
      %get3A_140 = vector.shape_cast %get3A_139 : vector<1x16xf32> to vector<16xf32>
      %get3A_141 = arith.index_cast %scan3A_40 : i32 to index
      %get3A_142 = arith.constant 112 : index
      %get3A_143 = tpu.vector_load %arg7[%get3A_141, %get3A_142] {strides = array<i32>} : memref<32x1024xf32, #tpu.memory_space<vmem>>, vector<1x16xf32>,
      %get3A_144 = vector.shape_cast %get3A_143 : vector<1x16xf32> to vector<16xf32>
      %add3A_145 = arith.addf %get3A_140, %get3A_144 : vector<16xf32>
      %swap3A_146 = arith.index_cast %scan3A_40 : i32 to index
      %swap3A_147 = arith.constant 112 : index
      %swap3A_148 = tpu.vector_load %arg6[%swap3A_146, %swap3A_147] {strides = array<i32>} : memref<32x1024xf32, #tpu.memory_space<vmem>>, vector<1x16xf32>,
      %swap3A_149 = vector.shape_cast %swap3A_148 : vector<1x16xf32> to vector<16xf32>
      %swap3A_150 = vector.shape_cast %add3A_145 : vector<16xf32> to vector<1x16xf32>
      tpu.vector_store %arg6[%swap3A_146, %swap3A_147], %swap3A_150 {strides = array<i32>} : memref<32x1024xf32, #tpu.memory_space<vmem>>, vector<1x16xf32>,
      %get3A_151 = arith.index_cast %scan3A_40 : i32 to index
      %get3A_152 = arith.constant 128 : index
      %get3A_153 = tpu.vector_load %arg6[%get3A_151, %get3A_152] {strides = array<i32>} : memref<32x1024xf32, #tpu.memory_space<vmem>>, vector<1x16xf32>,
      %get3A_154 = vector.shape_cast %get3A_153 : vector<1x16xf32> to vector<16xf32>
      %get3A_155 = arith.index_cast %scan3A_40 : i32 to index
      %get3A_156 = arith.constant 128 : index
      %get3A_157 = tpu.vector_load %arg7[%get3A_155, %get3A_156] {strides = array<i32>} : memref<32x1024xf32, #tpu.memory_space<vmem>>, vector<1x16xf32>,
      %get3A_158 = vector.shape_cast %get3A_157 : vector<1x16xf32> to vector<16xf32>
      %add3A_159 = arith.addf %get3A_154, %get3A_158 : vector<16xf32>
      %swap3A_160 = arith.index_cast %scan3A_40 : i32 to index
      %swap3A_161 = arith.constant 128 : index
      %swap3A_162 = tpu.vector_load %arg6[%swap3A_160, %swap3A_161] {strides = array<i32>} : memref<32x1024xf32, #tpu.memory_space<vmem>>, vector<1x16xf32>,
      %swap3A_163 = vector.shape_cast %swap3A_162 : vector<1x16xf32> to vector<16xf32>
      %swap3A_164 = vector.shape_cast %add3A_159 : vector<16xf32> to vector<1x16xf32>
      tpu.vector_store %arg6[%swap3A_160, %swap3A_161], %swap3A_164 {strides = array<i32>} : memref<32x1024xf32, #tpu.memory_space<vmem>>, vector<1x16xf32>,
      %get3A_165 = arith.index_cast %scan3A_40 : i32 to index
      %get3A_166 = arith.constant 144 : index
      %get3A_167 = tpu.vector_load %arg6[%get3A_165, %get3A_166] {strides = array<i32>} : memref<32x1024xf32, #tpu.memory_space<vmem>>, vector<1x16xf32>,
      %get3A_168 = vector.shape_cast %get3A_167 : vector<1x16xf32> to vector<16xf32>
      %get3A_169 = arith.index_cast %scan3A_40 : i32 to index
      %get3A_170 = arith.constant 144 : index
      %get3A_171 = tpu.vector_load %arg7[%get3A_169, %get3A_170] {strides = array<i32>} : memref<32x1024xf32, #tpu.memory_space<vmem>>, vector<1x16xf32>,
      %get3A_172 = vector.shape_cast %get3A_171 : vector<1x16xf32> to vector<16xf32>
      %add3A_173 = arith.addf %get3A_168, %get3A_172 : vector<16xf32>
      %swap3A_174 = arith.index_cast %scan3A_40 : i32 to index
      %swap3A_175 = arith.constant 144 : index
      %swap3A_176 = tpu.vector_load %arg6[%swap3A_174, %swap3A_175] {strides = array<i32>} : memref<32x1024xf32, #tpu.memory_space<vmem>>, vector<1x16xf32>,
      %swap3A_177 = vector.shape_cast %swap3A_176 : vector<1x16xf32> to vector<16xf32>
      %swap3A_178 = vector.shape_cast %add3A_173 : vector<16xf32> to vector<1x16xf32>
      tpu.vector_store %arg6[%swap3A_174, %swap3A_175], %swap3A_178 {strides = array<i32>} : memref<32x1024xf32, #tpu.memory_space<vmem>>, vector<1x16xf32>,
      %get3A_179 = arith.index_cast %scan3A_40 : i32 to index
      %get3A_180 = arith.constant 160 : index
      %get3A_181 = tpu.vector_load %arg6[%get3A_179, %get3A_180] {strides = array<i32>} : memref<32x1024xf32, #tpu.memory_space<vmem>>, vector<1x16xf32>,
      %get3A_182 = vector.shape_cast %get3A_181 : vector<1x16xf32> to vector<16xf32>
      %get3A_183 = arith.index_cast %scan3A_40 : i32 to index
      %get3A_184 = arith.constant 160 : index
      %get3A_185 = tpu.vector_load %arg7[%get3A_183, %get3A_184] {strides = array<i32>} : memref<32x1024xf32, #tpu.memory_space<vmem>>, vector<1x16xf32>,
      %get3A_186 = vector.shape_cast %get3A_185 : vector<1x16xf32> to vector<16xf32>
      %add3A_187 = arith.addf %get3A_182, %get3A_186 : vector<16xf32>
      %swap3A_188 = arith.index_cast %scan3A_40 : i32 to index
      %swap3A_189 = arith.constant 160 : index
      %swap3A_190 = tpu.vector_load %arg6[%swap3A_188, %swap3A_189] {strides = array<i32>} : memref<32x1024xf32, #tpu.memory_space<vmem>>, vector<1x16xf32>,
      %swap3A_191 = vector.shape_cast %swap3A_190 : vector<1x16xf32> to vector<16xf32>
      %swap3A_192 = vector.shape_cast %add3A_187 : vector<16xf32> to vector<1x16xf32>
      tpu.vector_store %arg6[%swap3A_188, %swap3A_189], %swap3A_192 {strides = array<i32>} : memref<32x1024xf32, #tpu.memory_space<vmem>>, vector<1x16xf32>,
      %get3A_193 = arith.index_cast %scan3A_40 : i32 to index
      %get3A_194 = arith.constant 176 : index
      %get3A_195 = tpu.vector_load %arg6[%get3A_193, %get3A_194] {strides = array<i32>} : memref<32x1024xf32, #tpu.memory_space<vmem>>, vector<1x16xf32>,
      %get3A_196 = vector.shape_cast %get3A_195 : vector<1x16xf32> to vector<16xf32>
      %get3A_197 = arith.index_cast %scan3A_40 : i32 to index
      %get3A_198 = arith.constant 176 : index
      %get3A_199 = tpu.vector_load %arg7[%get3A_197, %get3A_198] {strides = array<i32>} : memref<32x1024xf32, #tpu.memory_space<vmem>>, vector<1x16xf32>,
      %get3A_200 = vector.shape_cast %get3A_199 : vector<1x16xf32> to vector<16xf32>
      %add3A_201 = arith.addf %get3A_196, %get3A_200 : vector<16xf32>
      %swap3A_202 = arith.index_cast %scan3A_40 : i32 to index
      %swap3A_203 = arith.constant 176 : index
      %swap3A_204 = tpu.vector_load %arg6[%swap3A_202, %swap3A_203] {strides = array<i32>} : memref<32x1024xf32, #tpu.memory_space<vmem>>, vector<1x16xf32>,
      %swap3A_205 = vector.shape_cast %swap3A_204 : vector<1x16xf32> to vector<16xf32>
      %swap3A_206 = vector.shape_cast %add3A_201 : vector<16xf32> to vector<1x16xf32>
      tpu.vector_store %arg6[%swap3A_202, %swap3A_203], %swap3A_206 {strides = array<i32>} : memref<32x1024xf32, #tpu.memory_space<vmem>>, vector<1x16xf32>,
      %get3A_207 = arith.index_cast %scan3A_40 : i32 to index
      %get3A_208 = arith.constant 192 : index
      %get3A_209 = tpu.vector_load %arg6[%get3A_207, %get3A_208] {strides = array<i32>} : memref<32x1024xf32, #tpu.memory_space<vmem>>, vector<1x16xf32>,
      %get3A_210 = vector.shape_cast %get3A_209 : vector<1x16xf32> to vector<16xf32>
      %get3A_211 = arith.index_cast %scan3A_40 : i32 to index
      %get3A_212 = arith.constant 192 : index
      %get3A_213 = tpu.vector_load %arg7[%get3A_211, %get3A_212] {strides = array<i32>} : memref<32x1024xf32, #tpu.memory_space<vmem>>, vector<1x16xf32>,
      %get3A_214 = vector.shape_cast %get3A_213 : vector<1x16xf32> to vector<16xf32>
      %add3A_215 = arith.addf %get3A_210, %get3A_214 : vector<16xf32>
      %swap3A_216 = arith.index_cast %scan3A_40 : i32 to index
      %swap3A_217 = arith.constant 192 : index
      %swap3A_218 = tpu.vector_load %arg6[%swap3A_216, %swap3A_217] {strides = array<i32>} : memref<32x1024xf32, #tpu.memory_space<vmem>>, vector<1x16xf32>,
      %swap3A_219 = vector.shape_cast %swap3A_218 : vector<1x16xf32> to vector<16xf32>
      %swap3A_220 = vector.shape_cast %add3A_215 : vector<16xf32> to vector<1x16xf32>
      tpu.vector_store %arg6[%swap3A_216, %swap3A_217], %swap3A_220 {strides = array<i32>} : memref<32x1024xf32, #tpu.memory_space<vmem>>, vector<1x16xf32>,
      %get3A_221 = arith.index_cast %scan3A_40 : i32 to index
      %get3A_222 = arith.constant 208 : index
      %get3A_223 = tpu.vector_load %arg6[%get3A_221, %get3A_222] {strides = array<i32>} : memref<32x1024xf32, #tpu.memory_space<vmem>>, vector<1x16xf32>,
      %get3A_224 = vector.shape_cast %get3A_223 : vector<1x16xf32> to vector<16xf32>
      %get3A_225 = arith.index_cast %scan3A_40 : i32 to index
      %get3A_226 = arith.constant 208 : index
      %get3A_227 = tpu.vector_load %arg7[%get3A_225, %get3A_226] {strides = array<i32>} : memref<32x1024xf32, #tpu.memory_space<vmem>>, vector<1x16xf32>,
      %get3A_228 = vector.shape_cast %get3A_227 : vector<1x16xf32> to vector<16xf32>
      %add3A_229 = arith.addf %get3A_224, %get3A_228 : vector<16xf32>
      %swap3A_230 = arith.index_cast %scan3A_40 : i32 to index
      %swap3A_231 = arith.constant 208 : index
      %swap3A_232 = tpu.vector_load %arg6[%swap3A_230, %swap3A_231] {strides = array<i32>} : memref<32x1024xf32, #tpu.memory_space<vmem>>, vector<1x16xf32>,
      %swap3A_233 = vector.shape_cast %swap3A_232 : vector<1x16xf32> to vector<16xf32>
      %swap3A_234 = vector.shape_cast %add3A_229 : vector<16xf32> to vector<1x16xf32>
      tpu.vector_store %arg6[%swap3A_230, %swap3A_231], %swap3A_234 {strides = array<i32>} : memref<32x1024xf32, #tpu.memory_space<vmem>>, vector<1x16xf32>,
      %get3A_235 = arith.index_cast %scan3A_40 : i32 to index
      %get3A_236 = arith.constant 224 : index
      %get3A_237 = tpu.vector_load %arg6[%get3A_235, %get3A_236] {strides = array<i32>} : memref<32x1024xf32, #tpu.memory_space<vmem>>, vector<1x16xf32>,
      %get3A_238 = vector.shape_cast %get3A_237 : vector<1x16xf32> to vector<16xf32>
      %get3A_239 = arith.index_cast %scan3A_40 : i32 to index
      %get3A_240 = arith.constant 224 : index
      %get3A_241 = tpu.vector_load %arg7[%get3A_239, %get3A_240] {strides = array<i32>} : memref<32x1024xf32, #tpu.memory_space<vmem>>, vector<1x16xf32>,
      %get3A_242 = vector.shape_cast %get3A_241 : vector<1x16xf32> to vector<16xf32>
      %add3A_243 = arith.addf %get3A_238, %get3A_242 : vector<16xf32>
      %swap3A_244 = arith.index_cast %scan3A_40 : i32 to index
      %swap3A_245 = arith.constant 224 : index
      %swap3A_246 = tpu.vector_load %arg6[%swap3A_244, %swap3A_245] {strides = array<i32>} : memref<32x1024xf32, #tpu.memory_space<vmem>>, vector<1x16xf32>,
      %swap3A_247 = vector.shape_cast %swap3A_246 : vector<1x16xf32> to vector<16xf32>
      %swap3A_248 = vector.shape_cast %add3A_243 : vector<16xf32> to vector<1x16xf32>
      tpu.vector_store %arg6[%swap3A_244, %swap3A_245], %swap3A_248 {strides = array<i32>} : memref<32x1024xf32, #tpu.memory_space<vmem>>, vector<1x16xf32>,
      %get3A_249 = arith.index_cast %scan3A_40 : i32 to index
      %get3A_250 = arith.constant 240 : index
      %get3A_251 = tpu.vector_load %arg6[%get3A_249, %get3A_250] {strides = array<i32>} : memref<32x1024xf32, #tpu.memory_space<vmem>>, vector<1x16xf32>,
      %get3A_252 = vector.shape_cast %get3A_251 : vector<1x16xf32> to vector<16xf32>
      %get3A_253 = arith.index_cast %scan3A_40 : i32 to index
      %get3A_254 = arith.constant 240 : index
      %get3A_255 = tpu.vector_load %arg7[%get3A_253, %get3A_254] {strides = array<i32>} : memref<32x1024xf32, #tpu.memory_space<vmem>>, vector<1x16xf32>,
      %get3A_256 = vector.shape_cast %get3A_255 : vector<1x16xf32> to vector<16xf32>
      %add3A_257 = arith.addf %get3A_252, %get3A_256 : vector<16xf32>
      %swap3A_258 = arith.index_cast %scan3A_40 : i32 to index
      %swap3A_259 = arith.constant 240 : index
      %swap3A_260 = tpu.vector_load %arg6[%swap3A_258, %swap3A_259] {strides = array<i32>} : memref<32x1024xf32, #tpu.memory_space<vmem>>, vector<1x16xf32>,
      %swap3A_261 = vector.shape_cast %swap3A_260 : vector<1x16xf32> to vector<16xf32>
      %swap3A_262 = vector.shape_cast %add3A_257 : vector<16xf32> to vector<1x16xf32>
      tpu.vector_store %arg6[%swap3A_258, %swap3A_259], %swap3A_262 {strides = array<i32>} : memref<32x1024xf32, #tpu.memory_space<vmem>>, vector<1x16xf32>,
      %get3A_263 = arith.index_cast %scan3A_40 : i32 to index
      %get3A_264 = arith.constant 256 : index
      %get3A_265 = tpu.vector_load %arg6[%get3A_263, %get3A_264] {strides = array<i32>} : memref<32x1024xf32, #tpu.memory_space<vmem>>, vector<1x16xf32>,
      %get3A_266 = vector.shape_cast %get3A_265 : vector<1x16xf32> to vector<16xf32>
      %get3A_267 = arith.index_cast %scan3A_40 : i32 to index
      %get3A_268 = arith.constant 256 : index
      %get3A_269 = tpu.vector_load %arg7[%get3A_267, %get3A_268] {strides = array<i32>} : memref<32x1024xf32, #tpu.memory_space<vmem>>, vector<1x16xf32>,
      %get3A_270 = vector.shape_cast %get3A_269 : vector<1x16xf32> to vector<16xf32>
      %add3A_271 = arith.addf %get3A_266, %get3A_270 : vector<16xf32>
      %swap3A_272 = arith.index_cast %scan3A_40 : i32 to index
      %swap3A_273 = arith.constant 256 : index
      %swap3A_274 = tpu.vector_load %arg6[%swap3A_272, %swap3A_273] {strides = array<i32>} : memref<32x1024xf32, #tpu.memory_space<vmem>>, vector<1x16xf32>,
      %swap3A_275 = vector.shape_cast %swap3A_274 : vector<1x16xf32> to vector<16xf32>
      %swap3A_276 = vector.shape_cast %add3A_271 : vector<16xf32> to vector<1x16xf32>
      tpu.vector_store %arg6[%swap3A_272, %swap3A_273], %swap3A_276 {strides = array<i32>} : memref<32x1024xf32, #tpu.memory_space<vmem>>, vector<1x16xf32>,
      %get3A_277 = arith.index_cast %scan3A_40 : i32 to index
      %get3A_278 = arith.constant 272 : index
      %get3A_279 = tpu.vector_load %arg6[%get3A_277, %get3A_278] {strides = array<i32>} : memref<32x1024xf32, #tpu.memory_space<vmem>>, vector<1x16xf32>,
      %get3A_280 = vector.shape_cast %get3A_279 : vector<1x16xf32> to vector<16xf32>
      %get3A_281 = arith.index_cast %scan3A_40 : i32 to index
      %get3A_282 = arith.constant 272 : index
      %get3A_283 = tpu.vector_load %arg7[%get3A_281, %get3A_282] {strides = array<i32>} : memref<32x1024xf32, #tpu.memory_space<vmem>>, vector<1x16xf32>,
      %get3A_284 = vector.shape_cast %get3A_283 : vector<1x16xf32> to vector<16xf32>
      %add3A_285 = arith.addf %get3A_280, %get3A_284 : vector<16xf32>
      %swap3A_286 = arith.index_cast %scan3A_40 : i32 to index
      %swap3A_287 = arith.constant 272 : index
      %swap3A_288 = tpu.vector_load %arg6[%swap3A_286, %swap3A_287] {strides = array<i32>} : memref<32x1024xf32, #tpu.memory_space<vmem>>, vector<1x16xf32>,
      %swap3A_289 = vector.shape_cast %swap3A_288 : vector<1x16xf32> to vector<16xf32>
      %swap3A_290 = vector.shape_cast %add3A_285 : vector<16xf32> to vector<1x16xf32>
      tpu.vector_store %arg6[%swap3A_286, %swap3A_287], %swap3A_290 {strides = array<i32>} : memref<32x1024xf32, #tpu.memory_space<vmem>>, vector<1x16xf32>,
      %get3A_291 = arith.index_cast %scan3A_40 : i32 to index
      %get3A_292 = arith.constant 288 : index
      %get3A_293 = tpu.vector_load %arg6[%get3A_291, %get3A_292] {strides = array<i32>} : memref<32x1024xf32, #tpu.memory_space<vmem>>, vector<1x16xf32>,
      %get3A_294 = vector.shape_cast %get3A_293 : vector<1x16xf32> to vector<16xf32>
      %get3A_295 = arith.index_cast %scan3A_40 : i32 to index
      %get3A_296 = arith.constant 288 : index
      %get3A_297 = tpu.vector_load %arg7[%get3A_295, %get3A_296] {strides = array<i32>} : memref<32x1024xf32, #tpu.memory_space<vmem>>, vector<1x16xf32>,
      %get3A_298 = vector.shape_cast %get3A_297 : vector<1x16xf32> to vector<16xf32>
      %add3A_299 = arith.addf %get3A_294, %get3A_298 : vector<16xf32>
      %swap3A_300 = arith.index_cast %scan3A_40 : i32 to index
      %swap3A_301 = arith.constant 288 : index
      %swap3A_302 = tpu.vector_load %arg6[%swap3A_300, %swap3A_301] {strides = array<i32>} : memref<32x1024xf32, #tpu.memory_space<vmem>>, vector<1x16xf32>,
      %swap3A_303 = vector.shape_cast %swap3A_302 : vector<1x16xf32> to vector<16xf32>
      %swap3A_304 = vector.shape_cast %add3A_299 : vector<16xf32> to vector<1x16xf32>
      tpu.vector_store %arg6[%swap3A_300, %swap3A_301], %swap3A_304 {strides = array<i32>} : memref<32x1024xf32, #tpu.memory_space<vmem>>, vector<1x16xf32>,
      %get3A_305 = arith.index_cast %scan3A_40 : i32 to index
      %get3A_306 = arith.constant 304 : index
      %get3A_307 = tpu.vector_load %arg6[%get3A_305, %get3A_306] {strides = array<i32>} : memref<32x1024xf32, #tpu.memory_space<vmem>>, vector<1x16xf32>,
      %get3A_308 = vector.shape_cast %get3A_307 : vector<1x16xf32> to vector<16xf32>
      %get3A_309 = arith.index_cast %scan3A_40 : i32 to index
      %get3A_310 = arith.constant 304 : index
      %get3A_311 = tpu.vector_load %arg7[%get3A_309, %get3A_310] {strides = array<i32>} : memref<32x1024xf32, #tpu.memory_space<vmem>>, vector<1x16xf32>,
      %get3A_312 = vector.shape_cast %get3A_311 : vector<1x16xf32> to vector<16xf32>
      %add3A_313 = arith.addf %get3A_308, %get3A_312 : vector<16xf32>
      %swap3A_314 = arith.index_cast %scan3A_40 : i32 to index
      %swap3A_315 = arith.constant 304 : index
      %swap3A_316 = tpu.vector_load %arg6[%swap3A_314, %swap3A_315] {strides = array<i32>} : memref<32x1024xf32, #tpu.memory_space<vmem>>, vector<1x16xf32>,
      %swap3A_317 = vector.shape_cast %swap3A_316 : vector<1x16xf32> to vector<16xf32>
      %swap3A_318 = vector.shape_cast %add3A_313 : vector<16xf32> to vector<1x16xf32>
      tpu.vector_store %arg6[%swap3A_314, %swap3A_315], %swap3A_318 {strides = array<i32>} : memref<32x1024xf32, #tpu.memory_space<vmem>>, vector<1x16xf32>,
      %get3A_319 = arith.index_cast %scan3A_40 : i32 to index
      %get3A_320 = arith.constant 320 : index
      %get3A_321 = tpu.vector_load %arg6[%get3A_319, %get3A_320] {strides = array<i32>} : memref<32x1024xf32, #tpu.memory_space<vmem>>, vector<1x16xf32>,
      %get3A_322 = vector.shape_cast %get3A_321 : vector<1x16xf32> to vector<16xf32>
      %get3A_323 = arith.index_cast %scan3A_40 : i32 to index
      %get3A_324 = arith.constant 320 : index
      %get3A_325 = tpu.vector_load %arg7[%get3A_323, %get3A_324] {strides = array<i32>} : memref<32x1024xf32, #tpu.memory_space<vmem>>, vector<1x16xf32>,
      %get3A_326 = vector.shape_cast %get3A_325 : vector<1x16xf32> to vector<16xf32>
      %add3A_327 = arith.addf %get3A_322, %get3A_326 : vector<16xf32>
      %swap3A_328 = arith.index_cast %scan3A_40 : i32 to index
      %swap3A_329 = arith.constant 320 : index
      %swap3A_330 = tpu.vector_load %arg6[%swap3A_328, %swap3A_329] {strides = array<i32>} : memref<32x1024xf32, #tpu.memory_space<vmem>>, vector<1x16xf32>,
      %swap3A_331 = vector.shape_cast %swap3A_330 : vector<1x16xf32> to vector<16xf32>
      %swap3A_332 = vector.shape_cast %add3A_327 : vector<16xf32> to vector<1x16xf32>
      tpu.vector_store %arg6[%swap3A_328, %swap3A_329], %swap3A_332 {strides = array<i32>} : memref<32x1024xf32, #tpu.memory_space<vmem>>, vector<1x16xf32>,
      %get3A_333 = arith.index_cast %scan3A_40 : i32 to index
      %get3A_334 = arith.constant 336 : index
      %get3A_335 = tpu.vector_load %arg6[%get3A_333, %get3A_334] {strides = array<i32>} : memref<32x1024xf32, #tpu.memory_space<vmem>>, vector<1x16xf32>,
      %get3A_336 = vector.shape_cast %get3A_335 : vector<1x16xf32> to vector<16xf32>
      %get3A_337 = arith.index_cast %scan3A_40 : i32 to index
      %get3A_338 = arith.constant 336 : index
      %get3A_339 = tpu.vector_load %arg7[%get3A_337, %get3A_338] {strides = array<i32>} : memref<32x1024xf32, #tpu.memory_space<vmem>>, vector<1x16xf32>,
      %get3A_340 = vector.shape_cast %get3A_339 : vector<1x16xf32> to vector<16xf32>
      %add3A_341 = arith.addf %get3A_336, %get3A_340 : vector<16xf32>
      %swap3A_342 = arith.index_cast %scan3A_40 : i32 to index
      %swap3A_343 = arith.constant 336 : index
      %swap3A_344 = tpu.vector_load %arg6[%swap3A_342, %swap3A_343] {strides = array<i32>} : memref<32x1024xf32, #tpu.memory_space<vmem>>, vector<1x16xf32>,
      %swap3A_345 = vector.shape_cast %swap3A_344 : vector<1x16xf32> to vector<16xf32>
      %swap3A_346 = vector.shape_cast %add3A_341 : vector<16xf32> to vector<1x16xf32>
      tpu.vector_store %arg6[%swap3A_342, %swap3A_343], %swap3A_346 {strides = array<i32>} : memref<32x1024xf32, #tpu.memory_space<vmem>>, vector<1x16xf32>,
      %get3A_347 = arith.index_cast %scan3A_40 : i32 to index
      %get3A_348 = arith.constant 352 : index
      %get3A_349 = tpu.vector_load %arg6[%get3A_347, %get3A_348] {strides = array<i32>} : memref<32x1024xf32, #tpu.memory_space<vmem>>, vector<1x16xf32>,
      %get3A_350 = vector.shape_cast %get3A_349 : vector<1x16xf32> to vector<16xf32>
      %get3A_351 = arith.index_cast %scan3A_40 : i32 to index
      %get3A_352 = arith.constant 352 : index
      %get3A_353 = tpu.vector_load %arg7[%get3A_351, %get3A_352] {strides = array<i32>} : memref<32x1024xf32, #tpu.memory_space<vmem>>, vector<1x16xf32>,
      %get3A_354 = vector.shape_cast %get3A_353 : vector<1x16xf32> to vector<16xf32>
      %add3A_355 = arith.addf %get3A_350, %get3A_354 : vector<16xf32>
      %swap3A_356 = arith.index_cast %scan3A_40 : i32 to index
      %swap3A_357 = arith.constant 352 : index
      %swap3A_358 = tpu.vector_load %arg6[%swap3A_356, %swap3A_357] {strides = array<i32>} : memref<32x1024xf32, #tpu.memory_space<vmem>>, vector<1x16xf32>,
      %swap3A_359 = vector.shape_cast %swap3A_358 : vector<1x16xf32> to vector<16xf32>
      %swap3A_360 = vector.shape_cast %add3A_355 : vector<16xf32> to vector<1x16xf32>
      tpu.vector_store %arg6[%swap3A_356, %swap3A_357], %swap3A_360 {strides = array<i32>} : memref<32x1024xf32, #tpu.memory_space<vmem>>, vector<1x16xf32>,
      %get3A_361 = arith.index_cast %scan3A_40 : i32 to index
      %get3A_362 = arith.constant 368 : index
      %get3A_363 = tpu.vector_load %arg6[%get3A_361, %get3A_362] {strides = array<i32>} : memref<32x1024xf32, #tpu.memory_space<vmem>>, vector<1x16xf32>,
      %get3A_364 = vector.shape_cast %get3A_363 : vector<1x16xf32> to vector<16xf32>
      %get3A_365 = arith.index_cast %scan3A_40 : i32 to index
      %get3A_366 = arith.constant 368 : index
      %get3A_367 = tpu.vector_load %arg7[%get3A_365, %get3A_366] {strides = array<i32>} : memref<32x1024xf32, #tpu.memory_space<vmem>>, vector<1x16xf32>,
      %get3A_368 = vector.shape_cast %get3A_367 : vector<1x16xf32> to vector<16xf32>
      %add3A_369 = arith.addf %get3A_364, %get3A_368 : vector<16xf32>
      %swap3A_370 = arith.index_cast %scan3A_40 : i32 to index
      %swap3A_371 = arith.constant 368 : index
      %swap3A_372 = tpu.vector_load %arg6[%swap3A_370, %swap3A_371] {strides = array<i32>} : memref<32x1024xf32, #tpu.memory_space<vmem>>, vector<1x16xf32>,
      %swap3A_373 = vector.shape_cast %swap3A_372 : vector<1x16xf32> to vector<16xf32>
      %swap3A_374 = vector.shape_cast %add3A_369 : vector<16xf32> to vector<1x16xf32>
      tpu.vector_store %arg6[%swap3A_370, %swap3A_371], %swap3A_374 {strides = array<i32>} : memref<32x1024xf32, #tpu.memory_space<vmem>>, vector<1x16xf32>,
      %get3A_375 = arith.index_cast %scan3A_40 : i32 to index
      %get3A_376 = arith.constant 384 : index
      %get3A_377 = tpu.vector_load %arg6[%get3A_375, %get3A_376] {strides = array<i32>} : memref<32x1024xf32, #tpu.memory_space<vmem>>, vector<1x16xf32>,
      %get3A_378 = vector.shape_cast %get3A_377 : vector<1x16xf32> to vector<16xf32>
      %get3A_379 = arith.index_cast %scan3A_40 : i32 to index
      %get3A_380 = arith.constant 384 : index
      %get3A_381 = tpu.vector_load %arg7[%get3A_379, %get3A_380] {strides = array<i32>} : memref<32x1024xf32, #tpu.memory_space<vmem>>, vector<1x16xf32>,
      %get3A_382 = vector.shape_cast %get3A_381 : vector<1x16xf32> to vector<16xf32>
      %add3A_383 = arith.addf %get3A_378, %get3A_382 : vector<16xf32>
      %swap3A_384 = arith.index_cast %scan3A_40 : i32 to index
      %swap3A_385 = arith.constant 384 : index
      %swap3A_386 = tpu.vector_load %arg6[%swap3A_384, %swap3A_385] {strides = array<i32>} : memref<32x1024xf32, #tpu.memory_space<vmem>>, vector<1x16xf32>,
      %swap3A_387 = vector.shape_cast %swap3A_386 : vector<1x16xf32> to vector<16xf32>
      %swap3A_388 = vector.shape_cast %add3A_383 : vector<16xf32> to vector<1x16xf32>
      tpu.vector_store %arg6[%swap3A_384, %swap3A_385], %swap3A_388 {strides = array<i32>} : memref<32x1024xf32, #tpu.memory_space<vmem>>, vector<1x16xf32>,
      %get3A_389 = arith.index_cast %scan3A_40 : i32 to index
      %get3A_390 = arith.constant 400 : index
      %get3A_391 = tpu.vector_load %arg6[%get3A_389, %get3A_390] {strides = array<i32>} : memref<32x1024xf32, #tpu.memory_space<vmem>>, vector<1x16xf32>,
      %get3A_392 = vector.shape_cast %get3A_391 : vector<1x16xf32> to vector<16xf32>
      %get3A_393 = arith.index_cast %scan3A_40 : i32 to index
      %get3A_394 = arith.constant 400 : index
      %get3A_395 = tpu.vector_load %arg7[%get3A_393, %get3A_394] {strides = array<i32>} : memref<32x1024xf32, #tpu.memory_space<vmem>>, vector<1x16xf32>,
      %get3A_396 = vector.shape_cast %get3A_395 : vector<1x16xf32> to vector<16xf32>
      %add3A_397 = arith.addf %get3A_392, %get3A_396 : vector<16xf32>
      %swap3A_398 = arith.index_cast %scan3A_40 : i32 to index
      %swap3A_399 = arith.constant 400 : index
      %swap3A_400 = tpu.vector_load %arg6[%swap3A_398, %swap3A_399] {strides = array<i32>} : memref<32x1024xf32, #tpu.memory_space<vmem>>, vector<1x16xf32>,
      %swap3A_401 = vector.shape_cast %swap3A_400 : vector<1x16xf32> to vector<16xf32>
      %swap3A_402 = vector.shape_cast %add3A_397 : vector<16xf32> to vector<1x16xf32>
      tpu.vector_store %arg6[%swap3A_398, %swap3A_399], %swap3A_402 {strides = array<i32>} : memref<32x1024xf32, #tpu.memory_space<vmem>>, vector<1x16xf32>,
      %get3A_403 = arith.index_cast %scan3A_40 : i32 to index
      %get3A_404 = arith.constant 416 : index
      %get3A_405 = tpu.vector_load %arg6[%get3A_403, %get3A_404] {strides = array<i32>} : memref<32x1024xf32, #tpu.memory_space<vmem>>, vector<1x16xf32>,
      %get3A_406 = vector.shape_cast %get3A_405 : vector<1x16xf32> to vector<16xf32>
      %get3A_407 = arith.index_cast %scan3A_40 : i32 to index
      %get3A_408 = arith.constant 416 : index
      %get3A_409 = tpu.vector_load %arg7[%get3A_407, %get3A_408] {strides = array<i32>} : memref<32x1024xf32, #tpu.memory_space<vmem>>, vector<1x16xf32>,
      %get3A_410 = vector.shape_cast %get3A_409 : vector<1x16xf32> to vector<16xf32>
      %add3A_411 = arith.addf %get3A_406, %get3A_410 : vector<16xf32>
      %swap3A_412 = arith.index_cast %scan3A_40 : i32 to index
      %swap3A_413 = arith.constant 416 : index
      %swap3A_414 = tpu.vector_load %arg6[%swap3A_412, %swap3A_413] {strides = array<i32>} : memref<32x1024xf32, #tpu.memory_space<vmem>>, vector<1x16xf32>,
      %swap3A_415 = vector.shape_cast %swap3A_414 : vector<1x16xf32> to vector<16xf32>
      %swap3A_416 = vector.shape_cast %add3A_411 : vector<16xf32> to vector<1x16xf32>
      tpu.vector_store %arg6[%swap3A_412, %swap3A_413], %swap3A_416 {strides = array<i32>} : memref<32x1024xf32, #tpu.memory_space<vmem>>, vector<1x16xf32>,
      %get3A_417 = arith.index_cast %scan3A_40 : i32 to index
      %get3A_418 = arith.constant 432 : index
      %get3A_419 = tpu.vector_load %arg6[%get3A_417, %get3A_418] {strides = array<i32>} : memref<32x1024xf32, #tpu.memory_space<vmem>>, vector<1x16xf32>,
      %get3A_420 = vector.shape_cast %get3A_419 : vector<1x16xf32> to vector<16xf32>
      %get3A_421 = arith.index_cast %scan3A_40 : i32 to index
      %get3A_422 = arith.constant 432 : index
      %get3A_423 = tpu.vector_load %arg7[%get3A_421, %get3A_422] {strides = array<i32>} : memref<32x1024xf32, #tpu.memory_space<vmem>>, vector<1x16xf32>,
      %get3A_424 = vector.shape_cast %get3A_423 : vector<1x16xf32> to vector<16xf32>
      %add3A_425 = arith.addf %get3A_420, %get3A_424 : vector<16xf32>
      %swap3A_426 = arith.index_cast %scan3A_40 : i32 to index
      %swap3A_427 = arith.constant 432 : index
      %swap3A_428 = tpu.vector_load %arg6[%swap3A_426, %swap3A_427] {strides = array<i32>} : memref<32x1024xf32, #tpu.memory_space<vmem>>, vector<1x16xf32>,
      %swap3A_429 = vector.shape_cast %swap3A_428 : vector<1x16xf32> to vector<16xf32>
      %swap3A_430 = vector.shape_cast %add3A_425 : vector<16xf32> to vector<1x16xf32>
      tpu.vector_store %arg6[%swap3A_426, %swap3A_427], %swap3A_430 {strides = array<i32>} : memref<32x1024xf32, #tpu.memory_space<vmem>>, vector<1x16xf32>,
      %get3A_431 = arith.index_cast %scan3A_40 : i32 to index
      %get3A_432 = arith.constant 448 : index
      %get3A_433 = tpu.vector_load %arg6[%get3A_431, %get3A_432] {strides = array<i32>} : memref<32x1024xf32, #tpu.memory_space<vmem>>, vector<1x16xf32>,
      %get3A_434 = vector.shape_cast %get3A_433 : vector<1x16xf32> to vector<16xf32>
      %get3A_435 = arith.index_cast %scan3A_40 : i32 to index
      %get3A_436 = arith.constant 448 : index
      %get3A_437 = tpu.vector_load %arg7[%get3A_435, %get3A_436] {strides = array<i32>} : memref<32x1024xf32, #tpu.memory_space<vmem>>, vector<1x16xf32>,
      %get3A_438 = vector.shape_cast %get3A_437 : vector<1x16xf32> to vector<16xf32>
      %add3A_439 = arith.addf %get3A_434, %get3A_438 : vector<16xf32>
      %swap3A_440 = arith.index_cast %scan3A_40 : i32 to index
      %swap3A_441 = arith.constant 448 : index
      %swap3A_442 = tpu.vector_load %arg6[%swap3A_440, %swap3A_441] {strides = array<i32>} : memref<32x1024xf32, #tpu.memory_space<vmem>>, vector<1x16xf32>,
      %swap3A_443 = vector.shape_cast %swap3A_442 : vector<1x16xf32> to vector<16xf32>
      %swap3A_444 = vector.shape_cast %add3A_439 : vector<16xf32> to vector<1x16xf32>
      tpu.vector_store %arg6[%swap3A_440, %swap3A_441], %swap3A_444 {strides = array<i32>} : memref<32x1024xf32, #tpu.memory_space<vmem>>, vector<1x16xf32>,
      %get3A_445 = arith.index_cast %scan3A_40 : i32 to index
      %get3A_446 = arith.constant 464 : index
      %get3A_447 = tpu.vector_load %arg6[%get3A_445, %get3A_446] {strides = array<i32>} : memref<32x1024xf32, #tpu.memory_space<vmem>>, vector<1x16xf32>,
      %get3A_448 = vector.shape_cast %get3A_447 : vector<1x16xf32> to vector<16xf32>
      %get3A_449 = arith.index_cast %scan3A_40 : i32 to index
      %get3A_450 = arith.constant 464 : index
      %get3A_451 = tpu.vector_load %arg7[%get3A_449, %get3A_450] {strides = array<i32>} : memref<32x1024xf32, #tpu.memory_space<vmem>>, vector<1x16xf32>,
      %get3A_452 = vector.shape_cast %get3A_451 : vector<1x16xf32> to vector<16xf32>
      %add3A_453 = arith.addf %get3A_448, %get3A_452 : vector<16xf32>
      %swap3A_454 = arith.index_cast %scan3A_40 : i32 to index
      %swap3A_455 = arith.constant 464 : index
      %swap3A_456 = tpu.vector_load %arg6[%swap3A_454, %swap3A_455] {strides = array<i32>} : memref<32x1024xf32, #tpu.memory_space<vmem>>, vector<1x16xf32>,
      %swap3A_457 = vector.shape_cast %swap3A_456 : vector<1x16xf32> to vector<16xf32>
      %swap3A_458 = vector.shape_cast %add3A_453 : vector<16xf32> to vector<1x16xf32>
      tpu.vector_store %arg6[%swap3A_454, %swap3A_455], %swap3A_458 {strides = array<i32>} : memref<32x1024xf32, #tpu.memory_space<vmem>>, vector<1x16xf32>,
      %get3A_459 = arith.index_cast %scan3A_40 : i32 to index
      %get3A_460 = arith.constant 480 : index
      %get3A_461 = tpu.vector_load %arg6[%get3A_459, %get3A_460] {strides = array<i32>} : memref<32x1024xf32, #tpu.memory_space<vmem>>, vector<1x16xf32>,
      %get3A_462 = vector.shape_cast %get3A_461 : vector<1x16xf32> to vector<16xf32>
      %get3A_463 = arith.index_cast %scan3A_40 : i32 to index
      %get3A_464 = arith.constant 480 : index
      %get3A_465 = tpu.vector_load %arg7[%get3A_463, %get3A_464] {strides = array<i32>} : memref<32x1024xf32, #tpu.memory_space<vmem>>, vector<1x16xf32>,
      %get3A_466 = vector.shape_cast %get3A_465 : vector<1x16xf32> to vector<16xf32>
      %add3A_467 = arith.addf %get3A_462, %get3A_466 : vector<16xf32>
      %swap3A_468 = arith.index_cast %scan3A_40 : i32 to index
      %swap3A_469 = arith.constant 480 : index
      %swap3A_470 = tpu.vector_load %arg6[%swap3A_468, %swap3A_469] {strides = array<i32>} : memref<32x1024xf32, #tpu.memory_space<vmem>>, vector<1x16xf32>,
      %swap3A_471 = vector.shape_cast %swap3A_470 : vector<1x16xf32> to vector<16xf32>
      %swap3A_472 = vector.shape_cast %add3A_467 : vector<16xf32> to vector<1x16xf32>
      tpu.vector_store %arg6[%swap3A_468, %swap3A_469], %swap3A_472 {strides = array<i32>} : memref<32x1024xf32, #tpu.memory_space<vmem>>, vector<1x16xf32>,
      %get3A_473 = arith.index_cast %scan3A_40 : i32 to index
      %get3A_474 = arith.constant 496 : index
      %get3A_475 = tpu.vector_load %arg6[%get3A_473, %get3A_474] {strides = array<i32>} : memref<32x1024xf32, #tpu.memory_space<vmem>>, vector<1x16xf32>,
      %get3A_476 = vector.shape_cast %get3A_475 : vector<1x16xf32> to vector<16xf32>
      %get3A_477 = arith.index_cast %scan3A_40 : i32 to index
      %get3A_478 = arith.constant 496 : index
      %get3A_479 = tpu.vector_load %arg7[%get3A_477, %get3A_478] {strides = array<i32>} : memref<32x1024xf32, #tpu.memory_space<vmem>>, vector<1x16xf32>,
      %get3A_480 = vector.shape_cast %get3A_479 : vector<1x16xf32> to vector<16xf32>
      %add3A_481 = arith.addf %get3A_476, %get3A_480 : vector<16xf32>
      %swap3A_482 = arith.index_cast %scan3A_40 : i32 to index
      %swap3A_483 = arith.constant 496 : index
      %swap3A_484 = tpu.vector_load %arg6[%swap3A_482, %swap3A_483] {strides = array<i32>} : memref<32x1024xf32, #tpu.memory_space<vmem>>, vector<1x16xf32>,
      %swap3A_485 = vector.shape_cast %swap3A_484 : vector<1x16xf32> to vector<16xf32>
      %swap3A_486 = vector.shape_cast %add3A_481 : vector<16xf32> to vector<1x16xf32>
      tpu.vector_store %arg6[%swap3A_482, %swap3A_483], %swap3A_486 {strides = array<i32>} : memref<32x1024xf32, #tpu.memory_space<vmem>>, vector<1x16xf32>,
      %get3A_487 = arith.index_cast %scan3A_40 : i32 to index
      %get3A_488 = arith.constant 512 : index
      %get3A_489 = tpu.vector_load %arg6[%get3A_487, %get3A_488] {strides = array<i32>} : memref<32x1024xf32, #tpu.memory_space<vmem>>, vector<1x16xf32>,
      %get3A_490 = vector.shape_cast %get3A_489 : vector<1x16xf32> to vector<16xf32>
      %get3A_491 = arith.index_cast %scan3A_40 : i32 to index
      %get3A_492 = arith.constant 512 : index
      %get3A_493 = tpu.vector_load %arg7[%get3A_491, %get3A_492] {strides = array<i32>} : memref<32x1024xf32, #tpu.memory_space<vmem>>, vector<1x16xf32>,
      %get3A_494 = vector.shape_cast %get3A_493 : vector<1x16xf32> to vector<16xf32>
      %add3A_495 = arith.addf %get3A_490, %get3A_494 : vector<16xf32>
      %swap3A_496 = arith.index_cast %scan3A_40 : i32 to index
      %swap3A_497 = arith.constant 512 : index
      %swap3A_498 = tpu.vector_load %arg6[%swap3A_496, %swap3A_497] {strides = array<i32>} : memref<32x1024xf32, #tpu.memory_space<vmem>>, vector<1x16xf32>,
      %swap3A_499 = vector.shape_cast %swap3A_498 : vector<1x16xf32> to vector<16xf32>
      %swap3A_500 = vector.shape_cast %add3A_495 : vector<16xf32> to vector<1x16xf32>
      tpu.vector_store %arg6[%swap3A_496, %swap3A_497], %swap3A_500 {strides = array<i32>} : memref<32x1024xf32, #tpu.memory_space<vmem>>, vector<1x16xf32>,
      %get3A_501 = arith.index_cast %scan3A_40 : i32 to index
      %get3A_502 = arith.constant 528 : index
      %get3A_503 = tpu.vector_load %arg6[%get3A_501, %get3A_502] {strides = array<i32>} : memref<32x1024xf32, #tpu.memory_space<vmem>>, vector<1x16xf32>,
      %get3A_504 = vector.shape_cast %get3A_503 : vector<1x16xf32> to vector<16xf32>
      %get3A_505 = arith.index_cast %scan3A_40 : i32 to index
      %get3A_506 = arith.constant 528 : index
      %get3A_507 = tpu.vector_load %arg7[%get3A_505, %get3A_506] {strides = array<i32>} : memref<32x1024xf32, #tpu.memory_space<vmem>>, vector<1x16xf32>,
      %get3A_508 = vector.shape_cast %get3A_507 : vector<1x16xf32> to vector<16xf32>
      %add3A_509 = arith.addf %get3A_504, %get3A_508 : vector<16xf32>
      %swap3A_510 = arith.index_cast %scan3A_40 : i32 to index
      %swap3A_511 = arith.constant 528 : index
      %swap3A_512 = tpu.vector_load %arg6[%swap3A_510, %swap3A_511] {strides = array<i32>} : memref<32x1024xf32, #tpu.memory_space<vmem>>, vector<1x16xf32>,
      %swap3A_513 = vector.shape_cast %swap3A_512 : vector<1x16xf32> to vector<16xf32>
      %swap3A_514 = vector.shape_cast %add3A_509 : vector<16xf32> to vector<1x16xf32>
      tpu.vector_store %arg6[%swap3A_510, %swap3A_511], %swap3A_514 {strides = array<i32>} : memref<32x1024xf32, #tpu.memory_space<vmem>>, vector<1x16xf32>,
      %get3A_515 = arith.index_cast %scan3A_40 : i32 to index
      %get3A_516 = arith.constant 544 : index
      %get3A_517 = tpu.vector_load %arg6[%get3A_515, %get3A_516] {strides = array<i32>} : memref<32x1024xf32, #tpu.memory_space<vmem>>, vector<1x16xf32>,
      %get3A_518 = vector.shape_cast %get3A_517 : vector<1x16xf32> to vector<16xf32>
      %get3A_519 = arith.index_cast %scan3A_40 : i32 to index
      %get3A_520 = arith.constant 544 : index
      %get3A_521 = tpu.vector_load %arg7[%get3A_519, %get3A_520] {strides = array<i32>} : memref<32x1024xf32, #tpu.memory_space<vmem>>, vector<1x16xf32>,
      %get3A_522 = vector.shape_cast %get3A_521 : vector<1x16xf32> to vector<16xf32>
      %add3A_523 = arith.addf %get3A_518, %get3A_522 : vector<16xf32>
      %swap3A_524 = arith.index_cast %scan3A_40 : i32 to index
      %swap3A_525 = arith.constant 544 : index
      %swap3A_526 = tpu.vector_load %arg6[%swap3A_524, %swap3A_525] {strides = array<i32>} : memref<32x1024xf32, #tpu.memory_space<vmem>>, vector<1x16xf32>,
      %swap3A_527 = vector.shape_cast %swap3A_526 : vector<1x16xf32> to vector<16xf32>
      %swap3A_528 = vector.shape_cast %add3A_523 : vector<16xf32> to vector<1x16xf32>
      tpu.vector_store %arg6[%swap3A_524, %swap3A_525], %swap3A_528 {strides = array<i32>} : memref<32x1024xf32, #tpu.memory_space<vmem>>, vector<1x16xf32>,
      %get3A_529 = arith.index_cast %scan3A_40 : i32 to index
      %get3A_530 = arith.constant 560 : index
      %get3A_531 = tpu.vector_load %arg6[%get3A_529, %get3A_530] {strides = array<i32>} : memref<32x1024xf32, #tpu.memory_space<vmem>>, vector<1x16xf32>,
      %get3A_532 = vector.shape_cast %get3A_531 : vector<1x16xf32> to vector<16xf32>
      %get3A_533 = arith.index_cast %scan3A_40 : i32 to index
      %get3A_534 = arith.constant 560 : index
      %get3A_535 = tpu.vector_load %arg7[%get3A_533, %get3A_534] {strides = array<i32>} : memref<32x1024xf32, #tpu.memory_space<vmem>>, vector<1x16xf32>,
      %get3A_536 = vector.shape_cast %get3A_535 : vector<1x16xf32> to vector<16xf32>
      %add3A_537 = arith.addf %get3A_532, %get3A_536 : vector<16xf32>
      %swap3A_538 = arith.index_cast %scan3A_40 : i32 to index
      %swap3A_539 = arith.constant 560 : index
      %swap3A_540 = tpu.vector_load %arg6[%swap3A_538, %swap3A_539] {strides = array<i32>} : memref<32x1024xf32, #tpu.memory_space<vmem>>, vector<1x16xf32>,
      %swap3A_541 = vector.shape_cast %swap3A_540 : vector<1x16xf32> to vector<16xf32>
      %swap3A_542 = vector.shape_cast %add3A_537 : vector<16xf32> to vector<1x16xf32>
      tpu.vector_store %arg6[%swap3A_538, %swap3A_539], %swap3A_542 {strides = array<i32>} : memref<32x1024xf32, #tpu.memory_space<vmem>>, vector<1x16xf32>,
      %get3A_543 = arith.index_cast %scan3A_40 : i32 to index
      %get3A_544 = arith.constant 576 : index
      %get3A_545 = tpu.vector_load %arg6[%get3A_543, %get3A_544] {strides = array<i32>} : memref<32x1024xf32, #tpu.memory_space<vmem>>, vector<1x16xf32>,
      %get3A_546 = vector.shape_cast %get3A_545 : vector<1x16xf32> to vector<16xf32>
      %get3A_547 = arith.index_cast %scan3A_40 : i32 to index
      %get3A_548 = arith.constant 576 : index
      %get3A_549 = tpu.vector_load %arg7[%get3A_547, %get3A_548] {strides = array<i32>} : memref<32x1024xf32, #tpu.memory_space<vmem>>, vector<1x16xf32>,
      %get3A_550 = vector.shape_cast %get3A_549 : vector<1x16xf32> to vector<16xf32>
      %add3A_551 = arith.addf %get3A_546, %get3A_550 : vector<16xf32>
      %swap3A_552 = arith.index_cast %scan3A_40 : i32 to index
      %swap3A_553 = arith.constant 576 : index
      %swap3A_554 = tpu.vector_load %arg6[%swap3A_552, %swap3A_553] {strides = array<i32>} : memref<32x1024xf32, #tpu.memory_space<vmem>>, vector<1x16xf32>,
      %swap3A_555 = vector.shape_cast %swap3A_554 : vector<1x16xf32> to vector<16xf32>
      %swap3A_556 = vector.shape_cast %add3A_551 : vector<16xf32> to vector<1x16xf32>
      tpu.vector_store %arg6[%swap3A_552, %swap3A_553], %swap3A_556 {strides = array<i32>} : memref<32x1024xf32, #tpu.memory_space<vmem>>, vector<1x16xf32>,
      %get3A_557 = arith.index_cast %scan3A_40 : i32 to index
      %get3A_558 = arith.constant 592 : index
      %get3A_559 = tpu.vector_load %arg6[%get3A_557, %get3A_558] {strides = array<i32>} : memref<32x1024xf32, #tpu.memory_space<vmem>>, vector<1x16xf32>,
      %get3A_560 = vector.shape_cast %get3A_559 : vector<1x16xf32> to vector<16xf32>
      %get3A_561 = arith.index_cast %scan3A_40 : i32 to index
      %get3A_562 = arith.constant 592 : index
      %get3A_563 = tpu.vector_load %arg7[%get3A_561, %get3A_562] {strides = array<i32>} : memref<32x1024xf32, #tpu.memory_space<vmem>>, vector<1x16xf32>,
      %get3A_564 = vector.shape_cast %get3A_563 : vector<1x16xf32> to vector<16xf32>
      %add3A_565 = arith.addf %get3A_560, %get3A_564 : vector<16xf32>
      %swap3A_566 = arith.index_cast %scan3A_40 : i32 to index
      %swap3A_567 = arith.constant 592 : index
      %swap3A_568 = tpu.vector_load %arg6[%swap3A_566, %swap3A_567] {strides = array<i32>} : memref<32x1024xf32, #tpu.memory_space<vmem>>, vector<1x16xf32>,
      %swap3A_569 = vector.shape_cast %swap3A_568 : vector<1x16xf32> to vector<16xf32>
      %swap3A_570 = vector.shape_cast %add3A_565 : vector<16xf32> to vector<1x16xf32>
      tpu.vector_store %arg6[%swap3A_566, %swap3A_567], %swap3A_570 {strides = array<i32>} : memref<32x1024xf32, #tpu.memory_space<vmem>>, vector<1x16xf32>,
      %get3A_571 = arith.index_cast %scan3A_40 : i32 to index
      %get3A_572 = arith.constant 608 : index
      %get3A_573 = tpu.vector_load %arg6[%get3A_571, %get3A_572] {strides = array<i32>} : memref<32x1024xf32, #tpu.memory_space<vmem>>, vector<1x16xf32>,
      %get3A_574 = vector.shape_cast %get3A_573 : vector<1x16xf32> to vector<16xf32>
      %get3A_575 = arith.index_cast %scan3A_40 : i32 to index
      %get3A_576 = arith.constant 608 : index
      %get3A_577 = tpu.vector_load %arg7[%get3A_575, %get3A_576] {strides = array<i32>} : memref<32x1024xf32, #tpu.memory_space<vmem>>, vector<1x16xf32>,
      %get3A_578 = vector.shape_cast %get3A_577 : vector<1x16xf32> to vector<16xf32>
      %add3A_579 = arith.addf %get3A_574, %get3A_578 : vector<16xf32>
      %swap3A_580 = arith.index_cast %scan3A_40 : i32 to index
      %swap3A_581 = arith.constant 608 : index
      %swap3A_582 = tpu.vector_load %arg6[%swap3A_580, %swap3A_581] {strides = array<i32>} : memref<32x1024xf32, #tpu.memory_space<vmem>>, vector<1x16xf32>,
      %swap3A_583 = vector.shape_cast %swap3A_582 : vector<1x16xf32> to vector<16xf32>
      %swap3A_584 = vector.shape_cast %add3A_579 : vector<16xf32> to vector<1x16xf32>
      tpu.vector_store %arg6[%swap3A_580, %swap3A_581], %swap3A_584 {strides = array<i32>} : memref<32x1024xf32, #tpu.memory_space<vmem>>, vector<1x16xf32>,
      %get3A_585 = arith.index_cast %scan3A_40 : i32 to index
      %get3A_586 = arith.constant 624 : index
      %get3A_587 = tpu.vector_load %arg6[%get3A_585, %get3A_586] {strides = array<i32>} : memref<32x1024xf32, #tpu.memory_space<vmem>>, vector<1x16xf32>,
      %get3A_588 = vector.shape_cast %get3A_587 : vector<1x16xf32> to vector<16xf32>
      %get3A_589 = arith.index_cast %scan3A_40 : i32 to index
      %get3A_590 = arith.constant 624 : index
      %get3A_591 = tpu.vector_load %arg7[%get3A_589, %get3A_590] {strides = array<i32>} : memref<32x1024xf32, #tpu.memory_space<vmem>>, vector<1x16xf32>,
      %get3A_592 = vector.shape_cast %get3A_591 : vector<1x16xf32> to vector<16xf32>
      %add3A_593 = arith.addf %get3A_588, %get3A_592 : vector<16xf32>
      %swap3A_594 = arith.index_cast %scan3A_40 : i32 to index
      %swap3A_595 = arith.constant 624 : index
      %swap3A_596 = tpu.vector_load %arg6[%swap3A_594, %swap3A_595] {strides = array<i32>} : memref<32x1024xf32, #tpu.memory_space<vmem>>, vector<1x16xf32>,
      %swap3A_597 = vector.shape_cast %swap3A_596 : vector<1x16xf32> to vector<16xf32>
      %swap3A_598 = vector.shape_cast %add3A_593 : vector<16xf32> to vector<1x16xf32>
      tpu.vector_store %arg6[%swap3A_594, %swap3A_595], %swap3A_598 {strides = array<i32>} : memref<32x1024xf32, #tpu.memory_space<vmem>>, vector<1x16xf32>,
      %get3A_599 = arith.index_cast %scan3A_40 : i32 to index
      %get3A_600 = arith.constant 640 : index
      %get3A_601 = tpu.vector_load %arg6[%get3A_599, %get3A_600] {strides = array<i32>} : memref<32x1024xf32, #tpu.memory_space<vmem>>, vector<1x16xf32>,
      %get3A_602 = vector.shape_cast %get3A_601 : vector<1x16xf32> to vector<16xf32>
      %get3A_603 = arith.index_cast %scan3A_40 : i32 to index
      %get3A_604 = arith.constant 640 : index
      %get3A_605 = tpu.vector_load %arg7[%get3A_603, %get3A_604] {strides = array<i32>} : memref<32x1024xf32, #tpu.memory_space<vmem>>, vector<1x16xf32>,
      %get3A_606 = vector.shape_cast %get3A_605 : vector<1x16xf32> to vector<16xf32>
      %add3A_607 = arith.addf %get3A_602, %get3A_606 : vector<16xf32>
      %swap3A_608 = arith.index_cast %scan3A_40 : i32 to index
      %swap3A_609 = arith.constant 640 : index
      %swap3A_610 = tpu.vector_load %arg6[%swap3A_608, %swap3A_609] {strides = array<i32>} : memref<32x1024xf32, #tpu.memory_space<vmem>>, vector<1x16xf32>,
      %swap3A_611 = vector.shape_cast %swap3A_610 : vector<1x16xf32> to vector<16xf32>
      %swap3A_612 = vector.shape_cast %add3A_607 : vector<16xf32> to vector<1x16xf32>
      tpu.vector_store %arg6[%swap3A_608, %swap3A_609], %swap3A_612 {strides = array<i32>} : memref<32x1024xf32, #tpu.memory_space<vmem>>, vector<1x16xf32>,
      %get3A_613 = arith.index_cast %scan3A_40 : i32 to index
      %get3A_614 = arith.constant 656 : index
      %get3A_615 = tpu.vector_load %arg6[%get3A_613, %get3A_614] {strides = array<i32>} : memref<32x1024xf32, #tpu.memory_space<vmem>>, vector<1x16xf32>,
      %get3A_616 = vector.shape_cast %get3A_615 : vector<1x16xf32> to vector<16xf32>
      %get3A_617 = arith.index_cast %scan3A_40 : i32 to index
      %get3A_618 = arith.constant 656 : index
      %get3A_619 = tpu.vector_load %arg7[%get3A_617, %get3A_618] {strides = array<i32>} : memref<32x1024xf32, #tpu.memory_space<vmem>>, vector<1x16xf32>,
      %get3A_620 = vector.shape_cast %get3A_619 : vector<1x16xf32> to vector<16xf32>
      %add3A_621 = arith.addf %get3A_616, %get3A_620 : vector<16xf32>
      %swap3A_622 = arith.index_cast %scan3A_40 : i32 to index
      %swap3A_623 = arith.constant 656 : index
      %swap3A_624 = tpu.vector_load %arg6[%swap3A_622, %swap3A_623] {strides = array<i32>} : memref<32x1024xf32, #tpu.memory_space<vmem>>, vector<1x16xf32>,
      %swap3A_625 = vector.shape_cast %swap3A_624 : vector<1x16xf32> to vector<16xf32>
      %swap3A_626 = vector.shape_cast %add3A_621 : vector<16xf32> to vector<1x16xf32>
      tpu.vector_store %arg6[%swap3A_622, %swap3A_623], %swap3A_626 {strides = array<i32>} : memref<32x1024xf32, #tpu.memory_space<vmem>>, vector<1x16xf32>,
      %get3A_627 = arith.index_cast %scan3A_40 : i32 to index
      %get3A_628 = arith.constant 672 : index
      %get3A_629 = tpu.vector_load %arg6[%get3A_627, %get3A_628] {strides = array<i32>} : memref<32x1024xf32, #tpu.memory_space<vmem>>, vector<1x16xf32>,
      %get3A_630 = vector.shape_cast %get3A_629 : vector<1x16xf32> to vector<16xf32>
      %get3A_631 = arith.index_cast %scan3A_40 : i32 to index
      %get3A_632 = arith.constant 672 : index
      %get3A_633 = tpu.vector_load %arg7[%get3A_631, %get3A_632] {strides = array<i32>} : memref<32x1024xf32, #tpu.memory_space<vmem>>, vector<1x16xf32>,
      %get3A_634 = vector.shape_cast %get3A_633 : vector<1x16xf32> to vector<16xf32>
      %add3A_635 = arith.addf %get3A_630, %get3A_634 : vector<16xf32>
      %swap3A_636 = arith.index_cast %scan3A_40 : i32 to index
      %swap3A_637 = arith.constant 672 : index
      %swap3A_638 = tpu.vector_load %arg6[%swap3A_636, %swap3A_637] {strides = array<i32>} : memref<32x1024xf32, #tpu.memory_space<vmem>>, vector<1x16xf32>,
      %swap3A_639 = vector.shape_cast %swap3A_638 : vector<1x16xf32> to vector<16xf32>
      %swap3A_640 = vector.shape_cast %add3A_635 : vector<16xf32> to vector<1x16xf32>
      tpu.vector_store %arg6[%swap3A_636, %swap3A_637], %swap3A_640 {strides = array<i32>} : memref<32x1024xf32, #tpu.memory_space<vmem>>, vector<1x16xf32>,
      %get3A_641 = arith.index_cast %scan3A_40 : i32 to index
      %get3A_642 = arith.constant 688 : index
      %get3A_643 = tpu.vector_load %arg6[%get3A_641, %get3A_642] {strides = array<i32>} : memref<32x1024xf32, #tpu.memory_space<vmem>>, vector<1x16xf32>,
      %get3A_644 = vector.shape_cast %get3A_643 : vector<1x16xf32> to vector<16xf32>
      %get3A_645 = arith.index_cast %scan3A_40 : i32 to index
      %get3A_646 = arith.constant 688 : index
      %get3A_647 = tpu.vector_load %arg7[%get3A_645, %get3A_646] {strides = array<i32>} : memref<32x1024xf32, #tpu.memory_space<vmem>>, vector<1x16xf32>,
      %get3A_648 = vector.shape_cast %get3A_647 : vector<1x16xf32> to vector<16xf32>
      %add3A_649 = arith.addf %get3A_644, %get3A_648 : vector<16xf32>
      %swap3A_650 = arith.index_cast %scan3A_40 : i32 to index
      %swap3A_651 = arith.constant 688 : index
      %swap3A_652 = tpu.vector_load %arg6[%swap3A_650, %swap3A_651] {strides = array<i32>} : memref<32x1024xf32, #tpu.memory_space<vmem>>, vector<1x16xf32>,
      %swap3A_653 = vector.shape_cast %swap3A_652 : vector<1x16xf32> to vector<16xf32>
      %swap3A_654 = vector.shape_cast %add3A_649 : vector<16xf32> to vector<1x16xf32>
      tpu.vector_store %arg6[%swap3A_650, %swap3A_651], %swap3A_654 {strides = array<i32>} : memref<32x1024xf32, #tpu.memory_space<vmem>>, vector<1x16xf32>,
      %get3A_655 = arith.index_cast %scan3A_40 : i32 to index
      %get3A_656 = arith.constant 704 : index
      %get3A_657 = tpu.vector_load %arg6[%get3A_655, %get3A_656] {strides = array<i32>} : memref<32x1024xf32, #tpu.memory_space<vmem>>, vector<1x16xf32>,
      %get3A_658 = vector.shape_cast %get3A_657 : vector<1x16xf32> to vector<16xf32>
      %get3A_659 = arith.index_cast %scan3A_40 : i32 to index
      %get3A_660 = arith.constant 704 : index
      %get3A_661 = tpu.vector_load %arg7[%get3A_659, %get3A_660] {strides = array<i32>} : memref<32x1024xf32, #tpu.memory_space<vmem>>, vector<1x16xf32>,
      %get3A_662 = vector.shape_cast %get3A_661 : vector<1x16xf32> to vector<16xf32>
      %add3A_663 = arith.addf %get3A_658, %get3A_662 : vector<16xf32>
      %swap3A_664 = arith.index_cast %scan3A_40 : i32 to index
      %swap3A_665 = arith.constant 704 : index
      %swap3A_666 = tpu.vector_load %arg6[%swap3A_664, %swap3A_665] {strides = array<i32>} : memref<32x1024xf32, #tpu.memory_space<vmem>>, vector<1x16xf32>,
      %swap3A_667 = vector.shape_cast %swap3A_666 : vector<1x16xf32> to vector<16xf32>
      %swap3A_668 = vector.shape_cast %add3A_663 : vector<16xf32> to vector<1x16xf32>
      tpu.vector_store %arg6[%swap3A_664, %swap3A_665], %swap3A_668 {strides = array<i32>} : memref<32x1024xf32, #tpu.memory_space<vmem>>, vector<1x16xf32>,
      %get3A_669 = arith.index_cast %scan3A_40 : i32 to index
      %get3A_670 = arith.constant 720 : index
      %get3A_671 = tpu.vector_load %arg6[%get3A_669, %get3A_670] {strides = array<i32>} : memref<32x1024xf32, #tpu.memory_space<vmem>>, vector<1x16xf32>,
      %get3A_672 = vector.shape_cast %get3A_671 : vector<1x16xf32> to vector<16xf32>
      %get3A_673 = arith.index_cast %scan3A_40 : i32 to index
      %get3A_674 = arith.constant 720 : index
      %get3A_675 = tpu.vector_load %arg7[%get3A_673, %get3A_674] {strides = array<i32>} : memref<32x1024xf32, #tpu.memory_space<vmem>>, vector<1x16xf32>,
      %get3A_676 = vector.shape_cast %get3A_675 : vector<1x16xf32> to vector<16xf32>
      %add3A_677 = arith.addf %get3A_672, %get3A_676 : vector<16xf32>
      %swap3A_678 = arith.index_cast %scan3A_40 : i32 to index
      %swap3A_679 = arith.constant 720 : index
      %swap3A_680 = tpu.vector_load %arg6[%swap3A_678, %swap3A_679] {strides = array<i32>} : memref<32x1024xf32, #tpu.memory_space<vmem>>, vector<1x16xf32>,
      %swap3A_681 = vector.shape_cast %swap3A_680 : vector<1x16xf32> to vector<16xf32>
      %swap3A_682 = vector.shape_cast %add3A_677 : vector<16xf32> to vector<1x16xf32>
      tpu.vector_store %arg6[%swap3A_678, %swap3A_679], %swap3A_682 {strides = array<i32>} : memref<32x1024xf32, #tpu.memory_space<vmem>>, vector<1x16xf32>,
      %get3A_683 = arith.index_cast %scan3A_40 : i32 to index
      %get3A_684 = arith.constant 736 : index
      %get3A_685 = tpu.vector_load %arg6[%get3A_683, %get3A_684] {strides = array<i32>} : memref<32x1024xf32, #tpu.memory_space<vmem>>, vector<1x16xf32>,
      %get3A_686 = vector.shape_cast %get3A_685 : vector<1x16xf32> to vector<16xf32>
      %get3A_687 = arith.index_cast %scan3A_40 : i32 to index
      %get3A_688 = arith.constant 736 : index
      %get3A_689 = tpu.vector_load %arg7[%get3A_687, %get3A_688] {strides = array<i32>} : memref<32x1024xf32, #tpu.memory_space<vmem>>, vector<1x16xf32>,
      %get3A_690 = vector.shape_cast %get3A_689 : vector<1x16xf32> to vector<16xf32>
      %add3A_691 = arith.addf %get3A_686, %get3A_690 : vector<16xf32>
      %swap3A_692 = arith.index_cast %scan3A_40 : i32 to index
      %swap3A_693 = arith.constant 736 : index
      %swap3A_694 = tpu.vector_load %arg6[%swap3A_692, %swap3A_693] {strides = array<i32>} : memref<32x1024xf32, #tpu.memory_space<vmem>>, vector<1x16xf32>,
      %swap3A_695 = vector.shape_cast %swap3A_694 : vector<1x16xf32> to vector<16xf32>
      %swap3A_696 = vector.shape_cast %add3A_691 : vector<16xf32> to vector<1x16xf32>
      tpu.vector_store %arg6[%swap3A_692, %swap3A_693], %swap3A_696 {strides = array<i32>} : memref<32x1024xf32, #tpu.memory_space<vmem>>, vector<1x16xf32>,
      %get3A_697 = arith.index_cast %scan3A_40 : i32 to index
      %get3A_698 = arith.constant 752 : index
      %get3A_699 = tpu.vector_load %arg6[%get3A_697, %get3A_698] {strides = array<i32>} : memref<32x1024xf32, #tpu.memory_space<vmem>>, vector<1x16xf32>,
      %get3A_700 = vector.shape_cast %get3A_699 : vector<1x16xf32> to vector<16xf32>
      %get3A_701 = arith.index_cast %scan3A_40 : i32 to index
      %get3A_702 = arith.constant 752 : index
      %get3A_703 = tpu.vector_load %arg7[%get3A_701, %get3A_702] {strides = array<i32>} : memref<32x1024xf32, #tpu.memory_space<vmem>>, vector<1x16xf32>,
      %get3A_704 = vector.shape_cast %get3A_703 : vector<1x16xf32> to vector<16xf32>
      %add3A_705 = arith.addf %get3A_700, %get3A_704 : vector<16xf32>
      %swap3A_706 = arith.index_cast %scan3A_40 : i32 to index
      %swap3A_707 = arith.constant 752 : index
      %swap3A_708 = tpu.vector_load %arg6[%swap3A_706, %swap3A_707] {strides = array<i32>} : memref<32x1024xf32, #tpu.memory_space<vmem>>, vector<1x16xf32>,
      %swap3A_709 = vector.shape_cast %swap3A_708 : vector<1x16xf32> to vector<16xf32>
      %swap3A_710 = vector.shape_cast %add3A_705 : vector<16xf32> to vector<1x16xf32>
      tpu.vector_store %arg6[%swap3A_706, %swap3A_707], %swap3A_710 {strides = array<i32>} : memref<32x1024xf32, #tpu.memory_space<vmem>>, vector<1x16xf32>,
      %get3A_711 = arith.index_cast %scan3A_40 : i32 to index
      %get3A_712 = arith.constant 768 : index
      %get3A_713 = tpu.vector_load %arg6[%get3A_711, %get3A_712] {strides = array<i32>} : memref<32x1024xf32, #tpu.memory_space<vmem>>, vector<1x16xf32>,
      %get3A_714 = vector.shape_cast %get3A_713 : vector<1x16xf32> to vector<16xf32>
      %get3A_715 = arith.index_cast %scan3A_40 : i32 to index
      %get3A_716 = arith.constant 768 : index
      %get3A_717 = tpu.vector_load %arg7[%get3A_715, %get3A_716] {strides = array<i32>} : memref<32x1024xf32, #tpu.memory_space<vmem>>, vector<1x16xf32>,
      %get3A_718 = vector.shape_cast %get3A_717 : vector<1x16xf32> to vector<16xf32>
      %add3A_719 = arith.addf %get3A_714, %get3A_718 : vector<16xf32>
      %swap3A_720 = arith.index_cast %scan3A_40 : i32 to index
      %swap3A_721 = arith.constant 768 : index
      %swap3A_722 = tpu.vector_load %arg6[%swap3A_720, %swap3A_721] {strides = array<i32>} : memref<32x1024xf32, #tpu.memory_space<vmem>>, vector<1x16xf32>,
      %swap3A_723 = vector.shape_cast %swap3A_722 : vector<1x16xf32> to vector<16xf32>
      %swap3A_724 = vector.shape_cast %add3A_719 : vector<16xf32> to vector<1x16xf32>
      tpu.vector_store %arg6[%swap3A_720, %swap3A_721], %swap3A_724 {strides = array<i32>} : memref<32x1024xf32, #tpu.memory_space<vmem>>, vector<1x16xf32>,
      %get3A_725 = arith.index_cast %scan3A_40 : i32 to index
      %get3A_726 = arith.constant 784 : index
      %get3A_727 = tpu.vector_load %arg6[%get3A_725, %get3A_726] {strides = array<i32>} : memref<32x1024xf32, #tpu.memory_space<vmem>>, vector<1x16xf32>,
      %get3A_728 = vector.shape_cast %get3A_727 : vector<1x16xf32> to vector<16xf32>
      %get3A_729 = arith.index_cast %scan3A_40 : i32 to index
      %get3A_730 = arith.constant 784 : index
      %get3A_731 = tpu.vector_load %arg7[%get3A_729, %get3A_730] {strides = array<i32>} : memref<32x1024xf32, #tpu.memory_space<vmem>>, vector<1x16xf32>,
      %get3A_732 = vector.shape_cast %get3A_731 : vector<1x16xf32> to vector<16xf32>
      %add3A_733 = arith.addf %get3A_728, %get3A_732 : vector<16xf32>
      %swap3A_734 = arith.index_cast %scan3A_40 : i32 to index
      %swap3A_735 = arith.constant 784 : index
      %swap3A_736 = tpu.vector_load %arg6[%swap3A_734, %swap3A_735] {strides = array<i32>} : memref<32x1024xf32, #tpu.memory_space<vmem>>, vector<1x16xf32>,
      %swap3A_737 = vector.shape_cast %swap3A_736 : vector<1x16xf32> to vector<16xf32>
      %swap3A_738 = vector.shape_cast %add3A_733 : vector<16xf32> to vector<1x16xf32>
      tpu.vector_store %arg6[%swap3A_734, %swap3A_735], %swap3A_738 {strides = array<i32>} : memref<32x1024xf32, #tpu.memory_space<vmem>>, vector<1x16xf32>,
      %get3A_739 = arith.index_cast %scan3A_40 : i32 to index
      %get3A_740 = arith.constant 800 : index
      %get3A_741 = tpu.vector_load %arg6[%get3A_739, %get3A_740] {strides = array<i32>} : memref<32x1024xf32, #tpu.memory_space<vmem>>, vector<1x16xf32>,
      %get3A_742 = vector.shape_cast %get3A_741 : vector<1x16xf32> to vector<16xf32>
      %get3A_743 = arith.index_cast %scan3A_40 : i32 to index
      %get3A_744 = arith.constant 800 : index
      %get3A_745 = tpu.vector_load %arg7[%get3A_743, %get3A_744] {strides = array<i32>} : memref<32x1024xf32, #tpu.memory_space<vmem>>, vector<1x16xf32>,
      %get3A_746 = vector.shape_cast %get3A_745 : vector<1x16xf32> to vector<16xf32>
      %add3A_747 = arith.addf %get3A_742, %get3A_746 : vector<16xf32>
      %swap3A_748 = arith.index_cast %scan3A_40 : i32 to index
      %swap3A_749 = arith.constant 800 : index
      %swap3A_750 = tpu.vector_load %arg6[%swap3A_748, %swap3A_749] {strides = array<i32>} : memref<32x1024xf32, #tpu.memory_space<vmem>>, vector<1x16xf32>,
      %swap3A_751 = vector.shape_cast %swap3A_750 : vector<1x16xf32> to vector<16xf32>
      %swap3A_752 = vector.shape_cast %add3A_747 : vector<16xf32> to vector<1x16xf32>
      tpu.vector_store %arg6[%swap3A_748, %swap3A_749], %swap3A_752 {strides = array<i32>} : memref<32x1024xf32, #tpu.memory_space<vmem>>, vector<1x16xf32>,
      %get3A_753 = arith.index_cast %scan3A_40 : i32 to index
      %get3A_754 = arith.constant 816 : index
      %get3A_755 = tpu.vector_load %arg6[%get3A_753, %get3A_754] {strides = array<i32>} : memref<32x1024xf32, #tpu.memory_space<vmem>>, vector<1x16xf32>,
      %get3A_756 = vector.shape_cast %get3A_755 : vector<1x16xf32> to vector<16xf32>
      %get3A_757 = arith.index_cast %scan3A_40 : i32 to index
      %get3A_758 = arith.constant 816 : index
      %get3A_759 = tpu.vector_load %arg7[%get3A_757, %get3A_758] {strides = array<i32>} : memref<32x1024xf32, #tpu.memory_space<vmem>>, vector<1x16xf32>,
      %get3A_760 = vector.shape_cast %get3A_759 : vector<1x16xf32> to vector<16xf32>
      %add3A_761 = arith.addf %get3A_756, %get3A_760 : vector<16xf32>
      %swap3A_762 = arith.index_cast %scan3A_40 : i32 to index
      %swap3A_763 = arith.constant 816 : index
      %swap3A_764 = tpu.vector_load %arg6[%swap3A_762, %swap3A_763] {strides = array<i32>} : memref<32x1024xf32, #tpu.memory_space<vmem>>, vector<1x16xf32>,
      %swap3A_765 = vector.shape_cast %swap3A_764 : vector<1x16xf32> to vector<16xf32>
      %swap3A_766 = vector.shape_cast %add3A_761 : vector<16xf32> to vector<1x16xf32>
      tpu.vector_store %arg6[%swap3A_762, %swap3A_763], %swap3A_766 {strides = array<i32>} : memref<32x1024xf32, #tpu.memory_space<vmem>>, vector<1x16xf32>,
      %get3A_767 = arith.index_cast %scan3A_40 : i32 to index
      %get3A_768 = arith.constant 832 : index
      %get3A_769 = tpu.vector_load %arg6[%get3A_767, %get3A_768] {strides = array<i32>} : memref<32x1024xf32, #tpu.memory_space<vmem>>, vector<1x16xf32>,
      %get3A_770 = vector.shape_cast %get3A_769 : vector<1x16xf32> to vector<16xf32>
      %get3A_771 = arith.index_cast %scan3A_40 : i32 to index
      %get3A_772 = arith.constant 832 : index
      %get3A_773 = tpu.vector_load %arg7[%get3A_771, %get3A_772] {strides = array<i32>} : memref<32x1024xf32, #tpu.memory_space<vmem>>, vector<1x16xf32>,
      %get3A_774 = vector.shape_cast %get3A_773 : vector<1x16xf32> to vector<16xf32>
      %add3A_775 = arith.addf %get3A_770, %get3A_774 : vector<16xf32>
      %swap3A_776 = arith.index_cast %scan3A_40 : i32 to index
      %swap3A_777 = arith.constant 832 : index
      %swap3A_778 = tpu.vector_load %arg6[%swap3A_776, %swap3A_777] {strides = array<i32>} : memref<32x1024xf32, #tpu.memory_space<vmem>>, vector<1x16xf32>,
      %swap3A_779 = vector.shape_cast %swap3A_778 : vector<1x16xf32> to vector<16xf32>
      %swap3A_780 = vector.shape_cast %add3A_775 : vector<16xf32> to vector<1x16xf32>
      tpu.vector_store %arg6[%swap3A_776, %swap3A_777], %swap3A_780 {strides = array<i32>} : memref<32x1024xf32, #tpu.memory_space<vmem>>, vector<1x16xf32>,
      %get3A_781 = arith.index_cast %scan3A_40 : i32 to index
      %get3A_782 = arith.constant 848 : index
      %get3A_783 = tpu.vector_load %arg6[%get3A_781, %get3A_782] {strides = array<i32>} : memref<32x1024xf32, #tpu.memory_space<vmem>>, vector<1x16xf32>,
      %get3A_784 = vector.shape_cast %get3A_783 : vector<1x16xf32> to vector<16xf32>
      %get3A_785 = arith.index_cast %scan3A_40 : i32 to index
      %get3A_786 = arith.constant 848 : index
      %get3A_787 = tpu.vector_load %arg7[%get3A_785, %get3A_786] {strides = array<i32>} : memref<32x1024xf32, #tpu.memory_space<vmem>>, vector<1x16xf32>,
      %get3A_788 = vector.shape_cast %get3A_787 : vector<1x16xf32> to vector<16xf32>
      %add3A_789 = arith.addf %get3A_784, %get3A_788 : vector<16xf32>
      %swap3A_790 = arith.index_cast %scan3A_40 : i32 to index
      %swap3A_791 = arith.constant 848 : index
      %swap3A_792 = tpu.vector_load %arg6[%swap3A_790, %swap3A_791] {strides = array<i32>} : memref<32x1024xf32, #tpu.memory_space<vmem>>, vector<1x16xf32>,
      %swap3A_793 = vector.shape_cast %swap3A_792 : vector<1x16xf32> to vector<16xf32>
      %swap3A_794 = vector.shape_cast %add3A_789 : vector<16xf32> to vector<1x16xf32>
      tpu.vector_store %arg6[%swap3A_790, %swap3A_791], %swap3A_794 {strides = array<i32>} : memref<32x1024xf32, #tpu.memory_space<vmem>>, vector<1x16xf32>,
      %get3A_795 = arith.index_cast %scan3A_40 : i32 to index
      %get3A_796 = arith.constant 864 : index
      %get3A_797 = tpu.vector_load %arg6[%get3A_795, %get3A_796] {strides = array<i32>} : memref<32x1024xf32, #tpu.memory_space<vmem>>, vector<1x16xf32>,
      %get3A_798 = vector.shape_cast %get3A_797 : vector<1x16xf32> to vector<16xf32>
      %get3A_799 = arith.index_cast %scan3A_40 : i32 to index
      %get3A_800 = arith.constant 864 : index
      %get3A_801 = tpu.vector_load %arg7[%get3A_799, %get3A_800] {strides = array<i32>} : memref<32x1024xf32, #tpu.memory_space<vmem>>, vector<1x16xf32>,
      %get3A_802 = vector.shape_cast %get3A_801 : vector<1x16xf32> to vector<16xf32>
      %add3A_803 = arith.addf %get3A_798, %get3A_802 : vector<16xf32>
      %swap3A_804 = arith.index_cast %scan3A_40 : i32 to index
      %swap3A_805 = arith.constant 864 : index
      %swap3A_806 = tpu.vector_load %arg6[%swap3A_804, %swap3A_805] {strides = array<i32>} : memref<32x1024xf32, #tpu.memory_space<vmem>>, vector<1x16xf32>,
      %swap3A_807 = vector.shape_cast %swap3A_806 : vector<1x16xf32> to vector<16xf32>
      %swap3A_808 = vector.shape_cast %add3A_803 : vector<16xf32> to vector<1x16xf32>
      tpu.vector_store %arg6[%swap3A_804, %swap3A_805], %swap3A_808 {strides = array<i32>} : memref<32x1024xf32, #tpu.memory_space<vmem>>, vector<1x16xf32>,
      %get3A_809 = arith.index_cast %scan3A_40 : i32 to index
      %get3A_810 = arith.constant 880 : index
      %get3A_811 = tpu.vector_load %arg6[%get3A_809, %get3A_810] {strides = array<i32>} : memref<32x1024xf32, #tpu.memory_space<vmem>>, vector<1x16xf32>,
      %get3A_812 = vector.shape_cast %get3A_811 : vector<1x16xf32> to vector<16xf32>
      %get3A_813 = arith.index_cast %scan3A_40 : i32 to index
      %get3A_814 = arith.constant 880 : index
      %get3A_815 = tpu.vector_load %arg7[%get3A_813, %get3A_814] {strides = array<i32>} : memref<32x1024xf32, #tpu.memory_space<vmem>>, vector<1x16xf32>,
      %get3A_816 = vector.shape_cast %get3A_815 : vector<1x16xf32> to vector<16xf32>
      %add3A_817 = arith.addf %get3A_812, %get3A_816 : vector<16xf32>
      %swap3A_818 = arith.index_cast %scan3A_40 : i32 to index
      %swap3A_819 = arith.constant 880 : index
      %swap3A_820 = tpu.vector_load %arg6[%swap3A_818, %swap3A_819] {strides = array<i32>} : memref<32x1024xf32, #tpu.memory_space<vmem>>, vector<1x16xf32>,
      %swap3A_821 = vector.shape_cast %swap3A_820 : vector<1x16xf32> to vector<16xf32>
      %swap3A_822 = vector.shape_cast %add3A_817 : vector<16xf32> to vector<1x16xf32>
      tpu.vector_store %arg6[%swap3A_818, %swap3A_819], %swap3A_822 {strides = array<i32>} : memref<32x1024xf32, #tpu.memory_space<vmem>>, vector<1x16xf32>,
      %get3A_823 = arith.index_cast %scan3A_40 : i32 to index
      %get3A_824 = arith.constant 896 : index
      %get3A_825 = tpu.vector_load %arg6[%get3A_823, %get3A_824] {strides = array<i32>} : memref<32x1024xf32, #tpu.memory_space<vmem>>, vector<1x16xf32>,
      %get3A_826 = vector.shape_cast %get3A_825 : vector<1x16xf32> to vector<16xf32>
      %get3A_827 = arith.index_cast %scan3A_40 : i32 to index
      %get3A_828 = arith.constant 896 : index
      %get3A_829 = tpu.vector_load %arg7[%get3A_827, %get3A_828] {strides = array<i32>} : memref<32x1024xf32, #tpu.memory_space<vmem>>, vector<1x16xf32>,
      %get3A_830 = vector.shape_cast %get3A_829 : vector<1x16xf32> to vector<16xf32>
      %add3A_831 = arith.addf %get3A_826, %get3A_830 : vector<16xf32>
      %swap3A_832 = arith.index_cast %scan3A_40 : i32 to index
      %swap3A_833 = arith.constant 896 : index
      %swap3A_834 = tpu.vector_load %arg6[%swap3A_832, %swap3A_833] {strides = array<i32>} : memref<32x1024xf32, #tpu.memory_space<vmem>>, vector<1x16xf32>,
      %swap3A_835 = vector.shape_cast %swap3A_834 : vector<1x16xf32> to vector<16xf32>
      %swap3A_836 = vector.shape_cast %add3A_831 : vector<16xf32> to vector<1x16xf32>
      tpu.vector_store %arg6[%swap3A_832, %swap3A_833], %swap3A_836 {strides = array<i32>} : memref<32x1024xf32, #tpu.memory_space<vmem>>, vector<1x16xf32>,
      %get3A_837 = arith.index_cast %scan3A_40 : i32 to index
      %get3A_838 = arith.constant 912 : index
      %get3A_839 = tpu.vector_load %arg6[%get3A_837, %get3A_838] {strides = array<i32>} : memref<32x1024xf32, #tpu.memory_space<vmem>>, vector<1x16xf32>,
      %get3A_840 = vector.shape_cast %get3A_839 : vector<1x16xf32> to vector<16xf32>
      %get3A_841 = arith.index_cast %scan3A_40 : i32 to index
      %get3A_842 = arith.constant 912 : index
      %get3A_843 = tpu.vector_load %arg7[%get3A_841, %get3A_842] {strides = array<i32>} : memref<32x1024xf32, #tpu.memory_space<vmem>>, vector<1x16xf32>,
      %get3A_844 = vector.shape_cast %get3A_843 : vector<1x16xf32> to vector<16xf32>
      %add3A_845 = arith.addf %get3A_840, %get3A_844 : vector<16xf32>
      %swap3A_846 = arith.index_cast %scan3A_40 : i32 to index
      %swap3A_847 = arith.constant 912 : index
      %swap3A_848 = tpu.vector_load %arg6[%swap3A_846, %swap3A_847] {strides = array<i32>} : memref<32x1024xf32, #tpu.memory_space<vmem>>, vector<1x16xf32>,
      %swap3A_849 = vector.shape_cast %swap3A_848 : vector<1x16xf32> to vector<16xf32>
      %swap3A_850 = vector.shape_cast %add3A_845 : vector<16xf32> to vector<1x16xf32>
      tpu.vector_store %arg6[%swap3A_846, %swap3A_847], %swap3A_850 {strides = array<i32>} : memref<32x1024xf32, #tpu.memory_space<vmem>>, vector<1x16xf32>,
      %get3A_851 = arith.index_cast %scan3A_40 : i32 to index
      %get3A_852 = arith.constant 928 : index
      %get3A_853 = tpu.vector_load %arg6[%get3A_851, %get3A_852] {strides = array<i32>} : memref<32x1024xf32, #tpu.memory_space<vmem>>, vector<1x16xf32>,
      %get3A_854 = vector.shape_cast %get3A_853 : vector<1x16xf32> to vector<16xf32>
      %get3A_855 = arith.index_cast %scan3A_40 : i32 to index
      %get3A_856 = arith.constant 928 : index
      %get3A_857 = tpu.vector_load %arg7[%get3A_855, %get3A_856] {strides = array<i32>} : memref<32x1024xf32, #tpu.memory_space<vmem>>, vector<1x16xf32>,
      %get3A_858 = vector.shape_cast %get3A_857 : vector<1x16xf32> to vector<16xf32>
      %add3A_859 = arith.addf %get3A_854, %get3A_858 : vector<16xf32>
      %swap3A_860 = arith.index_cast %scan3A_40 : i32 to index
      %swap3A_861 = arith.constant 928 : index
      %swap3A_862 = tpu.vector_load %arg6[%swap3A_860, %swap3A_861] {strides = array<i32>} : memref<32x1024xf32, #tpu.memory_space<vmem>>, vector<1x16xf32>,
      %swap3A_863 = vector.shape_cast %swap3A_862 : vector<1x16xf32> to vector<16xf32>
      %swap3A_864 = vector.shape_cast %add3A_859 : vector<16xf32> to vector<1x16xf32>
      tpu.vector_store %arg6[%swap3A_860, %swap3A_861], %swap3A_864 {strides = array<i32>} : memref<32x1024xf32, #tpu.memory_space<vmem>>, vector<1x16xf32>,
      %get3A_865 = arith.index_cast %scan3A_40 : i32 to index
      %get3A_866 = arith.constant 944 : index
      %get3A_867 = tpu.vector_load %arg6[%get3A_865, %get3A_866] {strides = array<i32>} : memref<32x1024xf32, #tpu.memory_space<vmem>>, vector<1x16xf32>,
      %get3A_868 = vector.shape_cast %get3A_867 : vector<1x16xf32> to vector<16xf32>
      %get3A_869 = arith.index_cast %scan3A_40 : i32 to index
      %get3A_870 = arith.constant 944 : index
      %get3A_871 = tpu.vector_load %arg7[%get3A_869, %get3A_870] {strides = array<i32>} : memref<32x1024xf32, #tpu.memory_space<vmem>>, vector<1x16xf32>,
      %get3A_872 = vector.shape_cast %get3A_871 : vector<1x16xf32> to vector<16xf32>
      %add3A_873 = arith.addf %get3A_868, %get3A_872 : vector<16xf32>
      %swap3A_874 = arith.index_cast %scan3A_40 : i32 to index
      %swap3A_875 = arith.constant 944 : index
      %swap3A_876 = tpu.vector_load %arg6[%swap3A_874, %swap3A_875] {strides = array<i32>} : memref<32x1024xf32, #tpu.memory_space<vmem>>, vector<1x16xf32>,
      %swap3A_877 = vector.shape_cast %swap3A_876 : vector<1x16xf32> to vector<16xf32>
      %swap3A_878 = vector.shape_cast %add3A_873 : vector<16xf32> to vector<1x16xf32>
      tpu.vector_store %arg6[%swap3A_874, %swap3A_875], %swap3A_878 {strides = array<i32>} : memref<32x1024xf32, #tpu.memory_space<vmem>>, vector<1x16xf32>,
      %get3A_879 = arith.index_cast %scan3A_40 : i32 to index
      %get3A_880 = arith.constant 960 : index
      %get3A_881 = tpu.vector_load %arg6[%get3A_879, %get3A_880] {strides = array<i32>} : memref<32x1024xf32, #tpu.memory_space<vmem>>, vector<1x16xf32>,
      %get3A_882 = vector.shape_cast %get3A_881 : vector<1x16xf32> to vector<16xf32>
      %get3A_883 = arith.index_cast %scan3A_40 : i32 to index
      %get3A_884 = arith.constant 960 : index
      %get3A_885 = tpu.vector_load %arg7[%get3A_883, %get3A_884] {strides = array<i32>} : memref<32x1024xf32, #tpu.memory_space<vmem>>, vector<1x16xf32>,
      %get3A_886 = vector.shape_cast %get3A_885 : vector<1x16xf32> to vector<16xf32>
      %add3A_887 = arith.addf %get3A_882, %get3A_886 : vector<16xf32>
      %swap3A_888 = arith.index_cast %scan3A_40 : i32 to index
      %swap3A_889 = arith.constant 960 : index
      %swap3A_890 = tpu.vector_load %arg6[%swap3A_888, %swap3A_889] {strides = array<i32>} : memref<32x1024xf32, #tpu.memory_space<vmem>>, vector<1x16xf32>,
      %swap3A_891 = vector.shape_cast %swap3A_890 : vector<1x16xf32> to vector<16xf32>
      %swap3A_892 = vector.shape_cast %add3A_887 : vector<16xf32> to vector<1x16xf32>
      tpu.vector_store %arg6[%swap3A_888, %swap3A_889], %swap3A_892 {strides = array<i32>} : memref<32x1024xf32, #tpu.memory_space<vmem>>, vector<1x16xf32>,
      %get3A_893 = arith.index_cast %scan3A_40 : i32 to index
      %get3A_894 = arith.constant 976 : index
      %get3A_895 = tpu.vector_load %arg6[%get3A_893, %get3A_894] {strides = array<i32>} : memref<32x1024xf32, #tpu.memory_space<vmem>>, vector<1x16xf32>,
      %get3A_896 = vector.shape_cast %get3A_895 : vector<1x16xf32> to vector<16xf32>
      %get3A_897 = arith.index_cast %scan3A_40 : i32 to index
      %get3A_898 = arith.constant 976 : index
      %get3A_899 = tpu.vector_load %arg7[%get3A_897, %get3A_898] {strides = array<i32>} : memref<32x1024xf32, #tpu.memory_space<vmem>>, vector<1x16xf32>,
      %get3A_900 = vector.shape_cast %get3A_899 : vector<1x16xf32> to vector<16xf32>
      %add3A_901 = arith.addf %get3A_896, %get3A_900 : vector<16xf32>
      %swap3A_902 = arith.index_cast %scan3A_40 : i32 to index
      %swap3A_903 = arith.constant 976 : index
      %swap3A_904 = tpu.vector_load %arg6[%swap3A_902, %swap3A_903] {strides = array<i32>} : memref<32x1024xf32, #tpu.memory_space<vmem>>, vector<1x16xf32>,
      %swap3A_905 = vector.shape_cast %swap3A_904 : vector<1x16xf32> to vector<16xf32>
      %swap3A_906 = vector.shape_cast %add3A_901 : vector<16xf32> to vector<1x16xf32>
      tpu.vector_store %arg6[%swap3A_902, %swap3A_903], %swap3A_906 {strides = array<i32>} : memref<32x1024xf32, #tpu.memory_space<vmem>>, vector<1x16xf32>,
      %get3A_907 = arith.index_cast %scan3A_40 : i32 to index
      %get3A_908 = arith.constant 992 : index
      %get3A_909 = tpu.vector_load %arg6[%get3A_907, %get3A_908] {strides = array<i32>} : memref<32x1024xf32, #tpu.memory_space<vmem>>, vector<1x16xf32>,
      %get3A_910 = vector.shape_cast %get3A_909 : vector<1x16xf32> to vector<16xf32>
      %get3A_911 = arith.index_cast %scan3A_40 : i32 to index
      %get3A_912 = arith.constant 992 : index
      %get3A_913 = tpu.vector_load %arg7[%get3A_911, %get3A_912] {strides = array<i32>} : memref<32x1024xf32, #tpu.memory_space<vmem>>, vector<1x16xf32>,
      %get3A_914 = vector.shape_cast %get3A_913 : vector<1x16xf32> to vector<16xf32>
      %add3A_915 = arith.addf %get3A_910, %get3A_914 : vector<16xf32>
      %swap3A_916 = arith.index_cast %scan3A_40 : i32 to index
      %swap3A_917 = arith.constant 992 : index
      %swap3A_918 = tpu.vector_load %arg6[%swap3A_916, %swap3A_917] {strides = array<i32>} : memref<32x1024xf32, #tpu.memory_space<vmem>>, vector<1x16xf32>,
      %swap3A_919 = vector.shape_cast %swap3A_918 : vector<1x16xf32> to vector<16xf32>
      %swap3A_920 = vector.shape_cast %add3A_915 : vector<16xf32> to vector<1x16xf32>
      tpu.vector_store %arg6[%swap3A_916, %swap3A_917], %swap3A_920 {strides = array<i32>} : memref<32x1024xf32, #tpu.memory_space<vmem>>, vector<1x16xf32>,
      %get3A_921 = arith.index_cast %scan3A_40 : i32 to index
      %get3A_922 = arith.constant 1008 : index
      %get3A_923 = tpu.vector_load %arg6[%get3A_921, %get3A_922] {strides = array<i32>} : memref<32x1024xf32, #tpu.memory_space<vmem>>, vector<1x16xf32>,
      %get3A_924 = vector.shape_cast %get3A_923 : vector<1x16xf32> to vector<16xf32>
      %get3A_925 = arith.index_cast %scan3A_40 : i32 to index
      %get3A_926 = arith.constant 1008 : index
      %get3A_927 = tpu.vector_load %arg7[%get3A_925, %get3A_926] {strides = array<i32>} : memref<32x1024xf32, #tpu.memory_space<vmem>>, vector<1x16xf32>,
      %get3A_928 = vector.shape_cast %get3A_927 : vector<1x16xf32> to vector<16xf32>
      %add3A_929 = arith.addf %get3A_924, %get3A_928 : vector<16xf32>
      %swap3A_930 = arith.index_cast %scan3A_40 : i32 to index
      %swap3A_931 = arith.constant 1008 : index
      %swap3A_932 = tpu.vector_load %arg6[%swap3A_930, %swap3A_931] {strides = array<i32>} : memref<32x1024xf32, #tpu.memory_space<vmem>>, vector<1x16xf32>,
      %swap3A_933 = vector.shape_cast %swap3A_932 : vector<1x16xf32> to vector<16xf32>
      %swap3A_934 = vector.shape_cast %add3A_929 : vector<16xf32> to vector<1x16xf32>
      tpu.vector_store %arg6[%swap3A_930, %swap3A_931], %swap3A_934 {strides = array<i32>} : memref<32x1024xf32, #tpu.memory_space<vmem>>, vector<1x16xf32>,
    }
    %scan3A_19 = arith.constant 32 : i32
    "tpu.region"() ({
      %run_scoped3A = tpu.sem_alloc : memref<!tpu.dma_semaphore, #tpu.memory_space<semaphore_mem>>
      %dma_start3A_40 = arith.constant 0 : i32
      %dma_start3A_41 = tpu.memref_slice %arg5[%add3A_4, %dma_start3A_40] : memref<2048x1024xf32, #tpu.memory_space<hbm>> -> memref<32x1024xf32, #tpu.memory_space<hbm>>
      %dma_start3A_42 = arith.constant 0 : i32
      %dma_start3A_43 = tpu.memref_slice %arg5[%add3A_4, %dma_start3A_42] : memref<2048x1024xf32, #tpu.memory_space<hbm>> -> memref<32x1024xf32, #tpu.memory_space<hbm>>
      tpu.enqueue_dma source(%arg6 : memref<32x1024xf32, #tpu.memory_space<vmem>>) target(%dma_start3A_43 : memref<32x1024xf32, #tpu.memory_space<hbm>>) target_semaphore(%run_scoped3A : memref<!tpu.dma_semaphore, #tpu.memory_space<semaphore_mem>>)
      %dma_wait3A_44 = arith.constant 0 : i32
      %dma_wait3A_45 = tpu.memref_slice %arg5[%add3A_4, %dma_wait3A_44] : memref<2048x1024xf32, #tpu.memory_space<hbm>> -> memref<32x1024xf32, #tpu.memory_space<hbm>>
      %dma_wait3A_46 = arith.constant 0 : i32
      %dma_wait3A_47 = tpu.memref_slice %arg5[%add3A_4, %dma_wait3A_46] : memref<2048x1024xf32, #tpu.memory_space<hbm>> -> memref<32x1024xf32, #tpu.memory_space<hbm>>
      tpu.wait_dma2 semaphore(%run_scoped3A : memref<!tpu.dma_semaphore, #tpu.memory_space<semaphore_mem>>) src(%arg6 : memref<32x1024xf32, #tpu.memory_space<vmem>>) dst(%dma_wait3A_47 : memref<32x1024xf32, #tpu.memory_space<hbm>>)
      tpu.yield
    }) : () -> ()
    %add3A_20 = arith.constant 32 : i32
    %add3A_21 = arith.addi %mul3A_2, %add3A_20 : i32
    "tpu.region"() ({
      %run_scoped3A = tpu.sem_alloc : memref<!tpu.dma_semaphore, #tpu.memory_space<semaphore_mem>>
      %dma_start3A_40 = tpu.memref_slice %arg3[%add3A_21] : memref<2048xi32, #tpu.memory_space<hbm>> -> memref<32xi32, #tpu.memory_space<hbm>>
      %dma_start3A_41 = tpu.memref_slice %arg3[%add3A_21] : memref<2048xi32, #tpu.memory_space<hbm>> -> memref<32xi32, #tpu.memory_space<hbm>>
      tpu.enqueue_dma source(%dma_start3A_41 : memref<32xi32, #tpu.memory_space<hbm>>) target(%arg8 : memref<32xi32, #tpu.memory_space<vmem>>) target_semaphore(%run_scoped3A : memref<!tpu.dma_semaphore, #tpu.memory_space<semaphore_mem>>)
      %dma_wait3A_42 = tpu.memref_slice %arg3[%add3A_21] : memref<2048xi32, #tpu.memory_space<hbm>> -> memref<32xi32, #tpu.memory_space<hbm>>
      %dma_wait3A_43 = tpu.memref_slice %arg3[%add3A_21] : memref<2048xi32, #tpu.memory_space<hbm>> -> memref<32xi32, #tpu.memory_space<hbm>>
      tpu.wait_dma2 semaphore(%run_scoped3A : memref<!tpu.dma_semaphore, #tpu.memory_space<semaphore_mem>>) src(%dma_wait3A_43 : memref<32xi32, #tpu.memory_space<hbm>>) dst(%arg8 : memref<32xi32, #tpu.memory_space<vmem>>)
      tpu.yield
    }) : () -> ()
    "tpu.region"() ({
      %run_scoped3A = tpu.sem_alloc : memref<!tpu.dma_semaphore, #tpu.memory_space<semaphore_mem>>
      %dma_start3A_40 = tpu.memref_slice %arg4[%add3A_21] : memref<2048xi32, #tpu.memory_space<hbm>> -> memref<32xi32, #tpu.memory_space<hbm>>
      %dma_start3A_41 = tpu.memref_slice %arg4[%add3A_21] : memref<2048xi32, #tpu.memory_space<hbm>> -> memref<32xi32, #tpu.memory_space<hbm>>
      tpu.enqueue_dma source(%dma_start3A_41 : memref<32xi32, #tpu.memory_space<hbm>>) target(%arg9 : memref<32xi32, #tpu.memory_space<vmem>>) target_semaphore(%run_scoped3A : memref<!tpu.dma_semaphore, #tpu.memory_space<semaphore_mem>>)
      %dma_wait3A_42 = tpu.memref_slice %arg4[%add3A_21] : memref<2048xi32, #tpu.memory_space<hbm>> -> memref<32xi32, #tpu.memory_space<hbm>>
      %dma_wait3A_43 = tpu.memref_slice %arg4[%add3A_21] : memref<2048xi32, #tpu.memory_space<hbm>> -> memref<32xi32, #tpu.memory_space<hbm>>
      tpu.wait_dma2 semaphore(%run_scoped3A : memref<!tpu.dma_semaphore, #tpu.memory_space<semaphore_mem>>) src(%dma_wait3A_43 : memref<32xi32, #tpu.memory_space<hbm>>) dst(%arg9 : memref<32xi32, #tpu.memory_space<vmem>>)
      tpu.yield
    }) : () -> ()
    %dma_start3A_22 = arith.constant 0 : i32
    %dma_start3A_23 = arith.constant 0 : i32
    %dma_start3A_24 = tpu.memref_slice %arg2[%dma_start3A_22, %dma_start3A_23] : memref<5120x1024xf32, #tpu.memory_space<hbm>> -> memref<5120x1024xf32, #tpu.memory_space<hbm>>
    tpu.enqueue_indirect_dma source(%dma_start3A_24 : memref<5120x1024xf32, #tpu.memory_space<hbm>>) target(%arg6 : memref<32x1024xf32, #tpu.memory_space<vmem>>) offsets(%arg8 : memref<32xi32, #tpu.memory_space<vmem>>) semaphore(%arg10 : memref<!tpu.dma_semaphore, #tpu.memory_space<semaphore_mem>>)
    %dma_wait3A_25 = arith.constant 0 : i32
    %dma_wait3A_26 = arith.constant 0 : i32
    %dma_wait3A_27 = tpu.memref_slice %arg2[%dma_wait3A_25, %dma_wait3A_26] : memref<5120x1024xf32, #tpu.memory_space<hbm>> -> memref<5120x1024xf32, #tpu.memory_space<hbm>>
    tpu.wait_indirect_dma semaphore(%arg10 : memref<!tpu.dma_semaphore, #tpu.memory_space<semaphore_mem>>) src(%dma_wait3A_27 : memref<5120x1024xf32, #tpu.memory_space<hbm>>) dst(%arg6 : memref<32x1024xf32, #tpu.memory_space<vmem>>)
    %dma_start3A_28 = arith.constant 0 : i32
    %dma_start3A_29 = arith.constant 0 : i32
    %dma_start3A_30 = tpu.memref_slice %arg2[%dma_start3A_28, %dma_start3A_29] : memref<5120x1024xf32, #tpu.memory_space<hbm>> -> memref<5120x1024xf32, #tpu.memory_space<hbm>>
    tpu.enqueue_indirect_dma source(%dma_start3A_30 : memref<5120x1024xf32, #tpu.memory_space<hbm>>) target(%arg7 : memref<32x1024xf32, #tpu.memory_space<vmem>>) offsets(%arg9 : memref<32xi32, #tpu.memory_space<vmem>>) semaphore(%arg10 : memref<!tpu.dma_semaphore, #tpu.memory_space<semaphore_mem>>)
    %dma_wait3A_31 = arith.constant 0 : i32
    %dma_wait3A_32 = arith.constant 0 : i32
    %dma_wait3A_33 = tpu.memref_slice %arg2[%dma_wait3A_31, %dma_wait3A_32] : memref<5120x1024xf32, #tpu.memory_space<hbm>> -> memref<5120x1024xf32, #tpu.memory_space<hbm>>
    tpu.wait_indirect_dma semaphore(%arg10 : memref<!tpu.dma_semaphore, #tpu.memory_space<semaphore_mem>>) src(%dma_wait3A_33 : memref<5120x1024xf32, #tpu.memory_space<hbm>>) dst(%arg7 : memref<32x1024xf32, #tpu.memory_space<vmem>>)
    %scan3A_34 = arith.constant 0 : i32
    %scan3A_35 = arith.constant 0 : i32
    %scan3A_36 = arith.constant 32 : i32
    %scan3A_37 = arith.addi %scan3A_35, %scan3A_36 : i32
    %scan3A_38 = arith.constant 1 : i32
    scf.for %scan3A_40 = %scan3A_35 to %scan3A_37 step %scan3A_38  : i32 {
      %get3A = arith.index_cast %scan3A_40 : i32 to index
      %get3A_41 = arith.constant 0 : index
      %get3A_42 = tpu.vector_load %arg6[%get3A, %get3A_41] {strides = array<i32>} : memref<32x1024xf32, #tpu.memory_space<vmem>>, vector<1x16xf32>,
      %get3A_43 = vector.shape_cast %get3A_42 : vector<1x16xf32> to vector<16xf32>
      %get3A_44 = arith.index_cast %scan3A_40 : i32 to index
      %get3A_45 = arith.constant 0 : index
      %get3A_46 = tpu.vector_load %arg7[%get3A_44, %get3A_45] {strides = array<i32>} : memref<32x1024xf32, #tpu.memory_space<vmem>>, vector<1x16xf32>,
      %get3A_47 = vector.shape_cast %get3A_46 : vector<1x16xf32> to vector<16xf32>
      %add3A_48 = arith.addf %get3A_43, %get3A_47 : vector<16xf32>
      %swap3A = arith.index_cast %scan3A_40 : i32 to index
      %swap3A_49 = arith.constant 0 : index
      %swap3A_50 = tpu.vector_load %arg6[%swap3A, %swap3A_49] {strides = array<i32>} : memref<32x1024xf32, #tpu.memory_space<vmem>>, vector<1x16xf32>,
      %swap3A_51 = vector.shape_cast %swap3A_50 : vector<1x16xf32> to vector<16xf32>
      %swap3A_52 = vector.shape_cast %add3A_48 : vector<16xf32> to vector<1x16xf32>
      tpu.vector_store %arg6[%swap3A, %swap3A_49], %swap3A_52 {strides = array<i32>} : memref<32x1024xf32, #tpu.memory_space<vmem>>, vector<1x16xf32>,
      %get3A_53 = arith.index_cast %scan3A_40 : i32 to index
      %get3A_54 = arith.constant 16 : index
      %get3A_55 = tpu.vector_load %arg6[%get3A_53, %get3A_54] {strides = array<i32>} : memref<32x1024xf32, #tpu.memory_space<vmem>>, vector<1x16xf32>,
      %get3A_56 = vector.shape_cast %get3A_55 : vector<1x16xf32> to vector<16xf32>
      %get3A_57 = arith.index_cast %scan3A_40 : i32 to index
      %get3A_58 = arith.constant 16 : index
      %get3A_59 = tpu.vector_load %arg7[%get3A_57, %get3A_58] {strides = array<i32>} : memref<32x1024xf32, #tpu.memory_space<vmem>>, vector<1x16xf32>,
      %get3A_60 = vector.shape_cast %get3A_59 : vector<1x16xf32> to vector<16xf32>
      %add3A_61 = arith.addf %get3A_56, %get3A_60 : vector<16xf32>
      %swap3A_62 = arith.index_cast %scan3A_40 : i32 to index
      %swap3A_63 = arith.constant 16 : index
      %swap3A_64 = tpu.vector_load %arg6[%swap3A_62, %swap3A_63] {strides = array<i32>} : memref<32x1024xf32, #tpu.memory_space<vmem>>, vector<1x16xf32>,
      %swap3A_65 = vector.shape_cast %swap3A_64 : vector<1x16xf32> to vector<16xf32>
      %swap3A_66 = vector.shape_cast %add3A_61 : vector<16xf32> to vector<1x16xf32>
      tpu.vector_store %arg6[%swap3A_62, %swap3A_63], %swap3A_66 {strides = array<i32>} : memref<32x1024xf32, #tpu.memory_space<vmem>>, vector<1x16xf32>,
      %get3A_67 = arith.index_cast %scan3A_40 : i32 to index
      %get3A_68 = arith.constant 32 : index
      %get3A_69 = tpu.vector_load %arg6[%get3A_67, %get3A_68] {strides = array<i32>} : memref<32x1024xf32, #tpu.memory_space<vmem>>, vector<1x16xf32>,
      %get3A_70 = vector.shape_cast %get3A_69 : vector<1x16xf32> to vector<16xf32>
      %get3A_71 = arith.index_cast %scan3A_40 : i32 to index
      %get3A_72 = arith.constant 32 : index
      %get3A_73 = tpu.vector_load %arg7[%get3A_71, %get3A_72] {strides = array<i32>} : memref<32x1024xf32, #tpu.memory_space<vmem>>, vector<1x16xf32>,
      %get3A_74 = vector.shape_cast %get3A_73 : vector<1x16xf32> to vector<16xf32>
      %add3A_75 = arith.addf %get3A_70, %get3A_74 : vector<16xf32>
      %swap3A_76 = arith.index_cast %scan3A_40 : i32 to index
      %swap3A_77 = arith.constant 32 : index
      %swap3A_78 = tpu.vector_load %arg6[%swap3A_76, %swap3A_77] {strides = array<i32>} : memref<32x1024xf32, #tpu.memory_space<vmem>>, vector<1x16xf32>,
      %swap3A_79 = vector.shape_cast %swap3A_78 : vector<1x16xf32> to vector<16xf32>
      %swap3A_80 = vector.shape_cast %add3A_75 : vector<16xf32> to vector<1x16xf32>
      tpu.vector_store %arg6[%swap3A_76, %swap3A_77], %swap3A_80 {strides = array<i32>} : memref<32x1024xf32, #tpu.memory_space<vmem>>, vector<1x16xf32>,
      %get3A_81 = arith.index_cast %scan3A_40 : i32 to index
      %get3A_82 = arith.constant 48 : index
      %get3A_83 = tpu.vector_load %arg6[%get3A_81, %get3A_82] {strides = array<i32>} : memref<32x1024xf32, #tpu.memory_space<vmem>>, vector<1x16xf32>,
      %get3A_84 = vector.shape_cast %get3A_83 : vector<1x16xf32> to vector<16xf32>
      %get3A_85 = arith.index_cast %scan3A_40 : i32 to index
      %get3A_86 = arith.constant 48 : index
      %get3A_87 = tpu.vector_load %arg7[%get3A_85, %get3A_86] {strides = array<i32>} : memref<32x1024xf32, #tpu.memory_space<vmem>>, vector<1x16xf32>,
      %get3A_88 = vector.shape_cast %get3A_87 : vector<1x16xf32> to vector<16xf32>
      %add3A_89 = arith.addf %get3A_84, %get3A_88 : vector<16xf32>
      %swap3A_90 = arith.index_cast %scan3A_40 : i32 to index
      %swap3A_91 = arith.constant 48 : index
      %swap3A_92 = tpu.vector_load %arg6[%swap3A_90, %swap3A_91] {strides = array<i32>} : memref<32x1024xf32, #tpu.memory_space<vmem>>, vector<1x16xf32>,
      %swap3A_93 = vector.shape_cast %swap3A_92 : vector<1x16xf32> to vector<16xf32>
      %swap3A_94 = vector.shape_cast %add3A_89 : vector<16xf32> to vector<1x16xf32>
      tpu.vector_store %arg6[%swap3A_90, %swap3A_91], %swap3A_94 {strides = array<i32>} : memref<32x1024xf32, #tpu.memory_space<vmem>>, vector<1x16xf32>,
      %get3A_95 = arith.index_cast %scan3A_40 : i32 to index
      %get3A_96 = arith.constant 64 : index
      %get3A_97 = tpu.vector_load %arg6[%get3A_95, %get3A_96] {strides = array<i32>} : memref<32x1024xf32, #tpu.memory_space<vmem>>, vector<1x16xf32>,
      %get3A_98 = vector.shape_cast %get3A_97 : vector<1x16xf32> to vector<16xf32>
      %get3A_99 = arith.index_cast %scan3A_40 : i32 to index
      %get3A_100 = arith.constant 64 : index
      %get3A_101 = tpu.vector_load %arg7[%get3A_99, %get3A_100] {strides = array<i32>} : memref<32x1024xf32, #tpu.memory_space<vmem>>, vector<1x16xf32>,
      %get3A_102 = vector.shape_cast %get3A_101 : vector<1x16xf32> to vector<16xf32>
      %add3A_103 = arith.addf %get3A_98, %get3A_102 : vector<16xf32>
      %swap3A_104 = arith.index_cast %scan3A_40 : i32 to index
      %swap3A_105 = arith.constant 64 : index
      %swap3A_106 = tpu.vector_load %arg6[%swap3A_104, %swap3A_105] {strides = array<i32>} : memref<32x1024xf32, #tpu.memory_space<vmem>>, vector<1x16xf32>,
      %swap3A_107 = vector.shape_cast %swap3A_106 : vector<1x16xf32> to vector<16xf32>
      %swap3A_108 = vector.shape_cast %add3A_103 : vector<16xf32> to vector<1x16xf32>
      tpu.vector_store %arg6[%swap3A_104, %swap3A_105], %swap3A_108 {strides = array<i32>} : memref<32x1024xf32, #tpu.memory_space<vmem>>, vector<1x16xf32>,
      %get3A_109 = arith.index_cast %scan3A_40 : i32 to index
      %get3A_110 = arith.constant 80 : index
      %get3A_111 = tpu.vector_load %arg6[%get3A_109, %get3A_110] {strides = array<i32>} : memref<32x1024xf32, #tpu.memory_space<vmem>>, vector<1x16xf32>,
      %get3A_112 = vector.shape_cast %get3A_111 : vector<1x16xf32> to vector<16xf32>
      %get3A_113 = arith.index_cast %scan3A_40 : i32 to index
      %get3A_114 = arith.constant 80 : index
      %get3A_115 = tpu.vector_load %arg7[%get3A_113, %get3A_114] {strides = array<i32>} : memref<32x1024xf32, #tpu.memory_space<vmem>>, vector<1x16xf32>,
      %get3A_116 = vector.shape_cast %get3A_115 : vector<1x16xf32> to vector<16xf32>
      %add3A_117 = arith.addf %get3A_112, %get3A_116 : vector<16xf32>
      %swap3A_118 = arith.index_cast %scan3A_40 : i32 to index
      %swap3A_119 = arith.constant 80 : index
      %swap3A_120 = tpu.vector_load %arg6[%swap3A_118, %swap3A_119] {strides = array<i32>} : memref<32x1024xf32, #tpu.memory_space<vmem>>, vector<1x16xf32>,
      %swap3A_121 = vector.shape_cast %swap3A_120 : vector<1x16xf32> to vector<16xf32>
      %swap3A_122 = vector.shape_cast %add3A_117 : vector<16xf32> to vector<1x16xf32>
      tpu.vector_store %arg6[%swap3A_118, %swap3A_119], %swap3A_122 {strides = array<i32>} : memref<32x1024xf32, #tpu.memory_space<vmem>>, vector<1x16xf32>,
      %get3A_123 = arith.index_cast %scan3A_40 : i32 to index
      %get3A_124 = arith.constant 96 : index
      %get3A_125 = tpu.vector_load %arg6[%get3A_123, %get3A_124] {strides = array<i32>} : memref<32x1024xf32, #tpu.memory_space<vmem>>, vector<1x16xf32>,
      %get3A_126 = vector.shape_cast %get3A_125 : vector<1x16xf32> to vector<16xf32>
      %get3A_127 = arith.index_cast %scan3A_40 : i32 to index
      %get3A_128 = arith.constant 96 : index
      %get3A_129 = tpu.vector_load %arg7[%get3A_127, %get3A_128] {strides = array<i32>} : memref<32x1024xf32, #tpu.memory_space<vmem>>, vector<1x16xf32>,
      %get3A_130 = vector.shape_cast %get3A_129 : vector<1x16xf32> to vector<16xf32>
      %add3A_131 = arith.addf %get3A_126, %get3A_130 : vector<16xf32>
      %swap3A_132 = arith.index_cast %scan3A_40 : i32 to index
      %swap3A_133 = arith.constant 96 : index
      %swap3A_134 = tpu.vector_load %arg6[%swap3A_132, %swap3A_133] {strides = array<i32>} : memref<32x1024xf32, #tpu.memory_space<vmem>>, vector<1x16xf32>,
      %swap3A_135 = vector.shape_cast %swap3A_134 : vector<1x16xf32> to vector<16xf32>
      %swap3A_136 = vector.shape_cast %add3A_131 : vector<16xf32> to vector<1x16xf32>
      tpu.vector_store %arg6[%swap3A_132, %swap3A_133], %swap3A_136 {strides = array<i32>} : memref<32x1024xf32, #tpu.memory_space<vmem>>, vector<1x16xf32>,
      %get3A_137 = arith.index_cast %scan3A_40 : i32 to index
      %get3A_138 = arith.constant 112 : index
      %get3A_139 = tpu.vector_load %arg6[%get3A_137, %get3A_138] {strides = array<i32>} : memref<32x1024xf32, #tpu.memory_space<vmem>>, vector<1x16xf32>,
      %get3A_140 = vector.shape_cast %get3A_139 : vector<1x16xf32> to vector<16xf32>
      %get3A_141 = arith.index_cast %scan3A_40 : i32 to index
      %get3A_142 = arith.constant 112 : index
      %get3A_143 = tpu.vector_load %arg7[%get3A_141, %get3A_142] {strides = array<i32>} : memref<32x1024xf32, #tpu.memory_space<vmem>>, vector<1x16xf32>,
      %get3A_144 = vector.shape_cast %get3A_143 : vector<1x16xf32> to vector<16xf32>
      %add3A_145 = arith.addf %get3A_140, %get3A_144 : vector<16xf32>
      %swap3A_146 = arith.index_cast %scan3A_40 : i32 to index
      %swap3A_147 = arith.constant 112 : index
      %swap3A_148 = tpu.vector_load %arg6[%swap3A_146, %swap3A_147] {strides = array<i32>} : memref<32x1024xf32, #tpu.memory_space<vmem>>, vector<1x16xf32>,
      %swap3A_149 = vector.shape_cast %swap3A_148 : vector<1x16xf32> to vector<16xf32>
      %swap3A_150 = vector.shape_cast %add3A_145 : vector<16xf32> to vector<1x16xf32>
      tpu.vector_store %arg6[%swap3A_146, %swap3A_147], %swap3A_150 {strides = array<i32>} : memref<32x1024xf32, #tpu.memory_space<vmem>>, vector<1x16xf32>,
      %get3A_151 = arith.index_cast %scan3A_40 : i32 to index
      %get3A_152 = arith.constant 128 : index
      %get3A_153 = tpu.vector_load %arg6[%get3A_151, %get3A_152] {strides = array<i32>} : memref<32x1024xf32, #tpu.memory_space<vmem>>, vector<1x16xf32>,
      %get3A_154 = vector.shape_cast %get3A_153 : vector<1x16xf32> to vector<16xf32>
      %get3A_155 = arith.index_cast %scan3A_40 : i32 to index
      %get3A_156 = arith.constant 128 : index
      %get3A_157 = tpu.vector_load %arg7[%get3A_155, %get3A_156] {strides = array<i32>} : memref<32x1024xf32, #tpu.memory_space<vmem>>, vector<1x16xf32>,
      %get3A_158 = vector.shape_cast %get3A_157 : vector<1x16xf32> to vector<16xf32>
      %add3A_159 = arith.addf %get3A_154, %get3A_158 : vector<16xf32>
      %swap3A_160 = arith.index_cast %scan3A_40 : i32 to index
      %swap3A_161 = arith.constant 128 : index
      %swap3A_162 = tpu.vector_load %arg6[%swap3A_160, %swap3A_161] {strides = array<i32>} : memref<32x1024xf32, #tpu.memory_space<vmem>>, vector<1x16xf32>,
      %swap3A_163 = vector.shape_cast %swap3A_162 : vector<1x16xf32> to vector<16xf32>
      %swap3A_164 = vector.shape_cast %add3A_159 : vector<16xf32> to vector<1x16xf32>
      tpu.vector_store %arg6[%swap3A_160, %swap3A_161], %swap3A_164 {strides = array<i32>} : memref<32x1024xf32, #tpu.memory_space<vmem>>, vector<1x16xf32>,
      %get3A_165 = arith.index_cast %scan3A_40 : i32 to index
      %get3A_166 = arith.constant 144 : index
      %get3A_167 = tpu.vector_load %arg6[%get3A_165, %get3A_166] {strides = array<i32>} : memref<32x1024xf32, #tpu.memory_space<vmem>>, vector<1x16xf32>,
      %get3A_168 = vector.shape_cast %get3A_167 : vector<1x16xf32> to vector<16xf32>
      %get3A_169 = arith.index_cast %scan3A_40 : i32 to index
      %get3A_170 = arith.constant 144 : index
      %get3A_171 = tpu.vector_load %arg7[%get3A_169, %get3A_170] {strides = array<i32>} : memref<32x1024xf32, #tpu.memory_space<vmem>>, vector<1x16xf32>,
      %get3A_172 = vector.shape_cast %get3A_171 : vector<1x16xf32> to vector<16xf32>
      %add3A_173 = arith.addf %get3A_168, %get3A_172 : vector<16xf32>
      %swap3A_174 = arith.index_cast %scan3A_40 : i32 to index
      %swap3A_175 = arith.constant 144 : index
      %swap3A_176 = tpu.vector_load %arg6[%swap3A_174, %swap3A_175] {strides = array<i32>} : memref<32x1024xf32, #tpu.memory_space<vmem>>, vector<1x16xf32>,
      %swap3A_177 = vector.shape_cast %swap3A_176 : vector<1x16xf32> to vector<16xf32>
      %swap3A_178 = vector.shape_cast %add3A_173 : vector<16xf32> to vector<1x16xf32>
      tpu.vector_store %arg6[%swap3A_174, %swap3A_175], %swap3A_178 {strides = array<i32>} : memref<32x1024xf32, #tpu.memory_space<vmem>>, vector<1x16xf32>,
      %get3A_179 = arith.index_cast %scan3A_40 : i32 to index
      %get3A_180 = arith.constant 160 : index
      %get3A_181 = tpu.vector_load %arg6[%get3A_179, %get3A_180] {strides = array<i32>} : memref<32x1024xf32, #tpu.memory_space<vmem>>, vector<1x16xf32>,
      %get3A_182 = vector.shape_cast %get3A_181 : vector<1x16xf32> to vector<16xf32>
      %get3A_183 = arith.index_cast %scan3A_40 : i32 to index
      %get3A_184 = arith.constant 160 : index
      %get3A_185 = tpu.vector_load %arg7[%get3A_183, %get3A_184] {strides = array<i32>} : memref<32x1024xf32, #tpu.memory_space<vmem>>, vector<1x16xf32>,
      %get3A_186 = vector.shape_cast %get3A_185 : vector<1x16xf32> to vector<16xf32>
      %add3A_187 = arith.addf %get3A_182, %get3A_186 : vector<16xf32>
      %swap3A_188 = arith.index_cast %scan3A_40 : i32 to index
      %swap3A_189 = arith.constant 160 : index
      %swap3A_190 = tpu.vector_load %arg6[%swap3A_188, %swap3A_189] {strides = array<i32>} : memref<32x1024xf32, #tpu.memory_space<vmem>>, vector<1x16xf32>,
      %swap3A_191 = vector.shape_cast %swap3A_190 : vector<1x16xf32> to vector<16xf32>
      %swap3A_192 = vector.shape_cast %add3A_187 : vector<16xf32> to vector<1x16xf32>
      tpu.vector_store %arg6[%swap3A_188, %swap3A_189], %swap3A_192 {strides = array<i32>} : memref<32x1024xf32, #tpu.memory_space<vmem>>, vector<1x16xf32>,
      %get3A_193 = arith.index_cast %scan3A_40 : i32 to index
      %get3A_194 = arith.constant 176 : index
      %get3A_195 = tpu.vector_load %arg6[%get3A_193, %get3A_194] {strides = array<i32>} : memref<32x1024xf32, #tpu.memory_space<vmem>>, vector<1x16xf32>,
      %get3A_196 = vector.shape_cast %get3A_195 : vector<1x16xf32> to vector<16xf32>
      %get3A_197 = arith.index_cast %scan3A_40 : i32 to index
      %get3A_198 = arith.constant 176 : index
      %get3A_199 = tpu.vector_load %arg7[%get3A_197, %get3A_198] {strides = array<i32>} : memref<32x1024xf32, #tpu.memory_space<vmem>>, vector<1x16xf32>,
      %get3A_200 = vector.shape_cast %get3A_199 : vector<1x16xf32> to vector<16xf32>
      %add3A_201 = arith.addf %get3A_196, %get3A_200 : vector<16xf32>
      %swap3A_202 = arith.index_cast %scan3A_40 : i32 to index
      %swap3A_203 = arith.constant 176 : index
      %swap3A_204 = tpu.vector_load %arg6[%swap3A_202, %swap3A_203] {strides = array<i32>} : memref<32x1024xf32, #tpu.memory_space<vmem>>, vector<1x16xf32>,
      %swap3A_205 = vector.shape_cast %swap3A_204 : vector<1x16xf32> to vector<16xf32>
      %swap3A_206 = vector.shape_cast %add3A_201 : vector<16xf32> to vector<1x16xf32>
      tpu.vector_store %arg6[%swap3A_202, %swap3A_203], %swap3A_206 {strides = array<i32>} : memref<32x1024xf32, #tpu.memory_space<vmem>>, vector<1x16xf32>,
      %get3A_207 = arith.index_cast %scan3A_40 : i32 to index
      %get3A_208 = arith.constant 192 : index
      %get3A_209 = tpu.vector_load %arg6[%get3A_207, %get3A_208] {strides = array<i32>} : memref<32x1024xf32, #tpu.memory_space<vmem>>, vector<1x16xf32>,
      %get3A_210 = vector.shape_cast %get3A_209 : vector<1x16xf32> to vector<16xf32>
      %get3A_211 = arith.index_cast %scan3A_40 : i32 to index
      %get3A_212 = arith.constant 192 : index
      %get3A_213 = tpu.vector_load %arg7[%get3A_211, %get3A_212] {strides = array<i32>} : memref<32x1024xf32, #tpu.memory_space<vmem>>, vector<1x16xf32>,
      %get3A_214 = vector.shape_cast %get3A_213 : vector<1x16xf32> to vector<16xf32>
      %add3A_215 = arith.addf %get3A_210, %get3A_214 : vector<16xf32>
      %swap3A_216 = arith.index_cast %scan3A_40 : i32 to index
      %swap3A_217 = arith.constant 192 : index
      %swap3A_218 = tpu.vector_load %arg6[%swap3A_216, %swap3A_217] {strides = array<i32>} : memref<32x1024xf32, #tpu.memory_space<vmem>>, vector<1x16xf32>,
      %swap3A_219 = vector.shape_cast %swap3A_218 : vector<1x16xf32> to vector<16xf32>
      %swap3A_220 = vector.shape_cast %add3A_215 : vector<16xf32> to vector<1x16xf32>
      tpu.vector_store %arg6[%swap3A_216, %swap3A_217], %swap3A_220 {strides = array<i32>} : memref<32x1024xf32, #tpu.memory_space<vmem>>, vector<1x16xf32>,
      %get3A_221 = arith.index_cast %scan3A_40 : i32 to index
      %get3A_222 = arith.constant 208 : index
      %get3A_223 = tpu.vector_load %arg6[%get3A_221, %get3A_222] {strides = array<i32>} : memref<32x1024xf32, #tpu.memory_space<vmem>>, vector<1x16xf32>,
      %get3A_224 = vector.shape_cast %get3A_223 : vector<1x16xf32> to vector<16xf32>
      %get3A_225 = arith.index_cast %scan3A_40 : i32 to index
      %get3A_226 = arith.constant 208 : index
      %get3A_227 = tpu.vector_load %arg7[%get3A_225, %get3A_226] {strides = array<i32>} : memref<32x1024xf32, #tpu.memory_space<vmem>>, vector<1x16xf32>,
      %get3A_228 = vector.shape_cast %get3A_227 : vector<1x16xf32> to vector<16xf32>
      %add3A_229 = arith.addf %get3A_224, %get3A_228 : vector<16xf32>
      %swap3A_230 = arith.index_cast %scan3A_40 : i32 to index
      %swap3A_231 = arith.constant 208 : index
      %swap3A_232 = tpu.vector_load %arg6[%swap3A_230, %swap3A_231] {strides = array<i32>} : memref<32x1024xf32, #tpu.memory_space<vmem>>, vector<1x16xf32>,
      %swap3A_233 = vector.shape_cast %swap3A_232 : vector<1x16xf32> to vector<16xf32>
      %swap3A_234 = vector.shape_cast %add3A_229 : vector<16xf32> to vector<1x16xf32>
      tpu.vector_store %arg6[%swap3A_230, %swap3A_231], %swap3A_234 {strides = array<i32>} : memref<32x1024xf32, #tpu.memory_space<vmem>>, vector<1x16xf32>,
      %get3A_235 = arith.index_cast %scan3A_40 : i32 to index
      %get3A_236 = arith.constant 224 : index
      %get3A_237 = tpu.vector_load %arg6[%get3A_235, %get3A_236] {strides = array<i32>} : memref<32x1024xf32, #tpu.memory_space<vmem>>, vector<1x16xf32>,
      %get3A_238 = vector.shape_cast %get3A_237 : vector<1x16xf32> to vector<16xf32>
      %get3A_239 = arith.index_cast %scan3A_40 : i32 to index
      %get3A_240 = arith.constant 224 : index
      %get3A_241 = tpu.vector_load %arg7[%get3A_239, %get3A_240] {strides = array<i32>} : memref<32x1024xf32, #tpu.memory_space<vmem>>, vector<1x16xf32>,
      %get3A_242 = vector.shape_cast %get3A_241 : vector<1x16xf32> to vector<16xf32>
      %add3A_243 = arith.addf %get3A_238, %get3A_242 : vector<16xf32>
      %swap3A_244 = arith.index_cast %scan3A_40 : i32 to index
      %swap3A_245 = arith.constant 224 : index
      %swap3A_246 = tpu.vector_load %arg6[%swap3A_244, %swap3A_245] {strides = array<i32>} : memref<32x1024xf32, #tpu.memory_space<vmem>>, vector<1x16xf32>,
      %swap3A_247 = vector.shape_cast %swap3A_246 : vector<1x16xf32> to vector<16xf32>
      %swap3A_248 = vector.shape_cast %add3A_243 : vector<16xf32> to vector<1x16xf32>
      tpu.vector_store %arg6[%swap3A_244, %swap3A_245], %swap3A_248 {strides = array<i32>} : memref<32x1024xf32, #tpu.memory_space<vmem>>, vector<1x16xf32>,
      %get3A_249 = arith.index_cast %scan3A_40 : i32 to index
      %get3A_250 = arith.constant 240 : index
      %get3A_251 = tpu.vector_load %arg6[%get3A_249, %get3A_250] {strides = array<i32>} : memref<32x1024xf32, #tpu.memory_space<vmem>>, vector<1x16xf32>,
      %get3A_252 = vector.shape_cast %get3A_251 : vector<1x16xf32> to vector<16xf32>
      %get3A_253 = arith.index_cast %scan3A_40 : i32 to index
      %get3A_254 = arith.constant 240 : index
      %get3A_255 = tpu.vector_load %arg7[%get3A_253, %get3A_254] {strides = array<i32>} : memref<32x1024xf32, #tpu.memory_space<vmem>>, vector<1x16xf32>,
      %get3A_256 = vector.shape_cast %get3A_255 : vector<1x16xf32> to vector<16xf32>
      %add3A_257 = arith.addf %get3A_252, %get3A_256 : vector<16xf32>
      %swap3A_258 = arith.index_cast %scan3A_40 : i32 to index
      %swap3A_259 = arith.constant 240 : index
      %swap3A_260 = tpu.vector_load %arg6[%swap3A_258, %swap3A_259] {strides = array<i32>} : memref<32x1024xf32, #tpu.memory_space<vmem>>, vector<1x16xf32>,
      %swap3A_261 = vector.shape_cast %swap3A_260 : vector<1x16xf32> to vector<16xf32>
      %swap3A_262 = vector.shape_cast %add3A_257 : vector<16xf32> to vector<1x16xf32>
      tpu.vector_store %arg6[%swap3A_258, %swap3A_259], %swap3A_262 {strides = array<i32>} : memref<32x1024xf32, #tpu.memory_space<vmem>>, vector<1x16xf32>,
      %get3A_263 = arith.index_cast %scan3A_40 : i32 to index
      %get3A_264 = arith.constant 256 : index
      %get3A_265 = tpu.vector_load %arg6[%get3A_263, %get3A_264] {strides = array<i32>} : memref<32x1024xf32, #tpu.memory_space<vmem>>, vector<1x16xf32>,
      %get3A_266 = vector.shape_cast %get3A_265 : vector<1x16xf32> to vector<16xf32>
      %get3A_267 = arith.index_cast %scan3A_40 : i32 to index
      %get3A_268 = arith.constant 256 : index
      %get3A_269 = tpu.vector_load %arg7[%get3A_267, %get3A_268] {strides = array<i32>} : memref<32x1024xf32, #tpu.memory_space<vmem>>, vector<1x16xf32>,
      %get3A_270 = vector.shape_cast %get3A_269 : vector<1x16xf32> to vector<16xf32>
      %add3A_271 = arith.addf %get3A_266, %get3A_270 : vector<16xf32>
      %swap3A_272 = arith.index_cast %scan3A_40 : i32 to index
      %swap3A_273 = arith.constant 256 : index
      %swap3A_274 = tpu.vector_load %arg6[%swap3A_272, %swap3A_273] {strides = array<i32>} : memref<32x1024xf32, #tpu.memory_space<vmem>>, vector<1x16xf32>,
      %swap3A_275 = vector.shape_cast %swap3A_274 : vector<1x16xf32> to vector<16xf32>
      %swap3A_276 = vector.shape_cast %add3A_271 : vector<16xf32> to vector<1x16xf32>
      tpu.vector_store %arg6[%swap3A_272, %swap3A_273], %swap3A_276 {strides = array<i32>} : memref<32x1024xf32, #tpu.memory_space<vmem>>, vector<1x16xf32>,
      %get3A_277 = arith.index_cast %scan3A_40 : i32 to index
      %get3A_278 = arith.constant 272 : index
      %get3A_279 = tpu.vector_load %arg6[%get3A_277, %get3A_278] {strides = array<i32>} : memref<32x1024xf32, #tpu.memory_space<vmem>>, vector<1x16xf32>,
      %get3A_280 = vector.shape_cast %get3A_279 : vector<1x16xf32> to vector<16xf32>
      %get3A_281 = arith.index_cast %scan3A_40 : i32 to index
      %get3A_282 = arith.constant 272 : index
      %get3A_283 = tpu.vector_load %arg7[%get3A_281, %get3A_282] {strides = array<i32>} : memref<32x1024xf32, #tpu.memory_space<vmem>>, vector<1x16xf32>,
      %get3A_284 = vector.shape_cast %get3A_283 : vector<1x16xf32> to vector<16xf32>
      %add3A_285 = arith.addf %get3A_280, %get3A_284 : vector<16xf32>
      %swap3A_286 = arith.index_cast %scan3A_40 : i32 to index
      %swap3A_287 = arith.constant 272 : index
      %swap3A_288 = tpu.vector_load %arg6[%swap3A_286, %swap3A_287] {strides = array<i32>} : memref<32x1024xf32, #tpu.memory_space<vmem>>, vector<1x16xf32>,
      %swap3A_289 = vector.shape_cast %swap3A_288 : vector<1x16xf32> to vector<16xf32>
      %swap3A_290 = vector.shape_cast %add3A_285 : vector<16xf32> to vector<1x16xf32>
      tpu.vector_store %arg6[%swap3A_286, %swap3A_287], %swap3A_290 {strides = array<i32>} : memref<32x1024xf32, #tpu.memory_space<vmem>>, vector<1x16xf32>,
      %get3A_291 = arith.index_cast %scan3A_40 : i32 to index
      %get3A_292 = arith.constant 288 : index
      %get3A_293 = tpu.vector_load %arg6[%get3A_291, %get3A_292] {strides = array<i32>} : memref<32x1024xf32, #tpu.memory_space<vmem>>, vector<1x16xf32>,
      %get3A_294 = vector.shape_cast %get3A_293 : vector<1x16xf32> to vector<16xf32>
      %get3A_295 = arith.index_cast %scan3A_40 : i32 to index
      %get3A_296 = arith.constant 288 : index
      %get3A_297 = tpu.vector_load %arg7[%get3A_295, %get3A_296] {strides = array<i32>} : memref<32x1024xf32, #tpu.memory_space<vmem>>, vector<1x16xf32>,
      %get3A_298 = vector.shape_cast %get3A_297 : vector<1x16xf32> to vector<16xf32>
      %add3A_299 = arith.addf %get3A_294, %get3A_298 : vector<16xf32>
      %swap3A_300 = arith.index_cast %scan3A_40 : i32 to index
      %swap3A_301 = arith.constant 288 : index
      %swap3A_302 = tpu.vector_load %arg6[%swap3A_300, %swap3A_301] {strides = array<i32>} : memref<32x1024xf32, #tpu.memory_space<vmem>>, vector<1x16xf32>,
      %swap3A_303 = vector.shape_cast %swap3A_302 : vector<1x16xf32> to vector<16xf32>
      %swap3A_304 = vector.shape_cast %add3A_299 : vector<16xf32> to vector<1x16xf32>
      tpu.vector_store %arg6[%swap3A_300, %swap3A_301], %swap3A_304 {strides = array<i32>} : memref<32x1024xf32, #tpu.memory_space<vmem>>, vector<1x16xf32>,
      %get3A_305 = arith.index_cast %scan3A_40 : i32 to index
      %get3A_306 = arith.constant 304 : index
      %get3A_307 = tpu.vector_load %arg6[%get3A_305, %get3A_306] {strides = array<i32>} : memref<32x1024xf32, #tpu.memory_space<vmem>>, vector<1x16xf32>,
      %get3A_308 = vector.shape_cast %get3A_307 : vector<1x16xf32> to vector<16xf32>
      %get3A_309 = arith.index_cast %scan3A_40 : i32 to index
      %get3A_310 = arith.constant 304 : index
      %get3A_311 = tpu.vector_load %arg7[%get3A_309, %get3A_310] {strides = array<i32>} : memref<32x1024xf32, #tpu.memory_space<vmem>>, vector<1x16xf32>,
      %get3A_312 = vector.shape_cast %get3A_311 : vector<1x16xf32> to vector<16xf32>
      %add3A_313 = arith.addf %get3A_308, %get3A_312 : vector<16xf32>
      %swap3A_314 = arith.index_cast %scan3A_40 : i32 to index
      %swap3A_315 = arith.constant 304 : index
      %swap3A_316 = tpu.vector_load %arg6[%swap3A_314, %swap3A_315] {strides = array<i32>} : memref<32x1024xf32, #tpu.memory_space<vmem>>, vector<1x16xf32>,
      %swap3A_317 = vector.shape_cast %swap3A_316 : vector<1x16xf32> to vector<16xf32>
      %swap3A_318 = vector.shape_cast %add3A_313 : vector<16xf32> to vector<1x16xf32>
      tpu.vector_store %arg6[%swap3A_314, %swap3A_315], %swap3A_318 {strides = array<i32>} : memref<32x1024xf32, #tpu.memory_space<vmem>>, vector<1x16xf32>,
      %get3A_319 = arith.index_cast %scan3A_40 : i32 to index
      %get3A_320 = arith.constant 320 : index
      %get3A_321 = tpu.vector_load %arg6[%get3A_319, %get3A_320] {strides = array<i32>} : memref<32x1024xf32, #tpu.memory_space<vmem>>, vector<1x16xf32>,
      %get3A_322 = vector.shape_cast %get3A_321 : vector<1x16xf32> to vector<16xf32>
      %get3A_323 = arith.index_cast %scan3A_40 : i32 to index
      %get3A_324 = arith.constant 320 : index
      %get3A_325 = tpu.vector_load %arg7[%get3A_323, %get3A_324] {strides = array<i32>} : memref<32x1024xf32, #tpu.memory_space<vmem>>, vector<1x16xf32>,
      %get3A_326 = vector.shape_cast %get3A_325 : vector<1x16xf32> to vector<16xf32>
      %add3A_327 = arith.addf %get3A_322, %get3A_326 : vector<16xf32>
      %swap3A_328 = arith.index_cast %scan3A_40 : i32 to index
      %swap3A_329 = arith.constant 320 : index
      %swap3A_330 = tpu.vector_load %arg6[%swap3A_328, %swap3A_329] {strides = array<i32>} : memref<32x1024xf32, #tpu.memory_space<vmem>>, vector<1x16xf32>,
      %swap3A_331 = vector.shape_cast %swap3A_330 : vector<1x16xf32> to vector<16xf32>
      %swap3A_332 = vector.shape_cast %add3A_327 : vector<16xf32> to vector<1x16xf32>
      tpu.vector_store %arg6[%swap3A_328, %swap3A_329], %swap3A_332 {strides = array<i32>} : memref<32x1024xf32, #tpu.memory_space<vmem>>, vector<1x16xf32>,
      %get3A_333 = arith.index_cast %scan3A_40 : i32 to index
      %get3A_334 = arith.constant 336 : index
      %get3A_335 = tpu.vector_load %arg6[%get3A_333, %get3A_334] {strides = array<i32>} : memref<32x1024xf32, #tpu.memory_space<vmem>>, vector<1x16xf32>,
      %get3A_336 = vector.shape_cast %get3A_335 : vector<1x16xf32> to vector<16xf32>
      %get3A_337 = arith.index_cast %scan3A_40 : i32 to index
      %get3A_338 = arith.constant 336 : index
      %get3A_339 = tpu.vector_load %arg7[%get3A_337, %get3A_338] {strides = array<i32>} : memref<32x1024xf32, #tpu.memory_space<vmem>>, vector<1x16xf32>,
      %get3A_340 = vector.shape_cast %get3A_339 : vector<1x16xf32> to vector<16xf32>
      %add3A_341 = arith.addf %get3A_336, %get3A_340 : vector<16xf32>
      %swap3A_342 = arith.index_cast %scan3A_40 : i32 to index
      %swap3A_343 = arith.constant 336 : index
      %swap3A_344 = tpu.vector_load %arg6[%swap3A_342, %swap3A_343] {strides = array<i32>} : memref<32x1024xf32, #tpu.memory_space<vmem>>, vector<1x16xf32>,
      %swap3A_345 = vector.shape_cast %swap3A_344 : vector<1x16xf32> to vector<16xf32>
      %swap3A_346 = vector.shape_cast %add3A_341 : vector<16xf32> to vector<1x16xf32>
      tpu.vector_store %arg6[%swap3A_342, %swap3A_343], %swap3A_346 {strides = array<i32>} : memref<32x1024xf32, #tpu.memory_space<vmem>>, vector<1x16xf32>,
      %get3A_347 = arith.index_cast %scan3A_40 : i32 to index
      %get3A_348 = arith.constant 352 : index
      %get3A_349 = tpu.vector_load %arg6[%get3A_347, %get3A_348] {strides = array<i32>} : memref<32x1024xf32, #tpu.memory_space<vmem>>, vector<1x16xf32>,
      %get3A_350 = vector.shape_cast %get3A_349 : vector<1x16xf32> to vector<16xf32>
      %get3A_351 = arith.index_cast %scan3A_40 : i32 to index
      %get3A_352 = arith.constant 352 : index
      %get3A_353 = tpu.vector_load %arg7[%get3A_351, %get3A_352] {strides = array<i32>} : memref<32x1024xf32, #tpu.memory_space<vmem>>, vector<1x16xf32>,
      %get3A_354 = vector.shape_cast %get3A_353 : vector<1x16xf32> to vector<16xf32>
      %add3A_355 = arith.addf %get3A_350, %get3A_354 : vector<16xf32>
      %swap3A_356 = arith.index_cast %scan3A_40 : i32 to index
      %swap3A_357 = arith.constant 352 : index
      %swap3A_358 = tpu.vector_load %arg6[%swap3A_356, %swap3A_357] {strides = array<i32>} : memref<32x1024xf32, #tpu.memory_space<vmem>>, vector<1x16xf32>,
      %swap3A_359 = vector.shape_cast %swap3A_358 : vector<1x16xf32> to vector<16xf32>
      %swap3A_360 = vector.shape_cast %add3A_355 : vector<16xf32> to vector<1x16xf32>
      tpu.vector_store %arg6[%swap3A_356, %swap3A_357], %swap3A_360 {strides = array<i32>} : memref<32x1024xf32, #tpu.memory_space<vmem>>, vector<1x16xf32>,
      %get3A_361 = arith.index_cast %scan3A_40 : i32 to index
      %get3A_362 = arith.constant 368 : index
      %get3A_363 = tpu.vector_load %arg6[%get3A_361, %get3A_362] {strides = array<i32>} : memref<32x1024xf32, #tpu.memory_space<vmem>>, vector<1x16xf32>,
      %get3A_364 = vector.shape_cast %get3A_363 : vector<1x16xf32> to vector<16xf32>
      %get3A_365 = arith.index_cast %scan3A_40 : i32 to index
      %get3A_366 = arith.constant 368 : index
      %get3A_367 = tpu.vector_load %arg7[%get3A_365, %get3A_366] {strides = array<i32>} : memref<32x1024xf32, #tpu.memory_space<vmem>>, vector<1x16xf32>,
      %get3A_368 = vector.shape_cast %get3A_367 : vector<1x16xf32> to vector<16xf32>
      %add3A_369 = arith.addf %get3A_364, %get3A_368 : vector<16xf32>
      %swap3A_370 = arith.index_cast %scan3A_40 : i32 to index
      %swap3A_371 = arith.constant 368 : index
      %swap3A_372 = tpu.vector_load %arg6[%swap3A_370, %swap3A_371] {strides = array<i32>} : memref<32x1024xf32, #tpu.memory_space<vmem>>, vector<1x16xf32>,
      %swap3A_373 = vector.shape_cast %swap3A_372 : vector<1x16xf32> to vector<16xf32>
      %swap3A_374 = vector.shape_cast %add3A_369 : vector<16xf32> to vector<1x16xf32>
      tpu.vector_store %arg6[%swap3A_370, %swap3A_371], %swap3A_374 {strides = array<i32>} : memref<32x1024xf32, #tpu.memory_space<vmem>>, vector<1x16xf32>,
      %get3A_375 = arith.index_cast %scan3A_40 : i32 to index
      %get3A_376 = arith.constant 384 : index
      %get3A_377 = tpu.vector_load %arg6[%get3A_375, %get3A_376] {strides = array<i32>} : memref<32x1024xf32, #tpu.memory_space<vmem>>, vector<1x16xf32>,
      %get3A_378 = vector.shape_cast %get3A_377 : vector<1x16xf32> to vector<16xf32>
      %get3A_379 = arith.index_cast %scan3A_40 : i32 to index
      %get3A_380 = arith.constant 384 : index
      %get3A_381 = tpu.vector_load %arg7[%get3A_379, %get3A_380] {strides = array<i32>} : memref<32x1024xf32, #tpu.memory_space<vmem>>, vector<1x16xf32>,
      %get3A_382 = vector.shape_cast %get3A_381 : vector<1x16xf32> to vector<16xf32>
      %add3A_383 = arith.addf %get3A_378, %get3A_382 : vector<16xf32>
      %swap3A_384 = arith.index_cast %scan3A_40 : i32 to index
      %swap3A_385 = arith.constant 384 : index
      %swap3A_386 = tpu.vector_load %arg6[%swap3A_384, %swap3A_385] {strides = array<i32>} : memref<32x1024xf32, #tpu.memory_space<vmem>>, vector<1x16xf32>,
      %swap3A_387 = vector.shape_cast %swap3A_386 : vector<1x16xf32> to vector<16xf32>
      %swap3A_388 = vector.shape_cast %add3A_383 : vector<16xf32> to vector<1x16xf32>
      tpu.vector_store %arg6[%swap3A_384, %swap3A_385], %swap3A_388 {strides = array<i32>} : memref<32x1024xf32, #tpu.memory_space<vmem>>, vector<1x16xf32>,
      %get3A_389 = arith.index_cast %scan3A_40 : i32 to index
      %get3A_390 = arith.constant 400 : index
      %get3A_391 = tpu.vector_load %arg6[%get3A_389, %get3A_390] {strides = array<i32>} : memref<32x1024xf32, #tpu.memory_space<vmem>>, vector<1x16xf32>,
      %get3A_392 = vector.shape_cast %get3A_391 : vector<1x16xf32> to vector<16xf32>
      %get3A_393 = arith.index_cast %scan3A_40 : i32 to index
      %get3A_394 = arith.constant 400 : index
      %get3A_395 = tpu.vector_load %arg7[%get3A_393, %get3A_394] {strides = array<i32>} : memref<32x1024xf32, #tpu.memory_space<vmem>>, vector<1x16xf32>,
      %get3A_396 = vector.shape_cast %get3A_395 : vector<1x16xf32> to vector<16xf32>
      %add3A_397 = arith.addf %get3A_392, %get3A_396 : vector<16xf32>
      %swap3A_398 = arith.index_cast %scan3A_40 : i32 to index
      %swap3A_399 = arith.constant 400 : index
      %swap3A_400 = tpu.vector_load %arg6[%swap3A_398, %swap3A_399] {strides = array<i32>} : memref<32x1024xf32, #tpu.memory_space<vmem>>, vector<1x16xf32>,
      %swap3A_401 = vector.shape_cast %swap3A_400 : vector<1x16xf32> to vector<16xf32>
      %swap3A_402 = vector.shape_cast %add3A_397 : vector<16xf32> to vector<1x16xf32>
      tpu.vector_store %arg6[%swap3A_398, %swap3A_399], %swap3A_402 {strides = array<i32>} : memref<32x1024xf32, #tpu.memory_space<vmem>>, vector<1x16xf32>,
      %get3A_403 = arith.index_cast %scan3A_40 : i32 to index
      %get3A_404 = arith.constant 416 : index
      %get3A_405 = tpu.vector_load %arg6[%get3A_403, %get3A_404] {strides = array<i32>} : memref<32x1024xf32, #tpu.memory_space<vmem>>, vector<1x16xf32>,
      %get3A_406 = vector.shape_cast %get3A_405 : vector<1x16xf32> to vector<16xf32>
      %get3A_407 = arith.index_cast %scan3A_40 : i32 to index
      %get3A_408 = arith.constant 416 : index
      %get3A_409 = tpu.vector_load %arg7[%get3A_407, %get3A_408] {strides = array<i32>} : memref<32x1024xf32, #tpu.memory_space<vmem>>, vector<1x16xf32>,
      %get3A_410 = vector.shape_cast %get3A_409 : vector<1x16xf32> to vector<16xf32>
      %add3A_411 = arith.addf %get3A_406, %get3A_410 : vector<16xf32>
      %swap3A_412 = arith.index_cast %scan3A_40 : i32 to index
      %swap3A_413 = arith.constant 416 : index
      %swap3A_414 = tpu.vector_load %arg6[%swap3A_412, %swap3A_413] {strides = array<i32>} : memref<32x1024xf32, #tpu.memory_space<vmem>>, vector<1x16xf32>,
      %swap3A_415 = vector.shape_cast %swap3A_414 : vector<1x16xf32> to vector<16xf32>
      %swap3A_416 = vector.shape_cast %add3A_411 : vector<16xf32> to vector<1x16xf32>
      tpu.vector_store %arg6[%swap3A_412, %swap3A_413], %swap3A_416 {strides = array<i32>} : memref<32x1024xf32, #tpu.memory_space<vmem>>, vector<1x16xf32>,
      %get3A_417 = arith.index_cast %scan3A_40 : i32 to index
      %get3A_418 = arith.constant 432 : index
      %get3A_419 = tpu.vector_load %arg6[%get3A_417, %get3A_418] {strides = array<i32>} : memref<32x1024xf32, #tpu.memory_space<vmem>>, vector<1x16xf32>,
      %get3A_420 = vector.shape_cast %get3A_419 : vector<1x16xf32> to vector<16xf32>
      %get3A_421 = arith.index_cast %scan3A_40 : i32 to index
      %get3A_422 = arith.constant 432 : index
      %get3A_423 = tpu.vector_load %arg7[%get3A_421, %get3A_422] {strides = array<i32>} : memref<32x1024xf32, #tpu.memory_space<vmem>>, vector<1x16xf32>,
      %get3A_424 = vector.shape_cast %get3A_423 : vector<1x16xf32> to vector<16xf32>
      %add3A_425 = arith.addf %get3A_420, %get3A_424 : vector<16xf32>
      %swap3A_426 = arith.index_cast %scan3A_40 : i32 to index
      %swap3A_427 = arith.constant 432 : index
      %swap3A_428 = tpu.vector_load %arg6[%swap3A_426, %swap3A_427] {strides = array<i32>} : memref<32x1024xf32, #tpu.memory_space<vmem>>, vector<1x16xf32>,
      %swap3A_429 = vector.shape_cast %swap3A_428 : vector<1x16xf32> to vector<16xf32>
      %swap3A_430 = vector.shape_cast %add3A_425 : vector<16xf32> to vector<1x16xf32>
      tpu.vector_store %arg6[%swap3A_426, %swap3A_427], %swap3A_430 {strides = array<i32>} : memref<32x1024xf32, #tpu.memory_space<vmem>>, vector<1x16xf32>,
      %get3A_431 = arith.index_cast %scan3A_40 : i32 to index
      %get3A_432 = arith.constant 448 : index
      %get3A_433 = tpu.vector_load %arg6[%get3A_431, %get3A_432] {strides = array<i32>} : memref<32x1024xf32, #tpu.memory_space<vmem>>, vector<1x16xf32>,
      %get3A_434 = vector.shape_cast %get3A_433 : vector<1x16xf32> to vector<16xf32>
      %get3A_435 = arith.index_cast %scan3A_40 : i32 to index
      %get3A_436 = arith.constant 448 : index
      %get3A_437 = tpu.vector_load %arg7[%get3A_435, %get3A_436] {strides = array<i32>} : memref<32x1024xf32, #tpu.memory_space<vmem>>, vector<1x16xf32>,
      %get3A_438 = vector.shape_cast %get3A_437 : vector<1x16xf32> to vector<16xf32>
      %add3A_439 = arith.addf %get3A_434, %get3A_438 : vector<16xf32>
      %swap3A_440 = arith.index_cast %scan3A_40 : i32 to index
      %swap3A_441 = arith.constant 448 : index
      %swap3A_442 = tpu.vector_load %arg6[%swap3A_440, %swap3A_441] {strides = array<i32>} : memref<32x1024xf32, #tpu.memory_space<vmem>>, vector<1x16xf32>,
      %swap3A_443 = vector.shape_cast %swap3A_442 : vector<1x16xf32> to vector<16xf32>
      %swap3A_444 = vector.shape_cast %add3A_439 : vector<16xf32> to vector<1x16xf32>
      tpu.vector_store %arg6[%swap3A_440, %swap3A_441], %swap3A_444 {strides = array<i32>} : memref<32x1024xf32, #tpu.memory_space<vmem>>, vector<1x16xf32>,
      %get3A_445 = arith.index_cast %scan3A_40 : i32 to index
      %get3A_446 = arith.constant 464 : index
      %get3A_447 = tpu.vector_load %arg6[%get3A_445, %get3A_446] {strides = array<i32>} : memref<32x1024xf32, #tpu.memory_space<vmem>>, vector<1x16xf32>,
      %get3A_448 = vector.shape_cast %get3A_447 : vector<1x16xf32> to vector<16xf32>
      %get3A_449 = arith.index_cast %scan3A_40 : i32 to index
      %get3A_450 = arith.constant 464 : index
      %get3A_451 = tpu.vector_load %arg7[%get3A_449, %get3A_450] {strides = array<i32>} : memref<32x1024xf32, #tpu.memory_space<vmem>>, vector<1x16xf32>,
      %get3A_452 = vector.shape_cast %get3A_451 : vector<1x16xf32> to vector<16xf32>
      %add3A_453 = arith.addf %get3A_448, %get3A_452 : vector<16xf32>
      %swap3A_454 = arith.index_cast %scan3A_40 : i32 to index
      %swap3A_455 = arith.constant 464 : index
      %swap3A_456 = tpu.vector_load %arg6[%swap3A_454, %swap3A_455] {strides = array<i32>} : memref<32x1024xf32, #tpu.memory_space<vmem>>, vector<1x16xf32>,
      %swap3A_457 = vector.shape_cast %swap3A_456 : vector<1x16xf32> to vector<16xf32>
      %swap3A_458 = vector.shape_cast %add3A_453 : vector<16xf32> to vector<1x16xf32>
      tpu.vector_store %arg6[%swap3A_454, %swap3A_455], %swap3A_458 {strides = array<i32>} : memref<32x1024xf32, #tpu.memory_space<vmem>>, vector<1x16xf32>,
      %get3A_459 = arith.index_cast %scan3A_40 : i32 to index
      %get3A_460 = arith.constant 480 : index
      %get3A_461 = tpu.vector_load %arg6[%get3A_459, %get3A_460] {strides = array<i32>} : memref<32x1024xf32, #tpu.memory_space<vmem>>, vector<1x16xf32>,
      %get3A_462 = vector.shape_cast %get3A_461 : vector<1x16xf32> to vector<16xf32>
      %get3A_463 = arith.index_cast %scan3A_40 : i32 to index
      %get3A_464 = arith.constant 480 : index
      %get3A_465 = tpu.vector_load %arg7[%get3A_463, %get3A_464] {strides = array<i32>} : memref<32x1024xf32, #tpu.memory_space<vmem>>, vector<1x16xf32>,
      %get3A_466 = vector.shape_cast %get3A_465 : vector<1x16xf32> to vector<16xf32>
      %add3A_467 = arith.addf %get3A_462, %get3A_466 : vector<16xf32>
      %swap3A_468 = arith.index_cast %scan3A_40 : i32 to index
      %swap3A_469 = arith.constant 480 : index
      %swap3A_470 = tpu.vector_load %arg6[%swap3A_468, %swap3A_469] {strides = array<i32>} : memref<32x1024xf32, #tpu.memory_space<vmem>>, vector<1x16xf32>,
      %swap3A_471 = vector.shape_cast %swap3A_470 : vector<1x16xf32> to vector<16xf32>
      %swap3A_472 = vector.shape_cast %add3A_467 : vector<16xf32> to vector<1x16xf32>
      tpu.vector_store %arg6[%swap3A_468, %swap3A_469], %swap3A_472 {strides = array<i32>} : memref<32x1024xf32, #tpu.memory_space<vmem>>, vector<1x16xf32>,
      %get3A_473 = arith.index_cast %scan3A_40 : i32 to index
      %get3A_474 = arith.constant 496 : index
      %get3A_475 = tpu.vector_load %arg6[%get3A_473, %get3A_474] {strides = array<i32>} : memref<32x1024xf32, #tpu.memory_space<vmem>>, vector<1x16xf32>,
      %get3A_476 = vector.shape_cast %get3A_475 : vector<1x16xf32> to vector<16xf32>
      %get3A_477 = arith.index_cast %scan3A_40 : i32 to index
      %get3A_478 = arith.constant 496 : index
      %get3A_479 = tpu.vector_load %arg7[%get3A_477, %get3A_478] {strides = array<i32>} : memref<32x1024xf32, #tpu.memory_space<vmem>>, vector<1x16xf32>,
      %get3A_480 = vector.shape_cast %get3A_479 : vector<1x16xf32> to vector<16xf32>
      %add3A_481 = arith.addf %get3A_476, %get3A_480 : vector<16xf32>
      %swap3A_482 = arith.index_cast %scan3A_40 : i32 to index
      %swap3A_483 = arith.constant 496 : index
      %swap3A_484 = tpu.vector_load %arg6[%swap3A_482, %swap3A_483] {strides = array<i32>} : memref<32x1024xf32, #tpu.memory_space<vmem>>, vector<1x16xf32>,
      %swap3A_485 = vector.shape_cast %swap3A_484 : vector<1x16xf32> to vector<16xf32>
      %swap3A_486 = vector.shape_cast %add3A_481 : vector<16xf32> to vector<1x16xf32>
      tpu.vector_store %arg6[%swap3A_482, %swap3A_483], %swap3A_486 {strides = array<i32>} : memref<32x1024xf32, #tpu.memory_space<vmem>>, vector<1x16xf32>,
      %get3A_487 = arith.index_cast %scan3A_40 : i32 to index
      %get3A_488 = arith.constant 512 : index
      %get3A_489 = tpu.vector_load %arg6[%get3A_487, %get3A_488] {strides = array<i32>} : memref<32x1024xf32, #tpu.memory_space<vmem>>, vector<1x16xf32>,
      %get3A_490 = vector.shape_cast %get3A_489 : vector<1x16xf32> to vector<16xf32>
      %get3A_491 = arith.index_cast %scan3A_40 : i32 to index
      %get3A_492 = arith.constant 512 : index
      %get3A_493 = tpu.vector_load %arg7[%get3A_491, %get3A_492] {strides = array<i32>} : memref<32x1024xf32, #tpu.memory_space<vmem>>, vector<1x16xf32>,
      %get3A_494 = vector.shape_cast %get3A_493 : vector<1x16xf32> to vector<16xf32>
      %add3A_495 = arith.addf %get3A_490, %get3A_494 : vector<16xf32>
      %swap3A_496 = arith.index_cast %scan3A_40 : i32 to index
      %swap3A_497 = arith.constant 512 : index
      %swap3A_498 = tpu.vector_load %arg6[%swap3A_496, %swap3A_497] {strides = array<i32>} : memref<32x1024xf32, #tpu.memory_space<vmem>>, vector<1x16xf32>,
      %swap3A_499 = vector.shape_cast %swap3A_498 : vector<1x16xf32> to vector<16xf32>
      %swap3A_500 = vector.shape_cast %add3A_495 : vector<16xf32> to vector<1x16xf32>
      tpu.vector_store %arg6[%swap3A_496, %swap3A_497], %swap3A_500 {strides = array<i32>} : memref<32x1024xf32, #tpu.memory_space<vmem>>, vector<1x16xf32>,
      %get3A_501 = arith.index_cast %scan3A_40 : i32 to index
      %get3A_502 = arith.constant 528 : index
      %get3A_503 = tpu.vector_load %arg6[%get3A_501, %get3A_502] {strides = array<i32>} : memref<32x1024xf32, #tpu.memory_space<vmem>>, vector<1x16xf32>,
      %get3A_504 = vector.shape_cast %get3A_503 : vector<1x16xf32> to vector<16xf32>
      %get3A_505 = arith.index_cast %scan3A_40 : i32 to index
      %get3A_506 = arith.constant 528 : index
      %get3A_507 = tpu.vector_load %arg7[%get3A_505, %get3A_506] {strides = array<i32>} : memref<32x1024xf32, #tpu.memory_space<vmem>>, vector<1x16xf32>,
      %get3A_508 = vector.shape_cast %get3A_507 : vector<1x16xf32> to vector<16xf32>
      %add3A_509 = arith.addf %get3A_504, %get3A_508 : vector<16xf32>
      %swap3A_510 = arith.index_cast %scan3A_40 : i32 to index
      %swap3A_511 = arith.constant 528 : index
      %swap3A_512 = tpu.vector_load %arg6[%swap3A_510, %swap3A_511] {strides = array<i32>} : memref<32x1024xf32, #tpu.memory_space<vmem>>, vector<1x16xf32>,
      %swap3A_513 = vector.shape_cast %swap3A_512 : vector<1x16xf32> to vector<16xf32>
      %swap3A_514 = vector.shape_cast %add3A_509 : vector<16xf32> to vector<1x16xf32>
      tpu.vector_store %arg6[%swap3A_510, %swap3A_511], %swap3A_514 {strides = array<i32>} : memref<32x1024xf32, #tpu.memory_space<vmem>>, vector<1x16xf32>,
      %get3A_515 = arith.index_cast %scan3A_40 : i32 to index
      %get3A_516 = arith.constant 544 : index
      %get3A_517 = tpu.vector_load %arg6[%get3A_515, %get3A_516] {strides = array<i32>} : memref<32x1024xf32, #tpu.memory_space<vmem>>, vector<1x16xf32>,
      %get3A_518 = vector.shape_cast %get3A_517 : vector<1x16xf32> to vector<16xf32>
      %get3A_519 = arith.index_cast %scan3A_40 : i32 to index
      %get3A_520 = arith.constant 544 : index
      %get3A_521 = tpu.vector_load %arg7[%get3A_519, %get3A_520] {strides = array<i32>} : memref<32x1024xf32, #tpu.memory_space<vmem>>, vector<1x16xf32>,
      %get3A_522 = vector.shape_cast %get3A_521 : vector<1x16xf32> to vector<16xf32>
      %add3A_523 = arith.addf %get3A_518, %get3A_522 : vector<16xf32>
      %swap3A_524 = arith.index_cast %scan3A_40 : i32 to index
      %swap3A_525 = arith.constant 544 : index
      %swap3A_526 = tpu.vector_load %arg6[%swap3A_524, %swap3A_525] {strides = array<i32>} : memref<32x1024xf32, #tpu.memory_space<vmem>>, vector<1x16xf32>,
      %swap3A_527 = vector.shape_cast %swap3A_526 : vector<1x16xf32> to vector<16xf32>
      %swap3A_528 = vector.shape_cast %add3A_523 : vector<16xf32> to vector<1x16xf32>
      tpu.vector_store %arg6[%swap3A_524, %swap3A_525], %swap3A_528 {strides = array<i32>} : memref<32x1024xf32, #tpu.memory_space<vmem>>, vector<1x16xf32>,
      %get3A_529 = arith.index_cast %scan3A_40 : i32 to index
      %get3A_530 = arith.constant 560 : index
      %get3A_531 = tpu.vector_load %arg6[%get3A_529, %get3A_530] {strides = array<i32>} : memref<32x1024xf32, #tpu.memory_space<vmem>>, vector<1x16xf32>,
      %get3A_532 = vector.shape_cast %get3A_531 : vector<1x16xf32> to vector<16xf32>
      %get3A_533 = arith.index_cast %scan3A_40 : i32 to index
      %get3A_534 = arith.constant 560 : index
      %get3A_535 = tpu.vector_load %arg7[%get3A_533, %get3A_534] {strides = array<i32>} : memref<32x1024xf32, #tpu.memory_space<vmem>>, vector<1x16xf32>,
      %get3A_536 = vector.shape_cast %get3A_535 : vector<1x16xf32> to vector<16xf32>
      %add3A_537 = arith.addf %get3A_532, %get3A_536 : vector<16xf32>
      %swap3A_538 = arith.index_cast %scan3A_40 : i32 to index
      %swap3A_539 = arith.constant 560 : index
      %swap3A_540 = tpu.vector_load %arg6[%swap3A_538, %swap3A_539] {strides = array<i32>} : memref<32x1024xf32, #tpu.memory_space<vmem>>, vector<1x16xf32>,
      %swap3A_541 = vector.shape_cast %swap3A_540 : vector<1x16xf32> to vector<16xf32>
      %swap3A_542 = vector.shape_cast %add3A_537 : vector<16xf32> to vector<1x16xf32>
      tpu.vector_store %arg6[%swap3A_538, %swap3A_539], %swap3A_542 {strides = array<i32>} : memref<32x1024xf32, #tpu.memory_space<vmem>>, vector<1x16xf32>,
      %get3A_543 = arith.index_cast %scan3A_40 : i32 to index
      %get3A_544 = arith.constant 576 : index
      %get3A_545 = tpu.vector_load %arg6[%get3A_543, %get3A_544] {strides = array<i32>} : memref<32x1024xf32, #tpu.memory_space<vmem>>, vector<1x16xf32>,
      %get3A_546 = vector.shape_cast %get3A_545 : vector<1x16xf32> to vector<16xf32>
      %get3A_547 = arith.index_cast %scan3A_40 : i32 to index
      %get3A_548 = arith.constant 576 : index
      %get3A_549 = tpu.vector_load %arg7[%get3A_547, %get3A_548] {strides = array<i32>} : memref<32x1024xf32, #tpu.memory_space<vmem>>, vector<1x16xf32>,
      %get3A_550 = vector.shape_cast %get3A_549 : vector<1x16xf32> to vector<16xf32>
      %add3A_551 = arith.addf %get3A_546, %get3A_550 : vector<16xf32>
      %swap3A_552 = arith.index_cast %scan3A_40 : i32 to index
      %swap3A_553 = arith.constant 576 : index
      %swap3A_554 = tpu.vector_load %arg6[%swap3A_552, %swap3A_553] {strides = array<i32>} : memref<32x1024xf32, #tpu.memory_space<vmem>>, vector<1x16xf32>,
      %swap3A_555 = vector.shape_cast %swap3A_554 : vector<1x16xf32> to vector<16xf32>
      %swap3A_556 = vector.shape_cast %add3A_551 : vector<16xf32> to vector<1x16xf32>
      tpu.vector_store %arg6[%swap3A_552, %swap3A_553], %swap3A_556 {strides = array<i32>} : memref<32x1024xf32, #tpu.memory_space<vmem>>, vector<1x16xf32>,
      %get3A_557 = arith.index_cast %scan3A_40 : i32 to index
      %get3A_558 = arith.constant 592 : index
      %get3A_559 = tpu.vector_load %arg6[%get3A_557, %get3A_558] {strides = array<i32>} : memref<32x1024xf32, #tpu.memory_space<vmem>>, vector<1x16xf32>,
      %get3A_560 = vector.shape_cast %get3A_559 : vector<1x16xf32> to vector<16xf32>
      %get3A_561 = arith.index_cast %scan3A_40 : i32 to index
      %get3A_562 = arith.constant 592 : index
      %get3A_563 = tpu.vector_load %arg7[%get3A_561, %get3A_562] {strides = array<i32>} : memref<32x1024xf32, #tpu.memory_space<vmem>>, vector<1x16xf32>,
      %get3A_564 = vector.shape_cast %get3A_563 : vector<1x16xf32> to vector<16xf32>
      %add3A_565 = arith.addf %get3A_560, %get3A_564 : vector<16xf32>
      %swap3A_566 = arith.index_cast %scan3A_40 : i32 to index
      %swap3A_567 = arith.constant 592 : index
      %swap3A_568 = tpu.vector_load %arg6[%swap3A_566, %swap3A_567] {strides = array<i32>} : memref<32x1024xf32, #tpu.memory_space<vmem>>, vector<1x16xf32>,
      %swap3A_569 = vector.shape_cast %swap3A_568 : vector<1x16xf32> to vector<16xf32>
      %swap3A_570 = vector.shape_cast %add3A_565 : vector<16xf32> to vector<1x16xf32>
      tpu.vector_store %arg6[%swap3A_566, %swap3A_567], %swap3A_570 {strides = array<i32>} : memref<32x1024xf32, #tpu.memory_space<vmem>>, vector<1x16xf32>,
      %get3A_571 = arith.index_cast %scan3A_40 : i32 to index
      %get3A_572 = arith.constant 608 : index
      %get3A_573 = tpu.vector_load %arg6[%get3A_571, %get3A_572] {strides = array<i32>} : memref<32x1024xf32, #tpu.memory_space<vmem>>, vector<1x16xf32>,
      %get3A_574 = vector.shape_cast %get3A_573 : vector<1x16xf32> to vector<16xf32>
      %get3A_575 = arith.index_cast %scan3A_40 : i32 to index
      %get3A_576 = arith.constant 608 : index
      %get3A_577 = tpu.vector_load %arg7[%get3A_575, %get3A_576] {strides = array<i32>} : memref<32x1024xf32, #tpu.memory_space<vmem>>, vector<1x16xf32>,
      %get3A_578 = vector.shape_cast %get3A_577 : vector<1x16xf32> to vector<16xf32>
      %add3A_579 = arith.addf %get3A_574, %get3A_578 : vector<16xf32>
      %swap3A_580 = arith.index_cast %scan3A_40 : i32 to index
      %swap3A_581 = arith.constant 608 : index
      %swap3A_582 = tpu.vector_load %arg6[%swap3A_580, %swap3A_581] {strides = array<i32>} : memref<32x1024xf32, #tpu.memory_space<vmem>>, vector<1x16xf32>,
      %swap3A_583 = vector.shape_cast %swap3A_582 : vector<1x16xf32> to vector<16xf32>
      %swap3A_584 = vector.shape_cast %add3A_579 : vector<16xf32> to vector<1x16xf32>
      tpu.vector_store %arg6[%swap3A_580, %swap3A_581], %swap3A_584 {strides = array<i32>} : memref<32x1024xf32, #tpu.memory_space<vmem>>, vector<1x16xf32>,
      %get3A_585 = arith.index_cast %scan3A_40 : i32 to index
      %get3A_586 = arith.constant 624 : index
      %get3A_587 = tpu.vector_load %arg6[%get3A_585, %get3A_586] {strides = array<i32>} : memref<32x1024xf32, #tpu.memory_space<vmem>>, vector<1x16xf32>,
      %get3A_588 = vector.shape_cast %get3A_587 : vector<1x16xf32> to vector<16xf32>
      %get3A_589 = arith.index_cast %scan3A_40 : i32 to index
      %get3A_590 = arith.constant 624 : index
      %get3A_591 = tpu.vector_load %arg7[%get3A_589, %get3A_590] {strides = array<i32>} : memref<32x1024xf32, #tpu.memory_space<vmem>>, vector<1x16xf32>,
      %get3A_592 = vector.shape_cast %get3A_591 : vector<1x16xf32> to vector<16xf32>
      %add3A_593 = arith.addf %get3A_588, %get3A_592 : vector<16xf32>
      %swap3A_594 = arith.index_cast %scan3A_40 : i32 to index
      %swap3A_595 = arith.constant 624 : index
      %swap3A_596 = tpu.vector_load %arg6[%swap3A_594, %swap3A_595] {strides = array<i32>} : memref<32x1024xf32, #tpu.memory_space<vmem>>, vector<1x16xf32>,
      %swap3A_597 = vector.shape_cast %swap3A_596 : vector<1x16xf32> to vector<16xf32>
      %swap3A_598 = vector.shape_cast %add3A_593 : vector<16xf32> to vector<1x16xf32>
      tpu.vector_store %arg6[%swap3A_594, %swap3A_595], %swap3A_598 {strides = array<i32>} : memref<32x1024xf32, #tpu.memory_space<vmem>>, vector<1x16xf32>,
      %get3A_599 = arith.index_cast %scan3A_40 : i32 to index
      %get3A_600 = arith.constant 640 : index
      %get3A_601 = tpu.vector_load %arg6[%get3A_599, %get3A_600] {strides = array<i32>} : memref<32x1024xf32, #tpu.memory_space<vmem>>, vector<1x16xf32>,
      %get3A_602 = vector.shape_cast %get3A_601 : vector<1x16xf32> to vector<16xf32>
      %get3A_603 = arith.index_cast %scan3A_40 : i32 to index
      %get3A_604 = arith.constant 640 : index
      %get3A_605 = tpu.vector_load %arg7[%get3A_603, %get3A_604] {strides = array<i32>} : memref<32x1024xf32, #tpu.memory_space<vmem>>, vector<1x16xf32>,
      %get3A_606 = vector.shape_cast %get3A_605 : vector<1x16xf32> to vector<16xf32>
      %add3A_607 = arith.addf %get3A_602, %get3A_606 : vector<16xf32>
      %swap3A_608 = arith.index_cast %scan3A_40 : i32 to index
      %swap3A_609 = arith.constant 640 : index
      %swap3A_610 = tpu.vector_load %arg6[%swap3A_608, %swap3A_609] {strides = array<i32>} : memref<32x1024xf32, #tpu.memory_space<vmem>>, vector<1x16xf32>,
      %swap3A_611 = vector.shape_cast %swap3A_610 : vector<1x16xf32> to vector<16xf32>
      %swap3A_612 = vector.shape_cast %add3A_607 : vector<16xf32> to vector<1x16xf32>
      tpu.vector_store %arg6[%swap3A_608, %swap3A_609], %swap3A_612 {strides = array<i32>} : memref<32x1024xf32, #tpu.memory_space<vmem>>, vector<1x16xf32>,
      %get3A_613 = arith.index_cast %scan3A_40 : i32 to index
      %get3A_614 = arith.constant 656 : index
      %get3A_615 = tpu.vector_load %arg6[%get3A_613, %get3A_614] {strides = array<i32>} : memref<32x1024xf32, #tpu.memory_space<vmem>>, vector<1x16xf32>,
      %get3A_616 = vector.shape_cast %get3A_615 : vector<1x16xf32> to vector<16xf32>
      %get3A_617 = arith.index_cast %scan3A_40 : i32 to index
      %get3A_618 = arith.constant 656 : index
      %get3A_619 = tpu.vector_load %arg7[%get3A_617, %get3A_618] {strides = array<i32>} : memref<32x1024xf32, #tpu.memory_space<vmem>>, vector<1x16xf32>,
      %get3A_620 = vector.shape_cast %get3A_619 : vector<1x16xf32> to vector<16xf32>
      %add3A_621 = arith.addf %get3A_616, %get3A_620 : vector<16xf32>
      %swap3A_622 = arith.index_cast %scan3A_40 : i32 to index
      %swap3A_623 = arith.constant 656 : index
      %swap3A_624 = tpu.vector_load %arg6[%swap3A_622, %swap3A_623] {strides = array<i32>} : memref<32x1024xf32, #tpu.memory_space<vmem>>, vector<1x16xf32>,
      %swap3A_625 = vector.shape_cast %swap3A_624 : vector<1x16xf32> to vector<16xf32>
      %swap3A_626 = vector.shape_cast %add3A_621 : vector<16xf32> to vector<1x16xf32>
      tpu.vector_store %arg6[%swap3A_622, %swap3A_623], %swap3A_626 {strides = array<i32>} : memref<32x1024xf32, #tpu.memory_space<vmem>>, vector<1x16xf32>,
      %get3A_627 = arith.index_cast %scan3A_40 : i32 to index
      %get3A_628 = arith.constant 672 : index
      %get3A_629 = tpu.vector_load %arg6[%get3A_627, %get3A_628] {strides = array<i32>} : memref<32x1024xf32, #tpu.memory_space<vmem>>, vector<1x16xf32>,
      %get3A_630 = vector.shape_cast %get3A_629 : vector<1x16xf32> to vector<16xf32>
      %get3A_631 = arith.index_cast %scan3A_40 : i32 to index
      %get3A_632 = arith.constant 672 : index
      %get3A_633 = tpu.vector_load %arg7[%get3A_631, %get3A_632] {strides = array<i32>} : memref<32x1024xf32, #tpu.memory_space<vmem>>, vector<1x16xf32>,
      %get3A_634 = vector.shape_cast %get3A_633 : vector<1x16xf32> to vector<16xf32>
      %add3A_635 = arith.addf %get3A_630, %get3A_634 : vector<16xf32>
      %swap3A_636 = arith.index_cast %scan3A_40 : i32 to index
      %swap3A_637 = arith.constant 672 : index
      %swap3A_638 = tpu.vector_load %arg6[%swap3A_636, %swap3A_637] {strides = array<i32>} : memref<32x1024xf32, #tpu.memory_space<vmem>>, vector<1x16xf32>,
      %swap3A_639 = vector.shape_cast %swap3A_638 : vector<1x16xf32> to vector<16xf32>
      %swap3A_640 = vector.shape_cast %add3A_635 : vector<16xf32> to vector<1x16xf32>
      tpu.vector_store %arg6[%swap3A_636, %swap3A_637], %swap3A_640 {strides = array<i32>} : memref<32x1024xf32, #tpu.memory_space<vmem>>, vector<1x16xf32>,
      %get3A_641 = arith.index_cast %scan3A_40 : i32 to index
      %get3A_642 = arith.constant 688 : index
      %get3A_643 = tpu.vector_load %arg6[%get3A_641, %get3A_642] {strides = array<i32>} : memref<32x1024xf32, #tpu.memory_space<vmem>>, vector<1x16xf32>,
      %get3A_644 = vector.shape_cast %get3A_643 : vector<1x16xf32> to vector<16xf32>
      %get3A_645 = arith.index_cast %scan3A_40 : i32 to index
      %get3A_646 = arith.constant 688 : index
      %get3A_647 = tpu.vector_load %arg7[%get3A_645, %get3A_646] {strides = array<i32>} : memref<32x1024xf32, #tpu.memory_space<vmem>>, vector<1x16xf32>,
      %get3A_648 = vector.shape_cast %get3A_647 : vector<1x16xf32> to vector<16xf32>
      %add3A_649 = arith.addf %get3A_644, %get3A_648 : vector<16xf32>
      %swap3A_650 = arith.index_cast %scan3A_40 : i32 to index
      %swap3A_651 = arith.constant 688 : index
      %swap3A_652 = tpu.vector_load %arg6[%swap3A_650, %swap3A_651] {strides = array<i32>} : memref<32x1024xf32, #tpu.memory_space<vmem>>, vector<1x16xf32>,
      %swap3A_653 = vector.shape_cast %swap3A_652 : vector<1x16xf32> to vector<16xf32>
      %swap3A_654 = vector.shape_cast %add3A_649 : vector<16xf32> to vector<1x16xf32>
      tpu.vector_store %arg6[%swap3A_650, %swap3A_651], %swap3A_654 {strides = array<i32>} : memref<32x1024xf32, #tpu.memory_space<vmem>>, vector<1x16xf32>,
      %get3A_655 = arith.index_cast %scan3A_40 : i32 to index
      %get3A_656 = arith.constant 704 : index
      %get3A_657 = tpu.vector_load %arg6[%get3A_655, %get3A_656] {strides = array<i32>} : memref<32x1024xf32, #tpu.memory_space<vmem>>, vector<1x16xf32>,
      %get3A_658 = vector.shape_cast %get3A_657 : vector<1x16xf32> to vector<16xf32>
      %get3A_659 = arith.index_cast %scan3A_40 : i32 to index
      %get3A_660 = arith.constant 704 : index
      %get3A_661 = tpu.vector_load %arg7[%get3A_659, %get3A_660] {strides = array<i32>} : memref<32x1024xf32, #tpu.memory_space<vmem>>, vector<1x16xf32>,
      %get3A_662 = vector.shape_cast %get3A_661 : vector<1x16xf32> to vector<16xf32>
      %add3A_663 = arith.addf %get3A_658, %get3A_662 : vector<16xf32>
      %swap3A_664 = arith.index_cast %scan3A_40 : i32 to index
      %swap3A_665 = arith.constant 704 : index
      %swap3A_666 = tpu.vector_load %arg6[%swap3A_664, %swap3A_665] {strides = array<i32>} : memref<32x1024xf32, #tpu.memory_space<vmem>>, vector<1x16xf32>,
      %swap3A_667 = vector.shape_cast %swap3A_666 : vector<1x16xf32> to vector<16xf32>
      %swap3A_668 = vector.shape_cast %add3A_663 : vector<16xf32> to vector<1x16xf32>
      tpu.vector_store %arg6[%swap3A_664, %swap3A_665], %swap3A_668 {strides = array<i32>} : memref<32x1024xf32, #tpu.memory_space<vmem>>, vector<1x16xf32>,
      %get3A_669 = arith.index_cast %scan3A_40 : i32 to index
      %get3A_670 = arith.constant 720 : index
      %get3A_671 = tpu.vector_load %arg6[%get3A_669, %get3A_670] {strides = array<i32>} : memref<32x1024xf32, #tpu.memory_space<vmem>>, vector<1x16xf32>,
      %get3A_672 = vector.shape_cast %get3A_671 : vector<1x16xf32> to vector<16xf32>
      %get3A_673 = arith.index_cast %scan3A_40 : i32 to index
      %get3A_674 = arith.constant 720 : index
      %get3A_675 = tpu.vector_load %arg7[%get3A_673, %get3A_674] {strides = array<i32>} : memref<32x1024xf32, #tpu.memory_space<vmem>>, vector<1x16xf32>,
      %get3A_676 = vector.shape_cast %get3A_675 : vector<1x16xf32> to vector<16xf32>
      %add3A_677 = arith.addf %get3A_672, %get3A_676 : vector<16xf32>
      %swap3A_678 = arith.index_cast %scan3A_40 : i32 to index
      %swap3A_679 = arith.constant 720 : index
      %swap3A_680 = tpu.vector_load %arg6[%swap3A_678, %swap3A_679] {strides = array<i32>} : memref<32x1024xf32, #tpu.memory_space<vmem>>, vector<1x16xf32>,
      %swap3A_681 = vector.shape_cast %swap3A_680 : vector<1x16xf32> to vector<16xf32>
      %swap3A_682 = vector.shape_cast %add3A_677 : vector<16xf32> to vector<1x16xf32>
      tpu.vector_store %arg6[%swap3A_678, %swap3A_679], %swap3A_682 {strides = array<i32>} : memref<32x1024xf32, #tpu.memory_space<vmem>>, vector<1x16xf32>,
      %get3A_683 = arith.index_cast %scan3A_40 : i32 to index
      %get3A_684 = arith.constant 736 : index
      %get3A_685 = tpu.vector_load %arg6[%get3A_683, %get3A_684] {strides = array<i32>} : memref<32x1024xf32, #tpu.memory_space<vmem>>, vector<1x16xf32>,
      %get3A_686 = vector.shape_cast %get3A_685 : vector<1x16xf32> to vector<16xf32>
      %get3A_687 = arith.index_cast %scan3A_40 : i32 to index
      %get3A_688 = arith.constant 736 : index
      %get3A_689 = tpu.vector_load %arg7[%get3A_687, %get3A_688] {strides = array<i32>} : memref<32x1024xf32, #tpu.memory_space<vmem>>, vector<1x16xf32>,
      %get3A_690 = vector.shape_cast %get3A_689 : vector<1x16xf32> to vector<16xf32>
      %add3A_691 = arith.addf %get3A_686, %get3A_690 : vector<16xf32>
      %swap3A_692 = arith.index_cast %scan3A_40 : i32 to index
      %swap3A_693 = arith.constant 736 : index
      %swap3A_694 = tpu.vector_load %arg6[%swap3A_692, %swap3A_693] {strides = array<i32>} : memref<32x1024xf32, #tpu.memory_space<vmem>>, vector<1x16xf32>,
      %swap3A_695 = vector.shape_cast %swap3A_694 : vector<1x16xf32> to vector<16xf32>
      %swap3A_696 = vector.shape_cast %add3A_691 : vector<16xf32> to vector<1x16xf32>
      tpu.vector_store %arg6[%swap3A_692, %swap3A_693], %swap3A_696 {strides = array<i32>} : memref<32x1024xf32, #tpu.memory_space<vmem>>, vector<1x16xf32>,
      %get3A_697 = arith.index_cast %scan3A_40 : i32 to index
      %get3A_698 = arith.constant 752 : index
      %get3A_699 = tpu.vector_load %arg6[%get3A_697, %get3A_698] {strides = array<i32>} : memref<32x1024xf32, #tpu.memory_space<vmem>>, vector<1x16xf32>,
      %get3A_700 = vector.shape_cast %get3A_699 : vector<1x16xf32> to vector<16xf32>
      %get3A_701 = arith.index_cast %scan3A_40 : i32 to index
      %get3A_702 = arith.constant 752 : index
      %get3A_703 = tpu.vector_load %arg7[%get3A_701, %get3A_702] {strides = array<i32>} : memref<32x1024xf32, #tpu.memory_space<vmem>>, vector<1x16xf32>,
      %get3A_704 = vector.shape_cast %get3A_703 : vector<1x16xf32> to vector<16xf32>
      %add3A_705 = arith.addf %get3A_700, %get3A_704 : vector<16xf32>
      %swap3A_706 = arith.index_cast %scan3A_40 : i32 to index
      %swap3A_707 = arith.constant 752 : index
      %swap3A_708 = tpu.vector_load %arg6[%swap3A_706, %swap3A_707] {strides = array<i32>} : memref<32x1024xf32, #tpu.memory_space<vmem>>, vector<1x16xf32>,
      %swap3A_709 = vector.shape_cast %swap3A_708 : vector<1x16xf32> to vector<16xf32>
      %swap3A_710 = vector.shape_cast %add3A_705 : vector<16xf32> to vector<1x16xf32>
      tpu.vector_store %arg6[%swap3A_706, %swap3A_707], %swap3A_710 {strides = array<i32>} : memref<32x1024xf32, #tpu.memory_space<vmem>>, vector<1x16xf32>,
      %get3A_711 = arith.index_cast %scan3A_40 : i32 to index
      %get3A_712 = arith.constant 768 : index
      %get3A_713 = tpu.vector_load %arg6[%get3A_711, %get3A_712] {strides = array<i32>} : memref<32x1024xf32, #tpu.memory_space<vmem>>, vector<1x16xf32>,
      %get3A_714 = vector.shape_cast %get3A_713 : vector<1x16xf32> to vector<16xf32>
      %get3A_715 = arith.index_cast %scan3A_40 : i32 to index
      %get3A_716 = arith.constant 768 : index
      %get3A_717 = tpu.vector_load %arg7[%get3A_715, %get3A_716] {strides = array<i32>} : memref<32x1024xf32, #tpu.memory_space<vmem>>, vector<1x16xf32>,
      %get3A_718 = vector.shape_cast %get3A_717 : vector<1x16xf32> to vector<16xf32>
      %add3A_719 = arith.addf %get3A_714, %get3A_718 : vector<16xf32>
      %swap3A_720 = arith.index_cast %scan3A_40 : i32 to index
      %swap3A_721 = arith.constant 768 : index
      %swap3A_722 = tpu.vector_load %arg6[%swap3A_720, %swap3A_721] {strides = array<i32>} : memref<32x1024xf32, #tpu.memory_space<vmem>>, vector<1x16xf32>,
      %swap3A_723 = vector.shape_cast %swap3A_722 : vector<1x16xf32> to vector<16xf32>
      %swap3A_724 = vector.shape_cast %add3A_719 : vector<16xf32> to vector<1x16xf32>
      tpu.vector_store %arg6[%swap3A_720, %swap3A_721], %swap3A_724 {strides = array<i32>} : memref<32x1024xf32, #tpu.memory_space<vmem>>, vector<1x16xf32>,
      %get3A_725 = arith.index_cast %scan3A_40 : i32 to index
      %get3A_726 = arith.constant 784 : index
      %get3A_727 = tpu.vector_load %arg6[%get3A_725, %get3A_726] {strides = array<i32>} : memref<32x1024xf32, #tpu.memory_space<vmem>>, vector<1x16xf32>,
      %get3A_728 = vector.shape_cast %get3A_727 : vector<1x16xf32> to vector<16xf32>
      %get3A_729 = arith.index_cast %scan3A_40 : i32 to index
      %get3A_730 = arith.constant 784 : index
      %get3A_731 = tpu.vector_load %arg7[%get3A_729, %get3A_730] {strides = array<i32>} : memref<32x1024xf32, #tpu.memory_space<vmem>>, vector<1x16xf32>,
      %get3A_732 = vector.shape_cast %get3A_731 : vector<1x16xf32> to vector<16xf32>
      %add3A_733 = arith.addf %get3A_728, %get3A_732 : vector<16xf32>
      %swap3A_734 = arith.index_cast %scan3A_40 : i32 to index
      %swap3A_735 = arith.constant 784 : index
      %swap3A_736 = tpu.vector_load %arg6[%swap3A_734, %swap3A_735] {strides = array<i32>} : memref<32x1024xf32, #tpu.memory_space<vmem>>, vector<1x16xf32>,
      %swap3A_737 = vector.shape_cast %swap3A_736 : vector<1x16xf32> to vector<16xf32>
      %swap3A_738 = vector.shape_cast %add3A_733 : vector<16xf32> to vector<1x16xf32>
      tpu.vector_store %arg6[%swap3A_734, %swap3A_735], %swap3A_738 {strides = array<i32>} : memref<32x1024xf32, #tpu.memory_space<vmem>>, vector<1x16xf32>,
      %get3A_739 = arith.index_cast %scan3A_40 : i32 to index
      %get3A_740 = arith.constant 800 : index
      %get3A_741 = tpu.vector_load %arg6[%get3A_739, %get3A_740] {strides = array<i32>} : memref<32x1024xf32, #tpu.memory_space<vmem>>, vector<1x16xf32>,
      %get3A_742 = vector.shape_cast %get3A_741 : vector<1x16xf32> to vector<16xf32>
      %get3A_743 = arith.index_cast %scan3A_40 : i32 to index
      %get3A_744 = arith.constant 800 : index
      %get3A_745 = tpu.vector_load %arg7[%get3A_743, %get3A_744] {strides = array<i32>} : memref<32x1024xf32, #tpu.memory_space<vmem>>, vector<1x16xf32>,
      %get3A_746 = vector.shape_cast %get3A_745 : vector<1x16xf32> to vector<16xf32>
      %add3A_747 = arith.addf %get3A_742, %get3A_746 : vector<16xf32>
      %swap3A_748 = arith.index_cast %scan3A_40 : i32 to index
      %swap3A_749 = arith.constant 800 : index
      %swap3A_750 = tpu.vector_load %arg6[%swap3A_748, %swap3A_749] {strides = array<i32>} : memref<32x1024xf32, #tpu.memory_space<vmem>>, vector<1x16xf32>,
      %swap3A_751 = vector.shape_cast %swap3A_750 : vector<1x16xf32> to vector<16xf32>
      %swap3A_752 = vector.shape_cast %add3A_747 : vector<16xf32> to vector<1x16xf32>
      tpu.vector_store %arg6[%swap3A_748, %swap3A_749], %swap3A_752 {strides = array<i32>} : memref<32x1024xf32, #tpu.memory_space<vmem>>, vector<1x16xf32>,
      %get3A_753 = arith.index_cast %scan3A_40 : i32 to index
      %get3A_754 = arith.constant 816 : index
      %get3A_755 = tpu.vector_load %arg6[%get3A_753, %get3A_754] {strides = array<i32>} : memref<32x1024xf32, #tpu.memory_space<vmem>>, vector<1x16xf32>,
      %get3A_756 = vector.shape_cast %get3A_755 : vector<1x16xf32> to vector<16xf32>
      %get3A_757 = arith.index_cast %scan3A_40 : i32 to index
      %get3A_758 = arith.constant 816 : index
      %get3A_759 = tpu.vector_load %arg7[%get3A_757, %get3A_758] {strides = array<i32>} : memref<32x1024xf32, #tpu.memory_space<vmem>>, vector<1x16xf32>,
      %get3A_760 = vector.shape_cast %get3A_759 : vector<1x16xf32> to vector<16xf32>
      %add3A_761 = arith.addf %get3A_756, %get3A_760 : vector<16xf32>
      %swap3A_762 = arith.index_cast %scan3A_40 : i32 to index
      %swap3A_763 = arith.constant 816 : index
      %swap3A_764 = tpu.vector_load %arg6[%swap3A_762, %swap3A_763] {strides = array<i32>} : memref<32x1024xf32, #tpu.memory_space<vmem>>, vector<1x16xf32>,
      %swap3A_765 = vector.shape_cast %swap3A_764 : vector<1x16xf32> to vector<16xf32>
      %swap3A_766 = vector.shape_cast %add3A_761 : vector<16xf32> to vector<1x16xf32>
      tpu.vector_store %arg6[%swap3A_762, %swap3A_763], %swap3A_766 {strides = array<i32>} : memref<32x1024xf32, #tpu.memory_space<vmem>>, vector<1x16xf32>,
      %get3A_767 = arith.index_cast %scan3A_40 : i32 to index
      %get3A_768 = arith.constant 832 : index
      %get3A_769 = tpu.vector_load %arg6[%get3A_767, %get3A_768] {strides = array<i32>} : memref<32x1024xf32, #tpu.memory_space<vmem>>, vector<1x16xf32>,
      %get3A_770 = vector.shape_cast %get3A_769 : vector<1x16xf32> to vector<16xf32>
      %get3A_771 = arith.index_cast %scan3A_40 : i32 to index
      %get3A_772 = arith.constant 832 : index
      %get3A_773 = tpu.vector_load %arg7[%get3A_771, %get3A_772] {strides = array<i32>} : memref<32x1024xf32, #tpu.memory_space<vmem>>, vector<1x16xf32>,
      %get3A_774 = vector.shape_cast %get3A_773 : vector<1x16xf32> to vector<16xf32>
      %add3A_775 = arith.addf %get3A_770, %get3A_774 : vector<16xf32>
      %swap3A_776 = arith.index_cast %scan3A_40 : i32 to index
      %swap3A_777 = arith.constant 832 : index
      %swap3A_778 = tpu.vector_load %arg6[%swap3A_776, %swap3A_777] {strides = array<i32>} : memref<32x1024xf32, #tpu.memory_space<vmem>>, vector<1x16xf32>,
      %swap3A_779 = vector.shape_cast %swap3A_778 : vector<1x16xf32> to vector<16xf32>
      %swap3A_780 = vector.shape_cast %add3A_775 : vector<16xf32> to vector<1x16xf32>
      tpu.vector_store %arg6[%swap3A_776, %swap3A_777], %swap3A_780 {strides = array<i32>} : memref<32x1024xf32, #tpu.memory_space<vmem>>, vector<1x16xf32>,
      %get3A_781 = arith.index_cast %scan3A_40 : i32 to index
      %get3A_782 = arith.constant 848 : index
      %get3A_783 = tpu.vector_load %arg6[%get3A_781, %get3A_782] {strides = array<i32>} : memref<32x1024xf32, #tpu.memory_space<vmem>>, vector<1x16xf32>,
      %get3A_784 = vector.shape_cast %get3A_783 : vector<1x16xf32> to vector<16xf32>
      %get3A_785 = arith.index_cast %scan3A_40 : i32 to index
      %get3A_786 = arith.constant 848 : index
      %get3A_787 = tpu.vector_load %arg7[%get3A_785, %get3A_786] {strides = array<i32>} : memref<32x1024xf32, #tpu.memory_space<vmem>>, vector<1x16xf32>,
      %get3A_788 = vector.shape_cast %get3A_787 : vector<1x16xf32> to vector<16xf32>
      %add3A_789 = arith.addf %get3A_784, %get3A_788 : vector<16xf32>
      %swap3A_790 = arith.index_cast %scan3A_40 : i32 to index
      %swap3A_791 = arith.constant 848 : index
      %swap3A_792 = tpu.vector_load %arg6[%swap3A_790, %swap3A_791] {strides = array<i32>} : memref<32x1024xf32, #tpu.memory_space<vmem>>, vector<1x16xf32>,
      %swap3A_793 = vector.shape_cast %swap3A_792 : vector<1x16xf32> to vector<16xf32>
      %swap3A_794 = vector.shape_cast %add3A_789 : vector<16xf32> to vector<1x16xf32>
      tpu.vector_store %arg6[%swap3A_790, %swap3A_791], %swap3A_794 {strides = array<i32>} : memref<32x1024xf32, #tpu.memory_space<vmem>>, vector<1x16xf32>,
      %get3A_795 = arith.index_cast %scan3A_40 : i32 to index
      %get3A_796 = arith.constant 864 : index
      %get3A_797 = tpu.vector_load %arg6[%get3A_795, %get3A_796] {strides = array<i32>} : memref<32x1024xf32, #tpu.memory_space<vmem>>, vector<1x16xf32>,
      %get3A_798 = vector.shape_cast %get3A_797 : vector<1x16xf32> to vector<16xf32>
      %get3A_799 = arith.index_cast %scan3A_40 : i32 to index
      %get3A_800 = arith.constant 864 : index
      %get3A_801 = tpu.vector_load %arg7[%get3A_799, %get3A_800] {strides = array<i32>} : memref<32x1024xf32, #tpu.memory_space<vmem>>, vector<1x16xf32>,
      %get3A_802 = vector.shape_cast %get3A_801 : vector<1x16xf32> to vector<16xf32>
      %add3A_803 = arith.addf %get3A_798, %get3A_802 : vector<16xf32>
      %swap3A_804 = arith.index_cast %scan3A_40 : i32 to index
      %swap3A_805 = arith.constant 864 : index
      %swap3A_806 = tpu.vector_load %arg6[%swap3A_804, %swap3A_805] {strides = array<i32>} : memref<32x1024xf32, #tpu.memory_space<vmem>>, vector<1x16xf32>,
      %swap3A_807 = vector.shape_cast %swap3A_806 : vector<1x16xf32> to vector<16xf32>
      %swap3A_808 = vector.shape_cast %add3A_803 : vector<16xf32> to vector<1x16xf32>
      tpu.vector_store %arg6[%swap3A_804, %swap3A_805], %swap3A_808 {strides = array<i32>} : memref<32x1024xf32, #tpu.memory_space<vmem>>, vector<1x16xf32>,
      %get3A_809 = arith.index_cast %scan3A_40 : i32 to index
      %get3A_810 = arith.constant 880 : index
      %get3A_811 = tpu.vector_load %arg6[%get3A_809, %get3A_810] {strides = array<i32>} : memref<32x1024xf32, #tpu.memory_space<vmem>>, vector<1x16xf32>,
      %get3A_812 = vector.shape_cast %get3A_811 : vector<1x16xf32> to vector<16xf32>
      %get3A_813 = arith.index_cast %scan3A_40 : i32 to index
      %get3A_814 = arith.constant 880 : index
      %get3A_815 = tpu.vector_load %arg7[%get3A_813, %get3A_814] {strides = array<i32>} : memref<32x1024xf32, #tpu.memory_space<vmem>>, vector<1x16xf32>,
      %get3A_816 = vector.shape_cast %get3A_815 : vector<1x16xf32> to vector<16xf32>
      %add3A_817 = arith.addf %get3A_812, %get3A_816 : vector<16xf32>
      %swap3A_818 = arith.index_cast %scan3A_40 : i32 to index
      %swap3A_819 = arith.constant 880 : index
      %swap3A_820 = tpu.vector_load %arg6[%swap3A_818, %swap3A_819] {strides = array<i32>} : memref<32x1024xf32, #tpu.memory_space<vmem>>, vector<1x16xf32>,
      %swap3A_821 = vector.shape_cast %swap3A_820 : vector<1x16xf32> to vector<16xf32>
      %swap3A_822 = vector.shape_cast %add3A_817 : vector<16xf32> to vector<1x16xf32>
      tpu.vector_store %arg6[%swap3A_818, %swap3A_819], %swap3A_822 {strides = array<i32>} : memref<32x1024xf32, #tpu.memory_space<vmem>>, vector<1x16xf32>,
      %get3A_823 = arith.index_cast %scan3A_40 : i32 to index
      %get3A_824 = arith.constant 896 : index
      %get3A_825 = tpu.vector_load %arg6[%get3A_823, %get3A_824] {strides = array<i32>} : memref<32x1024xf32, #tpu.memory_space<vmem>>, vector<1x16xf32>,
      %get3A_826 = vector.shape_cast %get3A_825 : vector<1x16xf32> to vector<16xf32>
      %get3A_827 = arith.index_cast %scan3A_40 : i32 to index
      %get3A_828 = arith.constant 896 : index
      %get3A_829 = tpu.vector_load %arg7[%get3A_827, %get3A_828] {strides = array<i32>} : memref<32x1024xf32, #tpu.memory_space<vmem>>, vector<1x16xf32>,
      %get3A_830 = vector.shape_cast %get3A_829 : vector<1x16xf32> to vector<16xf32>
      %add3A_831 = arith.addf %get3A_826, %get3A_830 : vector<16xf32>
      %swap3A_832 = arith.index_cast %scan3A_40 : i32 to index
      %swap3A_833 = arith.constant 896 : index
      %swap3A_834 = tpu.vector_load %arg6[%swap3A_832, %swap3A_833] {strides = array<i32>} : memref<32x1024xf32, #tpu.memory_space<vmem>>, vector<1x16xf32>,
      %swap3A_835 = vector.shape_cast %swap3A_834 : vector<1x16xf32> to vector<16xf32>
      %swap3A_836 = vector.shape_cast %add3A_831 : vector<16xf32> to vector<1x16xf32>
      tpu.vector_store %arg6[%swap3A_832, %swap3A_833], %swap3A_836 {strides = array<i32>} : memref<32x1024xf32, #tpu.memory_space<vmem>>, vector<1x16xf32>,
      %get3A_837 = arith.index_cast %scan3A_40 : i32 to index
      %get3A_838 = arith.constant 912 : index
      %get3A_839 = tpu.vector_load %arg6[%get3A_837, %get3A_838] {strides = array<i32>} : memref<32x1024xf32, #tpu.memory_space<vmem>>, vector<1x16xf32>,
      %get3A_840 = vector.shape_cast %get3A_839 : vector<1x16xf32> to vector<16xf32>
      %get3A_841 = arith.index_cast %scan3A_40 : i32 to index
      %get3A_842 = arith.constant 912 : index
      %get3A_843 = tpu.vector_load %arg7[%get3A_841, %get3A_842] {strides = array<i32>} : memref<32x1024xf32, #tpu.memory_space<vmem>>, vector<1x16xf32>,
      %get3A_844 = vector.shape_cast %get3A_843 : vector<1x16xf32> to vector<16xf32>
      %add3A_845 = arith.addf %get3A_840, %get3A_844 : vector<16xf32>
      %swap3A_846 = arith.index_cast %scan3A_40 : i32 to index
      %swap3A_847 = arith.constant 912 : index
      %swap3A_848 = tpu.vector_load %arg6[%swap3A_846, %swap3A_847] {strides = array<i32>} : memref<32x1024xf32, #tpu.memory_space<vmem>>, vector<1x16xf32>,
      %swap3A_849 = vector.shape_cast %swap3A_848 : vector<1x16xf32> to vector<16xf32>
      %swap3A_850 = vector.shape_cast %add3A_845 : vector<16xf32> to vector<1x16xf32>
      tpu.vector_store %arg6[%swap3A_846, %swap3A_847], %swap3A_850 {strides = array<i32>} : memref<32x1024xf32, #tpu.memory_space<vmem>>, vector<1x16xf32>,
      %get3A_851 = arith.index_cast %scan3A_40 : i32 to index
      %get3A_852 = arith.constant 928 : index
      %get3A_853 = tpu.vector_load %arg6[%get3A_851, %get3A_852] {strides = array<i32>} : memref<32x1024xf32, #tpu.memory_space<vmem>>, vector<1x16xf32>,
      %get3A_854 = vector.shape_cast %get3A_853 : vector<1x16xf32> to vector<16xf32>
      %get3A_855 = arith.index_cast %scan3A_40 : i32 to index
      %get3A_856 = arith.constant 928 : index
      %get3A_857 = tpu.vector_load %arg7[%get3A_855, %get3A_856] {strides = array<i32>} : memref<32x1024xf32, #tpu.memory_space<vmem>>, vector<1x16xf32>,
      %get3A_858 = vector.shape_cast %get3A_857 : vector<1x16xf32> to vector<16xf32>
      %add3A_859 = arith.addf %get3A_854, %get3A_858 : vector<16xf32>
      %swap3A_860 = arith.index_cast %scan3A_40 : i32 to index
      %swap3A_861 = arith.constant 928 : index
      %swap3A_862 = tpu.vector_load %arg6[%swap3A_860, %swap3A_861] {strides = array<i32>} : memref<32x1024xf32, #tpu.memory_space<vmem>>, vector<1x16xf32>,
      %swap3A_863 = vector.shape_cast %swap3A_862 : vector<1x16xf32> to vector<16xf32>
      %swap3A_864 = vector.shape_cast %add3A_859 : vector<16xf32> to vector<1x16xf32>
      tpu.vector_store %arg6[%swap3A_860, %swap3A_861], %swap3A_864 {strides = array<i32>} : memref<32x1024xf32, #tpu.memory_space<vmem>>, vector<1x16xf32>,
      %get3A_865 = arith.index_cast %scan3A_40 : i32 to index
      %get3A_866 = arith.constant 944 : index
      %get3A_867 = tpu.vector_load %arg6[%get3A_865, %get3A_866] {strides = array<i32>} : memref<32x1024xf32, #tpu.memory_space<vmem>>, vector<1x16xf32>,
      %get3A_868 = vector.shape_cast %get3A_867 : vector<1x16xf32> to vector<16xf32>
      %get3A_869 = arith.index_cast %scan3A_40 : i32 to index
      %get3A_870 = arith.constant 944 : index
      %get3A_871 = tpu.vector_load %arg7[%get3A_869, %get3A_870] {strides = array<i32>} : memref<32x1024xf32, #tpu.memory_space<vmem>>, vector<1x16xf32>,
      %get3A_872 = vector.shape_cast %get3A_871 : vector<1x16xf32> to vector<16xf32>
      %add3A_873 = arith.addf %get3A_868, %get3A_872 : vector<16xf32>
      %swap3A_874 = arith.index_cast %scan3A_40 : i32 to index
      %swap3A_875 = arith.constant 944 : index
      %swap3A_876 = tpu.vector_load %arg6[%swap3A_874, %swap3A_875] {strides = array<i32>} : memref<32x1024xf32, #tpu.memory_space<vmem>>, vector<1x16xf32>,
      %swap3A_877 = vector.shape_cast %swap3A_876 : vector<1x16xf32> to vector<16xf32>
      %swap3A_878 = vector.shape_cast %add3A_873 : vector<16xf32> to vector<1x16xf32>
      tpu.vector_store %arg6[%swap3A_874, %swap3A_875], %swap3A_878 {strides = array<i32>} : memref<32x1024xf32, #tpu.memory_space<vmem>>, vector<1x16xf32>,
      %get3A_879 = arith.index_cast %scan3A_40 : i32 to index
      %get3A_880 = arith.constant 960 : index
      %get3A_881 = tpu.vector_load %arg6[%get3A_879, %get3A_880] {strides = array<i32>} : memref<32x1024xf32, #tpu.memory_space<vmem>>, vector<1x16xf32>,
      %get3A_882 = vector.shape_cast %get3A_881 : vector<1x16xf32> to vector<16xf32>
      %get3A_883 = arith.index_cast %scan3A_40 : i32 to index
      %get3A_884 = arith.constant 960 : index
      %get3A_885 = tpu.vector_load %arg7[%get3A_883, %get3A_884] {strides = array<i32>} : memref<32x1024xf32, #tpu.memory_space<vmem>>, vector<1x16xf32>,
      %get3A_886 = vector.shape_cast %get3A_885 : vector<1x16xf32> to vector<16xf32>
      %add3A_887 = arith.addf %get3A_882, %get3A_886 : vector<16xf32>
      %swap3A_888 = arith.index_cast %scan3A_40 : i32 to index
      %swap3A_889 = arith.constant 960 : index
      %swap3A_890 = tpu.vector_load %arg6[%swap3A_888, %swap3A_889] {strides = array<i32>} : memref<32x1024xf32, #tpu.memory_space<vmem>>, vector<1x16xf32>,
      %swap3A_891 = vector.shape_cast %swap3A_890 : vector<1x16xf32> to vector<16xf32>
      %swap3A_892 = vector.shape_cast %add3A_887 : vector<16xf32> to vector<1x16xf32>
      tpu.vector_store %arg6[%swap3A_888, %swap3A_889], %swap3A_892 {strides = array<i32>} : memref<32x1024xf32, #tpu.memory_space<vmem>>, vector<1x16xf32>,
      %get3A_893 = arith.index_cast %scan3A_40 : i32 to index
      %get3A_894 = arith.constant 976 : index
      %get3A_895 = tpu.vector_load %arg6[%get3A_893, %get3A_894] {strides = array<i32>} : memref<32x1024xf32, #tpu.memory_space<vmem>>, vector<1x16xf32>,
      %get3A_896 = vector.shape_cast %get3A_895 : vector<1x16xf32> to vector<16xf32>
      %get3A_897 = arith.index_cast %scan3A_40 : i32 to index
      %get3A_898 = arith.constant 976 : index
      %get3A_899 = tpu.vector_load %arg7[%get3A_897, %get3A_898] {strides = array<i32>} : memref<32x1024xf32, #tpu.memory_space<vmem>>, vector<1x16xf32>,
      %get3A_900 = vector.shape_cast %get3A_899 : vector<1x16xf32> to vector<16xf32>
      %add3A_901 = arith.addf %get3A_896, %get3A_900 : vector<16xf32>
      %swap3A_902 = arith.index_cast %scan3A_40 : i32 to index
      %swap3A_903 = arith.constant 976 : index
      %swap3A_904 = tpu.vector_load %arg6[%swap3A_902, %swap3A_903] {strides = array<i32>} : memref<32x1024xf32, #tpu.memory_space<vmem>>, vector<1x16xf32>,
      %swap3A_905 = vector.shape_cast %swap3A_904 : vector<1x16xf32> to vector<16xf32>
      %swap3A_906 = vector.shape_cast %add3A_901 : vector<16xf32> to vector<1x16xf32>
      tpu.vector_store %arg6[%swap3A_902, %swap3A_903], %swap3A_906 {strides = array<i32>} : memref<32x1024xf32, #tpu.memory_space<vmem>>, vector<1x16xf32>,
      %get3A_907 = arith.index_cast %scan3A_40 : i32 to index
      %get3A_908 = arith.constant 992 : index
      %get3A_909 = tpu.vector_load %arg6[%get3A_907, %get3A_908] {strides = array<i32>} : memref<32x1024xf32, #tpu.memory_space<vmem>>, vector<1x16xf32>,
      %get3A_910 = vector.shape_cast %get3A_909 : vector<1x16xf32> to vector<16xf32>
      %get3A_911 = arith.index_cast %scan3A_40 : i32 to index
      %get3A_912 = arith.constant 992 : index
      %get3A_913 = tpu.vector_load %arg7[%get3A_911, %get3A_912] {strides = array<i32>} : memref<32x1024xf32, #tpu.memory_space<vmem>>, vector<1x16xf32>,
      %get3A_914 = vector.shape_cast %get3A_913 : vector<1x16xf32> to vector<16xf32>
      %add3A_915 = arith.addf %get3A_910, %get3A_914 : vector<16xf32>
      %swap3A_916 = arith.index_cast %scan3A_40 : i32 to index
      %swap3A_917 = arith.constant 992 : index
      %swap3A_918 = tpu.vector_load %arg6[%swap3A_916, %swap3A_917] {strides = array<i32>} : memref<32x1024xf32, #tpu.memory_space<vmem>>, vector<1x16xf32>,
      %swap3A_919 = vector.shape_cast %swap3A_918 : vector<1x16xf32> to vector<16xf32>
      %swap3A_920 = vector.shape_cast %add3A_915 : vector<16xf32> to vector<1x16xf32>
      tpu.vector_store %arg6[%swap3A_916, %swap3A_917], %swap3A_920 {strides = array<i32>} : memref<32x1024xf32, #tpu.memory_space<vmem>>, vector<1x16xf32>,
      %get3A_921 = arith.index_cast %scan3A_40 : i32 to index
      %get3A_922 = arith.constant 1008 : index
      %get3A_923 = tpu.vector_load %arg6[%get3A_921, %get3A_922] {strides = array<i32>} : memref<32x1024xf32, #tpu.memory_space<vmem>>, vector<1x16xf32>,
      %get3A_924 = vector.shape_cast %get3A_923 : vector<1x16xf32> to vector<16xf32>
      %get3A_925 = arith.index_cast %scan3A_40 : i32 to index
      %get3A_926 = arith.constant 1008 : index
      %get3A_927 = tpu.vector_load %arg7[%get3A_925, %get3A_926] {strides = array<i32>} : memref<32x1024xf32, #tpu.memory_space<vmem>>, vector<1x16xf32>,
      %get3A_928 = vector.shape_cast %get3A_927 : vector<1x16xf32> to vector<16xf32>
      %add3A_929 = arith.addf %get3A_924, %get3A_928 : vector<16xf32>
      %swap3A_930 = arith.index_cast %scan3A_40 : i32 to index
      %swap3A_931 = arith.constant 1008 : index
      %swap3A_932 = tpu.vector_load %arg6[%swap3A_930, %swap3A_931] {strides = array<i32>} : memref<32x1024xf32, #tpu.memory_space<vmem>>, vector<1x16xf32>,
      %swap3A_933 = vector.shape_cast %swap3A_932 : vector<1x16xf32> to vector<16xf32>
      %swap3A_934 = vector.shape_cast %add3A_929 : vector<16xf32> to vector<1x16xf32>
      tpu.vector_store %arg6[%swap3A_930, %swap3A_931], %swap3A_934 {strides = array<i32>} : memref<32x1024xf32, #tpu.memory_space<vmem>>, vector<1x16xf32>,
    }
    %scan3A_39 = arith.constant 32 : i32
    "tpu.region"() ({
      %run_scoped3A = tpu.sem_alloc : memref<!tpu.dma_semaphore, #tpu.memory_space<semaphore_mem>>
      %dma_start3A_40 = arith.constant 0 : i32
      %dma_start3A_41 = tpu.memref_slice %arg5[%add3A_21, %dma_start3A_40] : memref<2048x1024xf32, #tpu.memory_space<hbm>> -> memref<32x1024xf32, #tpu.memory_space<hbm>>
      %dma_start3A_42 = arith.constant 0 : i32
      %dma_start3A_43 = tpu.memref_slice %arg5[%add3A_21, %dma_start3A_42] : memref<2048x1024xf32, #tpu.memory_space<hbm>> -> memref<32x1024xf32, #tpu.memory_space<hbm>>
      tpu.enqueue_dma source(%arg6 : memref<32x1024xf32, #tpu.memory_space<vmem>>) target(%dma_start3A_43 : memref<32x1024xf32, #tpu.memory_space<hbm>>) target_semaphore(%run_scoped3A : memref<!tpu.dma_semaphore, #tpu.memory_space<semaphore_mem>>)
      %dma_wait3A_44 = arith.constant 0 : i32
      %dma_wait3A_45 = tpu.memref_slice %arg5[%add3A_21, %dma_wait3A_44] : memref<2048x1024xf32, #tpu.memory_space<hbm>> -> memref<32x1024xf32, #tpu.memory_space<hbm>>
      %dma_wait3A_46 = arith.constant 0 : i32
      %dma_wait3A_47 = tpu.memref_slice %arg5[%add3A_21, %dma_wait3A_46] : memref<2048x1024xf32, #tpu.memory_space<hbm>> -> memref<32x1024xf32, #tpu.memory_space<hbm>>
      tpu.wait_dma2 semaphore(%run_scoped3A : memref<!tpu.dma_semaphore, #tpu.memory_space<semaphore_mem>>) src(%arg6 : memref<32x1024xf32, #tpu.memory_space<vmem>>) dst(%dma_wait3A_47 : memref<32x1024xf32, #tpu.memory_space<hbm>>)
      tpu.yield
    }) : () -> ()
    return
  }
}

#map = affine_map<(d0, d1) -> (0, 0)>
#map1 = affine_map<(d0, d1) -> (0)>
module attributes {stable_mosaic.version = 14 : i64} {
  func.func @_dispatch_body(%arg0: i32, %arg1: i32, %arg2: memref<2048x1024xf32, #tpu.memory_space<hbm>>, %arg3: memref<2048xi32, #tpu.memory_space<hbm>>, %arg4: memref<2048xi32, #tpu.memory_space<hbm>>, %arg5: memref<5120x1024xf32, #tpu.memory_space<hbm>>, %arg6: memref<64x1024xf32, #tpu.memory_space<vmem>>, %arg7: memref<64xi32, #tpu.memory_space<vmem>>, %arg8: memref<64xi32, #tpu.memory_space<vmem>>, %arg9: memref<!tpu.dma_semaphore, #tpu.memory_space<semaphore_mem>>) attributes {dimension_semantics = [#tpu.dimension_semantics<core_parallel>, #tpu.dimension_semantics<subcore_parallel>], iteration_bounds = array<i64: 2, 16>, scalar_prefetch = 0 : i64, scratch_operands = 4 : i64, tpu.core_type = #tpu.core_type<sc_vector_subcore>, window_params = [{transform_indices = #map}, {transform_indices = #map1}, {transform_indices = #map1}, {transform_indices = #map}]} {
    %mul3A = arith.constant 2 : i32
    %mul3A_0 = arith.muli %arg1, %mul3A : i32
    %add3A = arith.addi %mul3A_0, %arg0 : i32
    %mul3A_1 = arith.constant 64 : i32
    %mul3A_2 = arith.muli %add3A, %mul3A_1 : i32
    "tpu.region"() ({
      %run_scoped3A = tpu.sem_alloc : memref<!tpu.dma_semaphore, #tpu.memory_space<semaphore_mem>>
      %dma_start3A_13 = arith.constant 0 : i32
      %dma_start3A_14 = tpu.memref_slice %arg2[%mul3A_2, %dma_start3A_13] : memref<2048x1024xf32, #tpu.memory_space<hbm>> -> memref<64x1024xf32, #tpu.memory_space<hbm>>
      %dma_start3A_15 = arith.constant 0 : i32
      %dma_start3A_16 = tpu.memref_slice %arg2[%mul3A_2, %dma_start3A_15] : memref<2048x1024xf32, #tpu.memory_space<hbm>> -> memref<64x1024xf32, #tpu.memory_space<hbm>>
      tpu.enqueue_dma source(%dma_start3A_16 : memref<64x1024xf32, #tpu.memory_space<hbm>>) target(%arg6 : memref<64x1024xf32, #tpu.memory_space<vmem>>) target_semaphore(%run_scoped3A : memref<!tpu.dma_semaphore, #tpu.memory_space<semaphore_mem>>)
      %dma_wait3A_17 = arith.constant 0 : i32
      %dma_wait3A_18 = tpu.memref_slice %arg2[%mul3A_2, %dma_wait3A_17] : memref<2048x1024xf32, #tpu.memory_space<hbm>> -> memref<64x1024xf32, #tpu.memory_space<hbm>>
      %dma_wait3A_19 = arith.constant 0 : i32
      %dma_wait3A_20 = tpu.memref_slice %arg2[%mul3A_2, %dma_wait3A_19] : memref<2048x1024xf32, #tpu.memory_space<hbm>> -> memref<64x1024xf32, #tpu.memory_space<hbm>>
      tpu.wait_dma2 semaphore(%run_scoped3A : memref<!tpu.dma_semaphore, #tpu.memory_space<semaphore_mem>>) src(%dma_wait3A_20 : memref<64x1024xf32, #tpu.memory_space<hbm>>) dst(%arg6 : memref<64x1024xf32, #tpu.memory_space<vmem>>)
      tpu.yield
    }) : () -> ()
    "tpu.region"() ({
      %run_scoped3A = tpu.sem_alloc : memref<!tpu.dma_semaphore, #tpu.memory_space<semaphore_mem>>
      %dma_start3A_13 = tpu.memref_slice %arg3[%mul3A_2] : memref<2048xi32, #tpu.memory_space<hbm>> -> memref<64xi32, #tpu.memory_space<hbm>>
      %dma_start3A_14 = tpu.memref_slice %arg3[%mul3A_2] : memref<2048xi32, #tpu.memory_space<hbm>> -> memref<64xi32, #tpu.memory_space<hbm>>
      tpu.enqueue_dma source(%dma_start3A_14 : memref<64xi32, #tpu.memory_space<hbm>>) target(%arg7 : memref<64xi32, #tpu.memory_space<vmem>>) target_semaphore(%run_scoped3A : memref<!tpu.dma_semaphore, #tpu.memory_space<semaphore_mem>>)
      %dma_wait3A_15 = tpu.memref_slice %arg3[%mul3A_2] : memref<2048xi32, #tpu.memory_space<hbm>> -> memref<64xi32, #tpu.memory_space<hbm>>
      %dma_wait3A_16 = tpu.memref_slice %arg3[%mul3A_2] : memref<2048xi32, #tpu.memory_space<hbm>> -> memref<64xi32, #tpu.memory_space<hbm>>
      tpu.wait_dma2 semaphore(%run_scoped3A : memref<!tpu.dma_semaphore, #tpu.memory_space<semaphore_mem>>) src(%dma_wait3A_16 : memref<64xi32, #tpu.memory_space<hbm>>) dst(%arg7 : memref<64xi32, #tpu.memory_space<vmem>>)
      tpu.yield
    }) : () -> ()
    "tpu.region"() ({
      %run_scoped3A = tpu.sem_alloc : memref<!tpu.dma_semaphore, #tpu.memory_space<semaphore_mem>>
      %dma_start3A_13 = tpu.memref_slice %arg4[%mul3A_2] : memref<2048xi32, #tpu.memory_space<hbm>> -> memref<64xi32, #tpu.memory_space<hbm>>
      %dma_start3A_14 = tpu.memref_slice %arg4[%mul3A_2] : memref<2048xi32, #tpu.memory_space<hbm>> -> memref<64xi32, #tpu.memory_space<hbm>>
      tpu.enqueue_dma source(%dma_start3A_14 : memref<64xi32, #tpu.memory_space<hbm>>) target(%arg8 : memref<64xi32, #tpu.memory_space<vmem>>) target_semaphore(%run_scoped3A : memref<!tpu.dma_semaphore, #tpu.memory_space<semaphore_mem>>)
      %dma_wait3A_15 = tpu.memref_slice %arg4[%mul3A_2] : memref<2048xi32, #tpu.memory_space<hbm>> -> memref<64xi32, #tpu.memory_space<hbm>>
      %dma_wait3A_16 = tpu.memref_slice %arg4[%mul3A_2] : memref<2048xi32, #tpu.memory_space<hbm>> -> memref<64xi32, #tpu.memory_space<hbm>>
      tpu.wait_dma2 semaphore(%run_scoped3A : memref<!tpu.dma_semaphore, #tpu.memory_space<semaphore_mem>>) src(%dma_wait3A_16 : memref<64xi32, #tpu.memory_space<hbm>>) dst(%arg8 : memref<64xi32, #tpu.memory_space<vmem>>)
      tpu.yield
    }) : () -> ()
    %dma_start3A = arith.constant 0 : i32
    %dma_start3A_3 = arith.constant 0 : i32
    %dma_start3A_4 = tpu.memref_slice %arg5[%dma_start3A, %dma_start3A_3] : memref<5120x1024xf32, #tpu.memory_space<hbm>> -> memref<5120x1024xf32, #tpu.memory_space<hbm>>
    tpu.enqueue_indirect_dma source(%arg6 : memref<64x1024xf32, #tpu.memory_space<vmem>>) target(%dma_start3A_4 : memref<5120x1024xf32, #tpu.memory_space<hbm>>) offsets(%arg7 : memref<64xi32, #tpu.memory_space<vmem>>) semaphore(%arg9 : memref<!tpu.dma_semaphore, #tpu.memory_space<semaphore_mem>>)
    %dma_wait3A = arith.constant 0 : i32
    %dma_wait3A_5 = arith.constant 0 : i32
    %dma_wait3A_6 = tpu.memref_slice %arg5[%dma_wait3A, %dma_wait3A_5] : memref<5120x1024xf32, #tpu.memory_space<hbm>> -> memref<5120x1024xf32, #tpu.memory_space<hbm>>
    tpu.wait_indirect_dma semaphore(%arg9 : memref<!tpu.dma_semaphore, #tpu.memory_space<semaphore_mem>>) src(%arg6 : memref<64x1024xf32, #tpu.memory_space<vmem>>) dst(%dma_wait3A_6 : memref<5120x1024xf32, #tpu.memory_space<hbm>>)
    %dma_start3A_7 = arith.constant 0 : i32
    %dma_start3A_8 = arith.constant 0 : i32
    %dma_start3A_9 = tpu.memref_slice %arg5[%dma_start3A_7, %dma_start3A_8] : memref<5120x1024xf32, #tpu.memory_space<hbm>> -> memref<5120x1024xf32, #tpu.memory_space<hbm>>
    tpu.enqueue_indirect_dma source(%arg6 : memref<64x1024xf32, #tpu.memory_space<vmem>>) target(%dma_start3A_9 : memref<5120x1024xf32, #tpu.memory_space<hbm>>) offsets(%arg8 : memref<64xi32, #tpu.memory_space<vmem>>) semaphore(%arg9 : memref<!tpu.dma_semaphore, #tpu.memory_space<semaphore_mem>>)
    %dma_wait3A_10 = arith.constant 0 : i32
    %dma_wait3A_11 = arith.constant 0 : i32
    %dma_wait3A_12 = tpu.memref_slice %arg5[%dma_wait3A_10, %dma_wait3A_11] : memref<5120x1024xf32, #tpu.memory_space<hbm>> -> memref<5120x1024xf32, #tpu.memory_space<hbm>>
    tpu.wait_indirect_dma semaphore(%arg9 : memref<!tpu.dma_semaphore, #tpu.memory_space<semaphore_mem>>) src(%arg6 : memref<64x1024xf32, #tpu.memory_space<vmem>>) dst(%dma_wait3A_12 : memref<5120x1024xf32, #tpu.memory_space<hbm>>)
    return
  }
}

module attributes {stable_mosaic.version = 14 : i64} {
  func.func @_gmm_kernel(%arg0: i32, %arg1: memref<48xi32, #tpu.memory_space<smem>>, %arg2: memref<128x1024xf32, #tpu.memory_space<vmem>>, %arg3: memref<1x1024x1024xf32, #tpu.memory_space<vmem>>, %arg4: memref<1x1x1024xf32, #tpu.memory_space<vmem>>, %arg5: memref<1x1xf32, #tpu.memory_space<vmem>>, %arg6: memref<128x1024xf32, #tpu.memory_space<vmem>>) attributes {dimension_semantics = [#tpu.dimension_semantics<arbitrary>], iteration_bounds = array<i64: 40>, scalar_prefetch = 1 : i64, scratch_operands = 0 : i64, tpu.core_type = #tpu.core_type<tc>, window_params = [{transform_indices = @transform_0, window_bounds = array<i64: 128, 1024>}, {transform_indices = @transform_1, window_bounds = array<i64: 1, 1024, 1024>}, {transform_indices = @transform_2, window_bounds = array<i64: 1, 1, 1024>}, {pipeline_mode = #tpu.pipeline_mode<synchronous>, transform_indices = @transform_3, window_bounds = array<i64: 1, 1>}, {transform_indices = @transform_4, window_bounds = array<i64: 128, 1024>}]} {
    %get3A = arith.constant 0 : index
    %get3A_0 = arith.constant 0 : index
    %get3A_1 = vector.load %arg2[%get3A, %get3A_0] : memref<128x1024xf32, #tpu.memory_space<vmem>>, vector<128x1024xf32>
    %get3A_2 = arith.constant 0 : index
    %get3A_3 = arith.constant 0 : index
    %get3A_4 = arith.constant 0 : index
    %get3A_5 = vector.load %arg3[%get3A_2, %get3A_3, %get3A_4] : memref<1x1024x1024xf32, #tpu.memory_space<vmem>>, vector<1x1024x1024xf32>
    %get3A_6 = vector.shape_cast %get3A_5 : vector<1x1024x1024xf32> to vector<1024x1024xf32>
    %dot_general3A = arith.constant dense<0.000000e+00> : vector<128x1024xf32>
    %dot_general3A_7 = tpu.matmul %get3A_1, %get3A_6, %dot_general3A {dimension_numbers = #tpu.dot_dimension_numbers<[1], [1], [0], [0], [0, 0, 1, 0], [], []>, transpose_lhs_hint = false} : vector<128x1024xf32>, vector<1024x1024xf32>, vector<128x1024xf32> -> vector<128x1024xf32>
    %get3A_8 = arith.constant 0 : index
    %get3A_9 = arith.constant 0 : index
    %get3A_10 = vector.load %arg5[%get3A_8, %get3A_9] : memref<1x1xf32, #tpu.memory_space<vmem>>, vector<1x1xf32>
    %get3A_11 = vector.extract %get3A_10[0, 0] : f32 from vector<1x1xf32>
    %get3A_12 = arith.constant 0 : index
    %get3A_13 = arith.constant 0 : index
    %get3A_14 = arith.constant 0 : index
    %get3A_15 = vector.load %arg4[%get3A_12, %get3A_13, %get3A_14] : memref<1x1x1024xf32, #tpu.memory_space<vmem>>, vector<1x1x1024xf32>
    %get3A_16 = vector.shape_cast %get3A_15 : vector<1x1x1024xf32> to vector<1x1024xf32>
    %add3A = vector.broadcast %get3A_16 : vector<1x1024xf32> to vector<128x1024xf32>
    %add3A_17 = arith.addf %dot_general3A_7, %add3A : vector<128x1024xf32>
    %mul3A = vector.broadcast %get3A_11 : f32 to vector<128x1024xf32>
    %mul3A_18 = arith.mulf %mul3A, %add3A_17 : vector<128x1024xf32>
    %swap3A = arith.constant 0 : index
    %swap3A_19 = arith.constant 0 : index
    %swap3A_20 = vector.load %arg6[%swap3A, %swap3A_19] : memref<128x1024xf32, #tpu.memory_space<vmem>>, vector<128x1024xf32>
    tpu.vector_store %arg6[%swap3A, %swap3A_19], %mul3A_18 {strides = array<i32>} : memref<128x1024xf32, #tpu.memory_space<vmem>>, vector<128x1024xf32>,
    return
  }
  func.func @transform_0(%arg0: i32, %arg1: memref<48xi32, #tpu.memory_space<smem>>) -> (i32, i32) {
    %c0_i32 = arith.constant 0 : i32
    %c0_i32_0 = arith.constant 0 : i32
    return %arg0, %c0_i32 : i32, i32
  }
  func.func @transform_1(%arg0: i32, %arg1: memref<48xi32, #tpu.memory_space<smem>>) -> (i32, i32, i32) {
    %get3A = arith.index_cast %arg0 : i32 to index
    %get3A_0 = memref.load %arg1[%get3A] : memref<48xi32, #tpu.memory_space<smem>>
    %c0_i32 = arith.constant 0 : i32
    %c0_i32_1 = arith.constant 0 : i32
    %c0_i32_2 = arith.constant 0 : i32
    return %get3A_0, %c0_i32, %c0_i32_1 : i32, i32, i32
  }
  func.func @transform_2(%arg0: i32, %arg1: memref<48xi32, #tpu.memory_space<smem>>) -> (i32, i32, i32) {
    %get3A = arith.index_cast %arg0 : i32 to index
    %get3A_0 = memref.load %arg1[%get3A] : memref<48xi32, #tpu.memory_space<smem>>
    %c0_i32 = arith.constant 0 : i32
    %c0_i32_1 = arith.constant 0 : i32
    %c0_i32_2 = arith.constant 0 : i32
    return %get3A_0, %c0_i32, %c0_i32_1 : i32, i32, i32
  }
  func.func @transform_3(%arg0: i32, %arg1: memref<48xi32, #tpu.memory_space<smem>>) -> (i32, i32) {
    %c0_i32 = arith.constant 0 : i32
    %c0_i32_0 = arith.constant 0 : i32
    %c0_i32_1 = arith.constant 0 : i32
    return %c0_i32, %c0_i32_0 : i32, i32
  }
  func.func @transform_4(%arg0: i32, %arg1: memref<48xi32, #tpu.memory_space<smem>>) -> (i32, i32) {
    %c0_i32 = arith.constant 0 : i32
    %c0_i32_0 = arith.constant 0 : i32
    return %arg0, %c0_i32 : i32, i32
  }
}

module attributes {stable_mosaic.version = 14 : i64} {
  func.func @_route_kernel(%arg0: i32, %arg1: memref<2048x1024xf32, #tpu.memory_space<vmem>>, %arg2: memref<8x1024xf32, #tpu.memory_space<vmem>>, %arg3: memref<1x8xf32, #tpu.memory_space<vmem>>, %arg4: memref<1x8xf32, #tpu.memory_space<vmem>>, %arg5: memref<2048x1xi32, #tpu.memory_space<vmem>>, %arg6: memref<2048x1xi32, #tpu.memory_space<vmem>>, %arg7: memref<48x1xi32, #tpu.memory_space<vmem>>) attributes {dimension_semantics = [#tpu.dimension_semantics<arbitrary>], iteration_bounds = array<i64: 1>, scalar_prefetch = 0 : i64, scratch_operands = 0 : i64, tpu.core_type = #tpu.core_type<tc>, window_params = [{pipeline_mode = #tpu.pipeline_mode<synchronous>, transform_indices = @transform_0, window_bounds = array<i64: 2048, 1024>}, {pipeline_mode = #tpu.pipeline_mode<synchronous>, transform_indices = @transform_1, window_bounds = array<i64: 8, 1024>}, {pipeline_mode = #tpu.pipeline_mode<synchronous>, transform_indices = @transform_2, window_bounds = array<i64: 1, 8>}, {pipeline_mode = #tpu.pipeline_mode<synchronous>, transform_indices = @transform_3, window_bounds = array<i64: 1, 8>}, {pipeline_mode = #tpu.pipeline_mode<synchronous>, transform_indices = @transform_4, window_bounds = array<i64: 2048, 1>}, {pipeline_mode = #tpu.pipeline_mode<synchronous>, transform_indices = @transform_5, window_bounds = array<i64: 2048, 1>}, {pipeline_mode = #tpu.pipeline_mode<synchronous>, transform_indices = @transform_6, window_bounds = array<i64: 48, 1>}]} {
    %get3A = arith.constant 0 : index
    %get3A_0 = arith.constant 0 : index
    %get3A_1 = vector.load %arg1[%get3A, %get3A_0] : memref<2048x1024xf32, #tpu.memory_space<vmem>>, vector<2048x1024xf32>
    %get3A_2 = arith.constant 0 : index
    %get3A_3 = arith.constant 0 : index
    %get3A_4 = vector.load %arg2[%get3A_2, %get3A_3] : memref<8x1024xf32, #tpu.memory_space<vmem>>, vector<8x1024xf32>
    %mul3A = arith.mulf %get3A_1, %get3A_1 : vector<2048x1024xf32>
    %reduce_sum3A = arith.constant dense<0.000000e+00> : vector<2048xf32>
    %reduce_sum3A_5 = vector.multi_reduction <add>, %mul3A, %reduce_sum3A [1] : vector<2048x1024xf32> to vector<2048xf32>
    %broadcast_in_dim3A = vector.shape_cast %reduce_sum3A_5 : vector<2048xf32> to vector<2048x1xf32>
    %sqrt3A = math.sqrt %broadcast_in_dim3A : vector<2048x1xf32>
    %max3A = arith.constant 9.99999993E-9 : f32
    %max3A_6 = vector.broadcast %max3A : f32 to vector<2048x1xf32>
    %max3A_7 = arith.maximumf %sqrt3A, %max3A_6 : vector<2048x1xf32>
    %mul3A_8 = arith.mulf %get3A_4, %get3A_4 : vector<8x1024xf32>
    %reduce_sum3A_9 = arith.constant dense<0.000000e+00> : vector<8xf32>
    %reduce_sum3A_10 = vector.multi_reduction <add>, %mul3A_8, %reduce_sum3A_9 [1] : vector<8x1024xf32> to vector<8xf32>
    %broadcast_in_dim3A_11 = vector.shape_cast %reduce_sum3A_10 : vector<8xf32> to vector<8x1xf32>
    %sqrt3A_12 = math.sqrt %broadcast_in_dim3A_11 : vector<8x1xf32>
    %max3A_13 = arith.constant 9.99999993E-9 : f32
    %max3A_14 = vector.broadcast %max3A_13 : f32 to vector<8x1xf32>
    %max3A_15 = arith.maximumf %sqrt3A_12, %max3A_14 : vector<8x1xf32>
    %div3A = vector.broadcast %max3A_7 : vector<2048x1xf32> to vector<2048x1024xf32>
    %div3A_16 = arith.divf %get3A_1, %div3A : vector<2048x1024xf32>
    %div3A_17 = vector.broadcast %max3A_15 : vector<8x1xf32> to vector<8x1024xf32>
    %div3A_18 = arith.divf %get3A_4, %div3A_17 : vector<8x1024xf32>
    %dot_general3A = arith.constant dense<0.000000e+00> : vector<2048x8xf32>
    %dot_general3A_19 = tpu.matmul %div3A_16, %div3A_18, %dot_general3A {dimension_numbers = #tpu.dot_dimension_numbers<[1], [1], [0], [0], [0, 0, 1, 0], [], []>, precision = #tpu.contract_precision<fp32>, transpose_lhs_hint = false} : vector<2048x1024xf32>, vector<8x1024xf32>, vector<2048x8xf32> -> vector<2048x8xf32>
    %add3A = arith.constant 1.000000e+00 : f32
    %add3A_20 = vector.broadcast %add3A : f32 to vector<2048x8xf32>
    %add3A_21 = arith.addf %dot_general3A_19, %add3A_20 : vector<2048x8xf32>
    %mul3A_22 = arith.constant 5.000000e-01 : f32
    %mul3A_23 = vector.broadcast %mul3A_22 : f32 to vector<2048x8xf32>
    %mul3A_24 = arith.mulf %add3A_21, %mul3A_23 : vector<2048x8xf32>
    %get3A_25 = arith.constant 0 : index
    %get3A_26 = arith.constant 0 : index
    %get3A_27 = vector.load %arg4[%get3A_25, %get3A_26] : memref<1x8xf32, #tpu.memory_space<vmem>>, vector<1x8xf32>
    %sub3A = arith.constant 1.000000e+00 : f32
    %sub3A_28 = vector.broadcast %sub3A : f32 to vector<1x8xf32>
    %sub3A_29 = arith.subf %sub3A_28, %get3A_27 : vector<1x8xf32>
    %max3A_30 = arith.constant 0.000000e+00 : f32
    %max3A_31 = vector.broadcast %max3A_30 : f32 to vector<1x8xf32>
    %max3A_32 = arith.maximumf %max3A_31, %sub3A_29 : vector<1x8xf32>
    %get3A_33 = arith.constant 0 : index
    %get3A_34 = arith.constant 0 : index
    %get3A_35 = vector.load %arg3[%get3A_33, %get3A_34] : memref<1x8xf32, #tpu.memory_space<vmem>>, vector<1x8xf32>
    %mul3A_36 = arith.constant 4.000000e-01 : f32
    %mul3A_37 = vector.broadcast %mul3A_36 : f32 to vector<1x8xf32>
    %mul3A_38 = arith.mulf %mul3A_37, %get3A_35 : vector<1x8xf32>
    %mul3A_39 = arith.constant 4.000000e-01 : f32
    %mul3A_40 = vector.broadcast %mul3A_39 : f32 to vector<2048x8xf32>
    %mul3A_41 = arith.mulf %mul3A_40, %mul3A_24 : vector<2048x8xf32>
    %add3A_42 = vector.broadcast %mul3A_38 : vector<1x8xf32> to vector<2048x8xf32>
    %add3A_43 = arith.addf %add3A_42, %mul3A_41 : vector<2048x8xf32>
    %mul3A_44 = arith.constant 2.000000e-01 : f32
    %mul3A_45 = vector.broadcast %mul3A_44 : f32 to vector<1x8xf32>
    %mul3A_46 = arith.mulf %mul3A_45, %max3A_32 : vector<1x8xf32>
    %add3A_47 = vector.broadcast %mul3A_46 : vector<1x8xf32> to vector<2048x8xf32>
    %add3A_48 = arith.addf %add3A_43, %add3A_47 : vector<2048x8xf32>
    %iota3A = tpu.iota {dimensions = array<i32: 1>} : vector<2048x8xi32>
    %broadcast_in_dim3A_49 = arith.constant 0 : i32
    %broadcast_in_dim3A_50 = vector.broadcast %broadcast_in_dim3A_49 : i32 to vector<2048x8xi32>
    %slice3A = vector.extract_strided_slice %add3A_48 {offsets = [0, 0], sizes = [2048, 1], strides = [1, 1]} : vector<2048x8xf32> to vector<2048x1xf32>
    %lt3A = vector.broadcast %slice3A : vector<2048x1xf32> to vector<2048x8xf32>
    %lt3A_51 = arith.cmpf olt, %add3A_48, %lt3A : vector<2048x8xf32>
    %eq3A = vector.broadcast %slice3A : vector<2048x1xf32> to vector<2048x8xf32>
    %eq3A_52 = arith.cmpf oeq, %add3A_48, %eq3A : vector<2048x8xf32>
    %gt3A = arith.constant 0 : i32
    %gt3A_53 = vector.broadcast %gt3A : i32 to vector<2048x8xi32>
    %gt3A_54 = arith.cmpi sgt, %iota3A, %gt3A_53 : vector<2048x8xi32>
    %and3A = arith.andi %eq3A_52, %gt3A_54 : vector<2048x8xi1>
    %or3A = arith.ori %lt3A_51, %and3A : vector<2048x8xi1>
    %convert_element_type3A = arith.extui %or3A : vector<2048x8xi1> to vector<2048x8xi32>
    %add3A_55 = arith.addi %broadcast_in_dim3A_50, %convert_element_type3A : vector<2048x8xi32>
    %slice3A_56 = vector.extract_strided_slice %add3A_48 {offsets = [0, 1], sizes = [2048, 1], strides = [1, 1]} : vector<2048x8xf32> to vector<2048x1xf32>
    %lt3A_57 = vector.broadcast %slice3A_56 : vector<2048x1xf32> to vector<2048x8xf32>
    %lt3A_58 = arith.cmpf olt, %add3A_48, %lt3A_57 : vector<2048x8xf32>
    %eq3A_59 = vector.broadcast %slice3A_56 : vector<2048x1xf32> to vector<2048x8xf32>
    %eq3A_60 = arith.cmpf oeq, %add3A_48, %eq3A_59 : vector<2048x8xf32>
    %gt3A_61 = arith.constant 1 : i32
    %gt3A_62 = vector.broadcast %gt3A_61 : i32 to vector<2048x8xi32>
    %gt3A_63 = arith.cmpi sgt, %iota3A, %gt3A_62 : vector<2048x8xi32>
    %and3A_64 = arith.andi %eq3A_60, %gt3A_63 : vector<2048x8xi1>
    %or3A_65 = arith.ori %lt3A_58, %and3A_64 : vector<2048x8xi1>
    %convert_element_type3A_66 = arith.extui %or3A_65 : vector<2048x8xi1> to vector<2048x8xi32>
    %add3A_67 = arith.addi %add3A_55, %convert_element_type3A_66 : vector<2048x8xi32>
    %slice3A_68 = vector.extract_strided_slice %add3A_48 {offsets = [0, 2], sizes = [2048, 1], strides = [1, 1]} : vector<2048x8xf32> to vector<2048x1xf32>
    %lt3A_69 = vector.broadcast %slice3A_68 : vector<2048x1xf32> to vector<2048x8xf32>
    %lt3A_70 = arith.cmpf olt, %add3A_48, %lt3A_69 : vector<2048x8xf32>
    %eq3A_71 = vector.broadcast %slice3A_68 : vector<2048x1xf32> to vector<2048x8xf32>
    %eq3A_72 = arith.cmpf oeq, %add3A_48, %eq3A_71 : vector<2048x8xf32>
    %gt3A_73 = arith.constant 2 : i32
    %gt3A_74 = vector.broadcast %gt3A_73 : i32 to vector<2048x8xi32>
    %gt3A_75 = arith.cmpi sgt, %iota3A, %gt3A_74 : vector<2048x8xi32>
    %and3A_76 = arith.andi %eq3A_72, %gt3A_75 : vector<2048x8xi1>
    %or3A_77 = arith.ori %lt3A_70, %and3A_76 : vector<2048x8xi1>
    %convert_element_type3A_78 = arith.extui %or3A_77 : vector<2048x8xi1> to vector<2048x8xi32>
    %add3A_79 = arith.addi %add3A_67, %convert_element_type3A_78 : vector<2048x8xi32>
    %slice3A_80 = vector.extract_strided_slice %add3A_48 {offsets = [0, 3], sizes = [2048, 1], strides = [1, 1]} : vector<2048x8xf32> to vector<2048x1xf32>
    %lt3A_81 = vector.broadcast %slice3A_80 : vector<2048x1xf32> to vector<2048x8xf32>
    %lt3A_82 = arith.cmpf olt, %add3A_48, %lt3A_81 : vector<2048x8xf32>
    %eq3A_83 = vector.broadcast %slice3A_80 : vector<2048x1xf32> to vector<2048x8xf32>
    %eq3A_84 = arith.cmpf oeq, %add3A_48, %eq3A_83 : vector<2048x8xf32>
    %gt3A_85 = arith.constant 3 : i32
    %gt3A_86 = vector.broadcast %gt3A_85 : i32 to vector<2048x8xi32>
    %gt3A_87 = arith.cmpi sgt, %iota3A, %gt3A_86 : vector<2048x8xi32>
    %and3A_88 = arith.andi %eq3A_84, %gt3A_87 : vector<2048x8xi1>
    %or3A_89 = arith.ori %lt3A_82, %and3A_88 : vector<2048x8xi1>
    %convert_element_type3A_90 = arith.extui %or3A_89 : vector<2048x8xi1> to vector<2048x8xi32>
    %add3A_91 = arith.addi %add3A_79, %convert_element_type3A_90 : vector<2048x8xi32>
    %slice3A_92 = vector.extract_strided_slice %add3A_48 {offsets = [0, 4], sizes = [2048, 1], strides = [1, 1]} : vector<2048x8xf32> to vector<2048x1xf32>
    %lt3A_93 = vector.broadcast %slice3A_92 : vector<2048x1xf32> to vector<2048x8xf32>
    %lt3A_94 = arith.cmpf olt, %add3A_48, %lt3A_93 : vector<2048x8xf32>
    %eq3A_95 = vector.broadcast %slice3A_92 : vector<2048x1xf32> to vector<2048x8xf32>
    %eq3A_96 = arith.cmpf oeq, %add3A_48, %eq3A_95 : vector<2048x8xf32>
    %gt3A_97 = arith.constant 4 : i32
    %gt3A_98 = vector.broadcast %gt3A_97 : i32 to vector<2048x8xi32>
    %gt3A_99 = arith.cmpi sgt, %iota3A, %gt3A_98 : vector<2048x8xi32>
    %and3A_100 = arith.andi %eq3A_96, %gt3A_99 : vector<2048x8xi1>
    %or3A_101 = arith.ori %lt3A_94, %and3A_100 : vector<2048x8xi1>
    %convert_element_type3A_102 = arith.extui %or3A_101 : vector<2048x8xi1> to vector<2048x8xi32>
    %add3A_103 = arith.addi %add3A_91, %convert_element_type3A_102 : vector<2048x8xi32>
    %slice3A_104 = vector.extract_strided_slice %add3A_48 {offsets = [0, 5], sizes = [2048, 1], strides = [1, 1]} : vector<2048x8xf32> to vector<2048x1xf32>
    %lt3A_105 = vector.broadcast %slice3A_104 : vector<2048x1xf32> to vector<2048x8xf32>
    %lt3A_106 = arith.cmpf olt, %add3A_48, %lt3A_105 : vector<2048x8xf32>
    %eq3A_107 = vector.broadcast %slice3A_104 : vector<2048x1xf32> to vector<2048x8xf32>
    %eq3A_108 = arith.cmpf oeq, %add3A_48, %eq3A_107 : vector<2048x8xf32>
    %gt3A_109 = arith.constant 5 : i32
    %gt3A_110 = vector.broadcast %gt3A_109 : i32 to vector<2048x8xi32>
    %gt3A_111 = arith.cmpi sgt, %iota3A, %gt3A_110 : vector<2048x8xi32>
    %and3A_112 = arith.andi %eq3A_108, %gt3A_111 : vector<2048x8xi1>
    %or3A_113 = arith.ori %lt3A_106, %and3A_112 : vector<2048x8xi1>
    %convert_element_type3A_114 = arith.extui %or3A_113 : vector<2048x8xi1> to vector<2048x8xi32>
    %add3A_115 = arith.addi %add3A_103, %convert_element_type3A_114 : vector<2048x8xi32>
    %slice3A_116 = vector.extract_strided_slice %add3A_48 {offsets = [0, 6], sizes = [2048, 1], strides = [1, 1]} : vector<2048x8xf32> to vector<2048x1xf32>
    %lt3A_117 = vector.broadcast %slice3A_116 : vector<2048x1xf32> to vector<2048x8xf32>
    %lt3A_118 = arith.cmpf olt, %add3A_48, %lt3A_117 : vector<2048x8xf32>
    %eq3A_119 = vector.broadcast %slice3A_116 : vector<2048x1xf32> to vector<2048x8xf32>
    %eq3A_120 = arith.cmpf oeq, %add3A_48, %eq3A_119 : vector<2048x8xf32>
    %gt3A_121 = arith.constant 6 : i32
    %gt3A_122 = vector.broadcast %gt3A_121 : i32 to vector<2048x8xi32>
    %gt3A_123 = arith.cmpi sgt, %iota3A, %gt3A_122 : vector<2048x8xi32>
    %and3A_124 = arith.andi %eq3A_120, %gt3A_123 : vector<2048x8xi1>
    %or3A_125 = arith.ori %lt3A_118, %and3A_124 : vector<2048x8xi1>
    %convert_element_type3A_126 = arith.extui %or3A_125 : vector<2048x8xi1> to vector<2048x8xi32>
    %add3A_127 = arith.addi %add3A_115, %convert_element_type3A_126 : vector<2048x8xi32>
    %slice3A_128 = vector.extract_strided_slice %add3A_48 {offsets = [0, 7], sizes = [2048, 1], strides = [1, 1]} : vector<2048x8xf32> to vector<2048x1xf32>
    %lt3A_129 = vector.broadcast %slice3A_128 : vector<2048x1xf32> to vector<2048x8xf32>
    %lt3A_130 = arith.cmpf olt, %add3A_48, %lt3A_129 : vector<2048x8xf32>
    %eq3A_131 = vector.broadcast %slice3A_128 : vector<2048x1xf32> to vector<2048x8xf32>
    %eq3A_132 = arith.cmpf oeq, %add3A_48, %eq3A_131 : vector<2048x8xf32>
    %gt3A_133 = arith.constant 7 : i32
    %gt3A_134 = vector.broadcast %gt3A_133 : i32 to vector<2048x8xi32>
    %gt3A_135 = arith.cmpi sgt, %iota3A, %gt3A_134 : vector<2048x8xi32>
    %and3A_136 = arith.andi %eq3A_132, %gt3A_135 : vector<2048x8xi1>
    %or3A_137 = arith.ori %lt3A_130, %and3A_136 : vector<2048x8xi1>
    %convert_element_type3A_138 = arith.extui %or3A_137 : vector<2048x8xi1> to vector<2048x8xi32>
    %add3A_139 = arith.addi %add3A_127, %convert_element_type3A_138 : vector<2048x8xi32>
    %eq3A_140 = arith.constant 0 : i32
    %eq3A_141 = vector.broadcast %eq3A_140 : i32 to vector<2048x8xi32>
    %eq3A_142 = arith.cmpi eq, %add3A_139, %eq3A_141 : vector<2048x8xi32>
    %convert_element_type3A_143 = arith.extui %eq3A_142 : vector<2048x8xi1> to vector<2048x8xi32>
    %eq3A_144 = arith.constant 1 : i32
    %eq3A_145 = vector.broadcast %eq3A_144 : i32 to vector<2048x8xi32>
    %eq3A_146 = arith.cmpi eq, %add3A_139, %eq3A_145 : vector<2048x8xi32>
    %convert_element_type3A_147 = arith.extui %eq3A_146 : vector<2048x8xi1> to vector<2048x8xi32>
    %broadcast_in_dim3A_148 = arith.constant 0 : i32
    %broadcast_in_dim3A_149 = vector.broadcast %broadcast_in_dim3A_148 : i32 to vector<1x8xi32>
    %slice3A_150 = vector.extract_strided_slice %convert_element_type3A_143 {offsets = [0, 0], sizes = [2047, 8], strides = [1, 1]} : vector<2048x8xi32> to vector<2047x8xi32>
    %concatenate3A = tpu.concatenate %broadcast_in_dim3A_149, %slice3A_150 in 0 : vector<1x8xi32>, vector<2047x8xi32> -> vector<2048x8xi32>
    %add3A_151 = arith.addi %convert_element_type3A_143, %concatenate3A : vector<2048x8xi32>
    %broadcast_in_dim3A_152 = arith.constant 0 : i32
    %broadcast_in_dim3A_153 = vector.broadcast %broadcast_in_dim3A_152 : i32 to vector<2x8xi32>
    %slice3A_154 = vector.extract_strided_slice %add3A_151 {offsets = [0, 0], sizes = [2046, 8], strides = [1, 1]} : vector<2048x8xi32> to vector<2046x8xi32>
    %concatenate3A_155 = tpu.concatenate %broadcast_in_dim3A_153, %slice3A_154 in 0 : vector<2x8xi32>, vector<2046x8xi32> -> vector<2048x8xi32>
    %add3A_156 = arith.addi %add3A_151, %concatenate3A_155 : vector<2048x8xi32>
    %broadcast_in_dim3A_157 = arith.constant 0 : i32
    %broadcast_in_dim3A_158 = vector.broadcast %broadcast_in_dim3A_157 : i32 to vector<4x8xi32>
    %slice3A_159 = vector.extract_strided_slice %add3A_156 {offsets = [0, 0], sizes = [2044, 8], strides = [1, 1]} : vector<2048x8xi32> to vector<2044x8xi32>
    %concatenate3A_160 = tpu.concatenate %broadcast_in_dim3A_158, %slice3A_159 in 0 : vector<4x8xi32>, vector<2044x8xi32> -> vector<2048x8xi32>
    %add3A_161 = arith.addi %add3A_156, %concatenate3A_160 : vector<2048x8xi32>
    %broadcast_in_dim3A_162 = arith.constant 0 : i32
    %broadcast_in_dim3A_163 = vector.broadcast %broadcast_in_dim3A_162 : i32 to vector<8x8xi32>
    %slice3A_164 = vector.extract_strided_slice %add3A_161 {offsets = [0, 0], sizes = [2040, 8], strides = [1, 1]} : vector<2048x8xi32> to vector<2040x8xi32>
    %concatenate3A_165 = tpu.concatenate %broadcast_in_dim3A_163, %slice3A_164 in 0 : vector<8x8xi32>, vector<2040x8xi32> -> vector<2048x8xi32>
    %add3A_166 = arith.addi %add3A_161, %concatenate3A_165 : vector<2048x8xi32>
    %broadcast_in_dim3A_167 = arith.constant 0 : i32
    %broadcast_in_dim3A_168 = vector.broadcast %broadcast_in_dim3A_167 : i32 to vector<16x8xi32>
    %slice3A_169 = vector.extract_strided_slice %add3A_166 {offsets = [0, 0], sizes = [2032, 8], strides = [1, 1]} : vector<2048x8xi32> to vector<2032x8xi32>
    %concatenate3A_170 = tpu.concatenate %broadcast_in_dim3A_168, %slice3A_169 in 0 : vector<16x8xi32>, vector<2032x8xi32> -> vector<2048x8xi32>
    %add3A_171 = arith.addi %add3A_166, %concatenate3A_170 : vector<2048x8xi32>
    %broadcast_in_dim3A_172 = arith.constant 0 : i32
    %broadcast_in_dim3A_173 = vector.broadcast %broadcast_in_dim3A_172 : i32 to vector<32x8xi32>
    %slice3A_174 = vector.extract_strided_slice %add3A_171 {offsets = [0, 0], sizes = [2016, 8], strides = [1, 1]} : vector<2048x8xi32> to vector<2016x8xi32>
    %concatenate3A_175 = tpu.concatenate %broadcast_in_dim3A_173, %slice3A_174 in 0 : vector<32x8xi32>, vector<2016x8xi32> -> vector<2048x8xi32>
    %add3A_176 = arith.addi %add3A_171, %concatenate3A_175 : vector<2048x8xi32>
    %broadcast_in_dim3A_177 = arith.constant 0 : i32
    %broadcast_in_dim3A_178 = vector.broadcast %broadcast_in_dim3A_177 : i32 to vector<64x8xi32>
    %slice3A_179 = vector.extract_strided_slice %add3A_176 {offsets = [0, 0], sizes = [1984, 8], strides = [1, 1]} : vector<2048x8xi32> to vector<1984x8xi32>
    %concatenate3A_180 = tpu.concatenate %broadcast_in_dim3A_178, %slice3A_179 in 0 : vector<64x8xi32>, vector<1984x8xi32> -> vector<2048x8xi32>
    %add3A_181 = arith.addi %add3A_176, %concatenate3A_180 : vector<2048x8xi32>
    %broadcast_in_dim3A_182 = arith.constant 0 : i32
    %broadcast_in_dim3A_183 = vector.broadcast %broadcast_in_dim3A_182 : i32 to vector<128x8xi32>
    %slice3A_184 = vector.extract_strided_slice %add3A_181 {offsets = [0, 0], sizes = [1920, 8], strides = [1, 1]} : vector<2048x8xi32> to vector<1920x8xi32>
    %concatenate3A_185 = tpu.concatenate %broadcast_in_dim3A_183, %slice3A_184 in 0 : vector<128x8xi32>, vector<1920x8xi32> -> vector<2048x8xi32>
    %add3A_186 = arith.addi %add3A_181, %concatenate3A_185 : vector<2048x8xi32>
    %broadcast_in_dim3A_187 = arith.constant 0 : i32
    %broadcast_in_dim3A_188 = vector.broadcast %broadcast_in_dim3A_187 : i32 to vector<256x8xi32>
    %slice3A_189 = vector.extract_strided_slice %add3A_186 {offsets = [0, 0], sizes = [1792, 8], strides = [1, 1]} : vector<2048x8xi32> to vector<1792x8xi32>
    %concatenate3A_190 = tpu.concatenate %broadcast_in_dim3A_188, %slice3A_189 in 0 : vector<256x8xi32>, vector<1792x8xi32> -> vector<2048x8xi32>
    %add3A_191 = arith.addi %add3A_186, %concatenate3A_190 : vector<2048x8xi32>
    %broadcast_in_dim3A_192 = arith.constant 0 : i32
    %broadcast_in_dim3A_193 = vector.broadcast %broadcast_in_dim3A_192 : i32 to vector<512x8xi32>
    %slice3A_194 = vector.extract_strided_slice %add3A_191 {offsets = [0, 0], sizes = [1536, 8], strides = [1, 1]} : vector<2048x8xi32> to vector<1536x8xi32>
    %concatenate3A_195 = tpu.concatenate %broadcast_in_dim3A_193, %slice3A_194 in 0 : vector<512x8xi32>, vector<1536x8xi32> -> vector<2048x8xi32>
    %add3A_196 = arith.addi %add3A_191, %concatenate3A_195 : vector<2048x8xi32>
    %broadcast_in_dim3A_197 = arith.constant 0 : i32
    %broadcast_in_dim3A_198 = vector.broadcast %broadcast_in_dim3A_197 : i32 to vector<1024x8xi32>
    %slice3A_199 = vector.extract_strided_slice %add3A_196 {offsets = [0, 0], sizes = [1024, 8], strides = [1, 1]} : vector<2048x8xi32> to vector<1024x8xi32>
    %concatenate3A_200 = tpu.concatenate %broadcast_in_dim3A_198, %slice3A_199 in 0 : vector<1024x8xi32>, vector<1024x8xi32> -> vector<2048x8xi32>
    %add3A_201 = arith.addi %add3A_196, %concatenate3A_200 : vector<2048x8xi32>
    %broadcast_in_dim3A_202 = arith.constant 0 : i32
    %broadcast_in_dim3A_203 = vector.broadcast %broadcast_in_dim3A_202 : i32 to vector<1x8xi32>
    %slice3A_204 = vector.extract_strided_slice %convert_element_type3A_147 {offsets = [0, 0], sizes = [2047, 8], strides = [1, 1]} : vector<2048x8xi32> to vector<2047x8xi32>
    %concatenate3A_205 = tpu.concatenate %broadcast_in_dim3A_203, %slice3A_204 in 0 : vector<1x8xi32>, vector<2047x8xi32> -> vector<2048x8xi32>
    %add3A_206 = arith.addi %convert_element_type3A_147, %concatenate3A_205 : vector<2048x8xi32>
    %broadcast_in_dim3A_207 = arith.constant 0 : i32
    %broadcast_in_dim3A_208 = vector.broadcast %broadcast_in_dim3A_207 : i32 to vector<2x8xi32>
    %slice3A_209 = vector.extract_strided_slice %add3A_206 {offsets = [0, 0], sizes = [2046, 8], strides = [1, 1]} : vector<2048x8xi32> to vector<2046x8xi32>
    %concatenate3A_210 = tpu.concatenate %broadcast_in_dim3A_208, %slice3A_209 in 0 : vector<2x8xi32>, vector<2046x8xi32> -> vector<2048x8xi32>
    %add3A_211 = arith.addi %add3A_206, %concatenate3A_210 : vector<2048x8xi32>
    %broadcast_in_dim3A_212 = arith.constant 0 : i32
    %broadcast_in_dim3A_213 = vector.broadcast %broadcast_in_dim3A_212 : i32 to vector<4x8xi32>
    %slice3A_214 = vector.extract_strided_slice %add3A_211 {offsets = [0, 0], sizes = [2044, 8], strides = [1, 1]} : vector<2048x8xi32> to vector<2044x8xi32>
    %concatenate3A_215 = tpu.concatenate %broadcast_in_dim3A_213, %slice3A_214 in 0 : vector<4x8xi32>, vector<2044x8xi32> -> vector<2048x8xi32>
    %add3A_216 = arith.addi %add3A_211, %concatenate3A_215 : vector<2048x8xi32>
    %broadcast_in_dim3A_217 = arith.constant 0 : i32
    %broadcast_in_dim3A_218 = vector.broadcast %broadcast_in_dim3A_217 : i32 to vector<8x8xi32>
    %slice3A_219 = vector.extract_strided_slice %add3A_216 {offsets = [0, 0], sizes = [2040, 8], strides = [1, 1]} : vector<2048x8xi32> to vector<2040x8xi32>
    %concatenate3A_220 = tpu.concatenate %broadcast_in_dim3A_218, %slice3A_219 in 0 : vector<8x8xi32>, vector<2040x8xi32> -> vector<2048x8xi32>
    %add3A_221 = arith.addi %add3A_216, %concatenate3A_220 : vector<2048x8xi32>
    %broadcast_in_dim3A_222 = arith.constant 0 : i32
    %broadcast_in_dim3A_223 = vector.broadcast %broadcast_in_dim3A_222 : i32 to vector<16x8xi32>
    %slice3A_224 = vector.extract_strided_slice %add3A_221 {offsets = [0, 0], sizes = [2032, 8], strides = [1, 1]} : vector<2048x8xi32> to vector<2032x8xi32>
    %concatenate3A_225 = tpu.concatenate %broadcast_in_dim3A_223, %slice3A_224 in 0 : vector<16x8xi32>, vector<2032x8xi32> -> vector<2048x8xi32>
    %add3A_226 = arith.addi %add3A_221, %concatenate3A_225 : vector<2048x8xi32>
    %broadcast_in_dim3A_227 = arith.constant 0 : i32
    %broadcast_in_dim3A_228 = vector.broadcast %broadcast_in_dim3A_227 : i32 to vector<32x8xi32>
    %slice3A_229 = vector.extract_strided_slice %add3A_226 {offsets = [0, 0], sizes = [2016, 8], strides = [1, 1]} : vector<2048x8xi32> to vector<2016x8xi32>
    %concatenate3A_230 = tpu.concatenate %broadcast_in_dim3A_228, %slice3A_229 in 0 : vector<32x8xi32>, vector<2016x8xi32> -> vector<2048x8xi32>
    %add3A_231 = arith.addi %add3A_226, %concatenate3A_230 : vector<2048x8xi32>
    %broadcast_in_dim3A_232 = arith.constant 0 : i32
    %broadcast_in_dim3A_233 = vector.broadcast %broadcast_in_dim3A_232 : i32 to vector<64x8xi32>
    %slice3A_234 = vector.extract_strided_slice %add3A_231 {offsets = [0, 0], sizes = [1984, 8], strides = [1, 1]} : vector<2048x8xi32> to vector<1984x8xi32>
    %concatenate3A_235 = tpu.concatenate %broadcast_in_dim3A_233, %slice3A_234 in 0 : vector<64x8xi32>, vector<1984x8xi32> -> vector<2048x8xi32>
    %add3A_236 = arith.addi %add3A_231, %concatenate3A_235 : vector<2048x8xi32>
    %broadcast_in_dim3A_237 = arith.constant 0 : i32
    %broadcast_in_dim3A_238 = vector.broadcast %broadcast_in_dim3A_237 : i32 to vector<128x8xi32>
    %slice3A_239 = vector.extract_strided_slice %add3A_236 {offsets = [0, 0], sizes = [1920, 8], strides = [1, 1]} : vector<2048x8xi32> to vector<1920x8xi32>
    %concatenate3A_240 = tpu.concatenate %broadcast_in_dim3A_238, %slice3A_239 in 0 : vector<128x8xi32>, vector<1920x8xi32> -> vector<2048x8xi32>
    %add3A_241 = arith.addi %add3A_236, %concatenate3A_240 : vector<2048x8xi32>
    %broadcast_in_dim3A_242 = arith.constant 0 : i32
    %broadcast_in_dim3A_243 = vector.broadcast %broadcast_in_dim3A_242 : i32 to vector<256x8xi32>
    %slice3A_244 = vector.extract_strided_slice %add3A_241 {offsets = [0, 0], sizes = [1792, 8], strides = [1, 1]} : vector<2048x8xi32> to vector<1792x8xi32>
    %concatenate3A_245 = tpu.concatenate %broadcast_in_dim3A_243, %slice3A_244 in 0 : vector<256x8xi32>, vector<1792x8xi32> -> vector<2048x8xi32>
    %add3A_246 = arith.addi %add3A_241, %concatenate3A_245 : vector<2048x8xi32>
    %broadcast_in_dim3A_247 = arith.constant 0 : i32
    %broadcast_in_dim3A_248 = vector.broadcast %broadcast_in_dim3A_247 : i32 to vector<512x8xi32>
    %slice3A_249 = vector.extract_strided_slice %add3A_246 {offsets = [0, 0], sizes = [1536, 8], strides = [1, 1]} : vector<2048x8xi32> to vector<1536x8xi32>
    %concatenate3A_250 = tpu.concatenate %broadcast_in_dim3A_248, %slice3A_249 in 0 : vector<512x8xi32>, vector<1536x8xi32> -> vector<2048x8xi32>
    %add3A_251 = arith.addi %add3A_246, %concatenate3A_250 : vector<2048x8xi32>
    %broadcast_in_dim3A_252 = arith.constant 0 : i32
    %broadcast_in_dim3A_253 = vector.broadcast %broadcast_in_dim3A_252 : i32 to vector<1024x8xi32>
    %slice3A_254 = vector.extract_strided_slice %add3A_251 {offsets = [0, 0], sizes = [1024, 8], strides = [1, 1]} : vector<2048x8xi32> to vector<1024x8xi32>
    %concatenate3A_255 = tpu.concatenate %broadcast_in_dim3A_253, %slice3A_254 in 0 : vector<1024x8xi32>, vector<1024x8xi32> -> vector<2048x8xi32>
    %add3A_256 = arith.addi %add3A_251, %concatenate3A_255 : vector<2048x8xi32>
    %sub3A_257 = arith.subi %add3A_201, %convert_element_type3A_143 : vector<2048x8xi32>
    %sub3A_258 = arith.subi %add3A_256, %convert_element_type3A_147 : vector<2048x8xi32>
    %slice3A_259 = vector.extract_strided_slice %add3A_201 {offsets = [2047, 0], sizes = [1, 8], strides = [1, 1]} : vector<2048x8xi32> to vector<1x8xi32>
    %slice3A_260 = vector.extract_strided_slice %add3A_256 {offsets = [2047, 0], sizes = [1, 8], strides = [1, 1]} : vector<2048x8xi32> to vector<1x8xi32>
    %add3A_261 = arith.addi %slice3A_259, %slice3A_260 : vector<1x8xi32>
    %add3A_262 = arith.constant 127 : i32
    %add3A_263 = vector.broadcast %add3A_262 : i32 to vector<1x8xi32>
    %add3A_264 = arith.addi %add3A_261, %add3A_263 : vector<1x8xi32>
    %jit3A = arith.constant 128 : i32
    %div3A_265 = vector.broadcast %jit3A : i32 to vector<1x8xi32>
    %div3A_266 = arith.divsi %add3A_264, %div3A_265 : vector<1x8xi32>
    %sign3A = arith.constant 0 : i32
    %sign3A_267 = vector.broadcast %sign3A : i32 to vector<1x8xi32>
    %sign3A_268 = arith.cmpi sgt, %add3A_264, %sign3A_267 : vector<1x8xi32>
    %sign3A_269 = arith.extui %sign3A_268 : vector<1x8xi1> to vector<1x8xi32>
    %sign3A_270 = arith.constant 0 : i32
    %sign3A_271 = vector.broadcast %sign3A_270 : i32 to vector<1x8xi32>
    %sign3A_272 = arith.cmpi slt, %add3A_264, %sign3A_271 : vector<1x8xi32>
    %sign3A_273 = arith.extui %sign3A_272 : vector<1x8xi1> to vector<1x8xi32>
    %sign3A_274 = arith.subi %sign3A_269, %sign3A_273 : vector<1x8xi32>
    %sign3A_275 = arith.constant 0 : i32
    %sign3A_276 = arith.cmpi sgt, %jit3A, %sign3A_275 : i32
    %sign3A_277 = arith.extui %sign3A_276 : i1 to i32
    %sign3A_278 = arith.constant 0 : i32
    %sign3A_279 = arith.cmpi slt, %jit3A, %sign3A_278 : i32
    %sign3A_280 = arith.extui %sign3A_279 : i1 to i32
    %sign3A_281 = arith.subi %sign3A_277, %sign3A_280 : i32
    %ne3A = vector.broadcast %sign3A_281 : i32 to vector<1x8xi32>
    %ne3A_282 = arith.cmpi ne, %sign3A_274, %ne3A : vector<1x8xi32>
    %rem3A = vector.broadcast %jit3A : i32 to vector<1x8xi32>
    %rem3A_283 = arith.remsi %add3A_264, %rem3A : vector<1x8xi32>
    %ne3A_284 = arith.constant 0 : i32
    %ne3A_285 = vector.broadcast %ne3A_284 : i32 to vector<1x8xi32>
    %ne3A_286 = arith.cmpi ne, %rem3A_283, %ne3A_285 : vector<1x8xi32>
    %and3A_287 = arith.andi %ne3A_282, %ne3A_286 : vector<1x8xi1>
    %sub3A_288 = arith.constant 1 : i32
    %sub3A_289 = vector.broadcast %sub3A_288 : i32 to vector<1x8xi32>
    %sub3A_290 = arith.subi %div3A_266, %sub3A_289 : vector<1x8xi32>
    %select_n3A = arith.select %and3A_287, %sub3A_290, %div3A_266 : vector<1x8xi1>, vector<1x8xi32>
    %mul3A_291 = arith.constant 128 : i32
    %mul3A_292 = vector.broadcast %mul3A_291 : i32 to vector<1x8xi32>
    %mul3A_293 = arith.muli %select_n3A, %mul3A_292 : vector<1x8xi32>
    %broadcast_in_dim3A_294 = arith.constant 0 : i32
    %broadcast_in_dim3A_295 = vector.broadcast %broadcast_in_dim3A_294 : i32 to vector<1x1xi32>
    %slice3A_296 = vector.extract_strided_slice %mul3A_293 {offsets = [0, 0], sizes = [1, 7], strides = [1, 1]} : vector<1x8xi32> to vector<1x7xi32>
    %concatenate3A_297 = tpu.concatenate %broadcast_in_dim3A_295, %slice3A_296 in 1 : vector<1x1xi32>, vector<1x7xi32> -> vector<1x8xi32>
    %add3A_298 = arith.addi %mul3A_293, %concatenate3A_297 : vector<1x8xi32>
    %broadcast_in_dim3A_299 = arith.constant 0 : i32
    %broadcast_in_dim3A_300 = vector.broadcast %broadcast_in_dim3A_299 : i32 to vector<1x2xi32>
    %slice3A_301 = vector.extract_strided_slice %add3A_298 {offsets = [0, 0], sizes = [1, 6], strides = [1, 1]} : vector<1x8xi32> to vector<1x6xi32>
    %concatenate3A_302 = tpu.concatenate %broadcast_in_dim3A_300, %slice3A_301 in 1 : vector<1x2xi32>, vector<1x6xi32> -> vector<1x8xi32>
    %add3A_303 = arith.addi %add3A_298, %concatenate3A_302 : vector<1x8xi32>
    %broadcast_in_dim3A_304 = arith.constant 0 : i32
    %broadcast_in_dim3A_305 = vector.broadcast %broadcast_in_dim3A_304 : i32 to vector<1x4xi32>
    %slice3A_306 = vector.extract_strided_slice %add3A_303 {offsets = [0, 0], sizes = [1, 4], strides = [1, 1]} : vector<1x8xi32> to vector<1x4xi32>
    %concatenate3A_307 = tpu.concatenate %broadcast_in_dim3A_305, %slice3A_306 in 1 : vector<1x4xi32>, vector<1x4xi32> -> vector<1x8xi32>
    %add3A_308 = arith.addi %add3A_303, %concatenate3A_307 : vector<1x8xi32>
    %sub3A_309 = arith.subi %add3A_308, %mul3A_293 : vector<1x8xi32>
    %add3A_310 = vector.broadcast %sub3A_309 : vector<1x8xi32> to vector<2048x8xi32>
    %add3A_311 = arith.addi %add3A_310, %sub3A_257 : vector<2048x8xi32>
    %mul3A_312 = arith.muli %convert_element_type3A_143, %add3A_311 : vector<2048x8xi32>
    %reduce_sum3A_313 = arith.constant dense<0> : vector<2048xi32>
    %reduce_sum3A_314 = vector.multi_reduction <add>, %mul3A_312, %reduce_sum3A_313 [1] : vector<2048x8xi32> to vector<2048xi32>
    %broadcast_in_dim3A_315 = vector.shape_cast %reduce_sum3A_314 : vector<2048xi32> to vector<2048x1xi32>
    %swap3A = arith.constant 0 : index
    %swap3A_316 = arith.constant 0 : index
    %swap3A_317 = vector.load %arg5[%swap3A, %swap3A_316] : memref<2048x1xi32, #tpu.memory_space<vmem>>, vector<2048x1xi32>
    tpu.vector_store %arg5[%swap3A, %swap3A_316], %broadcast_in_dim3A_315 {strides = array<i32>} : memref<2048x1xi32, #tpu.memory_space<vmem>>, vector<2048x1xi32>,
    %add3A_318 = arith.addi %sub3A_309, %slice3A_259 : vector<1x8xi32>
    %add3A_319 = vector.broadcast %add3A_318 : vector<1x8xi32> to vector<2048x8xi32>
    %add3A_320 = arith.addi %add3A_319, %sub3A_258 : vector<2048x8xi32>
    %mul3A_321 = arith.muli %convert_element_type3A_147, %add3A_320 : vector<2048x8xi32>
    %reduce_sum3A_322 = arith.constant dense<0> : vector<2048xi32>
    %reduce_sum3A_323 = vector.multi_reduction <add>, %mul3A_321, %reduce_sum3A_322 [1] : vector<2048x8xi32> to vector<2048xi32>
    %broadcast_in_dim3A_324 = vector.shape_cast %reduce_sum3A_323 : vector<2048xi32> to vector<2048x1xi32>
    %swap3A_325 = arith.constant 0 : index
    %swap3A_326 = arith.constant 0 : index
    %swap3A_327 = vector.load %arg6[%swap3A_325, %swap3A_326] : memref<2048x1xi32, #tpu.memory_space<vmem>>, vector<2048x1xi32>
    tpu.vector_store %arg6[%swap3A_325, %swap3A_326], %broadcast_in_dim3A_324 {strides = array<i32>} : memref<2048x1xi32, #tpu.memory_space<vmem>>, vector<2048x1xi32>,
    %iota3A_328 = tpu.iota {dimensions = array<i32: 0>} : vector<48x8xi32>
    %mul3A_329 = arith.constant 128 : i32
    %mul3A_330 = vector.broadcast %mul3A_329 : i32 to vector<48x8xi32>
    %mul3A_331 = arith.muli %iota3A_328, %mul3A_330 : vector<48x8xi32>
    %ge3A = vector.broadcast %sub3A_309 : vector<1x8xi32> to vector<48x8xi32>
    %ge3A_332 = arith.cmpi sge, %mul3A_331, %ge3A : vector<48x8xi32>
    %add3A_333 = arith.addi %sub3A_309, %mul3A_293 : vector<1x8xi32>
    %lt3A_334 = vector.broadcast %add3A_333 : vector<1x8xi32> to vector<48x8xi32>
    %lt3A_335 = arith.cmpi slt, %mul3A_331, %lt3A_334 : vector<48x8xi32>
    %and3A_336 = arith.andi %ge3A_332, %lt3A_335 : vector<48x8xi1>
    %iota3A_337 = tpu.iota {dimensions = array<i32: 1>} : vector<48x8xi32>
    %jit3A_338 = arith.constant 0 : i32
    %broadcast_in_dim3A_339 = vector.broadcast %jit3A_338 : i32 to vector<48x8xi32>
    %select_n3A_340 = arith.select %and3A_336, %iota3A_337, %broadcast_in_dim3A_339 : vector<48x8xi1>, vector<48x8xi32>
    %reduce_sum3A_341 = arith.constant dense<0> : vector<48xi32>
    %reduce_sum3A_342 = vector.multi_reduction <add>, %select_n3A_340, %reduce_sum3A_341 [1] : vector<48x8xi32> to vector<48xi32>
    %broadcast_in_dim3A_343 = vector.shape_cast %reduce_sum3A_342 : vector<48xi32> to vector<48x1xi32>
    %swap3A_344 = arith.constant 0 : index
    %swap3A_345 = arith.constant 0 : index
    %swap3A_346 = vector.load %arg7[%swap3A_344, %swap3A_345] : memref<48x1xi32, #tpu.memory_space<vmem>>, vector<48x1xi32>
    tpu.vector_store %arg7[%swap3A_344, %swap3A_345], %broadcast_in_dim3A_343 {strides = array<i32>} : memref<48x1xi32, #tpu.memory_space<vmem>>, vector<48x1xi32>,
    return
  }
  func.func @transform_0(%arg0: i32) -> (i32, i32) {
    %c0_i32 = arith.constant 0 : i32
    %c0_i32_0 = arith.constant 0 : i32
    %c0_i32_1 = arith.constant 0 : i32
    return %c0_i32, %c0_i32_0 : i32, i32
  }
  func.func @transform_1(%arg0: i32) -> (i32, i32) {
    %c0_i32 = arith.constant 0 : i32
    %c0_i32_0 = arith.constant 0 : i32
    %c0_i32_1 = arith.constant 0 : i32
    return %c0_i32, %c0_i32_0 : i32, i32
  }
  func.func @transform_2(%arg0: i32) -> (i32, i32) {
    %c0_i32 = arith.constant 0 : i32
    %c0_i32_0 = arith.constant 0 : i32
    %c0_i32_1 = arith.constant 0 : i32
    return %c0_i32, %c0_i32_0 : i32, i32
  }
  func.func @transform_3(%arg0: i32) -> (i32, i32) {
    %c0_i32 = arith.constant 0 : i32
    %c0_i32_0 = arith.constant 0 : i32
    %c0_i32_1 = arith.constant 0 : i32
    return %c0_i32, %c0_i32_0 : i32, i32
  }
  func.func @transform_4(%arg0: i32) -> (i32, i32) {
    %c0_i32 = arith.constant 0 : i32
    %c0_i32_0 = arith.constant 0 : i32
    %c0_i32_1 = arith.constant 0 : i32
    return %c0_i32, %c0_i32_0 : i32, i32
  }
  func.func @transform_5(%arg0: i32) -> (i32, i32) {
    %c0_i32 = arith.constant 0 : i32
    %c0_i32_0 = arith.constant 0 : i32
    %c0_i32_1 = arith.constant 0 : i32
    return %c0_i32, %c0_i32_0 : i32, i32
  }
  func.func @transform_6(%arg0: i32) -> (i32, i32) {
    %c0_i32 = arith.constant 0 : i32
    %c0_i32_0 = arith.constant 0 : i32
    %c0_i32_1 = arith.constant 0 : i32
    return %c0_i32, %c0_i32_0 : i32, i32
  }
}

</mosaic_0001>

<sc_bundles>
// kernel: kernel.6.cloned.1.call-start
scs
__scs_entry_jumppad:
0x0: {  	(pc) =	sbr.rel $0x88, $3  }
0x1: {  	(tag) =	ssettag $0x0;
	lr =	simm.s32 $0x1  }
0x2: {  	[smem:$0x3F9A] =	sst lr;
	_ =	strace $0xD0000000  }
0x3: {  	_ = 	snop  }
0x4: {  	_ = 	snop  }
0x5: {  	_ = 	snop  }
0x6: {  	_ = 	snop  }
0x7: {  	_ = 	snop  }
__scs_overlays_trampoline_lowered:
0x8: {  	[smem:$0x3FA9] =	sst s0  }
0x9: {  	[smem:$0x3FAA] =	sst s1  }
0xa: {  	[smem:$0x3FAB] =	sst s2  }
0xb: {  	[smem:$0x3FAC] =	sst s3  }
0xc: {  	[smem:$0x3FAD] =	sst s4  }
0xd: {  	[smem:$0x3FAE] =	sst s5  }
0xe: {  	[smem:$0x3FAF] =	sst s6  }
0xf: {  	[smem:$0x3FB0] =	sst s7  }
0x10: {  	[smem:$0x3FB1] =	sst s8  }
0x11: {  	[smem:$0x3FB2] =	sst s9;
	s0 =	simm.s32 @!p0 $0x0  }
0x12: {  	s1 =	sld [smem:$0x3F98];
	s0 =	simm.s32 @p0 $0x1  }
0x13: {  	[smem:$0x3FB3] =	sst s0;
	s0 =	simm.s32 @!p1 $0x0  }
0x14: {  	s2 =	sld [smem:$0x3F97];
	s0 =	simm.s32 @p1 $0x1  }
0x15: {  	[smem:$0x3FB4] =	sst s0;
	s0 =	simm.s32 @!p2 $0x0  }
0x16: {  	s3 =	sld [smem:$0x3FDB];
	s0 =	simm.s32 @p2 $0x1  }
0x17: {  	s4 =	simm.s32 $0x1BF5;
	[smem:$0x3FB6] =	sst s0  }
0x18: {  	s0 =	sld [smem:$0x3F99];
	_ =	swait.ge [sflag:s4], $0x0  }
0x19: {  	s7 =	sld [smem:$0x3F9A]  }
0x1a: {  	s8 =	sadd.s32 $0xFFFFE003, lr  }
0x1b: {  	s9 =	sadd.s32 $0xFFFFFEF7, lr;
	s5 =	simm.s32 $0xFFFFFFFF;
	p2 =	slt.u32 s8, $0xFFFFF086  }
0x1c: {  	p1 =	slt.u32 s9, $0xF7A;
	s5 =	simm.s32 @!p2 $0x0  }
0x1d: {  	s5 =	simm.s32 @p1 $0x1;
	p0 =	seq.s32 s7, s2  }
0x1e: {  	s7 =	smul.u32 @!p0 $0xF7A, s2;
	p2 =	seq.s32 @!p0 s5, $0x0  }
0x1f: {  	s9 =	smul.u32 $0xF7A, s1;
	s8 =	simm.s32 @!p0 $0x1BF5;
	p2 =	por !p2, p0  }
0x20: {  	[sflag:s8] =	ssyncset.s32 @!p0 $0xFFFFF086;
	s6 =	sadd.s32 @!p0 s3, s7;
	s7 =	simm.s32 @!p0 $0x108  }
0x21: {  	s3 =	sadd.s32 s3, s9;
	s6 =	sadd.s32 @!p0 $0x88, s6;
	s7 =	simm.s32 @p2 $0x1082  }
0x22: {  	[simem:s7], [sflag:s8] =	dma.local @!p0 [hbm:s6], $0xF7A  }
0x23: {  	s9 =	sor.u32 $0xD0000000, s2;
	s6 =	simm.s32 $0x108;
	_ =	swait.ge @!p0 [sflag:s8], $0x0  }
0x24: {  	s3 =	sadd.s32 $0x88, s3;
	s6 =	simm.s32 @!p1 $0x1082;
	[sflag:s4] =	ssyncset.s32 $0xFFFFF086  }
0x25: {  	[simem:s6], [sflag:s4] =	dma.local [hbm:s3], $0xF7A  }
0x26: {  	[smem:$0x3F9A] =	sst s1;
	(tag) =	ssettag s2;
	_ =	strace s9  }
0x27: {  	s1 =	sld [smem:$0x3FAA]  }
0x28: {  	s2 =	sld [smem:$0x3FAB]  }
0x29: {  	s4 =	sld [smem:$0x3FAD]  }
0x2a: {  	p0 =	seq.s32 s5, $0x0;
	s5 =	sld [smem:$0x3FAE]  }
0x2b: {  	s6 =	sld [smem:$0x3FAF]  }
0x2c: {  	s7 =	sld [smem:$0x3FB0]  }
0x2d: {  	s3 =	simm.s32 $0x108;
	s8 =	sld [smem:$0x3FB1]  }
0x2e: {  	s3 =	simm.s32 @!p0 $0x1082;
	s9 =	sld [smem:$0x3FB2]  }
0x2f: {  	lr =	sadd.s32 s0, s3;
	s0 =	sld [smem:$0x3FA9]  }
0x30: {  	s3 =	sld [smem:$0x3FAC]  }
0x31: {  	[smem:$0x3FB5] =	sst s10  }
0x32: {  	s10 =	sld [smem:$0x3FB3];
	_ =	sdelay $0x3  }
0x33: {  	p0 =	seq.s32 s10, $0x1;
	s10 =	sld [smem:$0x3FB5];
	_ =	sdelay $0x3  }
0x34: {  	[smem:$0x3FB5] =	sst s10  }
0x35: {  	s10 =	sld [smem:$0x3FB4];
	_ =	sdelay $0x3  }
0x36: {  	p1 =	seq.s32 s10, $0x1;
	s10 =	sld [smem:$0x3FB5];
	_ =	sdelay $0x3  }
0x37: {  	[smem:$0x3FB5] =	sst s10  }
0x38: {  	s10 =	sld [smem:$0x3FB6]  }
0x39: {  	_ = 	snop;
	(pc) =	sbr.ind lr, $3  }
0x3a: {  	_ = 	snop  }
0x3b: {  	_ = 	snop  }
0x3c: {  	p2 =	seq.s32 s10, $0x1;
	s10 =	sld [smem:$0x3FB5]  }
0x3d: {  	_ =	shalt  }
0x3e: {  	_ =	shalt  }
0x3f: {  	_ =	shalt  }
0x40: {  	_ =	shalt  }
0x41: {  	_ =	shalt  }
0x42: {  	_ =	shalt  }
0x43: {  	_ =	shalt  }
0x44: {  	_ =	shalt  }
0x45: {  	_ =	shalt  }
0x46: {  	_ =	shalt  }
0x47: {  	_ =	shalt  }
0x48: {  	_ =	shalt  }
0x49: {  	_ =	shalt  }
0x4a: {  	_ =	shalt  }
0x4b: {  	_ =	shalt  }
0x4c: {  	_ =	shalt  }
0x4d: {  	_ =	shalt  }
0x4e: {  	_ =	shalt  }
0x4f: {  	_ =	shalt  }
0x50: {  	_ =	shalt  }
0x51: {  	_ =	shalt  }
0x52: {  	_ =	shalt  }
0x53: {  	_ =	shalt  }
0x54: {  	_ =	shalt  }
0x55: {  	_ =	shalt  }
0x56: {  	_ =	shalt  }
0x57: {  	_ =	shalt  }
0x58: {  	_ =	shalt  }
0x59: {  	_ =	shalt  }
0x5a: {  	_ =	shalt  }
0x5b: {  	_ =	shalt  }
0x5c: {  	_ =	shalt  }
0x5d: {  	_ =	shalt  }
0x5e: {  	_ =	shalt  }
0x5f: {  	_ =	shalt  }
0x60: {  	_ =	shalt  }
0x61: {  	_ =	shalt  }
0x62: {  	_ =	shalt  }
0x63: {  	_ =	shalt  }
0x64: {  	_ =	shalt  }
0x65: {  	_ =	shalt  }
0x66: {  	_ =	shalt  }
0x67: {  	_ =	shalt  }
0x68: {  	_ =	shalt  }
0x69: {  	_ =	shalt  }
0x6a: {  	_ =	shalt  }
0x6b: {  	_ =	shalt  }
0x6c: {  	_ =	shalt  }
0x6d: {  	_ =	shalt  }
0x6e: {  	_ =	shalt  }
0x6f: {  	_ =	shalt  }
0x70: {  	_ =	shalt  }
0x71: {  	_ =	shalt  }
0x72: {  	_ =	shalt  }
0x73: {  	_ =	shalt  }
0x74: {  	_ =	shalt  }
0x75: {  	_ =	shalt  }
0x76: {  	_ =	shalt  }
0x77: {  	_ =	shalt  }
0x78: {  	_ =	shalt  }
0x79: {  	_ =	shalt  }
0x7a: {  	_ =	shalt  }
0x7b: {  	_ =	shalt  }
0x7c: {  	_ =	shalt  }
0x7d: {  	_ =	shalt  }
0x7e: {  	_ =	shalt  }
0x7f: {  	_ =	shalt  }
0x80: {  	_ =	shalt  }
0x81: {  	_ =	shalt  }
0x82: {  	_ =	shalt  }
0x83: {  	_ =	shalt  }
0x84: {  	_ =	shalt  }
0x85: {  	_ =	shalt  }
0x86: {  	_ =	shalt  }
0x87: {  	_ =	shalt  }
.Lfunc_end0:
.L_simem_size_0:
called_computation_lowered:
.L_overlay_start_0:
0x88: {  	s2 =	sld [smem:$0x3FD9]  }
0x89: {  	s3 =	sld [smem:$0x3FFE];
	_ =	sdelay $0x1  }
0x8a: {  	s1 =	srdreg.scid  }
0x8b: {  	s0 =	sand.u32 $0x1, s1  }
0x8c: {  	s17 =	sshll.u32 s0, $0xA;
	s2 =	sadd.s32 s3, s2  }
0x8d: {  	s2 =	sadd.s32 s2, s17  }
0x8e: {  	[smem:$0x3FC1] =	sst s2  }
0x8f: {  	_ = 	snop  }
0x90: {  	s2 =	sld [smem:$0x3FC9];
	(tm) =	ssettm $0x1  }
0x91: {  	s18 =	sld [smem:$0x3FFB];
	_ =	sdelay $0x3  }
0x92: {  	_ =	strace s18  }
0x93: {  	s3 =	sld [smem:$0x3FFC];
	_ =	sdelay $0x3  }
0x94: {  	_ =	strace s3  }
0x95: {  	s3 =	sld [smem:$0x3FFD];
	_ =	sdelay $0x3  }
0x96: {  	_ =	strace s3  }
0x97: {  	_ =	strace $0x8FFFFFFF  }
0x98: {  	s19 =	sld [smem:$0x3FDB];
	_ =	sdelay $0x1  }
0x99: {  	s4 =	simm.s32 $_scs_section_size  }
0x9a: {  	s5 =	simm.s32 $_size__tile_overlayer_lowered;
	s6 =	simm.s32 $_tile_overlayer_lowered  }
0x9b: {  	s22 =	simm.s32 $0x1BFF;
	s21 =	sshll.u32 s6, $0x1;
	s3 =	sadd.s32 s4, s19  }
0x9c: {  	s7 =	simm.s32 $0x0;
	s20 =	sshll.u32 s5, $0x1;
	s5 =	sadd.s32 s21, s3  }
0x9d: {  	[timem:s7], [sflag:s22] =	dma.local [hbm:s5], s20  }
0x9e: {  	_ =	swait.ge [sflag:s22], s20  }
0x9f: {  	s4 =	ssub.s32 $0x0, s20;
	[sflag:s22] =	ssyncset.done $0x0  }
0xa0: {  	[sflag:s22] =	ssyncadd.s32 s4;
	_ =	sdelay $0x1  }
0xa1: {  	s23 =	simm.s32 $0x1B8B  }
0xa2: {  	_ =	swait.ge [sflag:s23], $0x1  }
0xa3: {  	[sflag:s23] =	ssyncset.done $0x0  }
0xa4: {  	s25 =	simm.s32 $0x1B8E;
	s24 =	sld [smem:$0x3FFE];
	[sflag:s23] =	ssyncadd.s32 $0xFFFFFFFF  }
0xa5: {  	s26 =	simm.s32 $execute0_lowered;
	[smem:$0x3FD2] =	sst s25  }
0xa6: {  	s5 =	sshll.u32 s26, $0x1;
	_ =	strace $0x80000046;
	[dreg:$0x1] =	wrdreg $0xFFFFFFFF  }
0xa7: {  	s28 =	simm.s32 $_size_execute0_lowered;
	s3 =	sadd.s32 s3, s5;
	[dreg:$0x0] =	wrdreg $0x0  }
0xa8: {  	s5 =	sshll.u32 s28, $0x1;
	[dreg:$0x2] =	wrdreg s3  }
0xa9: {  	[dreg:$0x3] =	wrdreg s5  }
0xaa: {  	[dreg:$0x4] =	wrdreg $0xC0  }
0xab: {  	_ =	task [dreg:s7], $0x5FFFF  }
0xac: {  	[dreg:$0x1] =	wrdreg $0xFFFFFFFF  }
0xad: {  	[dreg:$0x0] =	wrdreg $0x60  }
0xae: {  	[dreg:$0x2] =	wrdreg s2  }
0xaf: {  	[dreg:$0x3] =	wrdreg s24  }
0xb0: {  	[dreg:$0x4] =	wrdreg $0x9  }
0xb1: {  	_ =	task.clear_ibuf [dreg:s7], $0x5FFFF;
	_ =	strace $0x90000046  }
0xb2: {  	s29 =	simm.s32 $0x9;
	_ =	strace $0x80000048  }
0xb3: {  	_ =	swait.ge [sflag:s29], $0x1  }
0xb4: {  	[sflag:s29] =	ssyncadd.s32 $0xFFFFFFFF  }
0xb5: {  	_ =	strace $0x90000048  }
0xb6: {  	_ =	sfence  }
0xb7: {  	s30 =	sld [smem:$0x0];
	_ =	sdelay $0x2  }
0xb8: {  	s31 =	sshll.u32 s1, $0xD;
	s1 =	sshrl.u32 s1, $0x2  }
0xb9: {  	s3 =	sand.u32 $0x4000, s31;
	s1 =	sadd.s32 s1, s30  }
0xba: {  	s0 =	sor.u32 s3, s0;
	s1 =	sshll.u32 s1, $0x11  }
0xbb: {  	s0 =	sor.u32 s1, s0  }
0xbc: {  	s0 =	sadd.s32 $0x8F2B, s0  }
0xbd: {  	[sflag:s0] =	ssyncadd.remote.s32 $0x1  }
0xbe: {  	_ =	sfence.sel $0xFFFF  }
0xbf: {  	[dreg:$0x0] =	wrdreg $0xFFFFFFFF;
	(pc) =	sbr.abs _section_cstart, $3  }
0xc0: {  	[dreg:$0x1] =	wrdreg $0xFFFFFFFF  }
0xc1: {  	_ =	task.clear_ibuf [dreg:s7], $0x2FFFF;
	_ =	strace $0x9FFFFFFF  }
0xc2: {  	(tm) =	ssettm $0x7FFFFFFF  }
0xc3: {  	_ =	shalt  }
tec
execute0_lowered:
.L_overlay_start_1:
0x0: {  	(tag) =	ssettag $0x1  }
0x1: {  	s0 =	srdreg.scid;
	s1 =	rddreg [dreg:$0x0]  }
0x2: {  	s2 =	stileid.u32;
	s6 =	rddreg [dreg:$0x1];
	s25 =	simm.s32 $0x10000  }
0x3: {  	s8 =	simm.s32 $0x2;
	s26 =	simm.s32 $0x10080;
	s16 =	simm.s32 $0x1  }
0x4: {  	s19 =	simm.s32 $0x1800;
	s20 =	simm.s32 $0x2000;
	s21 =	simm.s32 $0x2800  }
0x5: {  	s28 =	simm.s32 $0x5800;
	s29 =	simm.s32 $0x6000;
	s30 =	simm.s32 $0x6800  }
0x6: {  	s31 =	simm.s32 $0x7000;
	s9 =	simm.s32 $0x8800;
	s10 =	simm.s32 $0x9000  }
0x7: {  	s11 =	simm.s32 $0x9800;
	s12 =	simm.s32 $0xA000;
	s13 =	simm.s32 $0xA800  }
0x8: {  	s14 =	simm.s32 $0xB000;
	s15 =	simm.s32 $0xB800;
	s0 =	sand.u32 $0x1, s0  }
0x9: {  	s3 =	sshll.u32 s2, $0x7;
	s2 =	simm.s32 $0x0;
	s4 =	sshll.u32 s0, $0x6  }
0xa: {  	[smem:$0x7FF] =	sst s2;
	s0 =	ssub.s32 $0x2, s0;
	s3 =	sor.u32 s4, s3  }
0xb: {  	_ =	strace $0x80000047;
	s22 =	sshrl.u32 s0, $0x1;
	[dreg:$0x6] =	wrdreg s25  }
0xc: {  	[dreg:$0x7] =	wrdreg s26;
	s25 =	simm.s32 $0x4800;
	s26 =	simm.s32 $0x5000  }
0xd: {  	s4 =	sshrl.u32 s3, $0x3;
	s5 =	sshll.u32 s3, $0x7;
	s3 =	sadd.s32 $0xA00, s6  }
0xe: {  	s0 =	ssub.s32 s0, s22;
	s22 =	simm.s32 $0x3000;
	s4 =	sadd.s32 s4, s6  }
0xf: {  	s1 =	sadd.s32 s1, s5;
	s5 =	sadd.s32 $0xC00, s6;
	s7 =	smax.u32 s0, $0x1  }
0x10: {  	v2 =	vlaneseq.u32;
	[dreg:$0x3] =	wrdreg s1;
	s23 =	sadd.s32 $0x600, s4;
	s24 =	sadd.s32 $0x800, s4  }
0x11: {  	vm0 =	vmmov $0xffff;
	v1 =	vshrl.u32 v2, $0x3;
	s4 =	sadd.s32 $0xB00, s6;
	s6 =	sadd.s32 $0xD00, s6;
	[dreg:$0x4] =	wrdreg s23  }
0x12: {  	v0 =	vand.u32 $0x7, v2;
	v2 =	vor.u32 $0x8, v2;
	v1 =	vmul.u32 $0x8, v1;
	[dreg:$0x5] =	wrdreg s24;
	s23 =	simm.s32 $0x3800;
	s24 =	simm.s32 $0x4000  }
.LBB2_1:
0x13: {  	s17 =	rddreg [dreg:$0x3]  }
0x14: {  	[tilespmem:s2], [sflag:$0x2] =	stream.linear.gather [hbm4b:s17+s2], $0x10000, $0x38;
	[tilespmem:$0x10100] =	vst v63  }
0x15: {  	_ =	swait.ge [sflag:s8], $0x10000  }
0x16: {  	s1 =	rddreg [dreg:$0x4];
	[sflag:s8] =	ssyncset.done $0x0  }
0x17: {  	s18 =	rddreg [dreg:$0x6];
	[sflag:s8] =	ssyncadd.s32 $0xFFFF0000  }
0x18: {  	[tilespmem:s18], [sflag:$0x2] =	stream.linear.gather [hbm4b:s1+s2], $0x40, $0x38;
	[tilespmem:$0x10100] =	vst v63  }
0x19: {  	_ =	swait.ge [sflag:s8], $0x40  }
0x1a: {  	s0 =	rddreg [dreg:$0x5];
	[sflag:s8] =	ssyncset.done $0x0  }
0x1b: {  	s1 =	rddreg [dreg:$0x7];
	[sflag:s8] =	ssyncadd.s32 $0xFFFFFFC0  }
0x1c: {  	[tilespmem:s1], [sflag:$0x2] =	stream.linear.gather [hbm4b:s0+s2], $0x40, $0x38;
	[tilespmem:$0x10100] =	vst v63  }
0x1d: {  	_ =	swait.ge [sflag:s8], $0x40  }
0x1e: {  	[sflag:s8] =	ssyncset.done $0x0  }
0x1f: {  	[sflag:s8] =	ssyncadd.s32 $0xFFFFFFC0  }
0x20: {  	v3 =	vld [tilespmem:$0x10000];
	_ =	sdelay $0x4  }
0x21: {  	v4 =	vshll.u32 v3, $0x3  }
0x22: {  	v3 =	vand.u32 $0x7, v3;
	v4 =	vand.u32 $0xFFFFFFC0, v4  }
0x23: {  	v3 =	vor.u32 v3, v4  }
0x24: {  	v4 =	vperm.xlane v3, v0;
	_ =	sdelay $0x1  }
0x25: {  	v4 =	vadd.s32 v1, v4;
	_ =	sdelay $0x4  }
0x26: {  	[hbm4b:s3+s2] =	stream.indirect_vreg.scatter [tilespmem:s2], [sflag:$0x1], $0x80, v4, vm0, $0xb8;
	[tilespmem:$0x10100] =	vst v63  }
0x27: {  	s17 =	simm.s32 $0x800;
	v3 =	vperm.xlane v3, v2  }
0x28: {  	[hbm4b:s4+s2] =	stream.indirect_vreg.scatter [tilespmem:s17], [sflag:$0x1], $0x80, v4, vm0, $0xb8;
	[tilespmem:$0x10100] =	vst v63  }
0x29: {  	s18 =	simm.s32 $0x1000;
	v3 =	vadd.s32 v1, v3  }
0x2a: {  	[hbm4b:s5+s2] =	stream.indirect_vreg.scatter [tilespmem:s18], [sflag:$0x1], $0x80, v4, vm0, $0xb8;
	[tilespmem:$0x10100] =	vst v63  }
0x2b: {  	_ = 	snop  }
0x2c: {  	[hbm4b:s6+s2] =	stream.indirect_vreg.scatter [tilespmem:s19], [sflag:$0x1], $0x80, v4, vm0, $0xb8;
	[tilespmem:$0x10100] =	vst v63  }
0x2d: {  	_ = 	snop  }
0x2e: {  	[hbm4b:s3+s2] =	stream.indirect_vreg.scatter [tilespmem:s20], [sflag:$0x1], $0x80, v3, vm0, $0xb8;
	[tilespmem:$0x10100] =	vst v63  }
0x2f: {  	_ = 	snop  }
0x30: {  	[hbm4b:s4+s2] =	stream.indirect_vreg.scatter [tilespmem:s21], [sflag:$0x1], $0x80, v3, vm0, $0xb8;
	[tilespmem:$0x10100] =	vst v63  }
0x31: {  	_ = 	snop  }
0x32: {  	[hbm4b:s5+s2] =	stream.indirect_vreg.scatter [tilespmem:s22], [sflag:$0x1], $0x80, v3, vm0, $0xb8;
	[tilespmem:$0x10100] =	vst v63  }
0x33: {  	_ = 	snop  }
0x34: {  	[hbm4b:s6+s2] =	stream.indirect_vreg.scatter [tilespmem:s23], [sflag:$0x1], $0x80, v3, vm0, $0xb8;
	[tilespmem:$0x10100] =	vst v63  }
0x35: {  	v3 =	vld [tilespmem:$0x10010];
	_ =	sdelay $0x4  }
0x36: {  	v57 =	vshll.u32 v3, $0x3  }
0x37: {  	v3 =	vand.u32 $0x7, v3;
	v4 =	vand.u32 $0xFFFFFFC0, v57  }
0x38: {  	v3 =	vor.u32 v3, v4  }
0x39: {  	v4 =	vperm.xlane v3, v0;
	_ =	sdelay $0x1  }
0x3a: {  	v4 =	vadd.s32 v1, v4;
	_ =	sdelay $0x4  }
0x3b: {  	[hbm4b:s3+s2] =	stream.indirect_vreg.scatter [tilespmem:s24], [sflag:$0x1], $0x80, v4, vm0, $0xb8;
	[tilespmem:$0x10100] =	vst v63  }
0x3c: {  	v3 =	vperm.xlane v3, v2  }
0x3d: {  	[hbm4b:s4+s2] =	stream.indirect_vreg.scatter [tilespmem:s25], [sflag:$0x1], $0x80, v4, vm0, $0xb8;
	[tilespmem:$0x10100] =	vst v63  }
0x3e: {  	v3 =	vadd.s32 v1, v3  }
0x3f: {  	[hbm4b:s5+s2] =	stream.indirect_vreg.scatter [tilespmem:s26], [sflag:$0x1], $0x80, v4, vm0, $0xb8;
	[tilespmem:$0x10100] =	vst v63  }
0x40: {  	_ = 	snop  }
0x41: {  	[hbm4b:s6+s2] =	stream.indirect_vreg.scatter [tilespmem:s28], [sflag:$0x1], $0x80, v4, vm0, $0xb8;
	[tilespmem:$0x10100] =	vst v63  }
0x42: {  	_ = 	snop  }
0x43: {  	[hbm4b:s3+s2] =	stream.indirect_vreg.scatter [tilespmem:s29], [sflag:$0x1], $0x80, v3, vm0, $0xb8;
	[tilespmem:$0x10100] =	vst v63  }
0x44: {  	_ = 	snop  }
0x45: {  	[hbm4b:s4+s2] =	stream.indirect_vreg.scatter [tilespmem:s30], [sflag:$0x1], $0x80, v3, vm0, $0xb8;
	[tilespmem:$0x10100] =	vst v63  }
0x46: {  	_ = 	snop  }
0x47: {  	[hbm4b:s5+s2] =	stream.indirect_vreg.scatter [tilespmem:s31], [sflag:$0x1], $0x80, v3, vm0, $0xb8;
	[tilespmem:$0x10100] =	vst v63  }
0x48: {  	s1 =	simm.s32 $0x7800  }
0x49: {  	[hbm4b:s6+s2] =	stream.indirect_vreg.scatter [tilespmem:s1], [sflag:$0x1], $0x80, v3, vm0, $0xb8;
	[tilespmem:$0x10100] =	vst v63  }
0x4a: {  	v3 =	vld [tilespmem:$0x10020];
	_ =	sdelay $0x4  }
0x4b: {  	v58 =	vshll.u32 v3, $0x3  }
0x4c: {  	v3 =	vand.u32 $0x7, v3;
	v4 =	vand.u32 $0xFFFFFFC0, v58  }
0x4d: {  	v3 =	vor.u32 v3, v4  }
0x4e: {  	v4 =	vperm.xlane v3, v0;
	_ =	sdelay $0x1  }
0x4f: {  	v4 =	vadd.s32 v1, v4;
	_ =	sdelay $0x3  }
0x50: {  	s0 =	simm.s32 $0x8000  }
0x51: {  	[hbm4b:s3+s2] =	stream.indirect_vreg.scatter [tilespmem:s0], [sflag:$0x1], $0x80, v4, vm0, $0xb8;
	[tilespmem:$0x10100] =	vst v63  }
0x52: {  	v3 =	vperm.xlane v3, v2  }
0x53: {  	[hbm4b:s4+s2] =	stream.indirect_vreg.scatter [tilespmem:s9], [sflag:$0x1], $0x80, v4, vm0, $0xb8;
	[tilespmem:$0x10100] =	vst v63  }
0x54: {  	v3 =	vadd.s32 v1, v3  }
0x55: {  	[hbm4b:s5+s2] =	stream.indirect_vreg.scatter [tilespmem:s10], [sflag:$0x1], $0x80, v4, vm0, $0xb8;
	[tilespmem:$0x10100] =	vst v63  }
0x56: {  	_ = 	snop  }
0x57: {  	[hbm4b:s6+s2] =	stream.indirect_vreg.scatter [tilespmem:s11], [sflag:$0x1], $0x80, v4, vm0, $0xb8;
	[tilespmem:$0x10100] =	vst v63  }
0x58: {  	_ = 	snop  }
0x59: {  	[hbm4b:s3+s2] =	stream.indirect_vreg.scatter [tilespmem:s12], [sflag:$0x1], $0x80, v3, vm0, $0xb8;
	[tilespmem:$0x10100] =	vst v63  }
0x5a: {  	_ = 	snop  }
0x5b: {  	[hbm4b:s4+s2] =	stream.indirect_vreg.scatter [tilespmem:s13], [sflag:$0x1], $0x80, v3, vm0, $0xb8;
	[tilespmem:$0x10100] =	vst v63  }
0x5c: {  	_ = 	snop  }
0x5d: {  	[hbm4b:s5+s2] =	stream.indirect_vreg.scatter [tilespmem:s14], [sflag:$0x1], $0x80, v3, vm0, $0xb8;
	[tilespmem:$0x10100] =	vst v63  }
0x5e: {  	_ = 	snop  }
0x5f: {  	[hbm4b:s6+s2] =	stream.indirect_vreg.scatter [tilespmem:s15], [sflag:$0x1], $0x80, v3, vm0, $0xb8;
	[tilespmem:$0x10100] =	vst v63  }
0x60: {  	v3 =	vld [tilespmem:$0x10030];
	_ =	sdelay $0x4  }
0x61: {  	v59 =	vshll.u32 v3, $0x3  }
0x62: {  	v3 =	vand.u32 $0x7, v3;
	v4 =	vand.u32 $0xFFFFFFC0, v59  }
0x63: {  	v3 =	vor.u32 v3, v4  }
0x64: {  	v4 =	vperm.xlane v3, v0;
	_ =	sdelay $0x1  }
0x65: {  	v4 =	vadd.s32 v1, v4;
	_ =	sdelay $0x3  }
0x66: {  	s0 =	simm.s32 $0xC000  }
0x67: {  	[hbm4b:s3+s2] =	stream.indirect_vreg.scatter [tilespmem:s0], [sflag:$0x1], $0x80, v4, vm0, $0xb8;
	[tilespmem:$0x10100] =	vst v63  }
0x68: {  	v3 =	vperm.xlane v3, v2;
	s0 =	simm.s32 $0xC800  }
0x69: {  	[hbm4b:s4+s2] =	stream.indirect_vreg.scatter [tilespmem:s0], [sflag:$0x1], $0x80, v4, vm0, $0xb8;
	[tilespmem:$0x10100] =	vst v63  }
0x6a: {  	v3 =	vadd.s32 v1, v3;
	s0 =	simm.s32 $0xD000  }
0x6b: {  	[hbm4b:s5+s2] =	stream.indirect_vreg.scatter [tilespmem:s0], [sflag:$0x1], $0x80, v4, vm0, $0xb8;
	[tilespmem:$0x10100] =	vst v63  }
0x6c: {  	s0 =	simm.s32 $0xD800  }
0x6d: {  	[hbm4b:s6+s2] =	stream.indirect_vreg.scatter [tilespmem:s0], [sflag:$0x1], $0x80, v4, vm0, $0xb8;
	[tilespmem:$0x10100] =	vst v63  }
0x6e: {  	s0 =	simm.s32 $0xE000  }
0x6f: {  	[hbm4b:s3+s2] =	stream.indirect_vreg.scatter [tilespmem:s0], [sflag:$0x1], $0x80, v3, vm0, $0xb8;
	[tilespmem:$0x10100] =	vst v63  }
0x70: {  	s0 =	simm.s32 $0xE800  }
0x71: {  	[hbm4b:s4+s2] =	stream.indirect_vreg.scatter [tilespmem:s0], [sflag:$0x1], $0x80, v3, vm0, $0xb8;
	[tilespmem:$0x10100] =	vst v63  }
0x72: {  	s0 =	simm.s32 $0xF000  }
0x73: {  	[hbm4b:s5+s2] =	stream.indirect_vreg.scatter [tilespmem:s0], [sflag:$0x1], $0x80, v3, vm0, $0xb8;
	[tilespmem:$0x10100] =	vst v63  }
0x74: {  	s0 =	simm.s32 $0xF800  }
0x75: {  	[hbm4b:s6+s2] =	stream.indirect_vreg.scatter [tilespmem:s0], [sflag:$0x1], $0x80, v3, vm0, $0xb8;
	[tilespmem:$0x10100] =	vst v63  }
0x76: {  	_ =	swait.ge [sflag:s16], $0x10000  }
0x77: {  	[sflag:s16] =	ssyncset.done $0x0  }
0x78: {  	[sflag:s16] =	ssyncadd.s32 $0xFFFF0000  }
0x79: {  	v3 =	vld [tilespmem:$0x10080];
	_ =	sdelay $0x4  }
0x7a: {  	v60 =	vshll.u32 v3, $0x3  }
0x7b: {  	v3 =	vand.u32 $0x7, v3;
	v4 =	vand.u32 $0xFFFFFFC0, v60  }
0x7c: {  	v3 =	vor.u32 v3, v4  }
0x7d: {  	v4 =	vperm.xlane v3, v0;
	_ =	sdelay $0x1  }
0x7e: {  	v4 =	vadd.s32 v1, v4;
	_ =	sdelay $0x4  }
0x7f: {  	[hbm4b:s3+s2] =	stream.indirect_vreg.scatter [tilespmem:s2], [sflag:$0x1], $0x80, v4, vm0, $0xb8;
	[tilespmem:$0x10100] =	vst v63  }
0x80: {  	v3 =	vperm.xlane v3, v2  }
0x81: {  	[hbm4b:s4+s2] =	stream.indirect_vreg.scatter [tilespmem:s17], [sflag:$0x1], $0x80, v4, vm0, $0xb8;
	[tilespmem:$0x10100] =	vst v63  }
0x82: {  	v3 =	vadd.s32 v1, v3  }
0x83: {  	[hbm4b:s5+s2] =	stream.indirect_vreg.scatter [tilespmem:s18], [sflag:$0x1], $0x80, v4, vm0, $0xb8;
	[tilespmem:$0x10100] =	vst v63  }
0x84: {  	_ = 	snop  }
0x85: {  	[hbm4b:s6+s2] =	stream.indirect_vreg.scatter [tilespmem:s19], [sflag:$0x1], $0x80, v4, vm0, $0xb8;
	[tilespmem:$0x10100] =	vst v63  }
0x86: {  	_ = 	snop  }
0x87: {  	[hbm4b:s3+s2] =	stream.indirect_vreg.scatter [tilespmem:s20], [sflag:$0x1], $0x80, v3, vm0, $0xb8;
	[tilespmem:$0x10100] =	vst v63  }
0x88: {  	_ = 	snop  }
0x89: {  	[hbm4b:s4+s2] =	stream.indirect_vreg.scatter [tilespmem:s21], [sflag:$0x1], $0x80, v3, vm0, $0xb8;
	[tilespmem:$0x10100] =	vst v63  }
0x8a: {  	_ = 	snop  }
0x8b: {  	[hbm4b:s5+s2] =	stream.indirect_vreg.scatter [tilespmem:s22], [sflag:$0x1], $0x80, v3, vm0, $0xb8;
	[tilespmem:$0x10100] =	vst v63  }
0x8c: {  	_ = 	snop  }
0x8d: {  	[hbm4b:s6+s2] =	stream.indirect_vreg.scatter [tilespmem:s23], [sflag:$0x1], $0x80, v3, vm0, $0xb8;
	[tilespmem:$0x10100] =	vst v63  }
0x8e: {  	v3 =	vld [tilespmem:$0x10090];
	_ =	sdelay $0x4  }
0x8f: {  	v61 =	vshll.u32 v3, $0x3  }
0x90: {  	v3 =	vand.u32 $0x7, v3;
	v4 =	vand.u32 $0xFFFFFFC0, v61  }
0x91: {  	v3 =	vor.u32 v3, v4  }
0x92: {  	v4 =	vperm.xlane v3, v0;
	_ =	sdelay $0x1  }
0x93: {  	v4 =	vadd.s32 v1, v4;
	_ =	sdelay $0x4  }
0x94: {  	[hbm4b:s3+s2] =	stream.indirect_vreg.scatter [tilespmem:s24], [sflag:$0x1], $0x80, v4, vm0, $0xb8;
	[tilespmem:$0x10100] =	vst v63  }
0x95: {  	v3 =	vperm.xlane v3, v2  }
0x96: {  	[hbm4b:s4+s2] =	stream.indirect_vreg.scatter [tilespmem:s25], [sflag:$0x1], $0x80, v4, vm0, $0xb8;
	[tilespmem:$0x10100] =	vst v63  }
0x97: {  	v3 =	vadd.s32 v1, v3  }
0x98: {  	[hbm4b:s5+s2] =	stream.indirect_vreg.scatter [tilespmem:s26], [sflag:$0x1], $0x80, v4, vm0, $0xb8;
	[tilespmem:$0x10100] =	vst v63  }
0x99: {  	_ = 	snop  }
0x9a: {  	[hbm4b:s6+s2] =	stream.indirect_vreg.scatter [tilespmem:s28], [sflag:$0x1], $0x80, v4, vm0, $0xb8;
	[tilespmem:$0x10100] =	vst v63  }
0x9b: {  	_ = 	snop  }
0x9c: {  	[hbm4b:s3+s2] =	stream.indirect_vreg.scatter [tilespmem:s29], [sflag:$0x1], $0x80, v3, vm0, $0xb8;
	[tilespmem:$0x10100] =	vst v63  }
0x9d: {  	_ = 	snop  }
0x9e: {  	[hbm4b:s4+s2] =	stream.indirect_vreg.scatter [tilespmem:s30], [sflag:$0x1], $0x80, v3, vm0, $0xb8;
	[tilespmem:$0x10100] =	vst v63  }
0x9f: {  	_ = 	snop  }
0xa0: {  	[hbm4b:s5+s2] =	stream.indirect_vreg.scatter [tilespmem:s31], [sflag:$0x1], $0x80, v3, vm0, $0xb8;
	[tilespmem:$0x10100] =	vst v63  }
0xa1: {  	_ = 	snop  }
0xa2: {  	[hbm4b:s6+s2] =	stream.indirect_vreg.scatter [tilespmem:s1], [sflag:$0x1], $0x80, v3, vm0, $0xb8;
	[tilespmem:$0x10100] =	vst v63  }
0xa3: {  	v3 =	vld [tilespmem:$0x100A0];
	_ =	sdelay $0x4  }
0xa4: {  	v62 =	vshll.u32 v3, $0x3  }
0xa5: {  	v3 =	vand.u32 $0x7, v3;
	v4 =	vand.u32 $0xFFFFFFC0, v62  }
0xa6: {  	v3 =	vor.u32 v3, v4  }
0xa7: {  	v4 =	vperm.xlane v3, v0;
	_ =	sdelay $0x1  }
0xa8: {  	v4 =	vadd.s32 v1, v4;
	_ =	sdelay $0x3  }
0xa9: {  	s17 =	simm.s32 $0x8000  }
0xaa: {  	[hbm4b:s3+s2] =	stream.indirect_vreg.scatter [tilespmem:s17], [sflag:$0x1], $0x80, v4, vm0, $0xb8;
	[tilespmem:$0x10100] =	vst v63  }
0xab: {  	v3 =	vperm.xlane v3, v2  }
0xac: {  	[hbm4b:s4+s2] =	stream.indirect_vreg.scatter [tilespmem:s9], [sflag:$0x1], $0x80, v4, vm0, $0xb8;
	[tilespmem:$0x10100] =	vst v63  }
0xad: {  	v3 =	vadd.s32 v1, v3  }
0xae: {  	[hbm4b:s5+s2] =	stream.indirect_vreg.scatter [tilespmem:s10], [sflag:$0x1], $0x80, v4, vm0, $0xb8;
	[tilespmem:$0x10100] =	vst v63  }
0xaf: {  	_ = 	snop  }
0xb0: {  	[hbm4b:s6+s2] =	stream.indirect_vreg.scatter [tilespmem:s11], [sflag:$0x1], $0x80, v4, vm0, $0xb8;
	[tilespmem:$0x10100] =	vst v63  }
0xb1: {  	_ = 	snop  }
0xb2: {  	[hbm4b:s3+s2] =	stream.indirect_vreg.scatter [tilespmem:s12], [sflag:$0x1], $0x80, v3, vm0, $0xb8;
	[tilespmem:$0x10100] =	vst v63  }
0xb3: {  	_ = 	snop  }
0xb4: {  	[hbm4b:s4+s2] =	stream.indirect_vreg.scatter [tilespmem:s13], [sflag:$0x1], $0x80, v3, vm0, $0xb8;
	[tilespmem:$0x10100] =	vst v63  }
0xb5: {  	_ = 	snop  }
0xb6: {  	[hbm4b:s5+s2] =	stream.indirect_vreg.scatter [tilespmem:s14], [sflag:$0x1], $0x80, v3, vm0, $0xb8;
	[tilespmem:$0x10100] =	vst v63  }
0xb7: {  	_ = 	snop  }
0xb8: {  	[hbm4b:s6+s2] =	stream.indirect_vreg.scatter [tilespmem:s15], [sflag:$0x1], $0x80, v3, vm0, $0xb8;
	[tilespmem:$0x10100] =	vst v63  }
0xb9: {  	v3 =	vld [tilespmem:$0x100B0];
	_ =	sdelay $0x4  }
0xba: {  	v63 =	vshll.u32 v3, $0x3  }
0xbb: {  	v3 =	vand.u32 $0x7, v3;
	v4 =	vand.u32 $0xFFFFFFC0, v63  }
0xbc: {  	v3 =	vor.u32 v3, v4  }
0xbd: {  	v4 =	vperm.xlane v3, v0;
	_ =	sdelay $0x1  }
0xbe: {  	v4 =	vadd.s32 v1, v4;
	_ =	sdelay $0x3  }
0xbf: {  	s18 =	simm.s32 $0xC000  }
0xc0: {  	[hbm4b:s3+s2] =	stream.indirect_vreg.scatter [tilespmem:s18], [sflag:$0x1], $0x80, v4, vm0, $0xb8;
	[tilespmem:$0x10100] =	vst v63  }
0xc1: {  	s17 =	simm.s32 $0xC800;
	v3 =	vperm.xlane v3, v2  }
0xc2: {  	[hbm4b:s4+s2] =	stream.indirect_vreg.scatter [tilespmem:s17], [sflag:$0x1], $0x80, v4, vm0, $0xb8;
	[tilespmem:$0x10100] =	vst v63  }
0xc3: {  	v3 =	vadd.s32 v1, v3;
	s18 =	simm.s32 $0xD000  }
0xc4: {  	[hbm4b:s5+s2] =	stream.indirect_vreg.scatter [tilespmem:s18], [sflag:$0x1], $0x80, v4, vm0, $0xb8;
	[tilespmem:$0x10100] =	vst v63  }
0xc5: {  	s17 =	simm.s32 $0xD800  }
0xc6: {  	[hbm4b:s6+s2] =	stream.indirect_vreg.scatter [tilespmem:s17], [sflag:$0x1], $0x80, v4, vm0, $0xb8;
	[tilespmem:$0x10100] =	vst v63  }
0xc7: {  	s18 =	simm.s32 $0xE000  }
0xc8: {  	[hbm4b:s3+s2] =	stream.indirect_vreg.scatter [tilespmem:s18], [sflag:$0x1], $0x80, v3, vm0, $0xb8;
	[tilespmem:$0x10100] =	vst v63  }
0xc9: {  	s17 =	simm.s32 $0xE800  }
0xca: {  	[hbm4b:s4+s2] =	stream.indirect_vreg.scatter [tilespmem:s17], [sflag:$0x1], $0x80, v3, vm0, $0xb8;
	[tilespmem:$0x10100] =	vst v63  }
0xcb: {  	p0 =	sne.s32 s7, $0x1;
	s18 =	simm.s32 $0xF000  }
0xcc: {  	[hbm4b:s5+s2] =	stream.indirect_vreg.scatter [tilespmem:s18], [sflag:$0x1], $0x80, v3, vm0, $0xb8;
	[tilespmem:$0x10100] =	vst v63  }
.Ltmp0:
0xcd: {  	_ = 	snop;
	(pc) =	sbr.rel @p0 .LBB2_1-.Ltmp0, $4  }
0xce: {  	[hbm4b:s6+s2] =	stream.indirect_vreg.scatter [tilespmem:s0], [sflag:$0x1], $0x80, v3, vm0, $0xb8;
	[tilespmem:$0x10100] =	vst v63  }
0xcf: {  	_ =	swait.ge [sflag:s16], $0x10000  }
0xd0: {  	[sflag:s16] =	ssyncset.done $0x0  }
0xd1: {  	s7 =	sadd.s32 $0xFFFFFFFF, s7;
	[sflag:s16] =	ssyncadd.s32 $0xFFFF0000  }
0xd2: {  	_ =	sfence.sel $0x180000  }
0xd3: {  	[bflag:$0x0] =	sbarrier.arrive $0xFFFF  }
0xd4: {  	_ =	strace $0x90000047  }
0xd5: {  	s0 =	stileid.u32;
	[bflag:$0x2] =	sbarrier.arrive $0xFFFF  }
0xd6: {  	p0 =	sne.s32 s0, $0x0;
	s0 =	rddreg [dreg:$0x2]  }
0xd7: {  	s0 =	sadd.s32 @!p0 $0x100000, s0  }
0xd8: {  	[sflag:s0] =	ssyncadd.tile.s32 @!p0 $0x1;
	_ =	shalt  }
.Lfunc_end2:
_tile_overlayer_lowered:
.L_overlay_start_2:
0xd9: {  	(tag) =	ssettag $0x2  }
0xda: {  	s0 =	rddreg [dreg:$0x0];
	s2 =	stileid.u32  }
0xdb: {  	s1 =	rddreg [dreg:$0x1];
	p0 =	sne.s32 s2, $0x0  }
0xdc: {  	s3 =	rddreg [dreg:$0x2];
	[bflag:$0x3] =	sbarrier.arrive $0xFFFF;
	s2 =	simm.s32 @!p0 $0x1C02  }
0xdd: {  	[timem:s3], [sflag:s2] =	dma.local @!p0 [hbm:s0], s1  }
0xde: {  	s0 =	simm.s32 @!p0 $0x2  }
0xdf: {  	_ =	swait.ge @!p0 [sflag:s0], s1  }
0xe0: {  	s1 =	ssub.s32 @!p0 $0x0, s1;
	[sflag:s0] =	ssyncset.done @!p0 $0x0  }
0xe1: {  	[sflag:s0] =	ssyncadd.s32 @!p0 s1  }
0xe2: {  	[bflag:$0x3] =	sbarrier.arrive $0xFFFF  }
0xe3: {  	_ =	shalt  }

// kernel: kernel.9.cloned.1.call-start
scs
__scs_entry_jumppad:
0x0: {  	(pc) =	sbr.rel $0x88, $3  }
0x1: {  	(tag) =	ssettag $0x0;
	lr =	simm.s32 $0x1  }
0x2: {  	[smem:$0x3F9A] =	sst lr;
	_ =	strace $0xD0000000  }
0x3: {  	_ = 	snop  }
0x4: {  	_ = 	snop  }
0x5: {  	_ = 	snop  }
0x6: {  	_ = 	snop  }
0x7: {  	_ = 	snop  }
__scs_overlays_trampoline_lowered:
0x8: {  	[smem:$0x3FA9] =	sst s0  }
0x9: {  	[smem:$0x3FAA] =	sst s1  }
0xa: {  	[smem:$0x3FAB] =	sst s2  }
0xb: {  	[smem:$0x3FAC] =	sst s3  }
0xc: {  	[smem:$0x3FAD] =	sst s4  }
0xd: {  	[smem:$0x3FAE] =	sst s5  }
0xe: {  	[smem:$0x3FAF] =	sst s6  }
0xf: {  	[smem:$0x3FB0] =	sst s7  }
0x10: {  	[smem:$0x3FB1] =	sst s8  }
0x11: {  	[smem:$0x3FB2] =	sst s9;
	s0 =	simm.s32 @!p0 $0x0  }
0x12: {  	s1 =	sld [smem:$0x3F98];
	s0 =	simm.s32 @p0 $0x1  }
0x13: {  	[smem:$0x3FB3] =	sst s0;
	s0 =	simm.s32 @!p1 $0x0  }
0x14: {  	s2 =	sld [smem:$0x3F97];
	s0 =	simm.s32 @p1 $0x1  }
0x15: {  	[smem:$0x3FB4] =	sst s0;
	s0 =	simm.s32 @!p2 $0x0  }
0x16: {  	s3 =	sld [smem:$0x3FDB];
	s0 =	simm.s32 @p2 $0x1  }
0x17: {  	s4 =	simm.s32 $0x1BF5;
	[smem:$0x3FB6] =	sst s0  }
0x18: {  	s0 =	sld [smem:$0x3F99];
	_ =	swait.ge [sflag:s4], $0x0  }
0x19: {  	s7 =	sld [smem:$0x3F9A]  }
0x1a: {  	s8 =	sadd.s32 $0xFFFFE003, lr  }
0x1b: {  	s9 =	sadd.s32 $0xFFFFFEF7, lr;
	s5 =	simm.s32 $0xFFFFFFFF;
	p2 =	slt.u32 s8, $0xFFFFF086  }
0x1c: {  	p1 =	slt.u32 s9, $0xF7A;
	s5 =	simm.s32 @!p2 $0x0  }
0x1d: {  	s5 =	simm.s32 @p1 $0x1;
	p0 =	seq.s32 s7, s2  }
0x1e: {  	s7 =	smul.u32 @!p0 $0xF7A, s2;
	p2 =	seq.s32 @!p0 s5, $0x0  }
0x1f: {  	s9 =	smul.u32 $0xF7A, s1;
	s8 =	simm.s32 @!p0 $0x1BF5;
	p2 =	por !p2, p0  }
0x20: {  	[sflag:s8] =	ssyncset.s32 @!p0 $0xFFFFF086;
	s6 =	sadd.s32 @!p0 s3, s7;
	s7 =	simm.s32 @!p0 $0x108  }
0x21: {  	s3 =	sadd.s32 s3, s9;
	s6 =	sadd.s32 @!p0 $0x88, s6;
	s7 =	simm.s32 @p2 $0x1082  }
0x22: {  	[simem:s7], [sflag:s8] =	dma.local @!p0 [hbm:s6], $0xF7A  }
0x23: {  	s9 =	sor.u32 $0xD0000000, s2;
	s6 =	simm.s32 $0x108;
	_ =	swait.ge @!p0 [sflag:s8], $0x0  }
0x24: {  	s3 =	sadd.s32 $0x88, s3;
	s6 =	simm.s32 @!p1 $0x1082;
	[sflag:s4] =	ssyncset.s32 $0xFFFFF086  }
0x25: {  	[simem:s6], [sflag:s4] =	dma.local [hbm:s3], $0xF7A  }
0x26: {  	[smem:$0x3F9A] =	sst s1;
	(tag) =	ssettag s2;
	_ =	strace s9  }
0x27: {  	s1 =	sld [smem:$0x3FAA]  }
0x28: {  	s2 =	sld [smem:$0x3FAB]  }
0x29: {  	s4 =	sld [smem:$0x3FAD]  }
0x2a: {  	p0 =	seq.s32 s5, $0x0;
	s5 =	sld [smem:$0x3FAE]  }
0x2b: {  	s6 =	sld [smem:$0x3FAF]  }
0x2c: {  	s7 =	sld [smem:$0x3FB0]  }
0x2d: {  	s3 =	simm.s32 $0x108;
	s8 =	sld [smem:$0x3FB1]  }
0x2e: {  	s3 =	simm.s32 @!p0 $0x1082;
	s9 =	sld [smem:$0x3FB2]  }
0x2f: {  	lr =	sadd.s32 s0, s3;
	s0 =	sld [smem:$0x3FA9]  }
0x30: {  	s3 =	sld [smem:$0x3FAC]  }
0x31: {  	[smem:$0x3FB5] =	sst s10  }
0x32: {  	s10 =	sld [smem:$0x3FB3];
	_ =	sdelay $0x3  }
0x33: {  	p0 =	seq.s32 s10, $0x1;
	s10 =	sld [smem:$0x3FB5];
	_ =	sdelay $0x3  }
0x34: {  	[smem:$0x3FB5] =	sst s10  }
0x35: {  	s10 =	sld [smem:$0x3FB4];
	_ =	sdelay $0x3  }
0x36: {  	p1 =	seq.s32 s10, $0x1;
	s10 =	sld [smem:$0x3FB5];
	_ =	sdelay $0x3  }
0x37: {  	[smem:$0x3FB5] =	sst s10  }
0x38: {  	s10 =	sld [smem:$0x3FB6]  }
0x39: {  	_ = 	snop;
	(pc) =	sbr.ind lr, $3  }
0x3a: {  	_ = 	snop  }
0x3b: {  	_ = 	snop  }
0x3c: {  	p2 =	seq.s32 s10, $0x1;
	s10 =	sld [smem:$0x3FB5]  }
0x3d: {  	_ =	shalt  }
0x3e: {  	_ =	shalt  }
0x3f: {  	_ =	shalt  }
0x40: {  	_ =	shalt  }
0x41: {  	_ =	shalt  }
0x42: {  	_ =	shalt  }
0x43: {  	_ =	shalt  }
0x44: {  	_ =	shalt  }
0x45: {  	_ =	shalt  }
0x46: {  	_ =	shalt  }
0x47: {  	_ =	shalt  }
0x48: {  	_ =	shalt  }
0x49: {  	_ =	shalt  }
0x4a: {  	_ =	shalt  }
0x4b: {  	_ =	shalt  }
0x4c: {  	_ =	shalt  }
0x4d: {  	_ =	shalt  }
0x4e: {  	_ =	shalt  }
0x4f: {  	_ =	shalt  }
0x50: {  	_ =	shalt  }
0x51: {  	_ =	shalt  }
0x52: {  	_ =	shalt  }
0x53: {  	_ =	shalt  }
0x54: {  	_ =	shalt  }
0x55: {  	_ =	shalt  }
0x56: {  	_ =	shalt  }
0x57: {  	_ =	shalt  }
0x58: {  	_ =	shalt  }
0x59: {  	_ =	shalt  }
0x5a: {  	_ =	shalt  }
0x5b: {  	_ =	shalt  }
0x5c: {  	_ =	shalt  }
0x5d: {  	_ =	shalt  }
0x5e: {  	_ =	shalt  }
0x5f: {  	_ =	shalt  }
0x60: {  	_ =	shalt  }
0x61: {  	_ =	shalt  }
0x62: {  	_ =	shalt  }
0x63: {  	_ =	shalt  }
0x64: {  	_ =	shalt  }
0x65: {  	_ =	shalt  }
0x66: {  	_ =	shalt  }
0x67: {  	_ =	shalt  }
0x68: {  	_ =	shalt  }
0x69: {  	_ =	shalt  }
0x6a: {  	_ =	shalt  }
0x6b: {  	_ =	shalt  }
0x6c: {  	_ =	shalt  }
0x6d: {  	_ =	shalt  }
0x6e: {  	_ =	shalt  }
0x6f: {  	_ =	shalt  }
0x70: {  	_ =	shalt  }
0x71: {  	_ =	shalt  }
0x72: {  	_ =	shalt  }
0x73: {  	_ =	shalt  }
0x74: {  	_ =	shalt  }
0x75: {  	_ =	shalt  }
0x76: {  	_ =	shalt  }
0x77: {  	_ =	shalt  }
0x78: {  	_ =	shalt  }
0x79: {  	_ =	shalt  }
0x7a: {  	_ =	shalt  }
0x7b: {  	_ =	shalt  }
0x7c: {  	_ =	shalt  }
0x7d: {  	_ =	shalt  }
0x7e: {  	_ =	shalt  }
0x7f: {  	_ =	shalt  }
0x80: {  	_ =	shalt  }
0x81: {  	_ =	shalt  }
0x82: {  	_ =	shalt  }
0x83: {  	_ =	shalt  }
0x84: {  	_ =	shalt  }
0x85: {  	_ =	shalt  }
0x86: {  	_ =	shalt  }
0x87: {  	_ =	shalt  }
.Lfunc_end0:
.L_simem_size_0:
called_computation.1_lowered:
.L_overlay_start_0:
0x88: {  	s2 =	sld [smem:$0x3FD9]  }
0x89: {  	s3 =	sld [smem:$0x3FFE];
	_ =	sdelay $0x1  }
0x8a: {  	s1 =	srdreg.scid  }
0x8b: {  	s0 =	sand.u32 $0x1, s1  }
0x8c: {  	s17 =	sshll.u32 s0, $0xA;
	s2 =	sadd.s32 s3, s2  }
0x8d: {  	s2 =	sadd.s32 s2, s17  }
0x8e: {  	[smem:$0x3FC1] =	sst s2  }
0x8f: {  	_ = 	snop  }
0x90: {  	s2 =	sld [smem:$0x3FD0];
	(tm) =	ssettm $0x1  }
0x91: {  	s18 =	sld [smem:$0x3FFB];
	_ =	sdelay $0x3  }
0x92: {  	_ =	strace s18  }
0x93: {  	s3 =	sld [smem:$0x3FFC];
	_ =	sdelay $0x3  }
0x94: {  	_ =	strace s3  }
0x95: {  	s3 =	sld [smem:$0x3FFD];
	_ =	sdelay $0x3  }
0x96: {  	_ =	strace s3  }
0x97: {  	_ =	strace $0x8FFFFFFF  }
0x98: {  	s19 =	sld [smem:$0x3FDB];
	_ =	sdelay $0x1  }
0x99: {  	s4 =	simm.s32 $_scs_section_size  }
0x9a: {  	s5 =	simm.s32 $_size__tile_overlayer_lowered;
	s6 =	simm.s32 $_tile_overlayer_lowered  }
0x9b: {  	s22 =	simm.s32 $0x1BFF;
	s21 =	sshll.u32 s6, $0x1;
	s3 =	sadd.s32 s4, s19  }
0x9c: {  	s7 =	simm.s32 $0x0;
	s20 =	sshll.u32 s5, $0x1;
	s5 =	sadd.s32 s21, s3  }
0x9d: {  	[timem:s7], [sflag:s22] =	dma.local [hbm:s5], s20  }
0x9e: {  	_ =	swait.ge [sflag:s22], s20  }
0x9f: {  	s4 =	ssub.s32 $0x0, s20;
	[sflag:s22] =	ssyncset.done $0x0  }
0xa0: {  	[sflag:s22] =	ssyncadd.s32 s4;
	_ =	sdelay $0x1  }
0xa1: {  	s23 =	simm.s32 $0x1B8B  }
0xa2: {  	_ =	swait.ge [sflag:s23], $0x1  }
0xa3: {  	[sflag:s23] =	ssyncset.done $0x0  }
0xa4: {  	s25 =	simm.s32 $0x1B8E;
	s24 =	sld [smem:$0x3FFE];
	[sflag:s23] =	ssyncadd.s32 $0xFFFFFFFF  }
0xa5: {  	s26 =	simm.s32 $execute0_lowered;
	[smem:$0x3FD2] =	sst s25  }
0xa6: {  	s5 =	sshll.u32 s26, $0x1;
	_ =	strace $0x80000049;
	[dreg:$0x1] =	wrdreg $0xFFFFFFFF  }
0xa7: {  	s28 =	simm.s32 $_size_execute0_lowered;
	s3 =	sadd.s32 s3, s5;
	[dreg:$0x0] =	wrdreg $0x0  }
0xa8: {  	s5 =	sshll.u32 s28, $0x1;
	[dreg:$0x2] =	wrdreg s3  }
0xa9: {  	[dreg:$0x3] =	wrdreg s5  }
0xaa: {  	[dreg:$0x4] =	wrdreg $0xC0  }
0xab: {  	_ =	task [dreg:s7], $0x5FFFF  }
0xac: {  	[dreg:$0x1] =	wrdreg $0xFFFFFFFF  }
0xad: {  	[dreg:$0x0] =	wrdreg $0x60  }
0xae: {  	[dreg:$0x2] =	wrdreg s24  }
0xaf: {  	[dreg:$0x3] =	wrdreg s2  }
0xb0: {  	[dreg:$0x4] =	wrdreg $0x9  }
0xb1: {  	_ =	task.clear_ibuf [dreg:s7], $0x5FFFF;
	_ =	strace $0x90000049  }
0xb2: {  	s29 =	simm.s32 $0x9;
	_ =	strace $0x8000004B  }
0xb3: {  	_ =	swait.ge [sflag:s29], $0x1  }
0xb4: {  	[sflag:s29] =	ssyncadd.s32 $0xFFFFFFFF  }
0xb5: {  	_ =	strace $0x9000004B  }
0xb6: {  	_ =	sfence  }
0xb7: {  	s30 =	sld [smem:$0x0];
	_ =	sdelay $0x2  }
0xb8: {  	s31 =	sshll.u32 s1, $0xD;
	s1 =	sshrl.u32 s1, $0x2  }
0xb9: {  	s3 =	sand.u32 $0x4000, s31;
	s1 =	sadd.s32 s1, s30  }
0xba: {  	s0 =	sor.u32 s3, s0;
	s1 =	sshll.u32 s1, $0x11  }
0xbb: {  	s0 =	sor.u32 s1, s0  }
0xbc: {  	s0 =	sadd.s32 $0x8F2B, s0  }
0xbd: {  	[sflag:s0] =	ssyncadd.remote.s32 $0x1  }
0xbe: {  	_ =	sfence.sel $0xFFFF  }
0xbf: {  	[dreg:$0x0] =	wrdreg $0xFFFFFFFF;
	(pc) =	sbr.abs _section_cstart, $3  }
0xc0: {  	[dreg:$0x1] =	wrdreg $0xFFFFFFFF  }
0xc1: {  	_ =	task.clear_ibuf [dreg:s7], $0x2FFFF;
	_ =	strace $0x9FFFFFFF  }
0xc2: {  	(tm) =	ssettm $0x7FFFFFFF  }
0xc3: {  	_ =	shalt  }
tec
execute0_lowered:
.L_overlay_start_1:
0x0: {  	(tag) =	ssettag $0x1  }
0x1: {  	s0 =	rddreg [dreg:$0x0]  }
0x2: {  	s1 =	rddreg [dreg:$0x1];
	s2 =	simm.s32 $0x0;
	s3 =	srdreg.scid  }
0x3: {  	s5 =	stileid.u32;
	s15 =	simm.s32 $0x2;
	s14 =	simm.s32 $0x9000  }
0x4: {  	s16 =	simm.s32 $0x9800;
	s17 =	simm.s32 $0xA000;
	s18 =	simm.s32 $0xA800  }
0x5: {  	s19 =	simm.s32 $0xB000;
	s20 =	simm.s32 $0xB800;
	s21 =	simm.s32 $0xC800  }
0x6: {  	s22 =	simm.s32 $0xD800;
	s12 =	simm.s32 $0xF800;
	[smem:$0x7FF] =	sst s2  }
0x7: {  	s4 =	sand.u32 $0x1, s3;
	s3 =	sadd.s32 $0xA00, s0;
	s5 =	sshll.u32 s5, $0x7  }
0x8: {  	s9 =	sadd.s32 $0x600, s0;
	s10 =	sadd.s32 $0x800, s0;
	s8 =	sadd.s32 $0xD00, s0  }
0x9: {  	_ =	strace $0x8000004A;
	s6 =	sshll.u32 s4, $0x6;
	s4 =	ssub.s32 $0x2, s4  }
0xa: {  	s5 =	sor.u32 s6, s5;
	s23 =	sshrl.u32 s4, $0x1;
	s6 =	sadd.s32 $0xB00, s0  }
0xb: {  	s7 =	sshrl.u32 s5, $0x3;
	s4 =	ssub.s32 s4, s23;
	s11 =	sor.u32 $0x20, s5  }
0xc: {  	s26 =	sshll.u32 s5, $0x7;
	s23 =	simm.s32 $0xE000;
	s24 =	sadd.s32 s9, s7  }
0xd: {  	s25 =	sadd.s32 s10, s7;
	s7 =	sadd.s32 $0xC00, s0;
	s28 =	sshrl.u32 s11, $0x3  }
0xe: {  	s0 =	sadd.s32 s1, s26;
	s30 =	sshll.u32 s11, $0x7;
	[dreg:$0x3] =	wrdreg s24  }
0xf: {  	s31 =	smax.u32 s4, $0x1;
	s4 =	simm.s32 $0x8000;
	[dreg:$0x4] =	wrdreg s25  }
0x10: {  	s11 =	simm.s32 $0xE800;
	[dreg:$0x5] =	wrdreg s0;
	s29 =	sadd.s32 s9, s28  }
0x11: {  	s5 =	sadd.s32 s10, s28;
	s0 =	sadd.s32 s1, s30;
	[dreg:$0x9] =	wrdreg s31  }
0x12: {  	v2 =	vlaneseq.u32;
	s1 =	simm.s32 $0x1;
	s9 =	simm.s32 $0xC000;
	[dreg:$0x6] =	wrdreg s29  }
0x13: {  	vm0 =	vmmov $0xffff;
	v1 =	vshrl.u32 v2, $0x3;
	s10 =	simm.s32 $0xD000;
	s24 =	simm.s32 $0xF000;
	[dreg:$0x7] =	wrdreg s5  }
0x14: {  	v0 =	vand.u32 $0x7, v2;
	v2 =	vor.u32 $0x8, v2;
	v1 =	vmul.u32 $0x8, v1;
	s25 =	simm.s32 $0x0;
	[dreg:$0x8] =	wrdreg s0;
	s5 =	simm.s32 $0x8800  }
.LBB2_1:
0x15: {  	s0 =	rddreg [dreg:$0x3];
	s13 =	simm.s32 $0x10000  }
0x16: {  	[tilespmem:s13], [sflag:$0x2] =	stream.linear.gather [hbm4b:s0+s2], $0x20, $0x38;
	[tilespmem:$0x10100] =	vst v63  }
0x17: {  	_ =	swait.ge [sflag:s15], $0x20  }
0x18: {  	[sflag:s15] =	ssyncset.done $0x0  }
0x19: {  	s31 =	simm.s32 $0x10080;
	s30 =	rddreg [dreg:$0x4];
	[sflag:s15] =	ssyncadd.s32 $0xFFFFFFE0  }
0x1a: {  	[tilespmem:s31], [sflag:$0x2] =	stream.linear.gather [hbm4b:s30+s2], $0x20, $0x38;
	[tilespmem:$0x10100] =	vst v63  }
0x1b: {  	_ =	swait.ge [sflag:s15], $0x20  }
0x1c: {  	[sflag:s15] =	ssyncset.done $0x0  }
0x1d: {  	[sflag:s15] =	ssyncadd.s32 $0xFFFFFFE0  }
0x1e: {  	v3 =	vld [tilespmem:$0x10000];
	_ =	sdelay $0x4  }
0x1f: {  	v4 =	vshll.u32 v3, $0x3  }
0x20: {  	v3 =	vand.u32 $0x7, v3;
	v4 =	vand.u32 $0xFFFFFFC0, v4  }
0x21: {  	v3 =	vor.u32 v3, v4  }
0x22: {  	v4 =	vperm.xlane v3, v0;
	_ =	sdelay $0x1  }
0x23: {  	v4 =	vadd.s32 v1, v4;
	_ =	sdelay $0x4  }
0x24: {  	[tilespmem:s2], [sflag:$0x1] =	stream.indirect_vreg.gather [hbm4b:s3+s2], $0x80, v4, vm0, $0xb8;
	[tilespmem:$0x10100] =	vst v63  }
0x25: {  	s26 =	simm.s32 $0x800;
	v3 =	vperm.xlane v3, v2  }
0x26: {  	[tilespmem:s26], [sflag:$0x1] =	stream.indirect_vreg.gather [hbm4b:s6+s2], $0x80, v4, vm0, $0xb8;
	[tilespmem:$0x10100] =	vst v63  }
0x27: {  	s30 =	simm.s32 $0x1000;
	v3 =	vadd.s32 v1, v3  }
0x28: {  	[tilespmem:s30], [sflag:$0x1] =	stream.indirect_vreg.gather [hbm4b:s7+s2], $0x80, v4, vm0, $0xb8;
	[tilespmem:$0x10100] =	vst v63  }
0x29: {  	s31 =	simm.s32 $0x1800  }
0x2a: {  	[tilespmem:s31], [sflag:$0x1] =	stream.indirect_vreg.gather [hbm4b:s8+s2], $0x80, v4, vm0, $0xb8;
	[tilespmem:$0x10100] =	vst v63  }
0x2b: {  	s13 =	simm.s32 $0x2000  }
0x2c: {  	[tilespmem:s13], [sflag:$0x1] =	stream.indirect_vreg.gather [hbm4b:s3+s2], $0x80, v3, vm0, $0xb8;
	[tilespmem:$0x10100] =	vst v63  }
0x2d: {  	s26 =	simm.s32 $0x2800  }
0x2e: {  	[tilespmem:s26], [sflag:$0x1] =	stream.indirect_vreg.gather [hbm4b:s6+s2], $0x80, v3, vm0, $0xb8;
	[tilespmem:$0x10100] =	vst v63  }
0x2f: {  	s30 =	simm.s32 $0x3000  }
0x30: {  	[tilespmem:s30], [sflag:$0x1] =	stream.indirect_vreg.gather [hbm4b:s7+s2], $0x80, v3, vm0, $0xb8;
	[tilespmem:$0x10100] =	vst v63  }
0x31: {  	s31 =	simm.s32 $0x3800  }
0x32: {  	[tilespmem:s31], [sflag:$0x1] =	stream.indirect_vreg.gather [hbm4b:s8+s2], $0x80, v3, vm0, $0xb8;
	[tilespmem:$0x10100] =	vst v63  }
0x33: {  	v3 =	vld [tilespmem:$0x10010];
	_ =	sdelay $0x4  }
0x34: {  	v61 =	vshll.u32 v3, $0x3  }
0x35: {  	v3 =	vand.u32 $0x7, v3;
	v4 =	vand.u32 $0xFFFFFFC0, v61  }
0x36: {  	v3 =	vor.u32 v3, v4  }
0x37: {  	v4 =	vperm.xlane v3, v0;
	_ =	sdelay $0x1  }
0x38: {  	v4 =	vadd.s32 v1, v4;
	_ =	sdelay $0x3  }
0x39: {  	s13 =	simm.s32 $0x4000  }
0x3a: {  	[tilespmem:s13], [sflag:$0x1] =	stream.indirect_vreg.gather [hbm4b:s3+s2], $0x80, v4, vm0, $0xb8;
	[tilespmem:$0x10100] =	vst v63  }
0x3b: {  	s26 =	simm.s32 $0x4800;
	v3 =	vperm.xlane v3, v2  }
0x3c: {  	[tilespmem:s26], [sflag:$0x1] =	stream.indirect_vreg.gather [hbm4b:s6+s2], $0x80, v4, vm0, $0xb8;
	[tilespmem:$0x10100] =	vst v63  }
0x3d: {  	s30 =	simm.s32 $0x5000;
	v3 =	vadd.s32 v1, v3  }
0x3e: {  	[tilespmem:s30], [sflag:$0x1] =	stream.indirect_vreg.gather [hbm4b:s7+s2], $0x80, v4, vm0, $0xb8;
	[tilespmem:$0x10100] =	vst v63  }
0x3f: {  	s31 =	simm.s32 $0x5800  }
0x40: {  	[tilespmem:s31], [sflag:$0x1] =	stream.indirect_vreg.gather [hbm4b:s8+s2], $0x80, v4, vm0, $0xb8;
	[tilespmem:$0x10100] =	vst v63  }
0x41: {  	s13 =	simm.s32 $0x6000  }
0x42: {  	[tilespmem:s13], [sflag:$0x1] =	stream.indirect_vreg.gather [hbm4b:s3+s2], $0x80, v3, vm0, $0xb8;
	[tilespmem:$0x10100] =	vst v63  }
0x43: {  	s26 =	simm.s32 $0x6800  }
0x44: {  	[tilespmem:s26], [sflag:$0x1] =	stream.indirect_vreg.gather [hbm4b:s6+s2], $0x80, v3, vm0, $0xb8;
	[tilespmem:$0x10100] =	vst v63  }
0x45: {  	s30 =	simm.s32 $0x7000  }
0x46: {  	[tilespmem:s30], [sflag:$0x1] =	stream.indirect_vreg.gather [hbm4b:s7+s2], $0x80, v3, vm0, $0xb8;
	[tilespmem:$0x10100] =	vst v63  }
0x47: {  	s31 =	simm.s32 $0x7800  }
0x48: {  	[tilespmem:s31], [sflag:$0x1] =	stream.indirect_vreg.gather [hbm4b:s8+s2], $0x80, v3, vm0, $0xb8;
	[tilespmem:$0x10100] =	vst v63  }
0x49: {  	_ =	swait.ge [sflag:s1], $0x8000  }
0x4a: {  	[sflag:s1] =	ssyncset.done $0x0  }
0x4b: {  	[sflag:s1] =	ssyncadd.s32 $0xFFFF8000  }
0x4c: {  	v3 =	vld [tilespmem:$0x10080];
	_ =	sdelay $0x4  }
0x4d: {  	v62 =	vshll.u32 v3, $0x3  }
0x4e: {  	v3 =	vand.u32 $0x7, v3;
	v4 =	vand.u32 $0xFFFFFFC0, v62  }
0x4f: {  	v3 =	vor.u32 v3, v4  }
0x50: {  	v4 =	vperm.xlane v3, v0;
	_ =	sdelay $0x1  }
0x51: {  	v4 =	vadd.s32 v1, v4;
	_ =	sdelay $0x4  }
0x52: {  	[tilespmem:s4], [sflag:$0x1] =	stream.indirect_vreg.gather [hbm4b:s3+s2], $0x80, v4, vm0, $0xb8;
	[tilespmem:$0x10100] =	vst v63  }
0x53: {  	v3 =	vperm.xlane v3, v2  }
0x54: {  	[tilespmem:s5], [sflag:$0x1] =	stream.indirect_vreg.gather [hbm4b:s6+s2], $0x80, v4, vm0, $0xb8;
	[tilespmem:$0x10100] =	vst v63  }
0x55: {  	v3 =	vadd.s32 v1, v3  }
0x56: {  	[tilespmem:s14], [sflag:$0x1] =	stream.indirect_vreg.gather [hbm4b:s7+s2], $0x80, v4, vm0, $0xb8;
	[tilespmem:$0x10100] =	vst v63  }
0x57: {  	_ = 	snop  }
0x58: {  	[tilespmem:s16], [sflag:$0x1] =	stream.indirect_vreg.gather [hbm4b:s8+s2], $0x80, v4, vm0, $0xb8;
	[tilespmem:$0x10100] =	vst v63  }
0x59: {  	_ = 	snop  }
0x5a: {  	[tilespmem:s17], [sflag:$0x1] =	stream.indirect_vreg.gather [hbm4b:s3+s2], $0x80, v3, vm0, $0xb8;
	[tilespmem:$0x10100] =	vst v63  }
0x5b: {  	_ = 	snop  }
0x5c: {  	[tilespmem:s18], [sflag:$0x1] =	stream.indirect_vreg.gather [hbm4b:s6+s2], $0x80, v3, vm0, $0xb8;
	[tilespmem:$0x10100] =	vst v63  }
0x5d: {  	_ = 	snop  }
0x5e: {  	[tilespmem:s19], [sflag:$0x1] =	stream.indirect_vreg.gather [hbm4b:s7+s2], $0x80, v3, vm0, $0xb8;
	[tilespmem:$0x10100] =	vst v63  }
0x5f: {  	_ = 	snop  }
0x60: {  	[tilespmem:s20], [sflag:$0x1] =	stream.indirect_vreg.gather [hbm4b:s8+s2], $0x80, v3, vm0, $0xb8;
	[tilespmem:$0x10100] =	vst v63  }
0x61: {  	v3 =	vld [tilespmem:$0x10090];
	_ =	sdelay $0x4  }
0x62: {  	v63 =	vshll.u32 v3, $0x3  }
0x63: {  	v3 =	vand.u32 $0x7, v3;
	v4 =	vand.u32 $0xFFFFFFC0, v63  }
0x64: {  	v3 =	vor.u32 v3, v4  }
0x65: {  	v4 =	vperm.xlane v3, v0;
	_ =	sdelay $0x1  }
0x66: {  	v4 =	vadd.s32 v1, v4;
	_ =	sdelay $0x4  }
0x67: {  	[tilespmem:s9], [sflag:$0x1] =	stream.indirect_vreg.gather [hbm4b:s3+s2], $0x80, v4, vm0, $0xb8;
	[tilespmem:$0x10100] =	vst v63  }
0x68: {  	v3 =	vperm.xlane v3, v2  }
0x69: {  	[tilespmem:s21], [sflag:$0x1] =	stream.indirect_vreg.gather [hbm4b:s6+s2], $0x80, v4, vm0, $0xb8;
	[tilespmem:$0x10100] =	vst v63  }
0x6a: {  	v3 =	vadd.s32 v1, v3  }
0x6b: {  	[tilespmem:s10], [sflag:$0x1] =	stream.indirect_vreg.gather [hbm4b:s7+s2], $0x80, v4, vm0, $0xb8;
	[tilespmem:$0x10100] =	vst v63  }
0x6c: {  	_ = 	snop  }
0x6d: {  	[tilespmem:s22], [sflag:$0x1] =	stream.indirect_vreg.gather [hbm4b:s8+s2], $0x80, v4, vm0, $0xb8;
	[tilespmem:$0x10100] =	vst v63  }
0x6e: {  	_ = 	snop  }
0x6f: {  	[tilespmem:s23], [sflag:$0x1] =	stream.indirect_vreg.gather [hbm4b:s3+s2], $0x80, v3, vm0, $0xb8;
	[tilespmem:$0x10100] =	vst v63  }
0x70: {  	_ = 	snop  }
0x71: {  	[tilespmem:s11], [sflag:$0x1] =	stream.indirect_vreg.gather [hbm4b:s6+s2], $0x80, v3, vm0, $0xb8;
	[tilespmem:$0x10100] =	vst v63  }
0x72: {  	_ = 	snop  }
0x73: {  	[tilespmem:s24], [sflag:$0x1] =	stream.indirect_vreg.gather [hbm4b:s7+s2], $0x80, v3, vm0, $0xb8;
	[tilespmem:$0x10100] =	vst v63  }
0x74: {  	_ = 	snop  }
0x75: {  	[tilespmem:s12], [sflag:$0x1] =	stream.indirect_vreg.gather [hbm4b:s8+s2], $0x80, v3, vm0, $0xb8;
	[tilespmem:$0x10100] =	vst v63  }
0x76: {  	_ =	swait.ge [sflag:s1], $0x8000  }
0x77: {  	s28 =	simm.s32 $0x0;
	s29 =	simm.s32 $0x0;
	[sflag:s1] =	ssyncset.done $0x0  }
0x78: {  	s13 =	simm.s32 $0xFFFF8000;
	s26 =	simm.s32 $0x0;
	[sflag:s1] =	ssyncadd.s32 $0xFFFF8000  }
.LBB2_2:
0x79: {  	s30 =	sadd.s32 $0x8000, s13  }
0x7a: {  	s31 =	sand.u32 $0x380, s29;
	s30 =	sand.u32 $0x6000, s30  }
0x7b: {  	s30 =	sor.u32 s31, s30  }
0x7c: {  	v3 =	vld [tilespmem:s30+$0x0]  }
0x7d: {  	v4 =	vld [tilespmem:s30+$0x8000]  }
0x7e: {  	v5 =	vld [tilespmem:s30+$0x10]  }
0x7f: {  	v6 =	vld [tilespmem:s30+$0x8010]  }
0x80: {  	v7 =	vld [tilespmem:s30+$0x20]  }
0x81: {  	v8 =	vld [tilespmem:s30+$0x8020]  }
0x82: {  	v9 =	vld [tilespmem:s30+$0x30]  }
0x83: {  	v10 =	vld [tilespmem:s30+$0x8030]  }
0x84: {  	v11 =	vld [tilespmem:s30+$0x40]  }
0x85: {  	v12 =	vld [tilespmem:s30+$0x8040]  }
0x86: {  	v13 =	vld [tilespmem:s30+$0x50]  }
0x87: {  	v14 =	vld [tilespmem:s30+$0x8050]  }
0x88: {  	v15 =	vld [tilespmem:s30+$0x60]  }
0x89: {  	v16 =	vld [tilespmem:s30+$0x8060]  }
0x8a: {  	v17 =	vld [tilespmem:s30+$0x70]  }
0x8b: {  	v18 =	vld [tilespmem:s30+$0x8070]  }
0x8c: {  	v19 =	vld [tilespmem:s30+$0x400]  }
0x8d: {  	v20 =	vld [tilespmem:s30+$0x8400]  }
0x8e: {  	v21 =	vld [tilespmem:s30+$0x410]  }
0x8f: {  	v22 =	vld [tilespmem:s30+$0x8410]  }
0x90: {  	v23 =	vld [tilespmem:s30+$0x420]  }
0x91: {  	v24 =	vld [tilespmem:s30+$0x8420]  }
0x92: {  	v25 =	vld [tilespmem:s30+$0x430]  }
0x93: {  	v26 =	vld [tilespmem:s30+$0x8430]  }
0x94: {  	v27 =	vld [tilespmem:s30+$0x440]  }
0x95: {  	v28 =	vld [tilespmem:s30+$0x8440]  }
0x96: {  	v29 =	vld [tilespmem:s30+$0x450]  }
0x97: {  	v30 =	vld [tilespmem:s30+$0x8450]  }
0x98: {  	v31 =	vld [tilespmem:s30+$0x460]  }
0x99: {  	v32 =	vld [tilespmem:s30+$0x8460]  }
0x9a: {  	v33 =	vld [tilespmem:s30+$0x470]  }
0x9b: {  	v34 =	vld [tilespmem:s30+$0x8470]  }
0x9c: {  	v35 =	vld [tilespmem:s30+$0x800]  }
0x9d: {  	v36 =	vld [tilespmem:s30+$0x8800]  }
0x9e: {  	v37 =	vld [tilespmem:s30+$0x810]  }
0x9f: {  	v38 =	vld [tilespmem:s30+$0x8810]  }
0xa0: {  	v39 =	vld [tilespmem:s30+$0x820]  }
0xa1: {  	v40 =	vld [tilespmem:s30+$0x8820]  }
0xa2: {  	v41 =	vld [tilespmem:s30+$0x830]  }
0xa3: {  	v42 =	vld [tilespmem:s30+$0x8830]  }
0xa4: {  	v43 =	vld [tilespmem:s30+$0x840]  }
0xa5: {  	v44 =	vld [tilespmem:s30+$0x8840]  }
0xa6: {  	v45 =	vld [tilespmem:s30+$0x850]  }
0xa7: {  	v46 =	vld [tilespmem:s30+$0x8850]  }
0xa8: {  	v47 =	vld [tilespmem:s30+$0x860]  }
0xa9: {  	v48 =	vld [tilespmem:s30+$0x8860]  }
0xaa: {  	v49 =	vld [tilespmem:s30+$0x870]  }
0xab: {  	v50 =	vld [tilespmem:s30+$0x8870]  }
0xac: {  	v51 =	vld [tilespmem:s30+$0xC00]  }
0xad: {  	v52 =	vld [tilespmem:s30+$0x8C00]  }
0xae: {  	v53 =	vld [tilespmem:s30+$0xC10]  }
0xaf: {  	v54 =	vld [tilespmem:s30+$0x8C10]  }
0xb0: {  	v55 =	vld [tilespmem:s30+$0xC20]  }
0xb1: {  	v56 =	vld [tilespmem:s30+$0x8C20]  }
0xb2: {  	v57 =	vld [tilespmem:s30+$0xC30]  }
0xb3: {  	v58 =	vld [tilespmem:s30+$0x8C30]  }
0xb4: {  	v59 =	vld [tilespmem:s30+$0xC40]  }
0xb5: {  	v60 =	vld [tilespmem:s30+$0x8C40]  }
0xb6: {  	v61 =	vld [tilespmem:s30+$0xC50]  }
0xb7: {  	v62 =	vld [tilespmem:s30+$0x8C50]  }
0xb8: {  	v63 =	vld [tilespmem:s30+$0xC60]  }
0xb9: {  	v3 =	vadd.f32 v4, v3;
	v4 =	vld [tilespmem:s30+$0x8C60]  }
0xba: {  	v5 =	vadd.f32 v6, v5;
	v6 =	vld [tilespmem:s30+$0xC70]  }
0xbb: {  	v14 =	vadd.f32 v14, v13;
	v13 =	vld [tilespmem:s30+$0x9020];
	[tilespmem:s30+$0x0] =	vst v3;
	v3 =	vadd.f32 v8, v7  }
0xbc: {  	v18 =	vadd.f32 v18, v17;
	v17 =	vld [tilespmem:s30+$0x9040];
	[tilespmem:s30+$0x10] =	vst v5  }
0xbd: {  	v22 =	vadd.f32 v22, v21;
	v21 =	vld [tilespmem:s30+$0x9060];
	[tilespmem:s30+$0x20] =	vst v3;
	v3 =	vadd.f32 v12, v11  }
0xbe: {  	v7 =	vld [tilespmem:s30+$0x8C70];
	[tilespmem:s30+$0x50] =	vst v14  }
0xbf: {  	v8 =	vld [tilespmem:s30+$0x1000];
	[tilespmem:s30+$0x40] =	vst v3;
	v3 =	vadd.f32 v16, v15  }
0xc0: {  	v5 =	vadd.f32 v10, v9;
	v9 =	vld [tilespmem:s30+$0x9000];
	[tilespmem:s30+$0x70] =	vst v18  }
0xc1: {  	v10 =	vld [tilespmem:s30+$0x1010];
	[tilespmem:s30+$0x60] =	vst v3;
	v3 =	vadd.f32 v20, v19  }
0xc2: {  	v26 =	vadd.f32 v26, v25;
	v14 =	vld [tilespmem:s30+$0x1030];
	[tilespmem:s30+$0x410] =	vst v22  }
0xc3: {  	v18 =	vld [tilespmem:s30+$0x1050];
	[tilespmem:s30+$0x400] =	vst v3;
	v3 =	vadd.f32 v24, v23  }
0xc4: {  	v30 =	vadd.f32 v30, v29;
	[tilespmem:s30+$0x430] =	vst v26;
	v22 =	vld [tilespmem:s30+$0x1070]  }
0xc5: {  	v19 =	vld [tilespmem:s30+$0x9050];
	[tilespmem:s30+$0x420] =	vst v3;
	v3 =	vadd.f32 v28, v27  }
0xc6: {  	v34 =	vadd.f32 v34, v33;
	[tilespmem:s30+$0x450] =	vst v30;
	v11 =	vld [tilespmem:s30+$0x9010]  }
0xc7: {  	v12 =	vld [tilespmem:s30+$0x1020];
	[tilespmem:s30+$0x440] =	vst v3;
	v3 =	vadd.f32 v32, v31  }
0xc8: {  	[tilespmem:s30+$0x470] =	vst v34;
	v15 =	vld [tilespmem:s30+$0x9030]  }
0xc9: {  	v16 =	vld [tilespmem:s30+$0x1040];
	[tilespmem:s30+$0x460] =	vst v3;
	v3 =	vadd.f32 v36, v35  }
0xca: {  	[tilespmem:s30+$0x30] =	vst v5;
	v20 =	vld [tilespmem:s30+$0x1060];
	v19 =	vadd.f32 v19, v18  }
0xcb: {  	v24 =	vld [tilespmem:s30+$0x1400];
	[tilespmem:s30+$0x800] =	vst v3;
	v3 =	vadd.f32 v40, v39  }
0xcc: {  	[tilespmem:s30+$0x1050] =	vst v19;
	v36 =	vadd.f32 v38, v37;
	v37 =	vld [tilespmem:s30+$0x9070]  }
0xcd: {  	v38 =	vadd.f32 v42, v41;
	v41 =	vld [tilespmem:s30+$0x1410];
	[tilespmem:s30+$0x820] =	vst v3;
	v3 =	vadd.f32 v44, v43  }
0xce: {  	v42 =	vld [tilespmem:s30+$0x9410];
	[tilespmem:s30+$0x810] =	vst v36  }
0xcf: {  	v35 =	vld [tilespmem:s30+$0x1810];
	[tilespmem:s30+$0x840] =	vst v3;
	v3 =	vadd.f32 v48, v47  }
0xd0: {  	v39 =	vld [tilespmem:s30+$0x9400];
	[tilespmem:s30+$0x830] =	vst v38;
	v40 =	vadd.f32 v46, v45  }
0xd1: {  	v45 =	vld [tilespmem:s30+$0x9420];
	[tilespmem:s30+$0x860] =	vst v3;
	v3 =	vadd.f32 v52, v51  }
0xd2: {  	v46 =	vadd.f32 v54, v53;
	v53 =	vld [tilespmem:s30+$0x1450];
	[tilespmem:s30+$0x850] =	vst v40  }
0xd3: {  	v54 =	vld [tilespmem:s30+$0x9450];
	[tilespmem:s30+$0xC00] =	vst v3;
	v3 =	vadd.f32 v56, v55  }
0xd4: {  	v36 =	vld [tilespmem:s30+$0x9810];
	v43 =	vadd.f32 v50, v49;
	[tilespmem:s30+$0xC10] =	vst v46  }
0xd5: {  	v38 =	vld [tilespmem:s30+$0x1820];
	[tilespmem:s30+$0xC20] =	vst v3;
	v3 =	vadd.f32 v60, v59  }
0xd6: {  	v44 =	vld [tilespmem:s30+$0x1420];
	v49 =	vadd.f32 v58, v57;
	[tilespmem:s30+$0x870] =	vst v43  }
0xd7: {  	v50 =	vld [tilespmem:s30+$0x1440];
	[tilespmem:s30+$0xC40] =	vst v3;
	v3 =	vadd.f32 v4, v63  }
0xd8: {  	v57 =	vld [tilespmem:s30+$0x9460];
	v58 =	vadd.f32 v11, v10;
	[tilespmem:s30+$0xC30] =	vst v49  }
0xd9: {  	v46 =	vld [tilespmem:s30+$0x9850];
	[tilespmem:s30+$0xC60] =	vst v3;
	v3 =	vadd.f32 v9, v8  }
0xda: {  	v37 =	vadd.f32 v37, v22;
	v40 =	vadd.f32 v42, v41;
	v41 =	vld [tilespmem:s30+$0x1830];
	[tilespmem:s30+$0x1010] =	vst v58  }
0xdb: {  	v42 =	vld [tilespmem:s30+$0x9830];
	[tilespmem:s30+$0x1000] =	vst v3;
	v3 =	vadd.f32 v13, v12  }
0xdc: {  	v47 =	vld [tilespmem:s30+$0x1430];
	[tilespmem:s30+$0x1070] =	vst v37  }
0xdd: {  	v48 =	vld [tilespmem:s30+$0x9430];
	[tilespmem:s30+$0x1020] =	vst v3;
	v3 =	vadd.f32 v17, v16  }
0xde: {  	v49 =	vld [tilespmem:s30+$0x9860];
	[tilespmem:s30+$0x1410] =	vst v40;
	v52 =	vadd.f32 v62, v61  }
0xdf: {  	v51 =	vld [tilespmem:s30+$0x9440];
	[tilespmem:s30+$0x1040] =	vst v3;
	v3 =	vadd.f32 v21, v20  }
0xe0: {  	v61 =	vadd.f32 v15, v14;
	v62 =	vld [tilespmem:s30+$0x1800];
	[tilespmem:s30+$0xC50] =	vst v52  }
0xe1: {  	v56 =	vld [tilespmem:s30+$0x1460];
	[tilespmem:s30+$0x1060] =	vst v3;
	v3 =	vadd.f32 v39, v24  }
0xe2: {  	v55 =	vadd.f32 v7, v6;
	[tilespmem:s30+$0x1030] =	vst v61;
	v52 =	vld [tilespmem:s30+$0x9870]  }
0xe3: {  	v43 =	vadd.f32 v48, v47;
	v47 =	vld [tilespmem:s30+$0x1860];
	[tilespmem:s30+$0x1400] =	vst v3;
	v3 =	vadd.f32 v45, v44  }
0xe4: {  	[tilespmem:s30+$0xC70] =	vst v55;
	v63 =	vld [tilespmem:s30+$0x9800]  }
0xe5: {  	v59 =	vld [tilespmem:s30+$0x1470];
	[tilespmem:s30+$0x1420] =	vst v3;
	v3 =	vadd.f32 v51, v50  }
0xe6: {  	[tilespmem:s30+$0x1430] =	vst v43;
	v4 =	vadd.f32 v54, v53;
	v39 =	vld [tilespmem:s30+$0x9820]  }
0xe7: {  	v60 =	vld [tilespmem:s30+$0x9470];
	[tilespmem:s30+$0x1440] =	vst v3;
	v3 =	vadd.f32 v57, v56  }
0xe8: {  	v54 =	vadd.f32 v42, v41;
	[tilespmem:s30+$0x1450] =	vst v4;
	v45 =	vld [tilespmem:s30+$0x1850]  }
0xe9: {  	v53 =	vld [tilespmem:s30+$0x9840];
	[tilespmem:s30+$0x1460] =	vst v3;
	v3 =	vadd.f32 v63, v62  }
0xea: {  	[tilespmem:s30+$0x1830] =	vst v54;
	v55 =	vadd.f32 v49, v47;
	v50 =	vld [tilespmem:s30+$0x1870]  }
0xeb: {  	v44 =	vld [tilespmem:s30+$0x1840];
	[tilespmem:s30+$0x1800] =	vst v3;
	v3 =	vadd.f32 v39, v38  }
0xec: {  	v48 =	vadd.f32 v60, v59;
	[tilespmem:s30+$0x1860] =	vst v55  }
0xed: {  	[tilespmem:s30+$0x1820] =	vst v3;
	v3 =	vadd.f32 v46, v45  }
0xee: {  	s0 =	sand.u32 $0x7, s26;
	[tilespmem:s30+$0x1470] =	vst v48;
	v51 =	vadd.f32 v36, v35  }
0xef: {  	s31 =	sshll.u32 s0, $0x7;
	[tilespmem:s30+$0x1850] =	vst v3;
	v3 =	vadd.f32 v52, v50  }
0xf0: {  	s31 =	sadd.s32 s31, s28;
	[tilespmem:s30+$0x1810] =	vst v51;
	v56 =	vadd.f32 v53, v44  }
0xf1: {  	s0 =	sor.u32 $0x1C00, s31;
	[tilespmem:s30+$0x1870] =	vst v3  }
0xf2: {  	[tilespmem:s30+$0x1840] =	vst v56;
	v3 =	vld [tilespmem:s0+$0x0]  }
0xf3: {  	v4 =	vld [tilespmem:s0+$0x8000];
	_ =	sdelay $0x4  }
0xf4: {  	v3 =	vadd.f32 v4, v3;
	_ =	sdelay $0x1  }
0xf5: {  	s30 =	sor.u32 $0x1C10, s31;
	[tilespmem:s0+$0x0] =	vst v3  }
0xf6: {  	v3 =	vld [tilespmem:s30+$0x0]  }
0xf7: {  	v57 =	vld [tilespmem:s30+$0x8000];
	_ =	sdelay $0x4  }
0xf8: {  	v3 =	vadd.f32 v57, v3;
	_ =	sdelay $0x1  }
0xf9: {  	[tilespmem:s30+$0x0] =	vst v3;
	s30 =	sor.u32 $0x1C20, s31  }
0xfa: {  	v3 =	vld [tilespmem:s30+$0x0]  }
0xfb: {  	v58 =	vld [tilespmem:s30+$0x8000];
	_ =	sdelay $0x4  }
0xfc: {  	v3 =	vadd.f32 v58, v3;
	_ =	sdelay $0x1  }
0xfd: {  	[tilespmem:s30+$0x0] =	vst v3;
	s30 =	sor.u32 $0x1C30, s31  }
0xfe: {  	v3 =	vld [tilespmem:s30+$0x0]  }
0xff: {  	v59 =	vld [tilespmem:s30+$0x8000];
	_ =	sdelay $0x4  }
0x100: {  	v3 =	vadd.f32 v59, v3;
	_ =	sdelay $0x1  }
0x101: {  	[tilespmem:s30+$0x0] =	vst v3;
	s30 =	sor.u32 $0x1C40, s31  }
0x102: {  	v3 =	vld [tilespmem:s30+$0x0]  }
0x103: {  	v60 =	vld [tilespmem:s30+$0x8000];
	_ =	sdelay $0x4  }
0x104: {  	v3 =	vadd.f32 v60, v3;
	_ =	sdelay $0x1  }
0x105: {  	[tilespmem:s30+$0x0] =	vst v3;
	s30 =	sor.u32 $0x1C50, s31  }
0x106: {  	v3 =	vld [tilespmem:s30+$0x0]  }
0x107: {  	v61 =	vld [tilespmem:s30+$0x8000];
	_ =	sdelay $0x4  }
0x108: {  	v3 =	vadd.f32 v61, v3;
	_ =	sdelay $0x1  }
0x109: {  	[tilespmem:s30+$0x0] =	vst v3;
	s30 =	sor.u32 $0x1C60, s31  }
0x10a: {  	v3 =	vld [tilespmem:s30+$0x0]  }
0x10b: {  	v62 =	vld [tilespmem:s30+$0x8000];
	_ =	sdelay $0x4  }
0x10c: {  	v3 =	vadd.f32 v62, v3;
	_ =	sdelay $0x1  }
0x10d: {  	s31 =	sor.u32 $0x1C70, s31;
	[tilespmem:s30+$0x0] =	vst v3  }
0x10e: {  	v3 =	vld [tilespmem:s31+$0x0]  }
0x10f: {  	v63 =	vld [tilespmem:s31+$0x8000];
	_ =	sdelay $0x1  }
0x110: {  	p0 =	sne.s32 s29, $0xF80  }
.Ltmp0:
0x111: {  	_ = 	snop;
	(pc) =	sbr.rel @p0 .LBB2_2-.Ltmp0, $4  }
0x112: {  	_ = 	snop  }
0x113: {  	v3 =	vadd.f32 v63, v3  }
0x114: {  	s26 =	sadd.s32 $0x1, s26  }
0x115: {  	s13 =	sadd.s32 $0x400, s13;
	s29 =	sadd.s32 $0x80, s29;
	s28 =	sadd.s32 $0x400, s28;
	[tilespmem:s31+$0x0] =	vst v3  }
0x116: {  	s13 =	simm.s32 $0x0;
	s0 =	rddreg [dreg:$0x5]  }
0x117: {  	[hbm4b:s0+s13] =	stream.linear.scatter [tilespmem:s13], [sflag:$0x2], $0x8000, $0x38;
	[tilespmem:$0x10100] =	vst v63  }
0x118: {  	_ =	swait.ge [sflag:s15], $0x8000  }
0x119: {  	[sflag:s15] =	ssyncset.done $0x0  }
0x11a: {  	s26 =	simm.s32 $0x10000;
	s31 =	rddreg [dreg:$0x6];
	[sflag:s15] =	ssyncadd.s32 $0xFFFF8000  }
0x11b: {  	[tilespmem:s26], [sflag:$0x2] =	stream.linear.gather [hbm4b:s31+s13], $0x20, $0x38;
	[tilespmem:$0x10100] =	vst v63  }
0x11c: {  	_ =	swait.ge [sflag:s15], $0x20  }
0x11d: {  	[sflag:s15] =	ssyncset.done $0x0  }
0x11e: {  	s31 =	simm.s32 $0x10080;
	s30 =	rddreg [dreg:$0x7];
	[sflag:s15] =	ssyncadd.s32 $0xFFFFFFE0  }
0x11f: {  	[tilespmem:s31], [sflag:$0x2] =	stream.linear.gather [hbm4b:s30+s13], $0x20, $0x38;
	[tilespmem:$0x10100] =	vst v63  }
0x120: {  	_ =	swait.ge [sflag:s15], $0x20  }
0x121: {  	[sflag:s15] =	ssyncset.done $0x0  }
0x122: {  	[sflag:s15] =	ssyncadd.s32 $0xFFFFFFE0  }
0x123: {  	v3 =	vld [tilespmem:$0x10000];
	_ =	sdelay $0x4  }
0x124: {  	v4 =	vshll.u32 v3, $0x3  }
0x125: {  	v3 =	vand.u32 $0x7, v3;
	v4 =	vand.u32 $0xFFFFFFC0, v4  }
0x126: {  	v3 =	vor.u32 v3, v4  }
0x127: {  	v4 =	vperm.xlane v3, v0;
	_ =	sdelay $0x1  }
0x128: {  	v4 =	vadd.s32 v1, v4;
	_ =	sdelay $0x4  }
0x129: {  	[tilespmem:s13], [sflag:$0x1] =	stream.indirect_vreg.gather [hbm4b:s3+s13], $0x80, v4, vm0, $0xb8;
	[tilespmem:$0x10100] =	vst v63  }
0x12a: {  	s26 =	simm.s32 $0x800;
	v3 =	vperm.xlane v3, v2  }
0x12b: {  	[tilespmem:s26], [sflag:$0x1] =	stream.indirect_vreg.gather [hbm4b:s6+s13], $0x80, v4, vm0, $0xb8;
	[tilespmem:$0x10100] =	vst v63  }
0x12c: {  	s30 =	simm.s32 $0x1000;
	v3 =	vadd.s32 v1, v3  }
0x12d: {  	[tilespmem:s30], [sflag:$0x1] =	stream.indirect_vreg.gather [hbm4b:s7+s13], $0x80, v4, vm0, $0xb8;
	[tilespmem:$0x10100] =	vst v63  }
0x12e: {  	s31 =	simm.s32 $0x1800  }
0x12f: {  	[tilespmem:s31], [sflag:$0x1] =	stream.indirect_vreg.gather [hbm4b:s8+s13], $0x80, v4, vm0, $0xb8;
	[tilespmem:$0x10100] =	vst v63  }
0x130: {  	s26 =	simm.s32 $0x2000  }
0x131: {  	[tilespmem:s26], [sflag:$0x1] =	stream.indirect_vreg.gather [hbm4b:s3+s13], $0x80, v3, vm0, $0xb8;
	[tilespmem:$0x10100] =	vst v63  }
0x132: {  	s30 =	simm.s32 $0x2800  }
0x133: {  	[tilespmem:s30], [sflag:$0x1] =	stream.indirect_vreg.gather [hbm4b:s6+s13], $0x80, v3, vm0, $0xb8;
	[tilespmem:$0x10100] =	vst v63  }
0x134: {  	s31 =	simm.s32 $0x3000  }
0x135: {  	[tilespmem:s31], [sflag:$0x1] =	stream.indirect_vreg.gather [hbm4b:s7+s13], $0x80, v3, vm0, $0xb8;
	[tilespmem:$0x10100] =	vst v63  }
0x136: {  	s26 =	simm.s32 $0x3800  }
0x137: {  	[tilespmem:s26], [sflag:$0x1] =	stream.indirect_vreg.gather [hbm4b:s8+s13], $0x80, v3, vm0, $0xb8;
	[tilespmem:$0x10100] =	vst v63  }
0x138: {  	v3 =	vld [tilespmem:$0x10010];
	_ =	sdelay $0x4  }
0x139: {  	v61 =	vshll.u32 v3, $0x3  }
0x13a: {  	v3 =	vand.u32 $0x7, v3;
	v4 =	vand.u32 $0xFFFFFFC0, v61  }
0x13b: {  	v3 =	vor.u32 v3, v4  }
0x13c: {  	v4 =	vperm.xlane v3, v0;
	_ =	sdelay $0x1  }
0x13d: {  	v4 =	vadd.s32 v1, v4;
	_ =	sdelay $0x3  }
0x13e: {  	s30 =	simm.s32 $0x4000  }
0x13f: {  	[tilespmem:s30], [sflag:$0x1] =	stream.indirect_vreg.gather [hbm4b:s3+s13], $0x80, v4, vm0, $0xb8;
	[tilespmem:$0x10100] =	vst v63  }
0x140: {  	s31 =	simm.s32 $0x4800;
	v3 =	vperm.xlane v3, v2  }
0x141: {  	[tilespmem:s31], [sflag:$0x1] =	stream.indirect_vreg.gather [hbm4b:s6+s13], $0x80, v4, vm0, $0xb8;
	[tilespmem:$0x10100] =	vst v63  }
0x142: {  	s26 =	simm.s32 $0x5000;
	v3 =	vadd.s32 v1, v3  }
0x143: {  	[tilespmem:s26], [sflag:$0x1] =	stream.indirect_vreg.gather [hbm4b:s7+s13], $0x80, v4, vm0, $0xb8;
	[tilespmem:$0x10100] =	vst v63  }
0x144: {  	s30 =	simm.s32 $0x5800  }
0x145: {  	[tilespmem:s30], [sflag:$0x1] =	stream.indirect_vreg.gather [hbm4b:s8+s13], $0x80, v4, vm0, $0xb8;
	[tilespmem:$0x10100] =	vst v63  }
0x146: {  	s31 =	simm.s32 $0x6000  }
0x147: {  	[tilespmem:s31], [sflag:$0x1] =	stream.indirect_vreg.gather [hbm4b:s3+s13], $0x80, v3, vm0, $0xb8;
	[tilespmem:$0x10100] =	vst v63  }
0x148: {  	s26 =	simm.s32 $0x6800  }
0x149: {  	[tilespmem:s26], [sflag:$0x1] =	stream.indirect_vreg.gather [hbm4b:s6+s13], $0x80, v3, vm0, $0xb8;
	[tilespmem:$0x10100] =	vst v63  }
0x14a: {  	s30 =	simm.s32 $0x7000  }
0x14b: {  	[tilespmem:s30], [sflag:$0x1] =	stream.indirect_vreg.gather [hbm4b:s7+s13], $0x80, v3, vm0, $0xb8;
	[tilespmem:$0x10100] =	vst v63  }
0x14c: {  	s31 =	simm.s32 $0x7800  }
0x14d: {  	[tilespmem:s31], [sflag:$0x1] =	stream.indirect_vreg.gather [hbm4b:s8+s13], $0x80, v3, vm0, $0xb8;
	[tilespmem:$0x10100] =	vst v63  }
0x14e: {  	_ =	swait.ge [sflag:s1], $0x8000  }
0x14f: {  	[sflag:s1] =	ssyncset.done $0x0  }
0x150: {  	[sflag:s1] =	ssyncadd.s32 $0xFFFF8000  }
0x151: {  	v3 =	vld [tilespmem:$0x10080];
	_ =	sdelay $0x4  }
0x152: {  	v62 =	vshll.u32 v3, $0x3  }
0x153: {  	v3 =	vand.u32 $0x7, v3;
	v4 =	vand.u32 $0xFFFFFFC0, v62  }
0x154: {  	v3 =	vor.u32 v3, v4  }
0x155: {  	v4 =	vperm.xlane v3, v0;
	_ =	sdelay $0x1  }
0x156: {  	v4 =	vadd.s32 v1, v4;
	_ =	sdelay $0x4  }
0x157: {  	[tilespmem:s4], [sflag:$0x1] =	stream.indirect_vreg.gather [hbm4b:s3+s13], $0x80, v4, vm0, $0xb8;
	[tilespmem:$0x10100] =	vst v63  }
0x158: {  	v3 =	vperm.xlane v3, v2  }
0x159: {  	[tilespmem:s5], [sflag:$0x1] =	stream.indirect_vreg.gather [hbm4b:s6+s13], $0x80, v4, vm0, $0xb8;
	[tilespmem:$0x10100] =	vst v63  }
0x15a: {  	v3 =	vadd.s32 v1, v3  }
0x15b: {  	[tilespmem:s14], [sflag:$0x1] =	stream.indirect_vreg.gather [hbm4b:s7+s13], $0x80, v4, vm0, $0xb8;
	[tilespmem:$0x10100] =	vst v63  }
0x15c: {  	_ = 	snop  }
0x15d: {  	[tilespmem:s16], [sflag:$0x1] =	stream.indirect_vreg.gather [hbm4b:s8+s13], $0x80, v4, vm0, $0xb8;
	[tilespmem:$0x10100] =	vst v63  }
0x15e: {  	_ = 	snop  }
0x15f: {  	[tilespmem:s17], [sflag:$0x1] =	stream.indirect_vreg.gather [hbm4b:s3+s13], $0x80, v3, vm0, $0xb8;
	[tilespmem:$0x10100] =	vst v63  }
0x160: {  	_ = 	snop  }
0x161: {  	[tilespmem:s18], [sflag:$0x1] =	stream.indirect_vreg.gather [hbm4b:s6+s13], $0x80, v3, vm0, $0xb8;
	[tilespmem:$0x10100] =	vst v63  }
0x162: {  	_ = 	snop  }
0x163: {  	[tilespmem:s19], [sflag:$0x1] =	stream.indirect_vreg.gather [hbm4b:s7+s13], $0x80, v3, vm0, $0xb8;
	[tilespmem:$0x10100] =	vst v63  }
0x164: {  	_ = 	snop  }
0x165: {  	[tilespmem:s20], [sflag:$0x1] =	stream.indirect_vreg.gather [hbm4b:s8+s13], $0x80, v3, vm0, $0xb8;
	[tilespmem:$0x10100] =	vst v63  }
0x166: {  	v3 =	vld [tilespmem:$0x10090];
	_ =	sdelay $0x4  }
0x167: {  	v63 =	vshll.u32 v3, $0x3  }
0x168: {  	v3 =	vand.u32 $0x7, v3;
	v4 =	vand.u32 $0xFFFFFFC0, v63  }
0x169: {  	v3 =	vor.u32 v3, v4  }
0x16a: {  	v4 =	vperm.xlane v3, v0;
	_ =	sdelay $0x1  }
0x16b: {  	v4 =	vadd.s32 v1, v4;
	_ =	sdelay $0x4  }
0x16c: {  	[tilespmem:s9], [sflag:$0x1] =	stream.indirect_vreg.gather [hbm4b:s3+s13], $0x80, v4, vm0, $0xb8;
	[tilespmem:$0x10100] =	vst v63  }
0x16d: {  	v3 =	vperm.xlane v3, v2  }
0x16e: {  	[tilespmem:s21], [sflag:$0x1] =	stream.indirect_vreg.gather [hbm4b:s6+s13], $0x80, v4, vm0, $0xb8;
	[tilespmem:$0x10100] =	vst v63  }
0x16f: {  	v3 =	vadd.s32 v1, v3  }
0x170: {  	[tilespmem:s10], [sflag:$0x1] =	stream.indirect_vreg.gather [hbm4b:s7+s13], $0x80, v4, vm0, $0xb8;
	[tilespmem:$0x10100] =	vst v63  }
0x171: {  	_ = 	snop  }
0x172: {  	[tilespmem:s22], [sflag:$0x1] =	stream.indirect_vreg.gather [hbm4b:s8+s13], $0x80, v4, vm0, $0xb8;
	[tilespmem:$0x10100] =	vst v63  }
0x173: {  	_ = 	snop  }
0x174: {  	[tilespmem:s23], [sflag:$0x1] =	stream.indirect_vreg.gather [hbm4b:s3+s13], $0x80, v3, vm0, $0xb8;
	[tilespmem:$0x10100] =	vst v63  }
0x175: {  	_ = 	snop  }
0x176: {  	[tilespmem:s11], [sflag:$0x1] =	stream.indirect_vreg.gather [hbm4b:s6+s13], $0x80, v3, vm0, $0xb8;
	[tilespmem:$0x10100] =	vst v63  }
0x177: {  	_ = 	snop  }
0x178: {  	[tilespmem:s24], [sflag:$0x1] =	stream.indirect_vreg.gather [hbm4b:s7+s13], $0x80, v3, vm0, $0xb8;
	[tilespmem:$0x10100] =	vst v63  }
0x179: {  	_ = 	snop  }
0x17a: {  	[tilespmem:s12], [sflag:$0x1] =	stream.indirect_vreg.gather [hbm4b:s8+s13], $0x80, v3, vm0, $0xb8;
	[tilespmem:$0x10100] =	vst v63  }
0x17b: {  	_ =	swait.ge [sflag:s1], $0x8000  }
0x17c: {  	s28 =	simm.s32 $0x0;
	[sflag:s1] =	ssyncset.done $0x0  }
0x17d: {  	s29 =	simm.s32 $0x0;
	s26 =	simm.s32 $0xFFFF8000;
	[sflag:s1] =	ssyncadd.s32 $0xFFFF8000  }
.LBB2_4:
0x17e: {  	s0 =	sadd.s32 $0x8000, s26  }
0x17f: {  	s30 =	sand.u32 $0x380, s29;
	s0 =	sand.u32 $0x6000, s0  }
0x180: {  	s30 =	sor.u32 s30, s0  }
0x181: {  	v3 =	vld [tilespmem:s30+$0x0]  }
0x182: {  	v4 =	vld [tilespmem:s30+$0x8000]  }
0x183: {  	v5 =	vld [tilespmem:s30+$0x10]  }
0x184: {  	v6 =	vld [tilespmem:s30+$0x8010]  }
0x185: {  	v7 =	vld [tilespmem:s30+$0x20]  }
0x186: {  	v8 =	vld [tilespmem:s30+$0x8020]  }
0x187: {  	v9 =	vld [tilespmem:s30+$0x30]  }
0x188: {  	v10 =	vld [tilespmem:s30+$0x8030]  }
0x189: {  	v11 =	vld [tilespmem:s30+$0x40]  }
0x18a: {  	v12 =	vld [tilespmem:s30+$0x8040]  }
0x18b: {  	v13 =	vld [tilespmem:s30+$0x50]  }
0x18c: {  	v14 =	vld [tilespmem:s30+$0x8050]  }
0x18d: {  	v15 =	vld [tilespmem:s30+$0x60]  }
0x18e: {  	v16 =	vld [tilespmem:s30+$0x8060]  }
0x18f: {  	v17 =	vld [tilespmem:s30+$0x70]  }
0x190: {  	v18 =	vld [tilespmem:s30+$0x8070]  }
0x191: {  	v19 =	vld [tilespmem:s30+$0x400]  }
0x192: {  	v20 =	vld [tilespmem:s30+$0x8400]  }
0x193: {  	v21 =	vld [tilespmem:s30+$0x410]  }
0x194: {  	v22 =	vld [tilespmem:s30+$0x8410]  }
0x195: {  	v23 =	vld [tilespmem:s30+$0x420]  }
0x196: {  	v24 =	vld [tilespmem:s30+$0x8420]  }
0x197: {  	v25 =	vld [tilespmem:s30+$0x430]  }
0x198: {  	v26 =	vld [tilespmem:s30+$0x8430]  }
0x199: {  	v27 =	vld [tilespmem:s30+$0x440]  }
0x19a: {  	v28 =	vld [tilespmem:s30+$0x8440]  }
0x19b: {  	v29 =	vld [tilespmem:s30+$0x450]  }
0x19c: {  	v30 =	vld [tilespmem:s30+$0x8450]  }
0x19d: {  	v31 =	vld [tilespmem:s30+$0x460]  }
0x19e: {  	v32 =	vld [tilespmem:s30+$0x8460]  }
0x19f: {  	v33 =	vld [tilespmem:s30+$0x470]  }
0x1a0: {  	v34 =	vld [tilespmem:s30+$0x8470]  }
0x1a1: {  	v35 =	vld [tilespmem:s30+$0x800]  }
0x1a2: {  	v36 =	vld [tilespmem:s30+$0x8800]  }
0x1a3: {  	v37 =	vld [tilespmem:s30+$0x810]  }
0x1a4: {  	v38 =	vld [tilespmem:s30+$0x8810]  }
0x1a5: {  	v39 =	vld [tilespmem:s30+$0x820]  }
0x1a6: {  	v40 =	vld [tilespmem:s30+$0x8820]  }
0x1a7: {  	v41 =	vld [tilespmem:s30+$0x830]  }
0x1a8: {  	v42 =	vld [tilespmem:s30+$0x8830]  }
0x1a9: {  	v43 =	vld [tilespmem:s30+$0x840]  }
0x1aa: {  	v44 =	vld [tilespmem:s30+$0x8840]  }
0x1ab: {  	v45 =	vld [tilespmem:s30+$0x850]  }
0x1ac: {  	v46 =	vld [tilespmem:s30+$0x8850]  }
0x1ad: {  	v47 =	vld [tilespmem:s30+$0x860]  }
0x1ae: {  	v48 =	vld [tilespmem:s30+$0x8860]  }
0x1af: {  	v49 =	vld [tilespmem:s30+$0x870]  }
0x1b0: {  	v50 =	vld [tilespmem:s30+$0x8870]  }
0x1b1: {  	v51 =	vld [tilespmem:s30+$0xC00]  }
0x1b2: {  	v52 =	vld [tilespmem:s30+$0x8C00]  }
0x1b3: {  	v53 =	vld [tilespmem:s30+$0xC10]  }
0x1b4: {  	v54 =	vld [tilespmem:s30+$0x8C10]  }
0x1b5: {  	v55 =	vld [tilespmem:s30+$0xC20]  }
0x1b6: {  	v56 =	vld [tilespmem:s30+$0x8C20]  }
0x1b7: {  	v57 =	vld [tilespmem:s30+$0xC30]  }
0x1b8: {  	v58 =	vld [tilespmem:s30+$0x8C30]  }
0x1b9: {  	v59 =	vld [tilespmem:s30+$0xC40]  }
0x1ba: {  	v60 =	vld [tilespmem:s30+$0x8C40]  }
0x1bb: {  	v61 =	vld [tilespmem:s30+$0xC50]  }
0x1bc: {  	v62 =	vld [tilespmem:s30+$0x8C50]  }
0x1bd: {  	v63 =	vld [tilespmem:s30+$0xC60]  }
0x1be: {  	v3 =	vadd.f32 v4, v3;
	v4 =	vld [tilespmem:s30+$0x8C60]  }
0x1bf: {  	v5 =	vadd.f32 v6, v5;
	v6 =	vld [tilespmem:s30+$0xC70]  }
0x1c0: {  	v14 =	vadd.f32 v14, v13;
	v13 =	vld [tilespmem:s30+$0x9020];
	[tilespmem:s30+$0x0] =	vst v3;
	v3 =	vadd.f32 v8, v7  }
0x1c1: {  	v18 =	vadd.f32 v18, v17;
	v17 =	vld [tilespmem:s30+$0x9040];
	[tilespmem:s30+$0x10] =	vst v5  }
0x1c2: {  	v22 =	vadd.f32 v22, v21;
	v21 =	vld [tilespmem:s30+$0x9060];
	[tilespmem:s30+$0x20] =	vst v3;
	v3 =	vadd.f32 v12, v11  }
0x1c3: {  	v7 =	vld [tilespmem:s30+$0x8C70];
	[tilespmem:s30+$0x50] =	vst v14  }
0x1c4: {  	v8 =	vld [tilespmem:s30+$0x1000];
	[tilespmem:s30+$0x40] =	vst v3;
	v3 =	vadd.f32 v16, v15  }
0x1c5: {  	v5 =	vadd.f32 v10, v9;
	v9 =	vld [tilespmem:s30+$0x9000];
	[tilespmem:s30+$0x70] =	vst v18  }
0x1c6: {  	v10 =	vld [tilespmem:s30+$0x1010];
	[tilespmem:s30+$0x60] =	vst v3;
	v3 =	vadd.f32 v20, v19  }
0x1c7: {  	v26 =	vadd.f32 v26, v25;
	v14 =	vld [tilespmem:s30+$0x1030];
	[tilespmem:s30+$0x410] =	vst v22  }
0x1c8: {  	v18 =	vld [tilespmem:s30+$0x1050];
	[tilespmem:s30+$0x400] =	vst v3;
	v3 =	vadd.f32 v24, v23  }
0x1c9: {  	v30 =	vadd.f32 v30, v29;
	[tilespmem:s30+$0x430] =	vst v26;
	v22 =	vld [tilespmem:s30+$0x1070]  }
0x1ca: {  	v19 =	vld [tilespmem:s30+$0x9050];
	[tilespmem:s30+$0x420] =	vst v3;
	v3 =	vadd.f32 v28, v27  }
0x1cb: {  	v34 =	vadd.f32 v34, v33;
	[tilespmem:s30+$0x450] =	vst v30;
	v11 =	vld [tilespmem:s30+$0x9010]  }
0x1cc: {  	v12 =	vld [tilespmem:s30+$0x1020];
	[tilespmem:s30+$0x440] =	vst v3;
	v3 =	vadd.f32 v32, v31  }
0x1cd: {  	[tilespmem:s30+$0x470] =	vst v34;
	v15 =	vld [tilespmem:s30+$0x9030]  }
0x1ce: {  	v16 =	vld [tilespmem:s30+$0x1040];
	[tilespmem:s30+$0x460] =	vst v3;
	v3 =	vadd.f32 v36, v35  }
0x1cf: {  	[tilespmem:s30+$0x30] =	vst v5;
	v20 =	vld [tilespmem:s30+$0x1060];
	v19 =	vadd.f32 v19, v18  }
0x1d0: {  	v24 =	vld [tilespmem:s30+$0x1400];
	[tilespmem:s30+$0x800] =	vst v3;
	v3 =	vadd.f32 v40, v39  }
0x1d1: {  	[tilespmem:s30+$0x1050] =	vst v19;
	v36 =	vadd.f32 v38, v37;
	v37 =	vld [tilespmem:s30+$0x9070]  }
0x1d2: {  	v38 =	vadd.f32 v42, v41;
	v41 =	vld [tilespmem:s30+$0x1410];
	[tilespmem:s30+$0x820] =	vst v3;
	v3 =	vadd.f32 v44, v43  }
0x1d3: {  	v42 =	vld [tilespmem:s30+$0x9410];
	[tilespmem:s30+$0x810] =	vst v36  }
0x1d4: {  	v35 =	vld [tilespmem:s30+$0x1810];
	[tilespmem:s30+$0x840] =	vst v3;
	v3 =	vadd.f32 v48, v47  }
0x1d5: {  	v39 =	vld [tilespmem:s30+$0x9400];
	[tilespmem:s30+$0x830] =	vst v38;
	v40 =	vadd.f32 v46, v45  }
0x1d6: {  	v45 =	vld [tilespmem:s30+$0x9420];
	[tilespmem:s30+$0x860] =	vst v3;
	v3 =	vadd.f32 v52, v51  }
0x1d7: {  	v46 =	vadd.f32 v54, v53;
	v53 =	vld [tilespmem:s30+$0x1450];
	[tilespmem:s30+$0x850] =	vst v40  }
0x1d8: {  	v54 =	vld [tilespmem:s30+$0x9450];
	[tilespmem:s30+$0xC00] =	vst v3;
	v3 =	vadd.f32 v56, v55  }
0x1d9: {  	v36 =	vld [tilespmem:s30+$0x9810];
	v43 =	vadd.f32 v50, v49;
	[tilespmem:s30+$0xC10] =	vst v46  }
0x1da: {  	v38 =	vld [tilespmem:s30+$0x1820];
	[tilespmem:s30+$0xC20] =	vst v3;
	v3 =	vadd.f32 v60, v59  }
0x1db: {  	v44 =	vld [tilespmem:s30+$0x1420];
	v49 =	vadd.f32 v58, v57;
	[tilespmem:s30+$0x870] =	vst v43  }
0x1dc: {  	v50 =	vld [tilespmem:s30+$0x1440];
	[tilespmem:s30+$0xC40] =	vst v3;
	v3 =	vadd.f32 v4, v63  }
0x1dd: {  	v57 =	vld [tilespmem:s30+$0x9460];
	v58 =	vadd.f32 v11, v10;
	[tilespmem:s30+$0xC30] =	vst v49  }
0x1de: {  	v46 =	vld [tilespmem:s30+$0x9850];
	[tilespmem:s30+$0xC60] =	vst v3;
	v3 =	vadd.f32 v9, v8  }
0x1df: {  	v37 =	vadd.f32 v37, v22;
	v40 =	vadd.f32 v42, v41;
	v41 =	vld [tilespmem:s30+$0x1830];
	[tilespmem:s30+$0x1010] =	vst v58  }
0x1e0: {  	v42 =	vld [tilespmem:s30+$0x9830];
	[tilespmem:s30+$0x1000] =	vst v3;
	v3 =	vadd.f32 v13, v12  }
0x1e1: {  	v47 =	vld [tilespmem:s30+$0x1430];
	[tilespmem:s30+$0x1070] =	vst v37  }
0x1e2: {  	v48 =	vld [tilespmem:s30+$0x9430];
	[tilespmem:s30+$0x1020] =	vst v3;
	v3 =	vadd.f32 v17, v16  }
0x1e3: {  	v49 =	vld [tilespmem:s30+$0x9860];
	[tilespmem:s30+$0x1410] =	vst v40;
	v52 =	vadd.f32 v62, v61  }
0x1e4: {  	v51 =	vld [tilespmem:s30+$0x9440];
	[tilespmem:s30+$0x1040] =	vst v3;
	v3 =	vadd.f32 v21, v20  }
0x1e5: {  	v61 =	vadd.f32 v15, v14;
	v62 =	vld [tilespmem:s30+$0x1800];
	[tilespmem:s30+$0xC50] =	vst v52  }
0x1e6: {  	v56 =	vld [tilespmem:s30+$0x1460];
	[tilespmem:s30+$0x1060] =	vst v3;
	v3 =	vadd.f32 v39, v24  }
0x1e7: {  	v55 =	vadd.f32 v7, v6;
	[tilespmem:s30+$0x1030] =	vst v61;
	v52 =	vld [tilespmem:s30+$0x9870]  }
0x1e8: {  	v43 =	vadd.f32 v48, v47;
	v47 =	vld [tilespmem:s30+$0x1860];
	[tilespmem:s30+$0x1400] =	vst v3;
	v3 =	vadd.f32 v45, v44  }
0x1e9: {  	[tilespmem:s30+$0xC70] =	vst v55;
	v63 =	vld [tilespmem:s30+$0x9800]  }
0x1ea: {  	v59 =	vld [tilespmem:s30+$0x1470];
	[tilespmem:s30+$0x1420] =	vst v3;
	v3 =	vadd.f32 v51, v50  }
0x1eb: {  	[tilespmem:s30+$0x1430] =	vst v43;
	v4 =	vadd.f32 v54, v53;
	v39 =	vld [tilespmem:s30+$0x9820]  }
0x1ec: {  	v60 =	vld [tilespmem:s30+$0x9470];
	[tilespmem:s30+$0x1440] =	vst v3;
	v3 =	vadd.f32 v57, v56  }
0x1ed: {  	v54 =	vadd.f32 v42, v41;
	[tilespmem:s30+$0x1450] =	vst v4;
	v45 =	vld [tilespmem:s30+$0x1850]  }
0x1ee: {  	v53 =	vld [tilespmem:s30+$0x9840];
	[tilespmem:s30+$0x1460] =	vst v3;
	v3 =	vadd.f32 v63, v62  }
0x1ef: {  	[tilespmem:s30+$0x1830] =	vst v54;
	v55 =	vadd.f32 v49, v47;
	v50 =	vld [tilespmem:s30+$0x1870]  }
0x1f0: {  	v44 =	vld [tilespmem:s30+$0x1840];
	[tilespmem:s30+$0x1800] =	vst v3;
	v3 =	vadd.f32 v39, v38  }
0x1f1: {  	v48 =	vadd.f32 v60, v59;
	[tilespmem:s30+$0x1860] =	vst v55  }
0x1f2: {  	[tilespmem:s30+$0x1820] =	vst v3;
	v3 =	vadd.f32 v46, v45  }
0x1f3: {  	s31 =	sand.u32 $0x7, s13;
	[tilespmem:s30+$0x1470] =	vst v48;
	v51 =	vadd.f32 v36, v35  }
0x1f4: {  	s0 =	sshll.u32 s31, $0x7;
	[tilespmem:s30+$0x1850] =	vst v3;
	v3 =	vadd.f32 v52, v50  }
0x1f5: {  	s0 =	sadd.s32 s0, s28;
	[tilespmem:s30+$0x1810] =	vst v51;
	v56 =	vadd.f32 v53, v44  }
0x1f6: {  	s31 =	sor.u32 $0x1C00, s0;
	[tilespmem:s30+$0x1870] =	vst v3  }
0x1f7: {  	[tilespmem:s30+$0x1840] =	vst v56;
	v3 =	vld [tilespmem:s31+$0x0]  }
0x1f8: {  	v4 =	vld [tilespmem:s31+$0x8000];
	_ =	sdelay $0x4  }
0x1f9: {  	v3 =	vadd.f32 v4, v3;
	_ =	sdelay $0x1  }
0x1fa: {  	[tilespmem:s31+$0x0] =	vst v3;
	s31 =	sor.u32 $0x1C10, s0  }
0x1fb: {  	v3 =	vld [tilespmem:s31+$0x0]  }
0x1fc: {  	v57 =	vld [tilespmem:s31+$0x8000];
	_ =	sdelay $0x4  }
0x1fd: {  	v3 =	vadd.f32 v57, v3;
	_ =	sdelay $0x1  }
0x1fe: {  	[tilespmem:s31+$0x0] =	vst v3;
	s31 =	sor.u32 $0x1C20, s0  }
0x1ff: {  	v3 =	vld [tilespmem:s31+$0x0]  }
0x200: {  	v58 =	vld [tilespmem:s31+$0x8000];
	_ =	sdelay $0x4  }
0x201: {  	v3 =	vadd.f32 v58, v3;
	_ =	sdelay $0x1  }
0x202: {  	[tilespmem:s31+$0x0] =	vst v3;
	s31 =	sor.u32 $0x1C30, s0  }
0x203: {  	v3 =	vld [tilespmem:s31+$0x0]  }
0x204: {  	v59 =	vld [tilespmem:s31+$0x8000];
	_ =	sdelay $0x4  }
0x205: {  	v3 =	vadd.f32 v59, v3;
	_ =	sdelay $0x1  }
0x206: {  	[tilespmem:s31+$0x0] =	vst v3;
	s31 =	sor.u32 $0x1C40, s0  }
0x207: {  	v3 =	vld [tilespmem:s31+$0x0]  }
0x208: {  	v60 =	vld [tilespmem:s31+$0x8000];
	_ =	sdelay $0x4  }
0x209: {  	v3 =	vadd.f32 v60, v3;
	_ =	sdelay $0x1  }
0x20a: {  	[tilespmem:s31+$0x0] =	vst v3;
	s31 =	sor.u32 $0x1C50, s0  }
0x20b: {  	v3 =	vld [tilespmem:s31+$0x0]  }
0x20c: {  	v61 =	vld [tilespmem:s31+$0x8000];
	_ =	sdelay $0x4  }
0x20d: {  	v3 =	vadd.f32 v61, v3;
	_ =	sdelay $0x1  }
0x20e: {  	[tilespmem:s31+$0x0] =	vst v3;
	s31 =	sor.u32 $0x1C60, s0  }
0x20f: {  	v3 =	vld [tilespmem:s31+$0x0]  }
0x210: {  	v62 =	vld [tilespmem:s31+$0x8000];
	_ =	sdelay $0x4  }
0x211: {  	v3 =	vadd.f32 v62, v3;
	_ =	sdelay $0x1  }
0x212: {  	s0 =	sor.u32 $0x1C70, s0;
	[tilespmem:s31+$0x0] =	vst v3  }
0x213: {  	v3 =	vld [tilespmem:s0+$0x0]  }
0x214: {  	v63 =	vld [tilespmem:s0+$0x8000];
	_ =	sdelay $0x1  }
0x215: {  	p0 =	sne.s32 s29, $0xF80  }
.Ltmp1:
0x216: {  	_ = 	snop;
	(pc) =	sbr.rel @p0 .LBB2_4-.Ltmp1, $4  }
0x217: {  	_ = 	snop  }
0x218: {  	v3 =	vadd.f32 v63, v3  }
0x219: {  	s13 =	sadd.s32 $0x1, s13  }
0x21a: {  	s26 =	sadd.s32 $0x400, s26;
	s29 =	sadd.s32 $0x80, s29;
	s28 =	sadd.s32 $0x400, s28;
	[tilespmem:s0+$0x0] =	vst v3  }
0x21b: {  	s0 =	rddreg [dreg:$0x8]  }
0x21c: {  	[hbm4b:s0+s2] =	stream.linear.scatter [tilespmem:s2], [sflag:$0x2], $0x8000, $0x38;
	[tilespmem:$0x10100] =	vst v63  }
0x21d: {  	_ =	swait.ge [sflag:s15], $0x8000  }
0x21e: {  	s25 =	sadd.s32 $0x1, s25;
	s31 =	rddreg [dreg:$0x9]  }
0x21f: {  	p0 =	sne.s32 s25, s31  }
.Ltmp2:
0x220: {  	_ = 	snop;
	(pc) =	sbr.rel @p0 .LBB2_1-.Ltmp2, $3  }
0x221: {  	_ =	sdelay $0x1  }
0x222: {  	[sflag:s15] =	ssyncset.done $0x0  }
0x223: {  	[sflag:s15] =	ssyncadd.s32 $0xFFFF8000  }
0x224: {  	_ =	sfence.sel $0x180000  }
0x225: {  	[bflag:$0x0] =	sbarrier.arrive $0xFFFF  }
0x226: {  	_ =	strace $0x9000004A  }
0x227: {  	s0 =	stileid.u32;
	[bflag:$0x2] =	sbarrier.arrive $0xFFFF  }
0x228: {  	p0 =	sne.s32 s0, $0x0;
	s0 =	rddreg [dreg:$0x2]  }
0x229: {  	s0 =	sadd.s32 @!p0 $0x100000, s0  }
0x22a: {  	[sflag:s0] =	ssyncadd.tile.s32 @!p0 $0x1;
	_ =	shalt  }
.Lfunc_end2:
_tile_overlayer_lowered:
.L_overlay_start_2:
0x22b: {  	(tag) =	ssettag $0x2  }
0x22c: {  	s0 =	rddreg [dreg:$0x0];
	s2 =	stileid.u32  }
0x22d: {  	s1 =	rddreg [dreg:$0x1];
	p0 =	sne.s32 s2, $0x0  }
0x22e: {  	s3 =	rddreg [dreg:$0x2];
	[bflag:$0x3] =	sbarrier.arrive $0xFFFF;
	s2 =	simm.s32 @!p0 $0x1C02  }
0x22f: {  	[timem:s3], [sflag:s2] =	dma.local @!p0 [hbm:s0], s1  }
0x230: {  	s0 =	simm.s32 @!p0 $0x2  }
0x231: {  	_ =	swait.ge @!p0 [sflag:s0], s1  }
0x232: {  	s1 =	ssub.s32 @!p0 $0x0, s1;
	[sflag:s0] =	ssyncset.done @!p0 $0x0  }
0x233: {  	[sflag:s0] =	ssyncadd.s32 @!p0 s1  }
0x234: {  	[bflag:$0x3] =	sbarrier.arrive $0xFFFF  }
0x235: {  	_ =	shalt  }

</sc_bundles>
